<compile_context>
chip_gen: v7x
topology: tpu7x:2x2x1
jax: 0.10.2.dev20260603
libtpu: 0.0.44.dev20260713+nightly
codegen_flags: <defaults>
</compile_context>

<pallas_src>
import jax
import jax.numpy as jnp
from jax import lax
from jax.experimental import pallas as pl
from jax.experimental.pallas import tpu as pltpu
from jax.experimental.pallas import tpu_sc as plsc

N_TOK = 4096
D = 1024
H = 4096
E = 8
EPAD = 128
NEG = -1e30
TM = 512
TM_LOG2 = 9
BLK = 512
NT = 23
P_ROWS = NT * TM

NC = 2
NS = 16
NW = NC * NS
TPW = N_TOK // NW
CH = 32
NCH = TPW // CH


def _gate_kernel(xf_ref, wg_ref, gb_ref, lt_ref, pos1_ref, pos2_ref, et_ref):
    x = xf_ref[...]
    wg = wg_ref[...]
    logits = jax.lax.dot_general(
        x, wg, (((1,), (1,)), ((), ())),
        preferred_element_type=jnp.float32)
    logits = logits + gb_ref[...]
    lane = jax.lax.broadcasted_iota(jnp.int32, logits.shape, 1)
    l = jnp.where(lane < E, logits, NEG)
    m1 = jnp.max(l, axis=1, keepdims=True)
    i1 = jnp.min(jnp.where(l == m1, lane, EPAD - 1), axis=1, keepdims=True)
    l2 = jnp.where(lane == i1, NEG, l)
    m2 = jnp.max(l2, axis=1, keepdims=True)
    i2 = jnp.min(jnp.where(l2 == m2, lane, EPAD - 1), axis=1, keepdims=True)
    oh1 = lane == i1
    oh2 = lane == i2
    mask = (oh1 | oh2).astype(jnp.float32)
    lt = lt_ref[...]
    run = jnp.zeros((1, EPAD), jnp.float32)
    parts = []
    for bk in range(N_TOK // BLK):
        m_b = mask[bk * BLK:(bk + 1) * BLK, :]
        c_b = jax.lax.dot_general(lt, m_b, (((1,), (0,)), ((), ())),
                                  preferred_element_type=jnp.float32)
        parts.append(c_b + run)
        run = run + c_b[BLK - 1:BLK, :]
    cum = jnp.concatenate(parts, axis=0)
    counts = run.astype(jnp.int32)
    padded = ((counts + (TM - 1)) >> TM_LOG2) << TM_LOG2
    lane_r = jax.lax.broadcasted_iota(jnp.int32, (1, EPAD), 1)
    offs = jnp.zeros((1, EPAD), jnp.int32)
    for e in range(E - 1):
        p_e = jnp.sum(jnp.where(lane_r == e, padded, 0))
        offs = offs + jnp.where(lane_r > e, p_e, 0)
    pos = offs.astype(jnp.float32) + cum - 1.0
    pos1_ref[...] = jnp.sum(jnp.where(oh1, pos, 0.0), axis=1,
                            keepdims=True).astype(jnp.int32)
    pos2_ref[...] = jnp.sum(jnp.where(oh2, pos, 0.0), axis=1,
                            keepdims=True).astype(jnp.int32)
    lane_row = jax.lax.broadcasted_iota(jnp.int32, (1, EPAD), 1)
    tl = lane_row * TM
    et = jnp.zeros((1, EPAD), jnp.int32)
    for e in range(E):
        off_e = jnp.sum(jnp.where(lane_row == e, offs, 0))
        et = et + (tl >= off_e).astype(jnp.int32)
    total = jnp.sum(jnp.where(lane_row < E, padded, 0))
    e_last = jnp.max(jnp.where(tl < total, et, 0))
    et_ref[...] = jnp.where(tl < total, et, -e_last)


def _dispatch_kernel(xf_hbm, pos1_hbm, pos2_hbm, xg_hbm,
                     idx1_v, idx2_v, rows_v, sem_in, sem_s1, sem_s2):
    wid = lax.axis_index("s") * NC + lax.axis_index("c")
    base = wid * TPW
    pltpu.sync_copy(pos1_hbm.at[wid], idx1_v)
    pltpu.sync_copy(pos2_hbm.at[wid], idx2_v)
    for j in range(NCH):
        pltpu.async_copy(xf_hbm.at[pl.ds(base + j * CH, CH)], rows_v,
                         sem_in).wait()
        cp1 = pltpu.async_copy(rows_v, xg_hbm.at[idx1_v.at[j]], sem_s1)
        cp2 = pltpu.async_copy(rows_v, xg_hbm.at[idx2_v.at[j]], sem_s2)
        cp1.wait()
        cp2.wait()


def _gemm_kernel(vt_ref, xg_ref, v1_ref, v2_ref, g1_ref, b1_ref, g2_ref,
                 b2_ref, o_ref, s1_ref, s2_ref):
    t = pl.program_id(0)
    w1 = v1_ref[0]
    w2 = v2_ref[0]
    valid = vt_ref[t] > 0
    first = t == 0
    changed = vt_ref[t] != vt_ref[jnp.maximum(t - 1, 0)]

    @pl.when(valid)
    def _():
        @pl.when(jnp.logical_or(first, changed))
        def _():
            w1f = w1.astype(jnp.float32)
            ss1 = jax.lax.dot_general(
                jnp.ones((1, D), jnp.float32), w1f * w1f,
                (((1,), (1,)), ((), ())),
                preferred_element_type=jnp.float32,
                precision=jax.lax.Precision.HIGHEST)
            s1_ref[...] = g1_ref[0] * jax.lax.rsqrt(jnp.maximum(ss1, 1e-24))
            w2f = w2.astype(jnp.float32)
            ss2 = jax.lax.dot_general(
                jnp.ones((1, H), jnp.float32), w2f * w2f,
                (((1,), (1,)), ((), ())),
                preferred_element_type=jnp.float32,
                precision=jax.lax.Precision.HIGHEST)
            s2_ref[...] = g2_ref[0] * jax.lax.rsqrt(jnp.maximum(ss2, 1e-24))

        x = xg_ref[...].astype(jnp.bfloat16)
        h = jax.lax.dot_general(x, w1, (((1,), (1,)), ((), ())),
                                preferred_element_type=jnp.float32)
        h = h * s1_ref[...] + b1_ref[0]
        h = h / (1.0 + jnp.exp(-h))
        hb = h.astype(jnp.bfloat16)
        y = jax.lax.dot_general(hb, w2, (((1,), (1,)), ((), ())),
                                preferred_element_type=jnp.float32)
        o_ref[...] = y * s2_ref[...] + b2_ref[0]


def _combine_kernel(yg_hbm, pos1_hbm, pos2_hbm, out_hbm,
                    idx1_v, idx2_v, r1_v, r2_v, sem_g1, sem_g2):
    wid = lax.axis_index("s") * NC + lax.axis_index("c")
    base = wid * TPW
    pltpu.sync_copy(pos1_hbm.at[wid], idx1_v)
    pltpu.sync_copy(pos2_hbm.at[wid], idx2_v)
    for j in range(NCH):
        pltpu.async_copy(yg_hbm.at[idx1_v.at[j]], r1_v, sem_g1).wait()
        pltpu.async_copy(yg_hbm.at[idx2_v.at[j]], r2_v, sem_g2).wait()

        def body(c, _):
            for r in range(CH):
                sl = pl.ds(c * 16, 16)
                r1_v[r, sl] = r1_v[r, sl] + r2_v[r, sl]
            return 0

        lax.fori_loop(0, D // 16, body, 0)
        pltpu.sync_copy(r1_v, out_hbm.at[pl.ds(base + j * CH, CH)])


def kernel(x, v1, g1, b1, v2, g2, b2, gv, gg, gb):
    b, s, d = x.shape
    xf = x.reshape(-1, d)
    n = jnp.maximum(jnp.linalg.norm(gv, axis=1, keepdims=True), 1e-12)
    wg = (gv / n) * gg[:, None]
    wg_pad = jnp.zeros((EPAD, D), jnp.float32).at[:E].set(wg)
    gb_pad = jnp.zeros((1, EPAD), jnp.float32).at[0, :E].set(gb)

    lt = jnp.tril(jnp.ones((BLK, BLK), jnp.float32))

    pos1, pos2, et = pl.pallas_call(
        _gate_kernel,
        out_shape=[jax.ShapeDtypeStruct((N_TOK, 1), jnp.int32),
                   jax.ShapeDtypeStruct((N_TOK, 1), jnp.int32),
                   jax.ShapeDtypeStruct((1, EPAD), jnp.int32)],
    )(xf, wg_pad, gb_pad, lt)

    pos1r = pos1.reshape(NW, NCH, CH)
    pos2r = pos2.reshape(NW, NCH, CH)
    et_flat = et.reshape(EPAD)[:NT]

    mesh = plsc.VectorSubcoreMesh(core_axis_name="c", subcore_axis_name="s")
    xg = pl.kernel(
        _dispatch_kernel,
        out_type=jax.ShapeDtypeStruct((P_ROWS, D), jnp.float32),
        mesh=mesh,
        scratch_types=[pltpu.VMEM((NCH, CH), jnp.int32),
                       pltpu.VMEM((NCH, CH), jnp.int32),
                       pltpu.VMEM((CH, D), jnp.float32),
                       pltpu.SemaphoreType.DMA,
                       pltpu.SemaphoreType.DMA,
                       pltpu.SemaphoreType.DMA],
    )(xf, pos1r, pos2r)

    v1b = v1.astype(jnp.bfloat16)
    v2b = v2.astype(jnp.bfloat16)

    yg = pl.pallas_call(
        _gemm_kernel,
        grid_spec=pltpu.PrefetchScalarGridSpec(
            num_scalar_prefetch=1,
            grid=(NT,),
            in_specs=[
                pl.BlockSpec((TM, D), lambda t, vt: (t, 0)),
                pl.BlockSpec((1, H, D), lambda t, vt: (jnp.abs(vt[t]) - 1, 0, 0)),
                pl.BlockSpec((1, D, H), lambda t, vt: (jnp.abs(vt[t]) - 1, 0, 0)),
                pl.BlockSpec((1, 1, H), lambda t, vt: (jnp.abs(vt[t]) - 1, 0, 0)),
                pl.BlockSpec((1, 1, H), lambda t, vt: (jnp.abs(vt[t]) - 1, 0, 0)),
                pl.BlockSpec((1, 1, D), lambda t, vt: (jnp.abs(vt[t]) - 1, 0, 0)),
                pl.BlockSpec((1, 1, D), lambda t, vt: (jnp.abs(vt[t]) - 1, 0, 0)),
            ],
            out_specs=pl.BlockSpec((TM, D), lambda t, vt: (t, 0)),
            scratch_shapes=[pltpu.VMEM((1, H), jnp.float32),
                            pltpu.VMEM((1, D), jnp.float32)],
        ),
        out_shape=jax.ShapeDtypeStruct((P_ROWS, D), jnp.float32),
        compiler_params=pltpu.CompilerParams(
            vmem_limit_bytes=100 * 1024 * 1024),
    )(et_flat, xg, v1b, v2b, g1.reshape(E, 1, H), b1.reshape(E, 1, H),
      g2.reshape(E, 1, D), b2.reshape(E, 1, D))

    out = pl.kernel(
        _combine_kernel,
        out_type=jax.ShapeDtypeStruct((N_TOK, D), jnp.float32),
        mesh=mesh,
        scratch_types=[pltpu.VMEM((NCH, CH), jnp.int32),
                       pltpu.VMEM((NCH, CH), jnp.int32),
                       pltpu.VMEM((CH, D), jnp.float32),
                       pltpu.VMEM((CH, D), jnp.float32),
                       pltpu.SemaphoreType.DMA,
                       pltpu.SemaphoreType.DMA],
    )(yg, pos1r, pos2r)

    return out.reshape(b, s, d)

# --- scband reference (transcript-rebuilt; emitter-appended) ---
"""Pipeline reference for scband-mo-elayer-88218628260656 (READ-ONLY COPY).

The authoritative reference and input builder live on the scoring server;
editing this copy changes nothing except your own understanding.
"""

import jax, jax.numpy as jnp
import numpy as np

B, S, D, H, E = 2, 2048, 1024, 4096, 8

def _wn(v, g):
    # weight-norm: normalize rows of v then scale by g
    n = jnp.maximum(jnp.linalg.norm(v, axis=1, keepdims=True), 1e-12)
    return (v / n) * g[:, None]

def setup_inputs(seed: int = 0) -> dict:
    key = jax.random.key(seed)
    ks = jax.random.split(key, 8)
    x = jax.random.normal(ks[0], (B, S, D), dtype=jnp.float32)
    v1 = jax.random.normal(ks[1], (E, H, D), dtype=jnp.float32)
    g1 = jnp.ones((E, H), dtype=jnp.float32)
    b1 = jnp.zeros((E, H), dtype=jnp.float32)
    v2 = jax.random.normal(ks[2], (E, D, H), dtype=jnp.float32)
    g2 = jnp.ones((E, D), dtype=jnp.float32)
    b2 = jnp.zeros((E, D), dtype=jnp.float32)
    gv = jax.random.normal(ks[3], (E, D), dtype=jnp.float32)
    gg = jnp.ones((E,), dtype=jnp.float32)
    gb = jnp.zeros((E,), dtype=jnp.float32)
    return {"x": x, "v1": v1, "g1": g1, "b1": b1, "v2": v2, "g2": g2, "b2": b2, "gv": gv, "gg": gg, "gb": gb}

def reference(x, v1, g1, b1, v2, g2, b2, gv, gg, gb):
    b, s, d = x.shape
    xf = x.reshape(-1, d)
    # gating network (weight-norm linear + softmax)
    Wg = _wn(gv, gg)
    logits = xf @ Wg.T + gb
    gates = jax.nn.softmax(logits, axis=-1)
    top_k = min(2, E)
    top_values, top_indices = jax.lax.top_k(gates, top_k)
    expert_outputs = jnp.zeros_like(xf)
    for i in range(E):
        mask = jnp.any(top_indices == i, axis=1).astype(xf.dtype)[:, None]
        expert_input = xf * mask
        W1 = _wn(v1[i], g1[i])
        h = expert_input @ W1.T + b1[i]
        h = h * jax.nn.sigmoid(h)  # Swish
        W2 = _wn(v2[i], g2[i])
        y = h @ W2.T + b2[i]
        expert_outputs = expert_outputs + mask * y
    return expert_outputs.reshape(b, s, d)

if __name__ == "__main__":
    import jax
    _d = setup_inputs()
    print(jax.jit(kernel)(*tuple(_d.values())))

</pallas_src>

<mosaic_0001>
#map = affine_map<(d0, d1) -> (0, 0)>
#map1 = affine_map<(d0, d1) -> (0, 0, 0)>
module attributes {stable_mosaic.version = 14 : i64} {
  func.func @_combine_kernel(%arg0: i32, %arg1: i32, %arg2: memref<11776x1024xf32, #tpu.memory_space<hbm>>, %arg3: memref<32x4x32xi32, #tpu.memory_space<hbm>>, %arg4: memref<32x4x32xi32, #tpu.memory_space<hbm>>, %arg5: memref<4096x1024xf32, #tpu.memory_space<hbm>>, %arg6: memref<4x32xi32, #tpu.memory_space<vmem>>, %arg7: memref<4x32xi32, #tpu.memory_space<vmem>>, %arg8: memref<32x1024xf32, #tpu.memory_space<vmem>>, %arg9: memref<32x1024xf32, #tpu.memory_space<vmem>>, %arg10: memref<!tpu.dma_semaphore, #tpu.memory_space<semaphore_mem>>, %arg11: memref<!tpu.dma_semaphore, #tpu.memory_space<semaphore_mem>>) attributes {dimension_semantics = [#tpu.dimension_semantics<core_parallel>, #tpu.dimension_semantics<subcore_parallel>], iteration_bounds = array<i64: 2, 16>, scalar_prefetch = 0 : i64, scratch_operands = 6 : i64, tpu.core_type = #tpu.core_type<sc_vector_subcore>, window_params = [{transform_indices = #map}, {transform_indices = #map1}, {transform_indices = #map1}, {transform_indices = #map}]} {
    %mul3A = arith.constant 2 : i32
    %mul3A_0 = arith.muli %arg1, %mul3A : i32
    %add3A = arith.addi %mul3A_0, %arg0 : i32
    %mul3A_1 = arith.constant 128 : i32
    %mul3A_2 = arith.muli %add3A, %mul3A_1 : i32
    "tpu.region"() ({
      %run_scoped3A = tpu.sem_alloc : memref<!tpu.dma_semaphore, #tpu.memory_space<semaphore_mem>>
      %dma_start3A_148 = arith.constant 0 : i32
      %dma_start3A_149 = arith.constant 0 : i32
      %dma_start3A_150 = tpu.memref_slice %arg3[%add3A, %dma_start3A_148, %dma_start3A_149] : memref<32x4x32xi32, #tpu.memory_space<hbm>> -> memref<1x4x32xi32, #tpu.memory_space<hbm>>
      %dma_start3A_151 = tpu.memref_squeeze %dma_start3A_150 : memref<1x4x32xi32, #tpu.memory_space<hbm>> -> memref<4x32xi32, #tpu.memory_space<hbm>>
      %dma_start3A_152 = arith.constant 0 : i32
      %dma_start3A_153 = arith.constant 0 : i32
      %dma_start3A_154 = tpu.memref_slice %arg3[%add3A, %dma_start3A_152, %dma_start3A_153] : memref<32x4x32xi32, #tpu.memory_space<hbm>> -> memref<1x4x32xi32, #tpu.memory_space<hbm>>
      %dma_start3A_155 = tpu.memref_squeeze %dma_start3A_154 : memref<1x4x32xi32, #tpu.memory_space<hbm>> -> memref<4x32xi32, #tpu.memory_space<hbm>>
      tpu.enqueue_dma source(%dma_start3A_155 : memref<4x32xi32, #tpu.memory_space<hbm>>) target(%arg6 : memref<4x32xi32, #tpu.memory_space<vmem>>) target_semaphore(%run_scoped3A : memref<!tpu.dma_semaphore, #tpu.memory_space<semaphore_mem>>)
      %dma_wait3A_156 = arith.constant 0 : i32
      %dma_wait3A_157 = arith.constant 0 : i32
      %dma_wait3A_158 = tpu.memref_slice %arg3[%add3A, %dma_wait3A_156, %dma_wait3A_157] : memref<32x4x32xi32, #tpu.memory_space<hbm>> -> memref<1x4x32xi32, #tpu.memory_space<hbm>>
      %dma_wait3A_159 = tpu.memref_squeeze %dma_wait3A_158 : memref<1x4x32xi32, #tpu.memory_space<hbm>> -> memref<4x32xi32, #tpu.memory_space<hbm>>
      %dma_wait3A_160 = arith.constant 0 : i32
      %dma_wait3A_161 = arith.constant 0 : i32
      %dma_wait3A_162 = tpu.memref_slice %arg3[%add3A, %dma_wait3A_160, %dma_wait3A_161] : memref<32x4x32xi32, #tpu.memory_space<hbm>> -> memref<1x4x32xi32, #tpu.memory_space<hbm>>
      %dma_wait3A_163 = tpu.memref_squeeze %dma_wait3A_162 : memref<1x4x32xi32, #tpu.memory_space<hbm>> -> memref<4x32xi32, #tpu.memory_space<hbm>>
      tpu.wait_dma2 semaphore(%run_scoped3A : memref<!tpu.dma_semaphore, #tpu.memory_space<semaphore_mem>>) src(%dma_wait3A_163 : memref<4x32xi32, #tpu.memory_space<hbm>>) dst(%arg6 : memref<4x32xi32, #tpu.memory_space<vmem>>)
      tpu.yield
    }) : () -> ()
    "tpu.region"() ({
      %run_scoped3A = tpu.sem_alloc : memref<!tpu.dma_semaphore, #tpu.memory_space<semaphore_mem>>
      %dma_start3A_148 = arith.constant 0 : i32
      %dma_start3A_149 = arith.constant 0 : i32
      %dma_start3A_150 = tpu.memref_slice %arg4[%add3A, %dma_start3A_148, %dma_start3A_149] : memref<32x4x32xi32, #tpu.memory_space<hbm>> -> memref<1x4x32xi32, #tpu.memory_space<hbm>>
      %dma_start3A_151 = tpu.memref_squeeze %dma_start3A_150 : memref<1x4x32xi32, #tpu.memory_space<hbm>> -> memref<4x32xi32, #tpu.memory_space<hbm>>
      %dma_start3A_152 = arith.constant 0 : i32
      %dma_start3A_153 = arith.constant 0 : i32
      %dma_start3A_154 = tpu.memref_slice %arg4[%add3A, %dma_start3A_152, %dma_start3A_153] : memref<32x4x32xi32, #tpu.memory_space<hbm>> -> memref<1x4x32xi32, #tpu.memory_space<hbm>>
      %dma_start3A_155 = tpu.memref_squeeze %dma_start3A_154 : memref<1x4x32xi32, #tpu.memory_space<hbm>> -> memref<4x32xi32, #tpu.memory_space<hbm>>
      tpu.enqueue_dma source(%dma_start3A_155 : memref<4x32xi32, #tpu.memory_space<hbm>>) target(%arg7 : memref<4x32xi32, #tpu.memory_space<vmem>>) target_semaphore(%run_scoped3A : memref<!tpu.dma_semaphore, #tpu.memory_space<semaphore_mem>>)
      %dma_wait3A_156 = arith.constant 0 : i32
      %dma_wait3A_157 = arith.constant 0 : i32
      %dma_wait3A_158 = tpu.memref_slice %arg4[%add3A, %dma_wait3A_156, %dma_wait3A_157] : memref<32x4x32xi32, #tpu.memory_space<hbm>> -> memref<1x4x32xi32, #tpu.memory_space<hbm>>
      %dma_wait3A_159 = tpu.memref_squeeze %dma_wait3A_158 : memref<1x4x32xi32, #tpu.memory_space<hbm>> -> memref<4x32xi32, #tpu.memory_space<hbm>>
      %dma_wait3A_160 = arith.constant 0 : i32
      %dma_wait3A_161 = arith.constant 0 : i32
      %dma_wait3A_162 = tpu.memref_slice %arg4[%add3A, %dma_wait3A_160, %dma_wait3A_161] : memref<32x4x32xi32, #tpu.memory_space<hbm>> -> memref<1x4x32xi32, #tpu.memory_space<hbm>>
      %dma_wait3A_163 = tpu.memref_squeeze %dma_wait3A_162 : memref<1x4x32xi32, #tpu.memory_space<hbm>> -> memref<4x32xi32, #tpu.memory_space<hbm>>
      tpu.wait_dma2 semaphore(%run_scoped3A : memref<!tpu.dma_semaphore, #tpu.memory_space<semaphore_mem>>) src(%dma_wait3A_163 : memref<4x32xi32, #tpu.memory_space<hbm>>) dst(%arg7 : memref<4x32xi32, #tpu.memory_space<vmem>>)
      tpu.yield
    }) : () -> ()
    %dma_start3A = arith.constant 0 : i32
    %dma_start3A_3 = arith.constant 0 : i32
    %dma_start3A_4 = tpu.memref_slice %arg6[%dma_start3A, %dma_start3A_3] : memref<4x32xi32, #tpu.memory_space<vmem>> -> memref<1x32xi32, #tpu.memory_space<vmem>>
    %dma_start3A_5 = tpu.memref_squeeze %dma_start3A_4 : memref<1x32xi32, #tpu.memory_space<vmem>> -> memref<32xi32, #tpu.memory_space<vmem>>
    %dma_start3A_6 = arith.constant 0 : i32
    %dma_start3A_7 = arith.constant 0 : i32
    %dma_start3A_8 = tpu.memref_slice %arg2[%dma_start3A_6, %dma_start3A_7] : memref<11776x1024xf32, #tpu.memory_space<hbm>> -> memref<11776x1024xf32, #tpu.memory_space<hbm>>
    tpu.enqueue_indirect_dma source(%dma_start3A_8 : memref<11776x1024xf32, #tpu.memory_space<hbm>>) target(%arg8 : memref<32x1024xf32, #tpu.memory_space<vmem>>) offsets(%dma_start3A_5 : memref<32xi32, #tpu.memory_space<vmem>>) semaphore(%arg10 : memref<!tpu.dma_semaphore, #tpu.memory_space<semaphore_mem>>)
    %dma_wait3A = arith.constant 0 : i32
    %dma_wait3A_9 = arith.constant 0 : i32
    %dma_wait3A_10 = tpu.memref_slice %arg6[%dma_wait3A, %dma_wait3A_9] : memref<4x32xi32, #tpu.memory_space<vmem>> -> memref<1x32xi32, #tpu.memory_space<vmem>>
    %dma_wait3A_11 = tpu.memref_squeeze %dma_wait3A_10 : memref<1x32xi32, #tpu.memory_space<vmem>> -> memref<32xi32, #tpu.memory_space<vmem>>
    %dma_wait3A_12 = arith.constant 0 : i32
    %dma_wait3A_13 = arith.constant 0 : i32
    %dma_wait3A_14 = tpu.memref_slice %arg2[%dma_wait3A_12, %dma_wait3A_13] : memref<11776x1024xf32, #tpu.memory_space<hbm>> -> memref<11776x1024xf32, #tpu.memory_space<hbm>>
    tpu.wait_indirect_dma semaphore(%arg10 : memref<!tpu.dma_semaphore, #tpu.memory_space<semaphore_mem>>) src(%dma_wait3A_14 : memref<11776x1024xf32, #tpu.memory_space<hbm>>) dst(%arg8 : memref<32x1024xf32, #tpu.memory_space<vmem>>)
    %dma_start3A_15 = arith.constant 0 : i32
    %dma_start3A_16 = arith.constant 0 : i32
    %dma_start3A_17 = tpu.memref_slice %arg7[%dma_start3A_15, %dma_start3A_16] : memref<4x32xi32, #tpu.memory_space<vmem>> -> memref<1x32xi32, #tpu.memory_space<vmem>>
    %dma_start3A_18 = tpu.memref_squeeze %dma_start3A_17 : memref<1x32xi32, #tpu.memory_space<vmem>> -> memref<32xi32, #tpu.memory_space<vmem>>
    %dma_start3A_19 = arith.constant 0 : i32
    %dma_start3A_20 = arith.constant 0 : i32
    %dma_start3A_21 = tpu.memref_slice %arg2[%dma_start3A_19, %dma_start3A_20] : memref<11776x1024xf32, #tpu.memory_space<hbm>> -> memref<11776x1024xf32, #tpu.memory_space<hbm>>
    tpu.enqueue_indirect_dma source(%dma_start3A_21 : memref<11776x1024xf32, #tpu.memory_space<hbm>>) target(%arg9 : memref<32x1024xf32, #tpu.memory_space<vmem>>) offsets(%dma_start3A_18 : memref<32xi32, #tpu.memory_space<vmem>>) semaphore(%arg11 : memref<!tpu.dma_semaphore, #tpu.memory_space<semaphore_mem>>)
    %dma_wait3A_22 = arith.constant 0 : i32
    %dma_wait3A_23 = arith.constant 0 : i32
    %dma_wait3A_24 = tpu.memref_slice %arg7[%dma_wait3A_22, %dma_wait3A_23] : memref<4x32xi32, #tpu.memory_space<vmem>> -> memref<1x32xi32, #tpu.memory_space<vmem>>
    %dma_wait3A_25 = tpu.memref_squeeze %dma_wait3A_24 : memref<1x32xi32, #tpu.memory_space<vmem>> -> memref<32xi32, #tpu.memory_space<vmem>>
    %dma_wait3A_26 = arith.constant 0 : i32
    %dma_wait3A_27 = arith.constant 0 : i32
    %dma_wait3A_28 = tpu.memref_slice %arg2[%dma_wait3A_26, %dma_wait3A_27] : memref<11776x1024xf32, #tpu.memory_space<hbm>> -> memref<11776x1024xf32, #tpu.memory_space<hbm>>
    tpu.wait_indirect_dma semaphore(%arg11 : memref<!tpu.dma_semaphore, #tpu.memory_space<semaphore_mem>>) src(%dma_wait3A_28 : memref<11776x1024xf32, #tpu.memory_space<hbm>>) dst(%arg9 : memref<32x1024xf32, #tpu.memory_space<vmem>>)
    %scan3A = arith.constant 0 : i32
    %scan3A_29 = arith.constant 0 : i32
    %scan3A_30 = arith.constant 64 : i32
    %scan3A_31 = arith.addi %scan3A_29, %scan3A_30 : i32
    %scan3A_32 = arith.constant 1 : i32
    %scan3A_33 = scf.for %scan3A_148 = %scan3A_29 to %scan3A_31 step %scan3A_32 iter_args(%scan3A_149 = %scan3A) -> (i32)  : i32 {
      %mul3A_150 = arith.constant 16 : i32
      %mul3A_151 = arith.muli %scan3A_148, %mul3A_150 : i32
      %get3A = arith.constant 0 : i32
      %get3A_152 = arith.index_cast %get3A : i32 to index
      %get3A_153 = arith.index_cast %mul3A_151 : i32 to index
      %get3A_154 = tpu.vector_load %arg8[%get3A_152, %get3A_153] {strides = array<i32>} : memref<32x1024xf32, #tpu.memory_space<vmem>>, vector<1x16xf32>,
      %get3A_155 = vector.shape_cast %get3A_154 : vector<1x16xf32> to vector<16xf32>
      %get3A_156 = arith.constant 0 : i32
      %get3A_157 = arith.index_cast %get3A_156 : i32 to index
      %get3A_158 = arith.index_cast %mul3A_151 : i32 to index
      %get3A_159 = tpu.vector_load %arg9[%get3A_157, %get3A_158] {strides = array<i32>} : memref<32x1024xf32, #tpu.memory_space<vmem>>, vector<1x16xf32>,
      %get3A_160 = vector.shape_cast %get3A_159 : vector<1x16xf32> to vector<16xf32>
      %add3A_161 = arith.addf %get3A_155, %get3A_160 : vector<16xf32>
      %swap3A = arith.constant 0 : i32
      %swap3A_162 = arith.index_cast %swap3A : i32 to index
      %swap3A_163 = arith.index_cast %mul3A_151 : i32 to index
      %swap3A_164 = tpu.vector_load %arg8[%swap3A_162, %swap3A_163] {strides = array<i32>} : memref<32x1024xf32, #tpu.memory_space<vmem>>, vector<1x16xf32>,
      %swap3A_165 = vector.shape_cast %swap3A_164 : vector<1x16xf32> to vector<16xf32>
      %swap3A_166 = vector.shape_cast %add3A_161 : vector<16xf32> to vector<1x16xf32>
      tpu.vector_store %arg8[%swap3A_162, %swap3A_163], %swap3A_166 {strides = array<i32>} : memref<32x1024xf32, #tpu.memory_space<vmem>>, vector<1x16xf32>,
      %mul3A_167 = arith.constant 16 : i32
      %mul3A_168 = arith.muli %scan3A_148, %mul3A_167 : i32
      %get3A_169 = arith.constant 1 : i32
      %get3A_170 = arith.index_cast %get3A_169 : i32 to index
      %get3A_171 = arith.index_cast %mul3A_168 : i32 to index
      %get3A_172 = tpu.vector_load %arg8[%get3A_170, %get3A_171] {strides = array<i32>} : memref<32x1024xf32, #tpu.memory_space<vmem>>, vector<1x16xf32>,
      %get3A_173 = vector.shape_cast %get3A_172 : vector<1x16xf32> to vector<16xf32>
      %get3A_174 = arith.constant 1 : i32
      %get3A_175 = arith.index_cast %get3A_174 : i32 to index
      %get3A_176 = arith.index_cast %mul3A_168 : i32 to index
      %get3A_177 = tpu.vector_load %arg9[%get3A_175, %get3A_176] {strides = array<i32>} : memref<32x1024xf32, #tpu.memory_space<vmem>>, vector<1x16xf32>,
      %get3A_178 = vector.shape_cast %get3A_177 : vector<1x16xf32> to vector<16xf32>
      %add3A_179 = arith.addf %get3A_173, %get3A_178 : vector<16xf32>
      %swap3A_180 = arith.constant 1 : i32
      %swap3A_181 = arith.index_cast %swap3A_180 : i32 to index
      %swap3A_182 = arith.index_cast %mul3A_168 : i32 to index
      %swap3A_183 = tpu.vector_load %arg8[%swap3A_181, %swap3A_182] {strides = array<i32>} : memref<32x1024xf32, #tpu.memory_space<vmem>>, vector<1x16xf32>,
      %swap3A_184 = vector.shape_cast %swap3A_183 : vector<1x16xf32> to vector<16xf32>
      %swap3A_185 = vector.shape_cast %add3A_179 : vector<16xf32> to vector<1x16xf32>
      tpu.vector_store %arg8[%swap3A_181, %swap3A_182], %swap3A_185 {strides = array<i32>} : memref<32x1024xf32, #tpu.memory_space<vmem>>, vector<1x16xf32>,
      %mul3A_186 = arith.constant 16 : i32
      %mul3A_187 = arith.muli %scan3A_148, %mul3A_186 : i32
      %get3A_188 = arith.constant 2 : i32
      %get3A_189 = arith.index_cast %get3A_188 : i32 to index
      %get3A_190 = arith.index_cast %mul3A_187 : i32 to index
      %get3A_191 = tpu.vector_load %arg8[%get3A_189, %get3A_190] {strides = array<i32>} : memref<32x1024xf32, #tpu.memory_space<vmem>>, vector<1x16xf32>,
      %get3A_192 = vector.shape_cast %get3A_191 : vector<1x16xf32> to vector<16xf32>
      %get3A_193 = arith.constant 2 : i32
      %get3A_194 = arith.index_cast %get3A_193 : i32 to index
      %get3A_195 = arith.index_cast %mul3A_187 : i32 to index
      %get3A_196 = tpu.vector_load %arg9[%get3A_194, %get3A_195] {strides = array<i32>} : memref<32x1024xf32, #tpu.memory_space<vmem>>, vector<1x16xf32>,
      %get3A_197 = vector.shape_cast %get3A_196 : vector<1x16xf32> to vector<16xf32>
      %add3A_198 = arith.addf %get3A_192, %get3A_197 : vector<16xf32>
      %swap3A_199 = arith.constant 2 : i32
      %swap3A_200 = arith.index_cast %swap3A_199 : i32 to index
      %swap3A_201 = arith.index_cast %mul3A_187 : i32 to index
      %swap3A_202 = tpu.vector_load %arg8[%swap3A_200, %swap3A_201] {strides = array<i32>} : memref<32x1024xf32, #tpu.memory_space<vmem>>, vector<1x16xf32>,
      %swap3A_203 = vector.shape_cast %swap3A_202 : vector<1x16xf32> to vector<16xf32>
      %swap3A_204 = vector.shape_cast %add3A_198 : vector<16xf32> to vector<1x16xf32>
      tpu.vector_store %arg8[%swap3A_200, %swap3A_201], %swap3A_204 {strides = array<i32>} : memref<32x1024xf32, #tpu.memory_space<vmem>>, vector<1x16xf32>,
      %mul3A_205 = arith.constant 16 : i32
      %mul3A_206 = arith.muli %scan3A_148, %mul3A_205 : i32
      %get3A_207 = arith.constant 3 : i32
      %get3A_208 = arith.index_cast %get3A_207 : i32 to index
      %get3A_209 = arith.index_cast %mul3A_206 : i32 to index
      %get3A_210 = tpu.vector_load %arg8[%get3A_208, %get3A_209] {strides = array<i32>} : memref<32x1024xf32, #tpu.memory_space<vmem>>, vector<1x16xf32>,
      %get3A_211 = vector.shape_cast %get3A_210 : vector<1x16xf32> to vector<16xf32>
      %get3A_212 = arith.constant 3 : i32
      %get3A_213 = arith.index_cast %get3A_212 : i32 to index
      %get3A_214 = arith.index_cast %mul3A_206 : i32 to index
      %get3A_215 = tpu.vector_load %arg9[%get3A_213, %get3A_214] {strides = array<i32>} : memref<32x1024xf32, #tpu.memory_space<vmem>>, vector<1x16xf32>,
      %get3A_216 = vector.shape_cast %get3A_215 : vector<1x16xf32> to vector<16xf32>
      %add3A_217 = arith.addf %get3A_211, %get3A_216 : vector<16xf32>
      %swap3A_218 = arith.constant 3 : i32
      %swap3A_219 = arith.index_cast %swap3A_218 : i32 to index
      %swap3A_220 = arith.index_cast %mul3A_206 : i32 to index
      %swap3A_221 = tpu.vector_load %arg8[%swap3A_219, %swap3A_220] {strides = array<i32>} : memref<32x1024xf32, #tpu.memory_space<vmem>>, vector<1x16xf32>,
      %swap3A_222 = vector.shape_cast %swap3A_221 : vector<1x16xf32> to vector<16xf32>
      %swap3A_223 = vector.shape_cast %add3A_217 : vector<16xf32> to vector<1x16xf32>
      tpu.vector_store %arg8[%swap3A_219, %swap3A_220], %swap3A_223 {strides = array<i32>} : memref<32x1024xf32, #tpu.memory_space<vmem>>, vector<1x16xf32>,
      %mul3A_224 = arith.constant 16 : i32
      %mul3A_225 = arith.muli %scan3A_148, %mul3A_224 : i32
      %get3A_226 = arith.constant 4 : i32
      %get3A_227 = arith.index_cast %get3A_226 : i32 to index
      %get3A_228 = arith.index_cast %mul3A_225 : i32 to index
      %get3A_229 = tpu.vector_load %arg8[%get3A_227, %get3A_228] {strides = array<i32>} : memref<32x1024xf32, #tpu.memory_space<vmem>>, vector<1x16xf32>,
      %get3A_230 = vector.shape_cast %get3A_229 : vector<1x16xf32> to vector<16xf32>
      %get3A_231 = arith.constant 4 : i32
      %get3A_232 = arith.index_cast %get3A_231 : i32 to index
      %get3A_233 = arith.index_cast %mul3A_225 : i32 to index
      %get3A_234 = tpu.vector_load %arg9[%get3A_232, %get3A_233] {strides = array<i32>} : memref<32x1024xf32, #tpu.memory_space<vmem>>, vector<1x16xf32>,
      %get3A_235 = vector.shape_cast %get3A_234 : vector<1x16xf32> to vector<16xf32>
      %add3A_236 = arith.addf %get3A_230, %get3A_235 : vector<16xf32>
      %swap3A_237 = arith.constant 4 : i32
      %swap3A_238 = arith.index_cast %swap3A_237 : i32 to index
      %swap3A_239 = arith.index_cast %mul3A_225 : i32 to index
      %swap3A_240 = tpu.vector_load %arg8[%swap3A_238, %swap3A_239] {strides = array<i32>} : memref<32x1024xf32, #tpu.memory_space<vmem>>, vector<1x16xf32>,
      %swap3A_241 = vector.shape_cast %swap3A_240 : vector<1x16xf32> to vector<16xf32>
      %swap3A_242 = vector.shape_cast %add3A_236 : vector<16xf32> to vector<1x16xf32>
      tpu.vector_store %arg8[%swap3A_238, %swap3A_239], %swap3A_242 {strides = array<i32>} : memref<32x1024xf32, #tpu.memory_space<vmem>>, vector<1x16xf32>,
      %mul3A_243 = arith.constant 16 : i32
      %mul3A_244 = arith.muli %scan3A_148, %mul3A_243 : i32
      %get3A_245 = arith.constant 5 : i32
      %get3A_246 = arith.index_cast %get3A_245 : i32 to index
      %get3A_247 = arith.index_cast %mul3A_244 : i32 to index
      %get3A_248 = tpu.vector_load %arg8[%get3A_246, %get3A_247] {strides = array<i32>} : memref<32x1024xf32, #tpu.memory_space<vmem>>, vector<1x16xf32>,
      %get3A_249 = vector.shape_cast %get3A_248 : vector<1x16xf32> to vector<16xf32>
      %get3A_250 = arith.constant 5 : i32
      %get3A_251 = arith.index_cast %get3A_250 : i32 to index
      %get3A_252 = arith.index_cast %mul3A_244 : i32 to index
      %get3A_253 = tpu.vector_load %arg9[%get3A_251, %get3A_252] {strides = array<i32>} : memref<32x1024xf32, #tpu.memory_space<vmem>>, vector<1x16xf32>,
      %get3A_254 = vector.shape_cast %get3A_253 : vector<1x16xf32> to vector<16xf32>
      %add3A_255 = arith.addf %get3A_249, %get3A_254 : vector<16xf32>
      %swap3A_256 = arith.constant 5 : i32
      %swap3A_257 = arith.index_cast %swap3A_256 : i32 to index
      %swap3A_258 = arith.index_cast %mul3A_244 : i32 to index
      %swap3A_259 = tpu.vector_load %arg8[%swap3A_257, %swap3A_258] {strides = array<i32>} : memref<32x1024xf32, #tpu.memory_space<vmem>>, vector<1x16xf32>,
      %swap3A_260 = vector.shape_cast %swap3A_259 : vector<1x16xf32> to vector<16xf32>
      %swap3A_261 = vector.shape_cast %add3A_255 : vector<16xf32> to vector<1x16xf32>
      tpu.vector_store %arg8[%swap3A_257, %swap3A_258], %swap3A_261 {strides = array<i32>} : memref<32x1024xf32, #tpu.memory_space<vmem>>, vector<1x16xf32>,
      %mul3A_262 = arith.constant 16 : i32
      %mul3A_263 = arith.muli %scan3A_148, %mul3A_262 : i32
      %get3A_264 = arith.constant 6 : i32
      %get3A_265 = arith.index_cast %get3A_264 : i32 to index
      %get3A_266 = arith.index_cast %mul3A_263 : i32 to index
      %get3A_267 = tpu.vector_load %arg8[%get3A_265, %get3A_266] {strides = array<i32>} : memref<32x1024xf32, #tpu.memory_space<vmem>>, vector<1x16xf32>,
      %get3A_268 = vector.shape_cast %get3A_267 : vector<1x16xf32> to vector<16xf32>
      %get3A_269 = arith.constant 6 : i32
      %get3A_270 = arith.index_cast %get3A_269 : i32 to index
      %get3A_271 = arith.index_cast %mul3A_263 : i32 to index
      %get3A_272 = tpu.vector_load %arg9[%get3A_270, %get3A_271] {strides = array<i32>} : memref<32x1024xf32, #tpu.memory_space<vmem>>, vector<1x16xf32>,
      %get3A_273 = vector.shape_cast %get3A_272 : vector<1x16xf32> to vector<16xf32>
      %add3A_274 = arith.addf %get3A_268, %get3A_273 : vector<16xf32>
      %swap3A_275 = arith.constant 6 : i32
      %swap3A_276 = arith.index_cast %swap3A_275 : i32 to index
      %swap3A_277 = arith.index_cast %mul3A_263 : i32 to index
      %swap3A_278 = tpu.vector_load %arg8[%swap3A_276, %swap3A_277] {strides = array<i32>} : memref<32x1024xf32, #tpu.memory_space<vmem>>, vector<1x16xf32>,
      %swap3A_279 = vector.shape_cast %swap3A_278 : vector<1x16xf32> to vector<16xf32>
      %swap3A_280 = vector.shape_cast %add3A_274 : vector<16xf32> to vector<1x16xf32>
      tpu.vector_store %arg8[%swap3A_276, %swap3A_277], %swap3A_280 {strides = array<i32>} : memref<32x1024xf32, #tpu.memory_space<vmem>>, vector<1x16xf32>,
      %mul3A_281 = arith.constant 16 : i32
      %mul3A_282 = arith.muli %scan3A_148, %mul3A_281 : i32
      %get3A_283 = arith.constant 7 : i32
      %get3A_284 = arith.index_cast %get3A_283 : i32 to index
      %get3A_285 = arith.index_cast %mul3A_282 : i32 to index
      %get3A_286 = tpu.vector_load %arg8[%get3A_284, %get3A_285] {strides = array<i32>} : memref<32x1024xf32, #tpu.memory_space<vmem>>, vector<1x16xf32>,
      %get3A_287 = vector.shape_cast %get3A_286 : vector<1x16xf32> to vector<16xf32>
      %get3A_288 = arith.constant 7 : i32
      %get3A_289 = arith.index_cast %get3A_288 : i32 to index
      %get3A_290 = arith.index_cast %mul3A_282 : i32 to index
      %get3A_291 = tpu.vector_load %arg9[%get3A_289, %get3A_290] {strides = array<i32>} : memref<32x1024xf32, #tpu.memory_space<vmem>>, vector<1x16xf32>,
      %get3A_292 = vector.shape_cast %get3A_291 : vector<1x16xf32> to vector<16xf32>
      %add3A_293 = arith.addf %get3A_287, %get3A_292 : vector<16xf32>
      %swap3A_294 = arith.constant 7 : i32
      %swap3A_295 = arith.index_cast %swap3A_294 : i32 to index
      %swap3A_296 = arith.index_cast %mul3A_282 : i32 to index
      %swap3A_297 = tpu.vector_load %arg8[%swap3A_295, %swap3A_296] {strides = array<i32>} : memref<32x1024xf32, #tpu.memory_space<vmem>>, vector<1x16xf32>,
      %swap3A_298 = vector.shape_cast %swap3A_297 : vector<1x16xf32> to vector<16xf32>
      %swap3A_299 = vector.shape_cast %add3A_293 : vector<16xf32> to vector<1x16xf32>
      tpu.vector_store %arg8[%swap3A_295, %swap3A_296], %swap3A_299 {strides = array<i32>} : memref<32x1024xf32, #tpu.memory_space<vmem>>, vector<1x16xf32>,
      %mul3A_300 = arith.constant 16 : i32
      %mul3A_301 = arith.muli %scan3A_148, %mul3A_300 : i32
      %get3A_302 = arith.constant 8 : i32
      %get3A_303 = arith.index_cast %get3A_302 : i32 to index
      %get3A_304 = arith.index_cast %mul3A_301 : i32 to index
      %get3A_305 = tpu.vector_load %arg8[%get3A_303, %get3A_304] {strides = array<i32>} : memref<32x1024xf32, #tpu.memory_space<vmem>>, vector<1x16xf32>,
      %get3A_306 = vector.shape_cast %get3A_305 : vector<1x16xf32> to vector<16xf32>
      %get3A_307 = arith.constant 8 : i32
      %get3A_308 = arith.index_cast %get3A_307 : i32 to index
      %get3A_309 = arith.index_cast %mul3A_301 : i32 to index
      %get3A_310 = tpu.vector_load %arg9[%get3A_308, %get3A_309] {strides = array<i32>} : memref<32x1024xf32, #tpu.memory_space<vmem>>, vector<1x16xf32>,
      %get3A_311 = vector.shape_cast %get3A_310 : vector<1x16xf32> to vector<16xf32>
      %add3A_312 = arith.addf %get3A_306, %get3A_311 : vector<16xf32>
      %swap3A_313 = arith.constant 8 : i32
      %swap3A_314 = arith.index_cast %swap3A_313 : i32 to index
      %swap3A_315 = arith.index_cast %mul3A_301 : i32 to index
      %swap3A_316 = tpu.vector_load %arg8[%swap3A_314, %swap3A_315] {strides = array<i32>} : memref<32x1024xf32, #tpu.memory_space<vmem>>, vector<1x16xf32>,
      %swap3A_317 = vector.shape_cast %swap3A_316 : vector<1x16xf32> to vector<16xf32>
      %swap3A_318 = vector.shape_cast %add3A_312 : vector<16xf32> to vector<1x16xf32>
      tpu.vector_store %arg8[%swap3A_314, %swap3A_315], %swap3A_318 {strides = array<i32>} : memref<32x1024xf32, #tpu.memory_space<vmem>>, vector<1x16xf32>,
      %mul3A_319 = arith.constant 16 : i32
      %mul3A_320 = arith.muli %scan3A_148, %mul3A_319 : i32
      %get3A_321 = arith.constant 9 : i32
      %get3A_322 = arith.index_cast %get3A_321 : i32 to index
      %get3A_323 = arith.index_cast %mul3A_320 : i32 to index
      %get3A_324 = tpu.vector_load %arg8[%get3A_322, %get3A_323] {strides = array<i32>} : memref<32x1024xf32, #tpu.memory_space<vmem>>, vector<1x16xf32>,
      %get3A_325 = vector.shape_cast %get3A_324 : vector<1x16xf32> to vector<16xf32>
      %get3A_326 = arith.constant 9 : i32
      %get3A_327 = arith.index_cast %get3A_326 : i32 to index
      %get3A_328 = arith.index_cast %mul3A_320 : i32 to index
      %get3A_329 = tpu.vector_load %arg9[%get3A_327, %get3A_328] {strides = array<i32>} : memref<32x1024xf32, #tpu.memory_space<vmem>>, vector<1x16xf32>,
      %get3A_330 = vector.shape_cast %get3A_329 : vector<1x16xf32> to vector<16xf32>
      %add3A_331 = arith.addf %get3A_325, %get3A_330 : vector<16xf32>
      %swap3A_332 = arith.constant 9 : i32
      %swap3A_333 = arith.index_cast %swap3A_332 : i32 to index
      %swap3A_334 = arith.index_cast %mul3A_320 : i32 to index
      %swap3A_335 = tpu.vector_load %arg8[%swap3A_333, %swap3A_334] {strides = array<i32>} : memref<32x1024xf32, #tpu.memory_space<vmem>>, vector<1x16xf32>,
      %swap3A_336 = vector.shape_cast %swap3A_335 : vector<1x16xf32> to vector<16xf32>
      %swap3A_337 = vector.shape_cast %add3A_331 : vector<16xf32> to vector<1x16xf32>
      tpu.vector_store %arg8[%swap3A_333, %swap3A_334], %swap3A_337 {strides = array<i32>} : memref<32x1024xf32, #tpu.memory_space<vmem>>, vector<1x16xf32>,
      %mul3A_338 = arith.constant 16 : i32
      %mul3A_339 = arith.muli %scan3A_148, %mul3A_338 : i32
      %get3A_340 = arith.constant 10 : i32
      %get3A_341 = arith.index_cast %get3A_340 : i32 to index
      %get3A_342 = arith.index_cast %mul3A_339 : i32 to index
      %get3A_343 = tpu.vector_load %arg8[%get3A_341, %get3A_342] {strides = array<i32>} : memref<32x1024xf32, #tpu.memory_space<vmem>>, vector<1x16xf32>,
      %get3A_344 = vector.shape_cast %get3A_343 : vector<1x16xf32> to vector<16xf32>
      %get3A_345 = arith.constant 10 : i32
      %get3A_346 = arith.index_cast %get3A_345 : i32 to index
      %get3A_347 = arith.index_cast %mul3A_339 : i32 to index
      %get3A_348 = tpu.vector_load %arg9[%get3A_346, %get3A_347] {strides = array<i32>} : memref<32x1024xf32, #tpu.memory_space<vmem>>, vector<1x16xf32>,
      %get3A_349 = vector.shape_cast %get3A_348 : vector<1x16xf32> to vector<16xf32>
      %add3A_350 = arith.addf %get3A_344, %get3A_349 : vector<16xf32>
      %swap3A_351 = arith.constant 10 : i32
      %swap3A_352 = arith.index_cast %swap3A_351 : i32 to index
      %swap3A_353 = arith.index_cast %mul3A_339 : i32 to index
      %swap3A_354 = tpu.vector_load %arg8[%swap3A_352, %swap3A_353] {strides = array<i32>} : memref<32x1024xf32, #tpu.memory_space<vmem>>, vector<1x16xf32>,
      %swap3A_355 = vector.shape_cast %swap3A_354 : vector<1x16xf32> to vector<16xf32>
      %swap3A_356 = vector.shape_cast %add3A_350 : vector<16xf32> to vector<1x16xf32>
      tpu.vector_store %arg8[%swap3A_352, %swap3A_353], %swap3A_356 {strides = array<i32>} : memref<32x1024xf32, #tpu.memory_space<vmem>>, vector<1x16xf32>,
      %mul3A_357 = arith.constant 16 : i32
      %mul3A_358 = arith.muli %scan3A_148, %mul3A_357 : i32
      %get3A_359 = arith.constant 11 : i32
      %get3A_360 = arith.index_cast %get3A_359 : i32 to index
      %get3A_361 = arith.index_cast %mul3A_358 : i32 to index
      %get3A_362 = tpu.vector_load %arg8[%get3A_360, %get3A_361] {strides = array<i32>} : memref<32x1024xf32, #tpu.memory_space<vmem>>, vector<1x16xf32>,
      %get3A_363 = vector.shape_cast %get3A_362 : vector<1x16xf32> to vector<16xf32>
      %get3A_364 = arith.constant 11 : i32
      %get3A_365 = arith.index_cast %get3A_364 : i32 to index
      %get3A_366 = arith.index_cast %mul3A_358 : i32 to index
      %get3A_367 = tpu.vector_load %arg9[%get3A_365, %get3A_366] {strides = array<i32>} : memref<32x1024xf32, #tpu.memory_space<vmem>>, vector<1x16xf32>,
      %get3A_368 = vector.shape_cast %get3A_367 : vector<1x16xf32> to vector<16xf32>
      %add3A_369 = arith.addf %get3A_363, %get3A_368 : vector<16xf32>
      %swap3A_370 = arith.constant 11 : i32
      %swap3A_371 = arith.index_cast %swap3A_370 : i32 to index
      %swap3A_372 = arith.index_cast %mul3A_358 : i32 to index
      %swap3A_373 = tpu.vector_load %arg8[%swap3A_371, %swap3A_372] {strides = array<i32>} : memref<32x1024xf32, #tpu.memory_space<vmem>>, vector<1x16xf32>,
      %swap3A_374 = vector.shape_cast %swap3A_373 : vector<1x16xf32> to vector<16xf32>
      %swap3A_375 = vector.shape_cast %add3A_369 : vector<16xf32> to vector<1x16xf32>
      tpu.vector_store %arg8[%swap3A_371, %swap3A_372], %swap3A_375 {strides = array<i32>} : memref<32x1024xf32, #tpu.memory_space<vmem>>, vector<1x16xf32>,
      %mul3A_376 = arith.constant 16 : i32
      %mul3A_377 = arith.muli %scan3A_148, %mul3A_376 : i32
      %get3A_378 = arith.constant 12 : i32
      %get3A_379 = arith.index_cast %get3A_378 : i32 to index
      %get3A_380 = arith.index_cast %mul3A_377 : i32 to index
      %get3A_381 = tpu.vector_load %arg8[%get3A_379, %get3A_380] {strides = array<i32>} : memref<32x1024xf32, #tpu.memory_space<vmem>>, vector<1x16xf32>,
      %get3A_382 = vector.shape_cast %get3A_381 : vector<1x16xf32> to vector<16xf32>
      %get3A_383 = arith.constant 12 : i32
      %get3A_384 = arith.index_cast %get3A_383 : i32 to index
      %get3A_385 = arith.index_cast %mul3A_377 : i32 to index
      %get3A_386 = tpu.vector_load %arg9[%get3A_384, %get3A_385] {strides = array<i32>} : memref<32x1024xf32, #tpu.memory_space<vmem>>, vector<1x16xf32>,
      %get3A_387 = vector.shape_cast %get3A_386 : vector<1x16xf32> to vector<16xf32>
      %add3A_388 = arith.addf %get3A_382, %get3A_387 : vector<16xf32>
      %swap3A_389 = arith.constant 12 : i32
      %swap3A_390 = arith.index_cast %swap3A_389 : i32 to index
      %swap3A_391 = arith.index_cast %mul3A_377 : i32 to index
      %swap3A_392 = tpu.vector_load %arg8[%swap3A_390, %swap3A_391] {strides = array<i32>} : memref<32x1024xf32, #tpu.memory_space<vmem>>, vector<1x16xf32>,
      %swap3A_393 = vector.shape_cast %swap3A_392 : vector<1x16xf32> to vector<16xf32>
      %swap3A_394 = vector.shape_cast %add3A_388 : vector<16xf32> to vector<1x16xf32>
      tpu.vector_store %arg8[%swap3A_390, %swap3A_391], %swap3A_394 {strides = array<i32>} : memref<32x1024xf32, #tpu.memory_space<vmem>>, vector<1x16xf32>,
      %mul3A_395 = arith.constant 16 : i32
      %mul3A_396 = arith.muli %scan3A_148, %mul3A_395 : i32
      %get3A_397 = arith.constant 13 : i32
      %get3A_398 = arith.index_cast %get3A_397 : i32 to index
      %get3A_399 = arith.index_cast %mul3A_396 : i32 to index
      %get3A_400 = tpu.vector_load %arg8[%get3A_398, %get3A_399] {strides = array<i32>} : memref<32x1024xf32, #tpu.memory_space<vmem>>, vector<1x16xf32>,
      %get3A_401 = vector.shape_cast %get3A_400 : vector<1x16xf32> to vector<16xf32>
      %get3A_402 = arith.constant 13 : i32
      %get3A_403 = arith.index_cast %get3A_402 : i32 to index
      %get3A_404 = arith.index_cast %mul3A_396 : i32 to index
      %get3A_405 = tpu.vector_load %arg9[%get3A_403, %get3A_404] {strides = array<i32>} : memref<32x1024xf32, #tpu.memory_space<vmem>>, vector<1x16xf32>,
      %get3A_406 = vector.shape_cast %get3A_405 : vector<1x16xf32> to vector<16xf32>
      %add3A_407 = arith.addf %get3A_401, %get3A_406 : vector<16xf32>
      %swap3A_408 = arith.constant 13 : i32
      %swap3A_409 = arith.index_cast %swap3A_408 : i32 to index
      %swap3A_410 = arith.index_cast %mul3A_396 : i32 to index
      %swap3A_411 = tpu.vector_load %arg8[%swap3A_409, %swap3A_410] {strides = array<i32>} : memref<32x1024xf32, #tpu.memory_space<vmem>>, vector<1x16xf32>,
      %swap3A_412 = vector.shape_cast %swap3A_411 : vector<1x16xf32> to vector<16xf32>
      %swap3A_413 = vector.shape_cast %add3A_407 : vector<16xf32> to vector<1x16xf32>
      tpu.vector_store %arg8[%swap3A_409, %swap3A_410], %swap3A_413 {strides = array<i32>} : memref<32x1024xf32, #tpu.memory_space<vmem>>, vector<1x16xf32>,
      %mul3A_414 = arith.constant 16 : i32
      %mul3A_415 = arith.muli %scan3A_148, %mul3A_414 : i32
      %get3A_416 = arith.constant 14 : i32
      %get3A_417 = arith.index_cast %get3A_416 : i32 to index
      %get3A_418 = arith.index_cast %mul3A_415 : i32 to index
      %get3A_419 = tpu.vector_load %arg8[%get3A_417, %get3A_418] {strides = array<i32>} : memref<32x1024xf32, #tpu.memory_space<vmem>>, vector<1x16xf32>,
      %get3A_420 = vector.shape_cast %get3A_419 : vector<1x16xf32> to vector<16xf32>
      %get3A_421 = arith.constant 14 : i32
      %get3A_422 = arith.index_cast %get3A_421 : i32 to index
      %get3A_423 = arith.index_cast %mul3A_415 : i32 to index
      %get3A_424 = tpu.vector_load %arg9[%get3A_422, %get3A_423] {strides = array<i32>} : memref<32x1024xf32, #tpu.memory_space<vmem>>, vector<1x16xf32>,
      %get3A_425 = vector.shape_cast %get3A_424 : vector<1x16xf32> to vector<16xf32>
      %add3A_426 = arith.addf %get3A_420, %get3A_425 : vector<16xf32>
      %swap3A_427 = arith.constant 14 : i32
      %swap3A_428 = arith.index_cast %swap3A_427 : i32 to index
      %swap3A_429 = arith.index_cast %mul3A_415 : i32 to index
      %swap3A_430 = tpu.vector_load %arg8[%swap3A_428, %swap3A_429] {strides = array<i32>} : memref<32x1024xf32, #tpu.memory_space<vmem>>, vector<1x16xf32>,
      %swap3A_431 = vector.shape_cast %swap3A_430 : vector<1x16xf32> to vector<16xf32>
      %swap3A_432 = vector.shape_cast %add3A_426 : vector<16xf32> to vector<1x16xf32>
      tpu.vector_store %arg8[%swap3A_428, %swap3A_429], %swap3A_432 {strides = array<i32>} : memref<32x1024xf32, #tpu.memory_space<vmem>>, vector<1x16xf32>,
      %mul3A_433 = arith.constant 16 : i32
      %mul3A_434 = arith.muli %scan3A_148, %mul3A_433 : i32
      %get3A_435 = arith.constant 15 : i32
      %get3A_436 = arith.index_cast %get3A_435 : i32 to index
      %get3A_437 = arith.index_cast %mul3A_434 : i32 to index
      %get3A_438 = tpu.vector_load %arg8[%get3A_436, %get3A_437] {strides = array<i32>} : memref<32x1024xf32, #tpu.memory_space<vmem>>, vector<1x16xf32>,
      %get3A_439 = vector.shape_cast %get3A_438 : vector<1x16xf32> to vector<16xf32>
      %get3A_440 = arith.constant 15 : i32
      %get3A_441 = arith.index_cast %get3A_440 : i32 to index
      %get3A_442 = arith.index_cast %mul3A_434 : i32 to index
      %get3A_443 = tpu.vector_load %arg9[%get3A_441, %get3A_442] {strides = array<i32>} : memref<32x1024xf32, #tpu.memory_space<vmem>>, vector<1x16xf32>,
      %get3A_444 = vector.shape_cast %get3A_443 : vector<1x16xf32> to vector<16xf32>
      %add3A_445 = arith.addf %get3A_439, %get3A_444 : vector<16xf32>
      %swap3A_446 = arith.constant 15 : i32
      %swap3A_447 = arith.index_cast %swap3A_446 : i32 to index
      %swap3A_448 = arith.index_cast %mul3A_434 : i32 to index
      %swap3A_449 = tpu.vector_load %arg8[%swap3A_447, %swap3A_448] {strides = array<i32>} : memref<32x1024xf32, #tpu.memory_space<vmem>>, vector<1x16xf32>,
      %swap3A_450 = vector.shape_cast %swap3A_449 : vector<1x16xf32> to vector<16xf32>
      %swap3A_451 = vector.shape_cast %add3A_445 : vector<16xf32> to vector<1x16xf32>
      tpu.vector_store %arg8[%swap3A_447, %swap3A_448], %swap3A_451 {strides = array<i32>} : memref<32x1024xf32, #tpu.memory_space<vmem>>, vector<1x16xf32>,
      %mul3A_452 = arith.constant 16 : i32
      %mul3A_453 = arith.muli %scan3A_148, %mul3A_452 : i32
      %get3A_454 = arith.constant 16 : i32
      %get3A_455 = arith.index_cast %get3A_454 : i32 to index
      %get3A_456 = arith.index_cast %mul3A_453 : i32 to index
      %get3A_457 = tpu.vector_load %arg8[%get3A_455, %get3A_456] {strides = array<i32>} : memref<32x1024xf32, #tpu.memory_space<vmem>>, vector<1x16xf32>,
      %get3A_458 = vector.shape_cast %get3A_457 : vector<1x16xf32> to vector<16xf32>
      %get3A_459 = arith.constant 16 : i32
      %get3A_460 = arith.index_cast %get3A_459 : i32 to index
      %get3A_461 = arith.index_cast %mul3A_453 : i32 to index
      %get3A_462 = tpu.vector_load %arg9[%get3A_460, %get3A_461] {strides = array<i32>} : memref<32x1024xf32, #tpu.memory_space<vmem>>, vector<1x16xf32>,
      %get3A_463 = vector.shape_cast %get3A_462 : vector<1x16xf32> to vector<16xf32>
      %add3A_464 = arith.addf %get3A_458, %get3A_463 : vector<16xf32>
      %swap3A_465 = arith.constant 16 : i32
      %swap3A_466 = arith.index_cast %swap3A_465 : i32 to index
      %swap3A_467 = arith.index_cast %mul3A_453 : i32 to index
      %swap3A_468 = tpu.vector_load %arg8[%swap3A_466, %swap3A_467] {strides = array<i32>} : memref<32x1024xf32, #tpu.memory_space<vmem>>, vector<1x16xf32>,
      %swap3A_469 = vector.shape_cast %swap3A_468 : vector<1x16xf32> to vector<16xf32>
      %swap3A_470 = vector.shape_cast %add3A_464 : vector<16xf32> to vector<1x16xf32>
      tpu.vector_store %arg8[%swap3A_466, %swap3A_467], %swap3A_470 {strides = array<i32>} : memref<32x1024xf32, #tpu.memory_space<vmem>>, vector<1x16xf32>,
      %mul3A_471 = arith.constant 16 : i32
      %mul3A_472 = arith.muli %scan3A_148, %mul3A_471 : i32
      %get3A_473 = arith.constant 17 : i32
      %get3A_474 = arith.index_cast %get3A_473 : i32 to index
      %get3A_475 = arith.index_cast %mul3A_472 : i32 to index
      %get3A_476 = tpu.vector_load %arg8[%get3A_474, %get3A_475] {strides = array<i32>} : memref<32x1024xf32, #tpu.memory_space<vmem>>, vector<1x16xf32>,
      %get3A_477 = vector.shape_cast %get3A_476 : vector<1x16xf32> to vector<16xf32>
      %get3A_478 = arith.constant 17 : i32
      %get3A_479 = arith.index_cast %get3A_478 : i32 to index
      %get3A_480 = arith.index_cast %mul3A_472 : i32 to index
      %get3A_481 = tpu.vector_load %arg9[%get3A_479, %get3A_480] {strides = array<i32>} : memref<32x1024xf32, #tpu.memory_space<vmem>>, vector<1x16xf32>,
      %get3A_482 = vector.shape_cast %get3A_481 : vector<1x16xf32> to vector<16xf32>
      %add3A_483 = arith.addf %get3A_477, %get3A_482 : vector<16xf32>
      %swap3A_484 = arith.constant 17 : i32
      %swap3A_485 = arith.index_cast %swap3A_484 : i32 to index
      %swap3A_486 = arith.index_cast %mul3A_472 : i32 to index
      %swap3A_487 = tpu.vector_load %arg8[%swap3A_485, %swap3A_486] {strides = array<i32>} : memref<32x1024xf32, #tpu.memory_space<vmem>>, vector<1x16xf32>,
      %swap3A_488 = vector.shape_cast %swap3A_487 : vector<1x16xf32> to vector<16xf32>
      %swap3A_489 = vector.shape_cast %add3A_483 : vector<16xf32> to vector<1x16xf32>
      tpu.vector_store %arg8[%swap3A_485, %swap3A_486], %swap3A_489 {strides = array<i32>} : memref<32x1024xf32, #tpu.memory_space<vmem>>, vector<1x16xf32>,
      %mul3A_490 = arith.constant 16 : i32
      %mul3A_491 = arith.muli %scan3A_148, %mul3A_490 : i32
      %get3A_492 = arith.constant 18 : i32
      %get3A_493 = arith.index_cast %get3A_492 : i32 to index
      %get3A_494 = arith.index_cast %mul3A_491 : i32 to index
      %get3A_495 = tpu.vector_load %arg8[%get3A_493, %get3A_494] {strides = array<i32>} : memref<32x1024xf32, #tpu.memory_space<vmem>>, vector<1x16xf32>,
      %get3A_496 = vector.shape_cast %get3A_495 : vector<1x16xf32> to vector<16xf32>
      %get3A_497 = arith.constant 18 : i32
      %get3A_498 = arith.index_cast %get3A_497 : i32 to index
      %get3A_499 = arith.index_cast %mul3A_491 : i32 to index
      %get3A_500 = tpu.vector_load %arg9[%get3A_498, %get3A_499] {strides = array<i32>} : memref<32x1024xf32, #tpu.memory_space<vmem>>, vector<1x16xf32>,
      %get3A_501 = vector.shape_cast %get3A_500 : vector<1x16xf32> to vector<16xf32>
      %add3A_502 = arith.addf %get3A_496, %get3A_501 : vector<16xf32>
      %swap3A_503 = arith.constant 18 : i32
      %swap3A_504 = arith.index_cast %swap3A_503 : i32 to index
      %swap3A_505 = arith.index_cast %mul3A_491 : i32 to index
      %swap3A_506 = tpu.vector_load %arg8[%swap3A_504, %swap3A_505] {strides = array<i32>} : memref<32x1024xf32, #tpu.memory_space<vmem>>, vector<1x16xf32>,
      %swap3A_507 = vector.shape_cast %swap3A_506 : vector<1x16xf32> to vector<16xf32>
      %swap3A_508 = vector.shape_cast %add3A_502 : vector<16xf32> to vector<1x16xf32>
      tpu.vector_store %arg8[%swap3A_504, %swap3A_505], %swap3A_508 {strides = array<i32>} : memref<32x1024xf32, #tpu.memory_space<vmem>>, vector<1x16xf32>,
      %mul3A_509 = arith.constant 16 : i32
      %mul3A_510 = arith.muli %scan3A_148, %mul3A_509 : i32
      %get3A_511 = arith.constant 19 : i32
      %get3A_512 = arith.index_cast %get3A_511 : i32 to index
      %get3A_513 = arith.index_cast %mul3A_510 : i32 to index
      %get3A_514 = tpu.vector_load %arg8[%get3A_512, %get3A_513] {strides = array<i32>} : memref<32x1024xf32, #tpu.memory_space<vmem>>, vector<1x16xf32>,
      %get3A_515 = vector.shape_cast %get3A_514 : vector<1x16xf32> to vector<16xf32>
      %get3A_516 = arith.constant 19 : i32
      %get3A_517 = arith.index_cast %get3A_516 : i32 to index
      %get3A_518 = arith.index_cast %mul3A_510 : i32 to index
      %get3A_519 = tpu.vector_load %arg9[%get3A_517, %get3A_518] {strides = array<i32>} : memref<32x1024xf32, #tpu.memory_space<vmem>>, vector<1x16xf32>,
      %get3A_520 = vector.shape_cast %get3A_519 : vector<1x16xf32> to vector<16xf32>
      %add3A_521 = arith.addf %get3A_515, %get3A_520 : vector<16xf32>
      %swap3A_522 = arith.constant 19 : i32
      %swap3A_523 = arith.index_cast %swap3A_522 : i32 to index
      %swap3A_524 = arith.index_cast %mul3A_510 : i32 to index
      %swap3A_525 = tpu.vector_load %arg8[%swap3A_523, %swap3A_524] {strides = array<i32>} : memref<32x1024xf32, #tpu.memory_space<vmem>>, vector<1x16xf32>,
      %swap3A_526 = vector.shape_cast %swap3A_525 : vector<1x16xf32> to vector<16xf32>
      %swap3A_527 = vector.shape_cast %add3A_521 : vector<16xf32> to vector<1x16xf32>
      tpu.vector_store %arg8[%swap3A_523, %swap3A_524], %swap3A_527 {strides = array<i32>} : memref<32x1024xf32, #tpu.memory_space<vmem>>, vector<1x16xf32>,
      %mul3A_528 = arith.constant 16 : i32
      %mul3A_529 = arith.muli %scan3A_148, %mul3A_528 : i32
      %get3A_530 = arith.constant 20 : i32
      %get3A_531 = arith.index_cast %get3A_530 : i32 to index
      %get3A_532 = arith.index_cast %mul3A_529 : i32 to index
      %get3A_533 = tpu.vector_load %arg8[%get3A_531, %get3A_532] {strides = array<i32>} : memref<32x1024xf32, #tpu.memory_space<vmem>>, vector<1x16xf32>,
      %get3A_534 = vector.shape_cast %get3A_533 : vector<1x16xf32> to vector<16xf32>
      %get3A_535 = arith.constant 20 : i32
      %get3A_536 = arith.index_cast %get3A_535 : i32 to index
      %get3A_537 = arith.index_cast %mul3A_529 : i32 to index
      %get3A_538 = tpu.vector_load %arg9[%get3A_536, %get3A_537] {strides = array<i32>} : memref<32x1024xf32, #tpu.memory_space<vmem>>, vector<1x16xf32>,
      %get3A_539 = vector.shape_cast %get3A_538 : vector<1x16xf32> to vector<16xf32>
      %add3A_540 = arith.addf %get3A_534, %get3A_539 : vector<16xf32>
      %swap3A_541 = arith.constant 20 : i32
      %swap3A_542 = arith.index_cast %swap3A_541 : i32 to index
      %swap3A_543 = arith.index_cast %mul3A_529 : i32 to index
      %swap3A_544 = tpu.vector_load %arg8[%swap3A_542, %swap3A_543] {strides = array<i32>} : memref<32x1024xf32, #tpu.memory_space<vmem>>, vector<1x16xf32>,
      %swap3A_545 = vector.shape_cast %swap3A_544 : vector<1x16xf32> to vector<16xf32>
      %swap3A_546 = vector.shape_cast %add3A_540 : vector<16xf32> to vector<1x16xf32>
      tpu.vector_store %arg8[%swap3A_542, %swap3A_543], %swap3A_546 {strides = array<i32>} : memref<32x1024xf32, #tpu.memory_space<vmem>>, vector<1x16xf32>,
      %mul3A_547 = arith.constant 16 : i32
      %mul3A_548 = arith.muli %scan3A_148, %mul3A_547 : i32
      %get3A_549 = arith.constant 21 : i32
      %get3A_550 = arith.index_cast %get3A_549 : i32 to index
      %get3A_551 = arith.index_cast %mul3A_548 : i32 to index
      %get3A_552 = tpu.vector_load %arg8[%get3A_550, %get3A_551] {strides = array<i32>} : memref<32x1024xf32, #tpu.memory_space<vmem>>, vector<1x16xf32>,
      %get3A_553 = vector.shape_cast %get3A_552 : vector<1x16xf32> to vector<16xf32>
      %get3A_554 = arith.constant 21 : i32
      %get3A_555 = arith.index_cast %get3A_554 : i32 to index
      %get3A_556 = arith.index_cast %mul3A_548 : i32 to index
      %get3A_557 = tpu.vector_load %arg9[%get3A_555, %get3A_556] {strides = array<i32>} : memref<32x1024xf32, #tpu.memory_space<vmem>>, vector<1x16xf32>,
      %get3A_558 = vector.shape_cast %get3A_557 : vector<1x16xf32> to vector<16xf32>
      %add3A_559 = arith.addf %get3A_553, %get3A_558 : vector<16xf32>
      %swap3A_560 = arith.constant 21 : i32
      %swap3A_561 = arith.index_cast %swap3A_560 : i32 to index
      %swap3A_562 = arith.index_cast %mul3A_548 : i32 to index
      %swap3A_563 = tpu.vector_load %arg8[%swap3A_561, %swap3A_562] {strides = array<i32>} : memref<32x1024xf32, #tpu.memory_space<vmem>>, vector<1x16xf32>,
      %swap3A_564 = vector.shape_cast %swap3A_563 : vector<1x16xf32> to vector<16xf32>
      %swap3A_565 = vector.shape_cast %add3A_559 : vector<16xf32> to vector<1x16xf32>
      tpu.vector_store %arg8[%swap3A_561, %swap3A_562], %swap3A_565 {strides = array<i32>} : memref<32x1024xf32, #tpu.memory_space<vmem>>, vector<1x16xf32>,
      %mul3A_566 = arith.constant 16 : i32
      %mul3A_567 = arith.muli %scan3A_148, %mul3A_566 : i32
      %get3A_568 = arith.constant 22 : i32
      %get3A_569 = arith.index_cast %get3A_568 : i32 to index
      %get3A_570 = arith.index_cast %mul3A_567 : i32 to index
      %get3A_571 = tpu.vector_load %arg8[%get3A_569, %get3A_570] {strides = array<i32>} : memref<32x1024xf32, #tpu.memory_space<vmem>>, vector<1x16xf32>,
      %get3A_572 = vector.shape_cast %get3A_571 : vector<1x16xf32> to vector<16xf32>
      %get3A_573 = arith.constant 22 : i32
      %get3A_574 = arith.index_cast %get3A_573 : i32 to index
      %get3A_575 = arith.index_cast %mul3A_567 : i32 to index
      %get3A_576 = tpu.vector_load %arg9[%get3A_574, %get3A_575] {strides = array<i32>} : memref<32x1024xf32, #tpu.memory_space<vmem>>, vector<1x16xf32>,
      %get3A_577 = vector.shape_cast %get3A_576 : vector<1x16xf32> to vector<16xf32>
      %add3A_578 = arith.addf %get3A_572, %get3A_577 : vector<16xf32>
      %swap3A_579 = arith.constant 22 : i32
      %swap3A_580 = arith.index_cast %swap3A_579 : i32 to index
      %swap3A_581 = arith.index_cast %mul3A_567 : i32 to index
      %swap3A_582 = tpu.vector_load %arg8[%swap3A_580, %swap3A_581] {strides = array<i32>} : memref<32x1024xf32, #tpu.memory_space<vmem>>, vector<1x16xf32>,
      %swap3A_583 = vector.shape_cast %swap3A_582 : vector<1x16xf32> to vector<16xf32>
      %swap3A_584 = vector.shape_cast %add3A_578 : vector<16xf32> to vector<1x16xf32>
      tpu.vector_store %arg8[%swap3A_580, %swap3A_581], %swap3A_584 {strides = array<i32>} : memref<32x1024xf32, #tpu.memory_space<vmem>>, vector<1x16xf32>,
      %mul3A_585 = arith.constant 16 : i32
      %mul3A_586 = arith.muli %scan3A_148, %mul3A_585 : i32
      %get3A_587 = arith.constant 23 : i32
      %get3A_588 = arith.index_cast %get3A_587 : i32 to index
      %get3A_589 = arith.index_cast %mul3A_586 : i32 to index
      %get3A_590 = tpu.vector_load %arg8[%get3A_588, %get3A_589] {strides = array<i32>} : memref<32x1024xf32, #tpu.memory_space<vmem>>, vector<1x16xf32>,
      %get3A_591 = vector.shape_cast %get3A_590 : vector<1x16xf32> to vector<16xf32>
      %get3A_592 = arith.constant 23 : i32
      %get3A_593 = arith.index_cast %get3A_592 : i32 to index
      %get3A_594 = arith.index_cast %mul3A_586 : i32 to index
      %get3A_595 = tpu.vector_load %arg9[%get3A_593, %get3A_594] {strides = array<i32>} : memref<32x1024xf32, #tpu.memory_space<vmem>>, vector<1x16xf32>,
      %get3A_596 = vector.shape_cast %get3A_595 : vector<1x16xf32> to vector<16xf32>
      %add3A_597 = arith.addf %get3A_591, %get3A_596 : vector<16xf32>
      %swap3A_598 = arith.constant 23 : i32
      %swap3A_599 = arith.index_cast %swap3A_598 : i32 to index
      %swap3A_600 = arith.index_cast %mul3A_586 : i32 to index
      %swap3A_601 = tpu.vector_load %arg8[%swap3A_599, %swap3A_600] {strides = array<i32>} : memref<32x1024xf32, #tpu.memory_space<vmem>>, vector<1x16xf32>,
      %swap3A_602 = vector.shape_cast %swap3A_601 : vector<1x16xf32> to vector<16xf32>
      %swap3A_603 = vector.shape_cast %add3A_597 : vector<16xf32> to vector<1x16xf32>
      tpu.vector_store %arg8[%swap3A_599, %swap3A_600], %swap3A_603 {strides = array<i32>} : memref<32x1024xf32, #tpu.memory_space<vmem>>, vector<1x16xf32>,
      %mul3A_604 = arith.constant 16 : i32
      %mul3A_605 = arith.muli %scan3A_148, %mul3A_604 : i32
      %get3A_606 = arith.constant 24 : i32
      %get3A_607 = arith.index_cast %get3A_606 : i32 to index
      %get3A_608 = arith.index_cast %mul3A_605 : i32 to index
      %get3A_609 = tpu.vector_load %arg8[%get3A_607, %get3A_608] {strides = array<i32>} : memref<32x1024xf32, #tpu.memory_space<vmem>>, vector<1x16xf32>,
      %get3A_610 = vector.shape_cast %get3A_609 : vector<1x16xf32> to vector<16xf32>
      %get3A_611 = arith.constant 24 : i32
      %get3A_612 = arith.index_cast %get3A_611 : i32 to index
      %get3A_613 = arith.index_cast %mul3A_605 : i32 to index
      %get3A_614 = tpu.vector_load %arg9[%get3A_612, %get3A_613] {strides = array<i32>} : memref<32x1024xf32, #tpu.memory_space<vmem>>, vector<1x16xf32>,
      %get3A_615 = vector.shape_cast %get3A_614 : vector<1x16xf32> to vector<16xf32>
      %add3A_616 = arith.addf %get3A_610, %get3A_615 : vector<16xf32>
      %swap3A_617 = arith.constant 24 : i32
      %swap3A_618 = arith.index_cast %swap3A_617 : i32 to index
      %swap3A_619 = arith.index_cast %mul3A_605 : i32 to index
      %swap3A_620 = tpu.vector_load %arg8[%swap3A_618, %swap3A_619] {strides = array<i32>} : memref<32x1024xf32, #tpu.memory_space<vmem>>, vector<1x16xf32>,
      %swap3A_621 = vector.shape_cast %swap3A_620 : vector<1x16xf32> to vector<16xf32>
      %swap3A_622 = vector.shape_cast %add3A_616 : vector<16xf32> to vector<1x16xf32>
      tpu.vector_store %arg8[%swap3A_618, %swap3A_619], %swap3A_622 {strides = array<i32>} : memref<32x1024xf32, #tpu.memory_space<vmem>>, vector<1x16xf32>,
      %mul3A_623 = arith.constant 16 : i32
      %mul3A_624 = arith.muli %scan3A_148, %mul3A_623 : i32
      %get3A_625 = arith.constant 25 : i32
      %get3A_626 = arith.index_cast %get3A_625 : i32 to index
      %get3A_627 = arith.index_cast %mul3A_624 : i32 to index
      %get3A_628 = tpu.vector_load %arg8[%get3A_626, %get3A_627] {strides = array<i32>} : memref<32x1024xf32, #tpu.memory_space<vmem>>, vector<1x16xf32>,
      %get3A_629 = vector.shape_cast %get3A_628 : vector<1x16xf32> to vector<16xf32>
      %get3A_630 = arith.constant 25 : i32
      %get3A_631 = arith.index_cast %get3A_630 : i32 to index
      %get3A_632 = arith.index_cast %mul3A_624 : i32 to index
      %get3A_633 = tpu.vector_load %arg9[%get3A_631, %get3A_632] {strides = array<i32>} : memref<32x1024xf32, #tpu.memory_space<vmem>>, vector<1x16xf32>,
      %get3A_634 = vector.shape_cast %get3A_633 : vector<1x16xf32> to vector<16xf32>
      %add3A_635 = arith.addf %get3A_629, %get3A_634 : vector<16xf32>
      %swap3A_636 = arith.constant 25 : i32
      %swap3A_637 = arith.index_cast %swap3A_636 : i32 to index
      %swap3A_638 = arith.index_cast %mul3A_624 : i32 to index
      %swap3A_639 = tpu.vector_load %arg8[%swap3A_637, %swap3A_638] {strides = array<i32>} : memref<32x1024xf32, #tpu.memory_space<vmem>>, vector<1x16xf32>,
      %swap3A_640 = vector.shape_cast %swap3A_639 : vector<1x16xf32> to vector<16xf32>
      %swap3A_641 = vector.shape_cast %add3A_635 : vector<16xf32> to vector<1x16xf32>
      tpu.vector_store %arg8[%swap3A_637, %swap3A_638], %swap3A_641 {strides = array<i32>} : memref<32x1024xf32, #tpu.memory_space<vmem>>, vector<1x16xf32>,
      %mul3A_642 = arith.constant 16 : i32
      %mul3A_643 = arith.muli %scan3A_148, %mul3A_642 : i32
      %get3A_644 = arith.constant 26 : i32
      %get3A_645 = arith.index_cast %get3A_644 : i32 to index
      %get3A_646 = arith.index_cast %mul3A_643 : i32 to index
      %get3A_647 = tpu.vector_load %arg8[%get3A_645, %get3A_646] {strides = array<i32>} : memref<32x1024xf32, #tpu.memory_space<vmem>>, vector<1x16xf32>,
      %get3A_648 = vector.shape_cast %get3A_647 : vector<1x16xf32> to vector<16xf32>
      %get3A_649 = arith.constant 26 : i32
      %get3A_650 = arith.index_cast %get3A_649 : i32 to index
      %get3A_651 = arith.index_cast %mul3A_643 : i32 to index
      %get3A_652 = tpu.vector_load %arg9[%get3A_650, %get3A_651] {strides = array<i32>} : memref<32x1024xf32, #tpu.memory_space<vmem>>, vector<1x16xf32>,
      %get3A_653 = vector.shape_cast %get3A_652 : vector<1x16xf32> to vector<16xf32>
      %add3A_654 = arith.addf %get3A_648, %get3A_653 : vector<16xf32>
      %swap3A_655 = arith.constant 26 : i32
      %swap3A_656 = arith.index_cast %swap3A_655 : i32 to index
      %swap3A_657 = arith.index_cast %mul3A_643 : i32 to index
      %swap3A_658 = tpu.vector_load %arg8[%swap3A_656, %swap3A_657] {strides = array<i32>} : memref<32x1024xf32, #tpu.memory_space<vmem>>, vector<1x16xf32>,
      %swap3A_659 = vector.shape_cast %swap3A_658 : vector<1x16xf32> to vector<16xf32>
      %swap3A_660 = vector.shape_cast %add3A_654 : vector<16xf32> to vector<1x16xf32>
      tpu.vector_store %arg8[%swap3A_656, %swap3A_657], %swap3A_660 {strides = array<i32>} : memref<32x1024xf32, #tpu.memory_space<vmem>>, vector<1x16xf32>,
      %mul3A_661 = arith.constant 16 : i32
      %mul3A_662 = arith.muli %scan3A_148, %mul3A_661 : i32
      %get3A_663 = arith.constant 27 : i32
      %get3A_664 = arith.index_cast %get3A_663 : i32 to index
      %get3A_665 = arith.index_cast %mul3A_662 : i32 to index
      %get3A_666 = tpu.vector_load %arg8[%get3A_664, %get3A_665] {strides = array<i32>} : memref<32x1024xf32, #tpu.memory_space<vmem>>, vector<1x16xf32>,
      %get3A_667 = vector.shape_cast %get3A_666 : vector<1x16xf32> to vector<16xf32>
      %get3A_668 = arith.constant 27 : i32
      %get3A_669 = arith.index_cast %get3A_668 : i32 to index
      %get3A_670 = arith.index_cast %mul3A_662 : i32 to index
      %get3A_671 = tpu.vector_load %arg9[%get3A_669, %get3A_670] {strides = array<i32>} : memref<32x1024xf32, #tpu.memory_space<vmem>>, vector<1x16xf32>,
      %get3A_672 = vector.shape_cast %get3A_671 : vector<1x16xf32> to vector<16xf32>
      %add3A_673 = arith.addf %get3A_667, %get3A_672 : vector<16xf32>
      %swap3A_674 = arith.constant 27 : i32
      %swap3A_675 = arith.index_cast %swap3A_674 : i32 to index
      %swap3A_676 = arith.index_cast %mul3A_662 : i32 to index
      %swap3A_677 = tpu.vector_load %arg8[%swap3A_675, %swap3A_676] {strides = array<i32>} : memref<32x1024xf32, #tpu.memory_space<vmem>>, vector<1x16xf32>,
      %swap3A_678 = vector.shape_cast %swap3A_677 : vector<1x16xf32> to vector<16xf32>
      %swap3A_679 = vector.shape_cast %add3A_673 : vector<16xf32> to vector<1x16xf32>
      tpu.vector_store %arg8[%swap3A_675, %swap3A_676], %swap3A_679 {strides = array<i32>} : memref<32x1024xf32, #tpu.memory_space<vmem>>, vector<1x16xf32>,
      %mul3A_680 = arith.constant 16 : i32
      %mul3A_681 = arith.muli %scan3A_148, %mul3A_680 : i32
      %get3A_682 = arith.constant 28 : i32
      %get3A_683 = arith.index_cast %get3A_682 : i32 to index
      %get3A_684 = arith.index_cast %mul3A_681 : i32 to index
      %get3A_685 = tpu.vector_load %arg8[%get3A_683, %get3A_684] {strides = array<i32>} : memref<32x1024xf32, #tpu.memory_space<vmem>>, vector<1x16xf32>,
      %get3A_686 = vector.shape_cast %get3A_685 : vector<1x16xf32> to vector<16xf32>
      %get3A_687 = arith.constant 28 : i32
      %get3A_688 = arith.index_cast %get3A_687 : i32 to index
      %get3A_689 = arith.index_cast %mul3A_681 : i32 to index
      %get3A_690 = tpu.vector_load %arg9[%get3A_688, %get3A_689] {strides = array<i32>} : memref<32x1024xf32, #tpu.memory_space<vmem>>, vector<1x16xf32>,
      %get3A_691 = vector.shape_cast %get3A_690 : vector<1x16xf32> to vector<16xf32>
      %add3A_692 = arith.addf %get3A_686, %get3A_691 : vector<16xf32>
      %swap3A_693 = arith.constant 28 : i32
      %swap3A_694 = arith.index_cast %swap3A_693 : i32 to index
      %swap3A_695 = arith.index_cast %mul3A_681 : i32 to index
      %swap3A_696 = tpu.vector_load %arg8[%swap3A_694, %swap3A_695] {strides = array<i32>} : memref<32x1024xf32, #tpu.memory_space<vmem>>, vector<1x16xf32>,
      %swap3A_697 = vector.shape_cast %swap3A_696 : vector<1x16xf32> to vector<16xf32>
      %swap3A_698 = vector.shape_cast %add3A_692 : vector<16xf32> to vector<1x16xf32>
      tpu.vector_store %arg8[%swap3A_694, %swap3A_695], %swap3A_698 {strides = array<i32>} : memref<32x1024xf32, #tpu.memory_space<vmem>>, vector<1x16xf32>,
      %mul3A_699 = arith.constant 16 : i32
      %mul3A_700 = arith.muli %scan3A_148, %mul3A_699 : i32
      %get3A_701 = arith.constant 29 : i32
      %get3A_702 = arith.index_cast %get3A_701 : i32 to index
      %get3A_703 = arith.index_cast %mul3A_700 : i32 to index
      %get3A_704 = tpu.vector_load %arg8[%get3A_702, %get3A_703] {strides = array<i32>} : memref<32x1024xf32, #tpu.memory_space<vmem>>, vector<1x16xf32>,
      %get3A_705 = vector.shape_cast %get3A_704 : vector<1x16xf32> to vector<16xf32>
      %get3A_706 = arith.constant 29 : i32
      %get3A_707 = arith.index_cast %get3A_706 : i32 to index
      %get3A_708 = arith.index_cast %mul3A_700 : i32 to index
      %get3A_709 = tpu.vector_load %arg9[%get3A_707, %get3A_708] {strides = array<i32>} : memref<32x1024xf32, #tpu.memory_space<vmem>>, vector<1x16xf32>,
      %get3A_710 = vector.shape_cast %get3A_709 : vector<1x16xf32> to vector<16xf32>
      %add3A_711 = arith.addf %get3A_705, %get3A_710 : vector<16xf32>
      %swap3A_712 = arith.constant 29 : i32
      %swap3A_713 = arith.index_cast %swap3A_712 : i32 to index
      %swap3A_714 = arith.index_cast %mul3A_700 : i32 to index
      %swap3A_715 = tpu.vector_load %arg8[%swap3A_713, %swap3A_714] {strides = array<i32>} : memref<32x1024xf32, #tpu.memory_space<vmem>>, vector<1x16xf32>,
      %swap3A_716 = vector.shape_cast %swap3A_715 : vector<1x16xf32> to vector<16xf32>
      %swap3A_717 = vector.shape_cast %add3A_711 : vector<16xf32> to vector<1x16xf32>
      tpu.vector_store %arg8[%swap3A_713, %swap3A_714], %swap3A_717 {strides = array<i32>} : memref<32x1024xf32, #tpu.memory_space<vmem>>, vector<1x16xf32>,
      %mul3A_718 = arith.constant 16 : i32
      %mul3A_719 = arith.muli %scan3A_148, %mul3A_718 : i32
      %get3A_720 = arith.constant 30 : i32
      %get3A_721 = arith.index_cast %get3A_720 : i32 to index
      %get3A_722 = arith.index_cast %mul3A_719 : i32 to index
      %get3A_723 = tpu.vector_load %arg8[%get3A_721, %get3A_722] {strides = array<i32>} : memref<32x1024xf32, #tpu.memory_space<vmem>>, vector<1x16xf32>,
      %get3A_724 = vector.shape_cast %get3A_723 : vector<1x16xf32> to vector<16xf32>
      %get3A_725 = arith.constant 30 : i32
      %get3A_726 = arith.index_cast %get3A_725 : i32 to index
      %get3A_727 = arith.index_cast %mul3A_719 : i32 to index
      %get3A_728 = tpu.vector_load %arg9[%get3A_726, %get3A_727] {strides = array<i32>} : memref<32x1024xf32, #tpu.memory_space<vmem>>, vector<1x16xf32>,
      %get3A_729 = vector.shape_cast %get3A_728 : vector<1x16xf32> to vector<16xf32>
      %add3A_730 = arith.addf %get3A_724, %get3A_729 : vector<16xf32>
      %swap3A_731 = arith.constant 30 : i32
      %swap3A_732 = arith.index_cast %swap3A_731 : i32 to index
      %swap3A_733 = arith.index_cast %mul3A_719 : i32 to index
      %swap3A_734 = tpu.vector_load %arg8[%swap3A_732, %swap3A_733] {strides = array<i32>} : memref<32x1024xf32, #tpu.memory_space<vmem>>, vector<1x16xf32>,
      %swap3A_735 = vector.shape_cast %swap3A_734 : vector<1x16xf32> to vector<16xf32>
      %swap3A_736 = vector.shape_cast %add3A_730 : vector<16xf32> to vector<1x16xf32>
      tpu.vector_store %arg8[%swap3A_732, %swap3A_733], %swap3A_736 {strides = array<i32>} : memref<32x1024xf32, #tpu.memory_space<vmem>>, vector<1x16xf32>,
      %mul3A_737 = arith.constant 16 : i32
      %mul3A_738 = arith.muli %scan3A_148, %mul3A_737 : i32
      %get3A_739 = arith.constant 31 : i32
      %get3A_740 = arith.index_cast %get3A_739 : i32 to index
      %get3A_741 = arith.index_cast %mul3A_738 : i32 to index
      %get3A_742 = tpu.vector_load %arg8[%get3A_740, %get3A_741] {strides = array<i32>} : memref<32x1024xf32, #tpu.memory_space<vmem>>, vector<1x16xf32>,
      %get3A_743 = vector.shape_cast %get3A_742 : vector<1x16xf32> to vector<16xf32>
      %get3A_744 = arith.constant 31 : i32
      %get3A_745 = arith.index_cast %get3A_744 : i32 to index
      %get3A_746 = arith.index_cast %mul3A_738 : i32 to index
      %get3A_747 = tpu.vector_load %arg9[%get3A_745, %get3A_746] {strides = array<i32>} : memref<32x1024xf32, #tpu.memory_space<vmem>>, vector<1x16xf32>,
      %get3A_748 = vector.shape_cast %get3A_747 : vector<1x16xf32> to vector<16xf32>
      %add3A_749 = arith.addf %get3A_743, %get3A_748 : vector<16xf32>
      %swap3A_750 = arith.constant 31 : i32
      %swap3A_751 = arith.index_cast %swap3A_750 : i32 to index
      %swap3A_752 = arith.index_cast %mul3A_738 : i32 to index
      %swap3A_753 = tpu.vector_load %arg8[%swap3A_751, %swap3A_752] {strides = array<i32>} : memref<32x1024xf32, #tpu.memory_space<vmem>>, vector<1x16xf32>,
      %swap3A_754 = vector.shape_cast %swap3A_753 : vector<1x16xf32> to vector<16xf32>
      %swap3A_755 = vector.shape_cast %add3A_749 : vector<16xf32> to vector<1x16xf32>
      tpu.vector_store %arg8[%swap3A_751, %swap3A_752], %swap3A_755 {strides = array<i32>} : memref<32x1024xf32, #tpu.memory_space<vmem>>, vector<1x16xf32>,
      %scan3A_756 = arith.constant 0 : i32
      scf.yield %scan3A_756 : i32
    }
    %scan3A_34 = arith.constant 64 : i32
    %add3A_35 = arith.constant 0 : i32
    %add3A_36 = arith.addi %mul3A_2, %add3A_35 : i32
    "tpu.region"() ({
      %run_scoped3A = tpu.sem_alloc : memref<!tpu.dma_semaphore, #tpu.memory_space<semaphore_mem>>
      %dma_start3A_148 = arith.constant 0 : i32
      %dma_start3A_149 = tpu.memref_slice %arg5[%add3A_36, %dma_start3A_148] : memref<4096x1024xf32, #tpu.memory_space<hbm>> -> memref<32x1024xf32, #tpu.memory_space<hbm>>
      %dma_start3A_150 = arith.constant 0 : i32
      %dma_start3A_151 = tpu.memref_slice %arg5[%add3A_36, %dma_start3A_150] : memref<4096x1024xf32, #tpu.memory_space<hbm>> -> memref<32x1024xf32, #tpu.memory_space<hbm>>
      tpu.enqueue_dma source(%arg8 : memref<32x1024xf32, #tpu.memory_space<vmem>>) target(%dma_start3A_151 : memref<32x1024xf32, #tpu.memory_space<hbm>>) target_semaphore(%run_scoped3A : memref<!tpu.dma_semaphore, #tpu.memory_space<semaphore_mem>>)
      %dma_wait3A_152 = arith.constant 0 : i32
      %dma_wait3A_153 = tpu.memref_slice %arg5[%add3A_36, %dma_wait3A_152] : memref<4096x1024xf32, #tpu.memory_space<hbm>> -> memref<32x1024xf32, #tpu.memory_space<hbm>>
      %dma_wait3A_154 = arith.constant 0 : i32
      %dma_wait3A_155 = tpu.memref_slice %arg5[%add3A_36, %dma_wait3A_154] : memref<4096x1024xf32, #tpu.memory_space<hbm>> -> memref<32x1024xf32, #tpu.memory_space<hbm>>
      tpu.wait_dma2 semaphore(%run_scoped3A : memref<!tpu.dma_semaphore, #tpu.memory_space<semaphore_mem>>) src(%arg8 : memref<32x1024xf32, #tpu.memory_space<vmem>>) dst(%dma_wait3A_155 : memref<32x1024xf32, #tpu.memory_space<hbm>>)
      tpu.yield
    }) : () -> ()
    %dma_start3A_37 = arith.constant 1 : i32
    %dma_start3A_38 = arith.constant 0 : i32
    %dma_start3A_39 = tpu.memref_slice %arg6[%dma_start3A_37, %dma_start3A_38] : memref<4x32xi32, #tpu.memory_space<vmem>> -> memref<1x32xi32, #tpu.memory_space<vmem>>
    %dma_start3A_40 = tpu.memref_squeeze %dma_start3A_39 : memref<1x32xi32, #tpu.memory_space<vmem>> -> memref<32xi32, #tpu.memory_space<vmem>>
    %dma_start3A_41 = arith.constant 0 : i32
    %dma_start3A_42 = arith.constant 0 : i32
    %dma_start3A_43 = tpu.memref_slice %arg2[%dma_start3A_41, %dma_start3A_42] : memref<11776x1024xf32, #tpu.memory_space<hbm>> -> memref<11776x1024xf32, #tpu.memory_space<hbm>>
    tpu.enqueue_indirect_dma source(%dma_start3A_43 : memref<11776x1024xf32, #tpu.memory_space<hbm>>) target(%arg8 : memref<32x1024xf32, #tpu.memory_space<vmem>>) offsets(%dma_start3A_40 : memref<32xi32, #tpu.memory_space<vmem>>) semaphore(%arg10 : memref<!tpu.dma_semaphore, #tpu.memory_space<semaphore_mem>>)
    %dma_wait3A_44 = arith.constant 1 : i32
    %dma_wait3A_45 = arith.constant 0 : i32
    %dma_wait3A_46 = tpu.memref_slice %arg6[%dma_wait3A_44, %dma_wait3A_45] : memref<4x32xi32, #tpu.memory_space<vmem>> -> memref<1x32xi32, #tpu.memory_space<vmem>>
    %dma_wait3A_47 = tpu.memref_squeeze %dma_wait3A_46 : memref<1x32xi32, #tpu.memory_space<vmem>> -> memref<32xi32, #tpu.memory_space<vmem>>
    %dma_wait3A_48 = arith.constant 0 : i32
    %dma_wait3A_49 = arith.constant 0 : i32
    %dma_wait3A_50 = tpu.memref_slice %arg2[%dma_wait3A_48, %dma_wait3A_49] : memref<11776x1024xf32, #tpu.memory_space<hbm>> -> memref<11776x1024xf32, #tpu.memory_space<hbm>>
    tpu.wait_indirect_dma semaphore(%arg10 : memref<!tpu.dma_semaphore, #tpu.memory_space<semaphore_mem>>) src(%dma_wait3A_50 : memref<11776x1024xf32, #tpu.memory_space<hbm>>) dst(%arg8 : memref<32x1024xf32, #tpu.memory_space<vmem>>)
    %dma_start3A_51 = arith.constant 1 : i32
    %dma_start3A_52 = arith.constant 0 : i32
    %dma_start3A_53 = tpu.memref_slice %arg7[%dma_start3A_51, %dma_start3A_52] : memref<4x32xi32, #tpu.memory_space<vmem>> -> memref<1x32xi32, #tpu.memory_space<vmem>>
    %dma_start3A_54 = tpu.memref_squeeze %dma_start3A_53 : memref<1x32xi32, #tpu.memory_space<vmem>> -> memref<32xi32, #tpu.memory_space<vmem>>
    %dma_start3A_55 = arith.constant 0 : i32
    %dma_start3A_56 = arith.constant 0 : i32
    %dma_start3A_57 = tpu.memref_slice %arg2[%dma_start3A_55, %dma_start3A_56] : memref<11776x1024xf32, #tpu.memory_space<hbm>> -> memref<11776x1024xf32, #tpu.memory_space<hbm>>
    tpu.enqueue_indirect_dma source(%dma_start3A_57 : memref<11776x1024xf32, #tpu.memory_space<hbm>>) target(%arg9 : memref<32x1024xf32, #tpu.memory_space<vmem>>) offsets(%dma_start3A_54 : memref<32xi32, #tpu.memory_space<vmem>>) semaphore(%arg11 : memref<!tpu.dma_semaphore, #tpu.memory_space<semaphore_mem>>)
    %dma_wait3A_58 = arith.constant 1 : i32
    %dma_wait3A_59 = arith.constant 0 : i32
    %dma_wait3A_60 = tpu.memref_slice %arg7[%dma_wait3A_58, %dma_wait3A_59] : memref<4x32xi32, #tpu.memory_space<vmem>> -> memref<1x32xi32, #tpu.memory_space<vmem>>
    %dma_wait3A_61 = tpu.memref_squeeze %dma_wait3A_60 : memref<1x32xi32, #tpu.memory_space<vmem>> -> memref<32xi32, #tpu.memory_space<vmem>>
    %dma_wait3A_62 = arith.constant 0 : i32
    %dma_wait3A_63 = arith.constant 0 : i32
    %dma_wait3A_64 = tpu.memref_slice %arg2[%dma_wait3A_62, %dma_wait3A_63] : memref<11776x1024xf32, #tpu.memory_space<hbm>> -> memref<11776x1024xf32, #tpu.memory_space<hbm>>
    tpu.wait_indirect_dma semaphore(%arg11 : memref<!tpu.dma_semaphore, #tpu.memory_space<semaphore_mem>>) src(%dma_wait3A_64 : memref<11776x1024xf32, #tpu.memory_space<hbm>>) dst(%arg9 : memref<32x1024xf32, #tpu.memory_space<vmem>>)
    %scan3A_65 = arith.constant 0 : i32
    %scan3A_66 = arith.constant 0 : i32
    %scan3A_67 = arith.constant 64 : i32
    %scan3A_68 = arith.addi %scan3A_66, %scan3A_67 : i32
    %scan3A_69 = arith.constant 1 : i32
    %scan3A_70 = scf.for %scan3A_148 = %scan3A_66 to %scan3A_68 step %scan3A_69 iter_args(%scan3A_149 = %scan3A_65) -> (i32)  : i32 {
      %mul3A_150 = arith.constant 16 : i32
      %mul3A_151 = arith.muli %scan3A_148, %mul3A_150 : i32
      %get3A = arith.constant 0 : i32
      %get3A_152 = arith.index_cast %get3A : i32 to index
      %get3A_153 = arith.index_cast %mul3A_151 : i32 to index
      %get3A_154 = tpu.vector_load %arg8[%get3A_152, %get3A_153] {strides = array<i32>} : memref<32x1024xf32, #tpu.memory_space<vmem>>, vector<1x16xf32>,
      %get3A_155 = vector.shape_cast %get3A_154 : vector<1x16xf32> to vector<16xf32>
      %get3A_156 = arith.constant 0 : i32
      %get3A_157 = arith.index_cast %get3A_156 : i32 to index
      %get3A_158 = arith.index_cast %mul3A_151 : i32 to index
      %get3A_159 = tpu.vector_load %arg9[%get3A_157, %get3A_158] {strides = array<i32>} : memref<32x1024xf32, #tpu.memory_space<vmem>>, vector<1x16xf32>,
      %get3A_160 = vector.shape_cast %get3A_159 : vector<1x16xf32> to vector<16xf32>
      %add3A_161 = arith.addf %get3A_155, %get3A_160 : vector<16xf32>
      %swap3A = arith.constant 0 : i32
      %swap3A_162 = arith.index_cast %swap3A : i32 to index
      %swap3A_163 = arith.index_cast %mul3A_151 : i32 to index
      %swap3A_164 = tpu.vector_load %arg8[%swap3A_162, %swap3A_163] {strides = array<i32>} : memref<32x1024xf32, #tpu.memory_space<vmem>>, vector<1x16xf32>,
      %swap3A_165 = vector.shape_cast %swap3A_164 : vector<1x16xf32> to vector<16xf32>
      %swap3A_166 = vector.shape_cast %add3A_161 : vector<16xf32> to vector<1x16xf32>
      tpu.vector_store %arg8[%swap3A_162, %swap3A_163], %swap3A_166 {strides = array<i32>} : memref<32x1024xf32, #tpu.memory_space<vmem>>, vector<1x16xf32>,
      %mul3A_167 = arith.constant 16 : i32
      %mul3A_168 = arith.muli %scan3A_148, %mul3A_167 : i32
      %get3A_169 = arith.constant 1 : i32
      %get3A_170 = arith.index_cast %get3A_169 : i32 to index
      %get3A_171 = arith.index_cast %mul3A_168 : i32 to index
      %get3A_172 = tpu.vector_load %arg8[%get3A_170, %get3A_171] {strides = array<i32>} : memref<32x1024xf32, #tpu.memory_space<vmem>>, vector<1x16xf32>,
      %get3A_173 = vector.shape_cast %get3A_172 : vector<1x16xf32> to vector<16xf32>
      %get3A_174 = arith.constant 1 : i32
      %get3A_175 = arith.index_cast %get3A_174 : i32 to index
      %get3A_176 = arith.index_cast %mul3A_168 : i32 to index
      %get3A_177 = tpu.vector_load %arg9[%get3A_175, %get3A_176] {strides = array<i32>} : memref<32x1024xf32, #tpu.memory_space<vmem>>, vector<1x16xf32>,
      %get3A_178 = vector.shape_cast %get3A_177 : vector<1x16xf32> to vector<16xf32>
      %add3A_179 = arith.addf %get3A_173, %get3A_178 : vector<16xf32>
      %swap3A_180 = arith.constant 1 : i32
      %swap3A_181 = arith.index_cast %swap3A_180 : i32 to index
      %swap3A_182 = arith.index_cast %mul3A_168 : i32 to index
      %swap3A_183 = tpu.vector_load %arg8[%swap3A_181, %swap3A_182] {strides = array<i32>} : memref<32x1024xf32, #tpu.memory_space<vmem>>, vector<1x16xf32>,
      %swap3A_184 = vector.shape_cast %swap3A_183 : vector<1x16xf32> to vector<16xf32>
      %swap3A_185 = vector.shape_cast %add3A_179 : vector<16xf32> to vector<1x16xf32>
      tpu.vector_store %arg8[%swap3A_181, %swap3A_182], %swap3A_185 {strides = array<i32>} : memref<32x1024xf32, #tpu.memory_space<vmem>>, vector<1x16xf32>,
      %mul3A_186 = arith.constant 16 : i32
      %mul3A_187 = arith.muli %scan3A_148, %mul3A_186 : i32
      %get3A_188 = arith.constant 2 : i32
      %get3A_189 = arith.index_cast %get3A_188 : i32 to index
      %get3A_190 = arith.index_cast %mul3A_187 : i32 to index
      %get3A_191 = tpu.vector_load %arg8[%get3A_189, %get3A_190] {strides = array<i32>} : memref<32x1024xf32, #tpu.memory_space<vmem>>, vector<1x16xf32>,
      %get3A_192 = vector.shape_cast %get3A_191 : vector<1x16xf32> to vector<16xf32>
      %get3A_193 = arith.constant 2 : i32
      %get3A_194 = arith.index_cast %get3A_193 : i32 to index
      %get3A_195 = arith.index_cast %mul3A_187 : i32 to index
      %get3A_196 = tpu.vector_load %arg9[%get3A_194, %get3A_195] {strides = array<i32>} : memref<32x1024xf32, #tpu.memory_space<vmem>>, vector<1x16xf32>,
      %get3A_197 = vector.shape_cast %get3A_196 : vector<1x16xf32> to vector<16xf32>
      %add3A_198 = arith.addf %get3A_192, %get3A_197 : vector<16xf32>
      %swap3A_199 = arith.constant 2 : i32
      %swap3A_200 = arith.index_cast %swap3A_199 : i32 to index
      %swap3A_201 = arith.index_cast %mul3A_187 : i32 to index
      %swap3A_202 = tpu.vector_load %arg8[%swap3A_200, %swap3A_201] {strides = array<i32>} : memref<32x1024xf32, #tpu.memory_space<vmem>>, vector<1x16xf32>,
      %swap3A_203 = vector.shape_cast %swap3A_202 : vector<1x16xf32> to vector<16xf32>
      %swap3A_204 = vector.shape_cast %add3A_198 : vector<16xf32> to vector<1x16xf32>
      tpu.vector_store %arg8[%swap3A_200, %swap3A_201], %swap3A_204 {strides = array<i32>} : memref<32x1024xf32, #tpu.memory_space<vmem>>, vector<1x16xf32>,
      %mul3A_205 = arith.constant 16 : i32
      %mul3A_206 = arith.muli %scan3A_148, %mul3A_205 : i32
      %get3A_207 = arith.constant 3 : i32
      %get3A_208 = arith.index_cast %get3A_207 : i32 to index
      %get3A_209 = arith.index_cast %mul3A_206 : i32 to index
      %get3A_210 = tpu.vector_load %arg8[%get3A_208, %get3A_209] {strides = array<i32>} : memref<32x1024xf32, #tpu.memory_space<vmem>>, vector<1x16xf32>,
      %get3A_211 = vector.shape_cast %get3A_210 : vector<1x16xf32> to vector<16xf32>
      %get3A_212 = arith.constant 3 : i32
      %get3A_213 = arith.index_cast %get3A_212 : i32 to index
      %get3A_214 = arith.index_cast %mul3A_206 : i32 to index
      %get3A_215 = tpu.vector_load %arg9[%get3A_213, %get3A_214] {strides = array<i32>} : memref<32x1024xf32, #tpu.memory_space<vmem>>, vector<1x16xf32>,
      %get3A_216 = vector.shape_cast %get3A_215 : vector<1x16xf32> to vector<16xf32>
      %add3A_217 = arith.addf %get3A_211, %get3A_216 : vector<16xf32>
      %swap3A_218 = arith.constant 3 : i32
      %swap3A_219 = arith.index_cast %swap3A_218 : i32 to index
      %swap3A_220 = arith.index_cast %mul3A_206 : i32 to index
      %swap3A_221 = tpu.vector_load %arg8[%swap3A_219, %swap3A_220] {strides = array<i32>} : memref<32x1024xf32, #tpu.memory_space<vmem>>, vector<1x16xf32>,
      %swap3A_222 = vector.shape_cast %swap3A_221 : vector<1x16xf32> to vector<16xf32>
      %swap3A_223 = vector.shape_cast %add3A_217 : vector<16xf32> to vector<1x16xf32>
      tpu.vector_store %arg8[%swap3A_219, %swap3A_220], %swap3A_223 {strides = array<i32>} : memref<32x1024xf32, #tpu.memory_space<vmem>>, vector<1x16xf32>,
      %mul3A_224 = arith.constant 16 : i32
      %mul3A_225 = arith.muli %scan3A_148, %mul3A_224 : i32
      %get3A_226 = arith.constant 4 : i32
      %get3A_227 = arith.index_cast %get3A_226 : i32 to index
      %get3A_228 = arith.index_cast %mul3A_225 : i32 to index
      %get3A_229 = tpu.vector_load %arg8[%get3A_227, %get3A_228] {strides = array<i32>} : memref<32x1024xf32, #tpu.memory_space<vmem>>, vector<1x16xf32>,
      %get3A_230 = vector.shape_cast %get3A_229 : vector<1x16xf32> to vector<16xf32>
      %get3A_231 = arith.constant 4 : i32
      %get3A_232 = arith.index_cast %get3A_231 : i32 to index
      %get3A_233 = arith.index_cast %mul3A_225 : i32 to index
      %get3A_234 = tpu.vector_load %arg9[%get3A_232, %get3A_233] {strides = array<i32>} : memref<32x1024xf32, #tpu.memory_space<vmem>>, vector<1x16xf32>,
      %get3A_235 = vector.shape_cast %get3A_234 : vector<1x16xf32> to vector<16xf32>
      %add3A_236 = arith.addf %get3A_230, %get3A_235 : vector<16xf32>
      %swap3A_237 = arith.constant 4 : i32
      %swap3A_238 = arith.index_cast %swap3A_237 : i32 to index
      %swap3A_239 = arith.index_cast %mul3A_225 : i32 to index
      %swap3A_240 = tpu.vector_load %arg8[%swap3A_238, %swap3A_239] {strides = array<i32>} : memref<32x1024xf32, #tpu.memory_space<vmem>>, vector<1x16xf32>,
      %swap3A_241 = vector.shape_cast %swap3A_240 : vector<1x16xf32> to vector<16xf32>
      %swap3A_242 = vector.shape_cast %add3A_236 : vector<16xf32> to vector<1x16xf32>
      tpu.vector_store %arg8[%swap3A_238, %swap3A_239], %swap3A_242 {strides = array<i32>} : memref<32x1024xf32, #tpu.memory_space<vmem>>, vector<1x16xf32>,
      %mul3A_243 = arith.constant 16 : i32
      %mul3A_244 = arith.muli %scan3A_148, %mul3A_243 : i32
      %get3A_245 = arith.constant 5 : i32
      %get3A_246 = arith.index_cast %get3A_245 : i32 to index
      %get3A_247 = arith.index_cast %mul3A_244 : i32 to index
      %get3A_248 = tpu.vector_load %arg8[%get3A_246, %get3A_247] {strides = array<i32>} : memref<32x1024xf32, #tpu.memory_space<vmem>>, vector<1x16xf32>,
      %get3A_249 = vector.shape_cast %get3A_248 : vector<1x16xf32> to vector<16xf32>
      %get3A_250 = arith.constant 5 : i32
      %get3A_251 = arith.index_cast %get3A_250 : i32 to index
      %get3A_252 = arith.index_cast %mul3A_244 : i32 to index
      %get3A_253 = tpu.vector_load %arg9[%get3A_251, %get3A_252] {strides = array<i32>} : memref<32x1024xf32, #tpu.memory_space<vmem>>, vector<1x16xf32>,
      %get3A_254 = vector.shape_cast %get3A_253 : vector<1x16xf32> to vector<16xf32>
      %add3A_255 = arith.addf %get3A_249, %get3A_254 : vector<16xf32>
      %swap3A_256 = arith.constant 5 : i32
      %swap3A_257 = arith.index_cast %swap3A_256 : i32 to index
      %swap3A_258 = arith.index_cast %mul3A_244 : i32 to index
      %swap3A_259 = tpu.vector_load %arg8[%swap3A_257, %swap3A_258] {strides = array<i32>} : memref<32x1024xf32, #tpu.memory_space<vmem>>, vector<1x16xf32>,
      %swap3A_260 = vector.shape_cast %swap3A_259 : vector<1x16xf32> to vector<16xf32>
      %swap3A_261 = vector.shape_cast %add3A_255 : vector<16xf32> to vector<1x16xf32>
      tpu.vector_store %arg8[%swap3A_257, %swap3A_258], %swap3A_261 {strides = array<i32>} : memref<32x1024xf32, #tpu.memory_space<vmem>>, vector<1x16xf32>,
      %mul3A_262 = arith.constant 16 : i32
      %mul3A_263 = arith.muli %scan3A_148, %mul3A_262 : i32
      %get3A_264 = arith.constant 6 : i32
      %get3A_265 = arith.index_cast %get3A_264 : i32 to index
      %get3A_266 = arith.index_cast %mul3A_263 : i32 to index
      %get3A_267 = tpu.vector_load %arg8[%get3A_265, %get3A_266] {strides = array<i32>} : memref<32x1024xf32, #tpu.memory_space<vmem>>, vector<1x16xf32>,
      %get3A_268 = vector.shape_cast %get3A_267 : vector<1x16xf32> to vector<16xf32>
      %get3A_269 = arith.constant 6 : i32
      %get3A_270 = arith.index_cast %get3A_269 : i32 to index
      %get3A_271 = arith.index_cast %mul3A_263 : i32 to index
      %get3A_272 = tpu.vector_load %arg9[%get3A_270, %get3A_271] {strides = array<i32>} : memref<32x1024xf32, #tpu.memory_space<vmem>>, vector<1x16xf32>,
      %get3A_273 = vector.shape_cast %get3A_272 : vector<1x16xf32> to vector<16xf32>
      %add3A_274 = arith.addf %get3A_268, %get3A_273 : vector<16xf32>
      %swap3A_275 = arith.constant 6 : i32
      %swap3A_276 = arith.index_cast %swap3A_275 : i32 to index
      %swap3A_277 = arith.index_cast %mul3A_263 : i32 to index
      %swap3A_278 = tpu.vector_load %arg8[%swap3A_276, %swap3A_277] {strides = array<i32>} : memref<32x1024xf32, #tpu.memory_space<vmem>>, vector<1x16xf32>,
      %swap3A_279 = vector.shape_cast %swap3A_278 : vector<1x16xf32> to vector<16xf32>
      %swap3A_280 = vector.shape_cast %add3A_274 : vector<16xf32> to vector<1x16xf32>
      tpu.vector_store %arg8[%swap3A_276, %swap3A_277], %swap3A_280 {strides = array<i32>} : memref<32x1024xf32, #tpu.memory_space<vmem>>, vector<1x16xf32>,
      %mul3A_281 = arith.constant 16 : i32
      %mul3A_282 = arith.muli %scan3A_148, %mul3A_281 : i32
      %get3A_283 = arith.constant 7 : i32
      %get3A_284 = arith.index_cast %get3A_283 : i32 to index
      %get3A_285 = arith.index_cast %mul3A_282 : i32 to index
      %get3A_286 = tpu.vector_load %arg8[%get3A_284, %get3A_285] {strides = array<i32>} : memref<32x1024xf32, #tpu.memory_space<vmem>>, vector<1x16xf32>,
      %get3A_287 = vector.shape_cast %get3A_286 : vector<1x16xf32> to vector<16xf32>
      %get3A_288 = arith.constant 7 : i32
      %get3A_289 = arith.index_cast %get3A_288 : i32 to index
      %get3A_290 = arith.index_cast %mul3A_282 : i32 to index
      %get3A_291 = tpu.vector_load %arg9[%get3A_289, %get3A_290] {strides = array<i32>} : memref<32x1024xf32, #tpu.memory_space<vmem>>, vector<1x16xf32>,
      %get3A_292 = vector.shape_cast %get3A_291 : vector<1x16xf32> to vector<16xf32>
      %add3A_293 = arith.addf %get3A_287, %get3A_292 : vector<16xf32>
      %swap3A_294 = arith.constant 7 : i32
      %swap3A_295 = arith.index_cast %swap3A_294 : i32 to index
      %swap3A_296 = arith.index_cast %mul3A_282 : i32 to index
      %swap3A_297 = tpu.vector_load %arg8[%swap3A_295, %swap3A_296] {strides = array<i32>} : memref<32x1024xf32, #tpu.memory_space<vmem>>, vector<1x16xf32>,
      %swap3A_298 = vector.shape_cast %swap3A_297 : vector<1x16xf32> to vector<16xf32>
      %swap3A_299 = vector.shape_cast %add3A_293 : vector<16xf32> to vector<1x16xf32>
      tpu.vector_store %arg8[%swap3A_295, %swap3A_296], %swap3A_299 {strides = array<i32>} : memref<32x1024xf32, #tpu.memory_space<vmem>>, vector<1x16xf32>,
      %mul3A_300 = arith.constant 16 : i32
      %mul3A_301 = arith.muli %scan3A_148, %mul3A_300 : i32
      %get3A_302 = arith.constant 8 : i32
      %get3A_303 = arith.index_cast %get3A_302 : i32 to index
      %get3A_304 = arith.index_cast %mul3A_301 : i32 to index
      %get3A_305 = tpu.vector_load %arg8[%get3A_303, %get3A_304] {strides = array<i32>} : memref<32x1024xf32, #tpu.memory_space<vmem>>, vector<1x16xf32>,
      %get3A_306 = vector.shape_cast %get3A_305 : vector<1x16xf32> to vector<16xf32>
      %get3A_307 = arith.constant 8 : i32
      %get3A_308 = arith.index_cast %get3A_307 : i32 to index
      %get3A_309 = arith.index_cast %mul3A_301 : i32 to index
      %get3A_310 = tpu.vector_load %arg9[%get3A_308, %get3A_309] {strides = array<i32>} : memref<32x1024xf32, #tpu.memory_space<vmem>>, vector<1x16xf32>,
      %get3A_311 = vector.shape_cast %get3A_310 : vector<1x16xf32> to vector<16xf32>
      %add3A_312 = arith.addf %get3A_306, %get3A_311 : vector<16xf32>
      %swap3A_313 = arith.constant 8 : i32
      %swap3A_314 = arith.index_cast %swap3A_313 : i32 to index
      %swap3A_315 = arith.index_cast %mul3A_301 : i32 to index
      %swap3A_316 = tpu.vector_load %arg8[%swap3A_314, %swap3A_315] {strides = array<i32>} : memref<32x1024xf32, #tpu.memory_space<vmem>>, vector<1x16xf32>,
      %swap3A_317 = vector.shape_cast %swap3A_316 : vector<1x16xf32> to vector<16xf32>
      %swap3A_318 = vector.shape_cast %add3A_312 : vector<16xf32> to vector<1x16xf32>
      tpu.vector_store %arg8[%swap3A_314, %swap3A_315], %swap3A_318 {strides = array<i32>} : memref<32x1024xf32, #tpu.memory_space<vmem>>, vector<1x16xf32>,
      %mul3A_319 = arith.constant 16 : i32
      %mul3A_320 = arith.muli %scan3A_148, %mul3A_319 : i32
      %get3A_321 = arith.constant 9 : i32
      %get3A_322 = arith.index_cast %get3A_321 : i32 to index
      %get3A_323 = arith.index_cast %mul3A_320 : i32 to index
      %get3A_324 = tpu.vector_load %arg8[%get3A_322, %get3A_323] {strides = array<i32>} : memref<32x1024xf32, #tpu.memory_space<vmem>>, vector<1x16xf32>,
      %get3A_325 = vector.shape_cast %get3A_324 : vector<1x16xf32> to vector<16xf32>
      %get3A_326 = arith.constant 9 : i32
      %get3A_327 = arith.index_cast %get3A_326 : i32 to index
      %get3A_328 = arith.index_cast %mul3A_320 : i32 to index
      %get3A_329 = tpu.vector_load %arg9[%get3A_327, %get3A_328] {strides = array<i32>} : memref<32x1024xf32, #tpu.memory_space<vmem>>, vector<1x16xf32>,
      %get3A_330 = vector.shape_cast %get3A_329 : vector<1x16xf32> to vector<16xf32>
      %add3A_331 = arith.addf %get3A_325, %get3A_330 : vector<16xf32>
      %swap3A_332 = arith.constant 9 : i32
      %swap3A_333 = arith.index_cast %swap3A_332 : i32 to index
      %swap3A_334 = arith.index_cast %mul3A_320 : i32 to index
      %swap3A_335 = tpu.vector_load %arg8[%swap3A_333, %swap3A_334] {strides = array<i32>} : memref<32x1024xf32, #tpu.memory_space<vmem>>, vector<1x16xf32>,
      %swap3A_336 = vector.shape_cast %swap3A_335 : vector<1x16xf32> to vector<16xf32>
      %swap3A_337 = vector.shape_cast %add3A_331 : vector<16xf32> to vector<1x16xf32>
      tpu.vector_store %arg8[%swap3A_333, %swap3A_334], %swap3A_337 {strides = array<i32>} : memref<32x1024xf32, #tpu.memory_space<vmem>>, vector<1x16xf32>,
      %mul3A_338 = arith.constant 16 : i32
      %mul3A_339 = arith.muli %scan3A_148, %mul3A_338 : i32
      %get3A_340 = arith.constant 10 : i32
      %get3A_341 = arith.index_cast %get3A_340 : i32 to index
      %get3A_342 = arith.index_cast %mul3A_339 : i32 to index
      %get3A_343 = tpu.vector_load %arg8[%get3A_341, %get3A_342] {strides = array<i32>} : memref<32x1024xf32, #tpu.memory_space<vmem>>, vector<1x16xf32>,
      %get3A_344 = vector.shape_cast %get3A_343 : vector<1x16xf32> to vector<16xf32>
      %get3A_345 = arith.constant 10 : i32
      %get3A_346 = arith.index_cast %get3A_345 : i32 to index
      %get3A_347 = arith.index_cast %mul3A_339 : i32 to index
      %get3A_348 = tpu.vector_load %arg9[%get3A_346, %get3A_347] {strides = array<i32>} : memref<32x1024xf32, #tpu.memory_space<vmem>>, vector<1x16xf32>,
      %get3A_349 = vector.shape_cast %get3A_348 : vector<1x16xf32> to vector<16xf32>
      %add3A_350 = arith.addf %get3A_344, %get3A_349 : vector<16xf32>
      %swap3A_351 = arith.constant 10 : i32
      %swap3A_352 = arith.index_cast %swap3A_351 : i32 to index
      %swap3A_353 = arith.index_cast %mul3A_339 : i32 to index
      %swap3A_354 = tpu.vector_load %arg8[%swap3A_352, %swap3A_353] {strides = array<i32>} : memref<32x1024xf32, #tpu.memory_space<vmem>>, vector<1x16xf32>,
      %swap3A_355 = vector.shape_cast %swap3A_354 : vector<1x16xf32> to vector<16xf32>
      %swap3A_356 = vector.shape_cast %add3A_350 : vector<16xf32> to vector<1x16xf32>
      tpu.vector_store %arg8[%swap3A_352, %swap3A_353], %swap3A_356 {strides = array<i32>} : memref<32x1024xf32, #tpu.memory_space<vmem>>, vector<1x16xf32>,
      %mul3A_357 = arith.constant 16 : i32
      %mul3A_358 = arith.muli %scan3A_148, %mul3A_357 : i32
      %get3A_359 = arith.constant 11 : i32
      %get3A_360 = arith.index_cast %get3A_359 : i32 to index
      %get3A_361 = arith.index_cast %mul3A_358 : i32 to index
      %get3A_362 = tpu.vector_load %arg8[%get3A_360, %get3A_361] {strides = array<i32>} : memref<32x1024xf32, #tpu.memory_space<vmem>>, vector<1x16xf32>,
      %get3A_363 = vector.shape_cast %get3A_362 : vector<1x16xf32> to vector<16xf32>
      %get3A_364 = arith.constant 11 : i32
      %get3A_365 = arith.index_cast %get3A_364 : i32 to index
      %get3A_366 = arith.index_cast %mul3A_358 : i32 to index
      %get3A_367 = tpu.vector_load %arg9[%get3A_365, %get3A_366] {strides = array<i32>} : memref<32x1024xf32, #tpu.memory_space<vmem>>, vector<1x16xf32>,
      %get3A_368 = vector.shape_cast %get3A_367 : vector<1x16xf32> to vector<16xf32>
      %add3A_369 = arith.addf %get3A_363, %get3A_368 : vector<16xf32>
      %swap3A_370 = arith.constant 11 : i32
      %swap3A_371 = arith.index_cast %swap3A_370 : i32 to index
      %swap3A_372 = arith.index_cast %mul3A_358 : i32 to index
      %swap3A_373 = tpu.vector_load %arg8[%swap3A_371, %swap3A_372] {strides = array<i32>} : memref<32x1024xf32, #tpu.memory_space<vmem>>, vector<1x16xf32>,
      %swap3A_374 = vector.shape_cast %swap3A_373 : vector<1x16xf32> to vector<16xf32>
      %swap3A_375 = vector.shape_cast %add3A_369 : vector<16xf32> to vector<1x16xf32>
      tpu.vector_store %arg8[%swap3A_371, %swap3A_372], %swap3A_375 {strides = array<i32>} : memref<32x1024xf32, #tpu.memory_space<vmem>>, vector<1x16xf32>,
      %mul3A_376 = arith.constant 16 : i32
      %mul3A_377 = arith.muli %scan3A_148, %mul3A_376 : i32
      %get3A_378 = arith.constant 12 : i32
      %get3A_379 = arith.index_cast %get3A_378 : i32 to index
      %get3A_380 = arith.index_cast %mul3A_377 : i32 to index
      %get3A_381 = tpu.vector_load %arg8[%get3A_379, %get3A_380] {strides = array<i32>} : memref<32x1024xf32, #tpu.memory_space<vmem>>, vector<1x16xf32>,
      %get3A_382 = vector.shape_cast %get3A_381 : vector<1x16xf32> to vector<16xf32>
      %get3A_383 = arith.constant 12 : i32
      %get3A_384 = arith.index_cast %get3A_383 : i32 to index
      %get3A_385 = arith.index_cast %mul3A_377 : i32 to index
      %get3A_386 = tpu.vector_load %arg9[%get3A_384, %get3A_385] {strides = array<i32>} : memref<32x1024xf32, #tpu.memory_space<vmem>>, vector<1x16xf32>,
      %get3A_387 = vector.shape_cast %get3A_386 : vector<1x16xf32> to vector<16xf32>
      %add3A_388 = arith.addf %get3A_382, %get3A_387 : vector<16xf32>
      %swap3A_389 = arith.constant 12 : i32
      %swap3A_390 = arith.index_cast %swap3A_389 : i32 to index
      %swap3A_391 = arith.index_cast %mul3A_377 : i32 to index
      %swap3A_392 = tpu.vector_load %arg8[%swap3A_390, %swap3A_391] {strides = array<i32>} : memref<32x1024xf32, #tpu.memory_space<vmem>>, vector<1x16xf32>,
      %swap3A_393 = vector.shape_cast %swap3A_392 : vector<1x16xf32> to vector<16xf32>
      %swap3A_394 = vector.shape_cast %add3A_388 : vector<16xf32> to vector<1x16xf32>
      tpu.vector_store %arg8[%swap3A_390, %swap3A_391], %swap3A_394 {strides = array<i32>} : memref<32x1024xf32, #tpu.memory_space<vmem>>, vector<1x16xf32>,
      %mul3A_395 = arith.constant 16 : i32
      %mul3A_396 = arith.muli %scan3A_148, %mul3A_395 : i32
      %get3A_397 = arith.constant 13 : i32
      %get3A_398 = arith.index_cast %get3A_397 : i32 to index
      %get3A_399 = arith.index_cast %mul3A_396 : i32 to index
      %get3A_400 = tpu.vector_load %arg8[%get3A_398, %get3A_399] {strides = array<i32>} : memref<32x1024xf32, #tpu.memory_space<vmem>>, vector<1x16xf32>,
      %get3A_401 = vector.shape_cast %get3A_400 : vector<1x16xf32> to vector<16xf32>
      %get3A_402 = arith.constant 13 : i32
      %get3A_403 = arith.index_cast %get3A_402 : i32 to index
      %get3A_404 = arith.index_cast %mul3A_396 : i32 to index
      %get3A_405 = tpu.vector_load %arg9[%get3A_403, %get3A_404] {strides = array<i32>} : memref<32x1024xf32, #tpu.memory_space<vmem>>, vector<1x16xf32>,
      %get3A_406 = vector.shape_cast %get3A_405 : vector<1x16xf32> to vector<16xf32>
      %add3A_407 = arith.addf %get3A_401, %get3A_406 : vector<16xf32>
      %swap3A_408 = arith.constant 13 : i32
      %swap3A_409 = arith.index_cast %swap3A_408 : i32 to index
      %swap3A_410 = arith.index_cast %mul3A_396 : i32 to index
      %swap3A_411 = tpu.vector_load %arg8[%swap3A_409, %swap3A_410] {strides = array<i32>} : memref<32x1024xf32, #tpu.memory_space<vmem>>, vector<1x16xf32>,
      %swap3A_412 = vector.shape_cast %swap3A_411 : vector<1x16xf32> to vector<16xf32>
      %swap3A_413 = vector.shape_cast %add3A_407 : vector<16xf32> to vector<1x16xf32>
      tpu.vector_store %arg8[%swap3A_409, %swap3A_410], %swap3A_413 {strides = array<i32>} : memref<32x1024xf32, #tpu.memory_space<vmem>>, vector<1x16xf32>,
      %mul3A_414 = arith.constant 16 : i32
      %mul3A_415 = arith.muli %scan3A_148, %mul3A_414 : i32
      %get3A_416 = arith.constant 14 : i32
      %get3A_417 = arith.index_cast %get3A_416 : i32 to index
      %get3A_418 = arith.index_cast %mul3A_415 : i32 to index
      %get3A_419 = tpu.vector_load %arg8[%get3A_417, %get3A_418] {strides = array<i32>} : memref<32x1024xf32, #tpu.memory_space<vmem>>, vector<1x16xf32>,
      %get3A_420 = vector.shape_cast %get3A_419 : vector<1x16xf32> to vector<16xf32>
      %get3A_421 = arith.constant 14 : i32
      %get3A_422 = arith.index_cast %get3A_421 : i32 to index
      %get3A_423 = arith.index_cast %mul3A_415 : i32 to index
      %get3A_424 = tpu.vector_load %arg9[%get3A_422, %get3A_423] {strides = array<i32>} : memref<32x1024xf32, #tpu.memory_space<vmem>>, vector<1x16xf32>,
      %get3A_425 = vector.shape_cast %get3A_424 : vector<1x16xf32> to vector<16xf32>
      %add3A_426 = arith.addf %get3A_420, %get3A_425 : vector<16xf32>
      %swap3A_427 = arith.constant 14 : i32
      %swap3A_428 = arith.index_cast %swap3A_427 : i32 to index
      %swap3A_429 = arith.index_cast %mul3A_415 : i32 to index
      %swap3A_430 = tpu.vector_load %arg8[%swap3A_428, %swap3A_429] {strides = array<i32>} : memref<32x1024xf32, #tpu.memory_space<vmem>>, vector<1x16xf32>,
      %swap3A_431 = vector.shape_cast %swap3A_430 : vector<1x16xf32> to vector<16xf32>
      %swap3A_432 = vector.shape_cast %add3A_426 : vector<16xf32> to vector<1x16xf32>
      tpu.vector_store %arg8[%swap3A_428, %swap3A_429], %swap3A_432 {strides = array<i32>} : memref<32x1024xf32, #tpu.memory_space<vmem>>, vector<1x16xf32>,
      %mul3A_433 = arith.constant 16 : i32
      %mul3A_434 = arith.muli %scan3A_148, %mul3A_433 : i32
      %get3A_435 = arith.constant 15 : i32
      %get3A_436 = arith.index_cast %get3A_435 : i32 to index
      %get3A_437 = arith.index_cast %mul3A_434 : i32 to index
      %get3A_438 = tpu.vector_load %arg8[%get3A_436, %get3A_437] {strides = array<i32>} : memref<32x1024xf32, #tpu.memory_space<vmem>>, vector<1x16xf32>,
      %get3A_439 = vector.shape_cast %get3A_438 : vector<1x16xf32> to vector<16xf32>
      %get3A_440 = arith.constant 15 : i32
      %get3A_441 = arith.index_cast %get3A_440 : i32 to index
      %get3A_442 = arith.index_cast %mul3A_434 : i32 to index
      %get3A_443 = tpu.vector_load %arg9[%get3A_441, %get3A_442] {strides = array<i32>} : memref<32x1024xf32, #tpu.memory_space<vmem>>, vector<1x16xf32>,
      %get3A_444 = vector.shape_cast %get3A_443 : vector<1x16xf32> to vector<16xf32>
      %add3A_445 = arith.addf %get3A_439, %get3A_444 : vector<16xf32>
      %swap3A_446 = arith.constant 15 : i32
      %swap3A_447 = arith.index_cast %swap3A_446 : i32 to index
      %swap3A_448 = arith.index_cast %mul3A_434 : i32 to index
      %swap3A_449 = tpu.vector_load %arg8[%swap3A_447, %swap3A_448] {strides = array<i32>} : memref<32x1024xf32, #tpu.memory_space<vmem>>, vector<1x16xf32>,
      %swap3A_450 = vector.shape_cast %swap3A_449 : vector<1x16xf32> to vector<16xf32>
      %swap3A_451 = vector.shape_cast %add3A_445 : vector<16xf32> to vector<1x16xf32>
      tpu.vector_store %arg8[%swap3A_447, %swap3A_448], %swap3A_451 {strides = array<i32>} : memref<32x1024xf32, #tpu.memory_space<vmem>>, vector<1x16xf32>,
      %mul3A_452 = arith.constant 16 : i32
      %mul3A_453 = arith.muli %scan3A_148, %mul3A_452 : i32
      %get3A_454 = arith.constant 16 : i32
      %get3A_455 = arith.index_cast %get3A_454 : i32 to index
      %get3A_456 = arith.index_cast %mul3A_453 : i32 to index
      %get3A_457 = tpu.vector_load %arg8[%get3A_455, %get3A_456] {strides = array<i32>} : memref<32x1024xf32, #tpu.memory_space<vmem>>, vector<1x16xf32>,
      %get3A_458 = vector.shape_cast %get3A_457 : vector<1x16xf32> to vector<16xf32>
      %get3A_459 = arith.constant 16 : i32
      %get3A_460 = arith.index_cast %get3A_459 : i32 to index
      %get3A_461 = arith.index_cast %mul3A_453 : i32 to index
      %get3A_462 = tpu.vector_load %arg9[%get3A_460, %get3A_461] {strides = array<i32>} : memref<32x1024xf32, #tpu.memory_space<vmem>>, vector<1x16xf32>,
      %get3A_463 = vector.shape_cast %get3A_462 : vector<1x16xf32> to vector<16xf32>
      %add3A_464 = arith.addf %get3A_458, %get3A_463 : vector<16xf32>
      %swap3A_465 = arith.constant 16 : i32
      %swap3A_466 = arith.index_cast %swap3A_465 : i32 to index
      %swap3A_467 = arith.index_cast %mul3A_453 : i32 to index
      %swap3A_468 = tpu.vector_load %arg8[%swap3A_466, %swap3A_467] {strides = array<i32>} : memref<32x1024xf32, #tpu.memory_space<vmem>>, vector<1x16xf32>,
      %swap3A_469 = vector.shape_cast %swap3A_468 : vector<1x16xf32> to vector<16xf32>
      %swap3A_470 = vector.shape_cast %add3A_464 : vector<16xf32> to vector<1x16xf32>
      tpu.vector_store %arg8[%swap3A_466, %swap3A_467], %swap3A_470 {strides = array<i32>} : memref<32x1024xf32, #tpu.memory_space<vmem>>, vector<1x16xf32>,
      %mul3A_471 = arith.constant 16 : i32
      %mul3A_472 = arith.muli %scan3A_148, %mul3A_471 : i32
      %get3A_473 = arith.constant 17 : i32
      %get3A_474 = arith.index_cast %get3A_473 : i32 to index
      %get3A_475 = arith.index_cast %mul3A_472 : i32 to index
      %get3A_476 = tpu.vector_load %arg8[%get3A_474, %get3A_475] {strides = array<i32>} : memref<32x1024xf32, #tpu.memory_space<vmem>>, vector<1x16xf32>,
      %get3A_477 = vector.shape_cast %get3A_476 : vector<1x16xf32> to vector<16xf32>
      %get3A_478 = arith.constant 17 : i32
      %get3A_479 = arith.index_cast %get3A_478 : i32 to index
      %get3A_480 = arith.index_cast %mul3A_472 : i32 to index
      %get3A_481 = tpu.vector_load %arg9[%get3A_479, %get3A_480] {strides = array<i32>} : memref<32x1024xf32, #tpu.memory_space<vmem>>, vector<1x16xf32>,
      %get3A_482 = vector.shape_cast %get3A_481 : vector<1x16xf32> to vector<16xf32>
      %add3A_483 = arith.addf %get3A_477, %get3A_482 : vector<16xf32>
      %swap3A_484 = arith.constant 17 : i32
      %swap3A_485 = arith.index_cast %swap3A_484 : i32 to index
      %swap3A_486 = arith.index_cast %mul3A_472 : i32 to index
      %swap3A_487 = tpu.vector_load %arg8[%swap3A_485, %swap3A_486] {strides = array<i32>} : memref<32x1024xf32, #tpu.memory_space<vmem>>, vector<1x16xf32>,
      %swap3A_488 = vector.shape_cast %swap3A_487 : vector<1x16xf32> to vector<16xf32>
      %swap3A_489 = vector.shape_cast %add3A_483 : vector<16xf32> to vector<1x16xf32>
      tpu.vector_store %arg8[%swap3A_485, %swap3A_486], %swap3A_489 {strides = array<i32>} : memref<32x1024xf32, #tpu.memory_space<vmem>>, vector<1x16xf32>,
      %mul3A_490 = arith.constant 16 : i32
      %mul3A_491 = arith.muli %scan3A_148, %mul3A_490 : i32
      %get3A_492 = arith.constant 18 : i32
      %get3A_493 = arith.index_cast %get3A_492 : i32 to index
      %get3A_494 = arith.index_cast %mul3A_491 : i32 to index
      %get3A_495 = tpu.vector_load %arg8[%get3A_493, %get3A_494] {strides = array<i32>} : memref<32x1024xf32, #tpu.memory_space<vmem>>, vector<1x16xf32>,
      %get3A_496 = vector.shape_cast %get3A_495 : vector<1x16xf32> to vector<16xf32>
      %get3A_497 = arith.constant 18 : i32
      %get3A_498 = arith.index_cast %get3A_497 : i32 to index
      %get3A_499 = arith.index_cast %mul3A_491 : i32 to index
      %get3A_500 = tpu.vector_load %arg9[%get3A_498, %get3A_499] {strides = array<i32>} : memref<32x1024xf32, #tpu.memory_space<vmem>>, vector<1x16xf32>,
      %get3A_501 = vector.shape_cast %get3A_500 : vector<1x16xf32> to vector<16xf32>
      %add3A_502 = arith.addf %get3A_496, %get3A_501 : vector<16xf32>
      %swap3A_503 = arith.constant 18 : i32
      %swap3A_504 = arith.index_cast %swap3A_503 : i32 to index
      %swap3A_505 = arith.index_cast %mul3A_491 : i32 to index
      %swap3A_506 = tpu.vector_load %arg8[%swap3A_504, %swap3A_505] {strides = array<i32>} : memref<32x1024xf32, #tpu.memory_space<vmem>>, vector<1x16xf32>,
      %swap3A_507 = vector.shape_cast %swap3A_506 : vector<1x16xf32> to vector<16xf32>
      %swap3A_508 = vector.shape_cast %add3A_502 : vector<16xf32> to vector<1x16xf32>
      tpu.vector_store %arg8[%swap3A_504, %swap3A_505], %swap3A_508 {strides = array<i32>} : memref<32x1024xf32, #tpu.memory_space<vmem>>, vector<1x16xf32>,
      %mul3A_509 = arith.constant 16 : i32
      %mul3A_510 = arith.muli %scan3A_148, %mul3A_509 : i32
      %get3A_511 = arith.constant 19 : i32
      %get3A_512 = arith.index_cast %get3A_511 : i32 to index
      %get3A_513 = arith.index_cast %mul3A_510 : i32 to index
      %get3A_514 = tpu.vector_load %arg8[%get3A_512, %get3A_513] {strides = array<i32>} : memref<32x1024xf32, #tpu.memory_space<vmem>>, vector<1x16xf32>,
      %get3A_515 = vector.shape_cast %get3A_514 : vector<1x16xf32> to vector<16xf32>
      %get3A_516 = arith.constant 19 : i32
      %get3A_517 = arith.index_cast %get3A_516 : i32 to index
      %get3A_518 = arith.index_cast %mul3A_510 : i32 to index
      %get3A_519 = tpu.vector_load %arg9[%get3A_517, %get3A_518] {strides = array<i32>} : memref<32x1024xf32, #tpu.memory_space<vmem>>, vector<1x16xf32>,
      %get3A_520 = vector.shape_cast %get3A_519 : vector<1x16xf32> to vector<16xf32>
      %add3A_521 = arith.addf %get3A_515, %get3A_520 : vector<16xf32>
      %swap3A_522 = arith.constant 19 : i32
      %swap3A_523 = arith.index_cast %swap3A_522 : i32 to index
      %swap3A_524 = arith.index_cast %mul3A_510 : i32 to index
      %swap3A_525 = tpu.vector_load %arg8[%swap3A_523, %swap3A_524] {strides = array<i32>} : memref<32x1024xf32, #tpu.memory_space<vmem>>, vector<1x16xf32>,
      %swap3A_526 = vector.shape_cast %swap3A_525 : vector<1x16xf32> to vector<16xf32>
      %swap3A_527 = vector.shape_cast %add3A_521 : vector<16xf32> to vector<1x16xf32>
      tpu.vector_store %arg8[%swap3A_523, %swap3A_524], %swap3A_527 {strides = array<i32>} : memref<32x1024xf32, #tpu.memory_space<vmem>>, vector<1x16xf32>,
      %mul3A_528 = arith.constant 16 : i32
      %mul3A_529 = arith.muli %scan3A_148, %mul3A_528 : i32
      %get3A_530 = arith.constant 20 : i32
      %get3A_531 = arith.index_cast %get3A_530 : i32 to index
      %get3A_532 = arith.index_cast %mul3A_529 : i32 to index
      %get3A_533 = tpu.vector_load %arg8[%get3A_531, %get3A_532] {strides = array<i32>} : memref<32x1024xf32, #tpu.memory_space<vmem>>, vector<1x16xf32>,
      %get3A_534 = vector.shape_cast %get3A_533 : vector<1x16xf32> to vector<16xf32>
      %get3A_535 = arith.constant 20 : i32
      %get3A_536 = arith.index_cast %get3A_535 : i32 to index
      %get3A_537 = arith.index_cast %mul3A_529 : i32 to index
      %get3A_538 = tpu.vector_load %arg9[%get3A_536, %get3A_537] {strides = array<i32>} : memref<32x1024xf32, #tpu.memory_space<vmem>>, vector<1x16xf32>,
      %get3A_539 = vector.shape_cast %get3A_538 : vector<1x16xf32> to vector<16xf32>
      %add3A_540 = arith.addf %get3A_534, %get3A_539 : vector<16xf32>
      %swap3A_541 = arith.constant 20 : i32
      %swap3A_542 = arith.index_cast %swap3A_541 : i32 to index
      %swap3A_543 = arith.index_cast %mul3A_529 : i32 to index
      %swap3A_544 = tpu.vector_load %arg8[%swap3A_542, %swap3A_543] {strides = array<i32>} : memref<32x1024xf32, #tpu.memory_space<vmem>>, vector<1x16xf32>,
      %swap3A_545 = vector.shape_cast %swap3A_544 : vector<1x16xf32> to vector<16xf32>
      %swap3A_546 = vector.shape_cast %add3A_540 : vector<16xf32> to vector<1x16xf32>
      tpu.vector_store %arg8[%swap3A_542, %swap3A_543], %swap3A_546 {strides = array<i32>} : memref<32x1024xf32, #tpu.memory_space<vmem>>, vector<1x16xf32>,
      %mul3A_547 = arith.constant 16 : i32
      %mul3A_548 = arith.muli %scan3A_148, %mul3A_547 : i32
      %get3A_549 = arith.constant 21 : i32
      %get3A_550 = arith.index_cast %get3A_549 : i32 to index
      %get3A_551 = arith.index_cast %mul3A_548 : i32 to index
      %get3A_552 = tpu.vector_load %arg8[%get3A_550, %get3A_551] {strides = array<i32>} : memref<32x1024xf32, #tpu.memory_space<vmem>>, vector<1x16xf32>,
      %get3A_553 = vector.shape_cast %get3A_552 : vector<1x16xf32> to vector<16xf32>
      %get3A_554 = arith.constant 21 : i32
      %get3A_555 = arith.index_cast %get3A_554 : i32 to index
      %get3A_556 = arith.index_cast %mul3A_548 : i32 to index
      %get3A_557 = tpu.vector_load %arg9[%get3A_555, %get3A_556] {strides = array<i32>} : memref<32x1024xf32, #tpu.memory_space<vmem>>, vector<1x16xf32>,
      %get3A_558 = vector.shape_cast %get3A_557 : vector<1x16xf32> to vector<16xf32>
      %add3A_559 = arith.addf %get3A_553, %get3A_558 : vector<16xf32>
      %swap3A_560 = arith.constant 21 : i32
      %swap3A_561 = arith.index_cast %swap3A_560 : i32 to index
      %swap3A_562 = arith.index_cast %mul3A_548 : i32 to index
      %swap3A_563 = tpu.vector_load %arg8[%swap3A_561, %swap3A_562] {strides = array<i32>} : memref<32x1024xf32, #tpu.memory_space<vmem>>, vector<1x16xf32>,
      %swap3A_564 = vector.shape_cast %swap3A_563 : vector<1x16xf32> to vector<16xf32>
      %swap3A_565 = vector.shape_cast %add3A_559 : vector<16xf32> to vector<1x16xf32>
      tpu.vector_store %arg8[%swap3A_561, %swap3A_562], %swap3A_565 {strides = array<i32>} : memref<32x1024xf32, #tpu.memory_space<vmem>>, vector<1x16xf32>,
      %mul3A_566 = arith.constant 16 : i32
      %mul3A_567 = arith.muli %scan3A_148, %mul3A_566 : i32
      %get3A_568 = arith.constant 22 : i32
      %get3A_569 = arith.index_cast %get3A_568 : i32 to index
      %get3A_570 = arith.index_cast %mul3A_567 : i32 to index
      %get3A_571 = tpu.vector_load %arg8[%get3A_569, %get3A_570] {strides = array<i32>} : memref<32x1024xf32, #tpu.memory_space<vmem>>, vector<1x16xf32>,
      %get3A_572 = vector.shape_cast %get3A_571 : vector<1x16xf32> to vector<16xf32>
      %get3A_573 = arith.constant 22 : i32
      %get3A_574 = arith.index_cast %get3A_573 : i32 to index
      %get3A_575 = arith.index_cast %mul3A_567 : i32 to index
      %get3A_576 = tpu.vector_load %arg9[%get3A_574, %get3A_575] {strides = array<i32>} : memref<32x1024xf32, #tpu.memory_space<vmem>>, vector<1x16xf32>,
      %get3A_577 = vector.shape_cast %get3A_576 : vector<1x16xf32> to vector<16xf32>
      %add3A_578 = arith.addf %get3A_572, %get3A_577 : vector<16xf32>
      %swap3A_579 = arith.constant 22 : i32
      %swap3A_580 = arith.index_cast %swap3A_579 : i32 to index
      %swap3A_581 = arith.index_cast %mul3A_567 : i32 to index
      %swap3A_582 = tpu.vector_load %arg8[%swap3A_580, %swap3A_581] {strides = array<i32>} : memref<32x1024xf32, #tpu.memory_space<vmem>>, vector<1x16xf32>,
      %swap3A_583 = vector.shape_cast %swap3A_582 : vector<1x16xf32> to vector<16xf32>
      %swap3A_584 = vector.shape_cast %add3A_578 : vector<16xf32> to vector<1x16xf32>
      tpu.vector_store %arg8[%swap3A_580, %swap3A_581], %swap3A_584 {strides = array<i32>} : memref<32x1024xf32, #tpu.memory_space<vmem>>, vector<1x16xf32>,
      %mul3A_585 = arith.constant 16 : i32
      %mul3A_586 = arith.muli %scan3A_148, %mul3A_585 : i32
      %get3A_587 = arith.constant 23 : i32
      %get3A_588 = arith.index_cast %get3A_587 : i32 to index
      %get3A_589 = arith.index_cast %mul3A_586 : i32 to index
      %get3A_590 = tpu.vector_load %arg8[%get3A_588, %get3A_589] {strides = array<i32>} : memref<32x1024xf32, #tpu.memory_space<vmem>>, vector<1x16xf32>,
      %get3A_591 = vector.shape_cast %get3A_590 : vector<1x16xf32> to vector<16xf32>
      %get3A_592 = arith.constant 23 : i32
      %get3A_593 = arith.index_cast %get3A_592 : i32 to index
      %get3A_594 = arith.index_cast %mul3A_586 : i32 to index
      %get3A_595 = tpu.vector_load %arg9[%get3A_593, %get3A_594] {strides = array<i32>} : memref<32x1024xf32, #tpu.memory_space<vmem>>, vector<1x16xf32>,
      %get3A_596 = vector.shape_cast %get3A_595 : vector<1x16xf32> to vector<16xf32>
      %add3A_597 = arith.addf %get3A_591, %get3A_596 : vector<16xf32>
      %swap3A_598 = arith.constant 23 : i32
      %swap3A_599 = arith.index_cast %swap3A_598 : i32 to index
      %swap3A_600 = arith.index_cast %mul3A_586 : i32 to index
      %swap3A_601 = tpu.vector_load %arg8[%swap3A_599, %swap3A_600] {strides = array<i32>} : memref<32x1024xf32, #tpu.memory_space<vmem>>, vector<1x16xf32>,
      %swap3A_602 = vector.shape_cast %swap3A_601 : vector<1x16xf32> to vector<16xf32>
      %swap3A_603 = vector.shape_cast %add3A_597 : vector<16xf32> to vector<1x16xf32>
      tpu.vector_store %arg8[%swap3A_599, %swap3A_600], %swap3A_603 {strides = array<i32>} : memref<32x1024xf32, #tpu.memory_space<vmem>>, vector<1x16xf32>,
      %mul3A_604 = arith.constant 16 : i32
      %mul3A_605 = arith.muli %scan3A_148, %mul3A_604 : i32
      %get3A_606 = arith.constant 24 : i32
      %get3A_607 = arith.index_cast %get3A_606 : i32 to index
      %get3A_608 = arith.index_cast %mul3A_605 : i32 to index
      %get3A_609 = tpu.vector_load %arg8[%get3A_607, %get3A_608] {strides = array<i32>} : memref<32x1024xf32, #tpu.memory_space<vmem>>, vector<1x16xf32>,
      %get3A_610 = vector.shape_cast %get3A_609 : vector<1x16xf32> to vector<16xf32>
      %get3A_611 = arith.constant 24 : i32
      %get3A_612 = arith.index_cast %get3A_611 : i32 to index
      %get3A_613 = arith.index_cast %mul3A_605 : i32 to index
      %get3A_614 = tpu.vector_load %arg9[%get3A_612, %get3A_613] {strides = array<i32>} : memref<32x1024xf32, #tpu.memory_space<vmem>>, vector<1x16xf32>,
      %get3A_615 = vector.shape_cast %get3A_614 : vector<1x16xf32> to vector<16xf32>
      %add3A_616 = arith.addf %get3A_610, %get3A_615 : vector<16xf32>
      %swap3A_617 = arith.constant 24 : i32
      %swap3A_618 = arith.index_cast %swap3A_617 : i32 to index
      %swap3A_619 = arith.index_cast %mul3A_605 : i32 to index
      %swap3A_620 = tpu.vector_load %arg8[%swap3A_618, %swap3A_619] {strides = array<i32>} : memref<32x1024xf32, #tpu.memory_space<vmem>>, vector<1x16xf32>,
      %swap3A_621 = vector.shape_cast %swap3A_620 : vector<1x16xf32> to vector<16xf32>
      %swap3A_622 = vector.shape_cast %add3A_616 : vector<16xf32> to vector<1x16xf32>
      tpu.vector_store %arg8[%swap3A_618, %swap3A_619], %swap3A_622 {strides = array<i32>} : memref<32x1024xf32, #tpu.memory_space<vmem>>, vector<1x16xf32>,
      %mul3A_623 = arith.constant 16 : i32
      %mul3A_624 = arith.muli %scan3A_148, %mul3A_623 : i32
      %get3A_625 = arith.constant 25 : i32
      %get3A_626 = arith.index_cast %get3A_625 : i32 to index
      %get3A_627 = arith.index_cast %mul3A_624 : i32 to index
      %get3A_628 = tpu.vector_load %arg8[%get3A_626, %get3A_627] {strides = array<i32>} : memref<32x1024xf32, #tpu.memory_space<vmem>>, vector<1x16xf32>,
      %get3A_629 = vector.shape_cast %get3A_628 : vector<1x16xf32> to vector<16xf32>
      %get3A_630 = arith.constant 25 : i32
      %get3A_631 = arith.index_cast %get3A_630 : i32 to index
      %get3A_632 = arith.index_cast %mul3A_624 : i32 to index
      %get3A_633 = tpu.vector_load %arg9[%get3A_631, %get3A_632] {strides = array<i32>} : memref<32x1024xf32, #tpu.memory_space<vmem>>, vector<1x16xf32>,
      %get3A_634 = vector.shape_cast %get3A_633 : vector<1x16xf32> to vector<16xf32>
      %add3A_635 = arith.addf %get3A_629, %get3A_634 : vector<16xf32>
      %swap3A_636 = arith.constant 25 : i32
      %swap3A_637 = arith.index_cast %swap3A_636 : i32 to index
      %swap3A_638 = arith.index_cast %mul3A_624 : i32 to index
      %swap3A_639 = tpu.vector_load %arg8[%swap3A_637, %swap3A_638] {strides = array<i32>} : memref<32x1024xf32, #tpu.memory_space<vmem>>, vector<1x16xf32>,
      %swap3A_640 = vector.shape_cast %swap3A_639 : vector<1x16xf32> to vector<16xf32>
      %swap3A_641 = vector.shape_cast %add3A_635 : vector<16xf32> to vector<1x16xf32>
      tpu.vector_store %arg8[%swap3A_637, %swap3A_638], %swap3A_641 {strides = array<i32>} : memref<32x1024xf32, #tpu.memory_space<vmem>>, vector<1x16xf32>,
      %mul3A_642 = arith.constant 16 : i32
      %mul3A_643 = arith.muli %scan3A_148, %mul3A_642 : i32
      %get3A_644 = arith.constant 26 : i32
      %get3A_645 = arith.index_cast %get3A_644 : i32 to index
      %get3A_646 = arith.index_cast %mul3A_643 : i32 to index
      %get3A_647 = tpu.vector_load %arg8[%get3A_645, %get3A_646] {strides = array<i32>} : memref<32x1024xf32, #tpu.memory_space<vmem>>, vector<1x16xf32>,
      %get3A_648 = vector.shape_cast %get3A_647 : vector<1x16xf32> to vector<16xf32>
      %get3A_649 = arith.constant 26 : i32
      %get3A_650 = arith.index_cast %get3A_649 : i32 to index
      %get3A_651 = arith.index_cast %mul3A_643 : i32 to index
      %get3A_652 = tpu.vector_load %arg9[%get3A_650, %get3A_651] {strides = array<i32>} : memref<32x1024xf32, #tpu.memory_space<vmem>>, vector<1x16xf32>,
      %get3A_653 = vector.shape_cast %get3A_652 : vector<1x16xf32> to vector<16xf32>
      %add3A_654 = arith.addf %get3A_648, %get3A_653 : vector<16xf32>
      %swap3A_655 = arith.constant 26 : i32
      %swap3A_656 = arith.index_cast %swap3A_655 : i32 to index
      %swap3A_657 = arith.index_cast %mul3A_643 : i32 to index
      %swap3A_658 = tpu.vector_load %arg8[%swap3A_656, %swap3A_657] {strides = array<i32>} : memref<32x1024xf32, #tpu.memory_space<vmem>>, vector<1x16xf32>,
      %swap3A_659 = vector.shape_cast %swap3A_658 : vector<1x16xf32> to vector<16xf32>
      %swap3A_660 = vector.shape_cast %add3A_654 : vector<16xf32> to vector<1x16xf32>
      tpu.vector_store %arg8[%swap3A_656, %swap3A_657], %swap3A_660 {strides = array<i32>} : memref<32x1024xf32, #tpu.memory_space<vmem>>, vector<1x16xf32>,
      %mul3A_661 = arith.constant 16 : i32
      %mul3A_662 = arith.muli %scan3A_148, %mul3A_661 : i32
      %get3A_663 = arith.constant 27 : i32
      %get3A_664 = arith.index_cast %get3A_663 : i32 to index
      %get3A_665 = arith.index_cast %mul3A_662 : i32 to index
      %get3A_666 = tpu.vector_load %arg8[%get3A_664, %get3A_665] {strides = array<i32>} : memref<32x1024xf32, #tpu.memory_space<vmem>>, vector<1x16xf32>,
      %get3A_667 = vector.shape_cast %get3A_666 : vector<1x16xf32> to vector<16xf32>
      %get3A_668 = arith.constant 27 : i32
      %get3A_669 = arith.index_cast %get3A_668 : i32 to index
      %get3A_670 = arith.index_cast %mul3A_662 : i32 to index
      %get3A_671 = tpu.vector_load %arg9[%get3A_669, %get3A_670] {strides = array<i32>} : memref<32x1024xf32, #tpu.memory_space<vmem>>, vector<1x16xf32>,
      %get3A_672 = vector.shape_cast %get3A_671 : vector<1x16xf32> to vector<16xf32>
      %add3A_673 = arith.addf %get3A_667, %get3A_672 : vector<16xf32>
      %swap3A_674 = arith.constant 27 : i32
      %swap3A_675 = arith.index_cast %swap3A_674 : i32 to index
      %swap3A_676 = arith.index_cast %mul3A_662 : i32 to index
      %swap3A_677 = tpu.vector_load %arg8[%swap3A_675, %swap3A_676] {strides = array<i32>} : memref<32x1024xf32, #tpu.memory_space<vmem>>, vector<1x16xf32>,
      %swap3A_678 = vector.shape_cast %swap3A_677 : vector<1x16xf32> to vector<16xf32>
      %swap3A_679 = vector.shape_cast %add3A_673 : vector<16xf32> to vector<1x16xf32>
      tpu.vector_store %arg8[%swap3A_675, %swap3A_676], %swap3A_679 {strides = array<i32>} : memref<32x1024xf32, #tpu.memory_space<vmem>>, vector<1x16xf32>,
      %mul3A_680 = arith.constant 16 : i32
      %mul3A_681 = arith.muli %scan3A_148, %mul3A_680 : i32
      %get3A_682 = arith.constant 28 : i32
      %get3A_683 = arith.index_cast %get3A_682 : i32 to index
      %get3A_684 = arith.index_cast %mul3A_681 : i32 to index
      %get3A_685 = tpu.vector_load %arg8[%get3A_683, %get3A_684] {strides = array<i32>} : memref<32x1024xf32, #tpu.memory_space<vmem>>, vector<1x16xf32>,
      %get3A_686 = vector.shape_cast %get3A_685 : vector<1x16xf32> to vector<16xf32>
      %get3A_687 = arith.constant 28 : i32
      %get3A_688 = arith.index_cast %get3A_687 : i32 to index
      %get3A_689 = arith.index_cast %mul3A_681 : i32 to index
      %get3A_690 = tpu.vector_load %arg9[%get3A_688, %get3A_689] {strides = array<i32>} : memref<32x1024xf32, #tpu.memory_space<vmem>>, vector<1x16xf32>,
      %get3A_691 = vector.shape_cast %get3A_690 : vector<1x16xf32> to vector<16xf32>
      %add3A_692 = arith.addf %get3A_686, %get3A_691 : vector<16xf32>
      %swap3A_693 = arith.constant 28 : i32
      %swap3A_694 = arith.index_cast %swap3A_693 : i32 to index
      %swap3A_695 = arith.index_cast %mul3A_681 : i32 to index
      %swap3A_696 = tpu.vector_load %arg8[%swap3A_694, %swap3A_695] {strides = array<i32>} : memref<32x1024xf32, #tpu.memory_space<vmem>>, vector<1x16xf32>,
      %swap3A_697 = vector.shape_cast %swap3A_696 : vector<1x16xf32> to vector<16xf32>
      %swap3A_698 = vector.shape_cast %add3A_692 : vector<16xf32> to vector<1x16xf32>
      tpu.vector_store %arg8[%swap3A_694, %swap3A_695], %swap3A_698 {strides = array<i32>} : memref<32x1024xf32, #tpu.memory_space<vmem>>, vector<1x16xf32>,
      %mul3A_699 = arith.constant 16 : i32
      %mul3A_700 = arith.muli %scan3A_148, %mul3A_699 : i32
      %get3A_701 = arith.constant 29 : i32
      %get3A_702 = arith.index_cast %get3A_701 : i32 to index
      %get3A_703 = arith.index_cast %mul3A_700 : i32 to index
      %get3A_704 = tpu.vector_load %arg8[%get3A_702, %get3A_703] {strides = array<i32>} : memref<32x1024xf32, #tpu.memory_space<vmem>>, vector<1x16xf32>,
      %get3A_705 = vector.shape_cast %get3A_704 : vector<1x16xf32> to vector<16xf32>
      %get3A_706 = arith.constant 29 : i32
      %get3A_707 = arith.index_cast %get3A_706 : i32 to index
      %get3A_708 = arith.index_cast %mul3A_700 : i32 to index
      %get3A_709 = tpu.vector_load %arg9[%get3A_707, %get3A_708] {strides = array<i32>} : memref<32x1024xf32, #tpu.memory_space<vmem>>, vector<1x16xf32>,
      %get3A_710 = vector.shape_cast %get3A_709 : vector<1x16xf32> to vector<16xf32>
      %add3A_711 = arith.addf %get3A_705, %get3A_710 : vector<16xf32>
      %swap3A_712 = arith.constant 29 : i32
      %swap3A_713 = arith.index_cast %swap3A_712 : i32 to index
      %swap3A_714 = arith.index_cast %mul3A_700 : i32 to index
      %swap3A_715 = tpu.vector_load %arg8[%swap3A_713, %swap3A_714] {strides = array<i32>} : memref<32x1024xf32, #tpu.memory_space<vmem>>, vector<1x16xf32>,
      %swap3A_716 = vector.shape_cast %swap3A_715 : vector<1x16xf32> to vector<16xf32>
      %swap3A_717 = vector.shape_cast %add3A_711 : vector<16xf32> to vector<1x16xf32>
      tpu.vector_store %arg8[%swap3A_713, %swap3A_714], %swap3A_717 {strides = array<i32>} : memref<32x1024xf32, #tpu.memory_space<vmem>>, vector<1x16xf32>,
      %mul3A_718 = arith.constant 16 : i32
      %mul3A_719 = arith.muli %scan3A_148, %mul3A_718 : i32
      %get3A_720 = arith.constant 30 : i32
      %get3A_721 = arith.index_cast %get3A_720 : i32 to index
      %get3A_722 = arith.index_cast %mul3A_719 : i32 to index
      %get3A_723 = tpu.vector_load %arg8[%get3A_721, %get3A_722] {strides = array<i32>} : memref<32x1024xf32, #tpu.memory_space<vmem>>, vector<1x16xf32>,
      %get3A_724 = vector.shape_cast %get3A_723 : vector<1x16xf32> to vector<16xf32>
      %get3A_725 = arith.constant 30 : i32
      %get3A_726 = arith.index_cast %get3A_725 : i32 to index
      %get3A_727 = arith.index_cast %mul3A_719 : i32 to index
      %get3A_728 = tpu.vector_load %arg9[%get3A_726, %get3A_727] {strides = array<i32>} : memref<32x1024xf32, #tpu.memory_space<vmem>>, vector<1x16xf32>,
      %get3A_729 = vector.shape_cast %get3A_728 : vector<1x16xf32> to vector<16xf32>
      %add3A_730 = arith.addf %get3A_724, %get3A_729 : vector<16xf32>
      %swap3A_731 = arith.constant 30 : i32
      %swap3A_732 = arith.index_cast %swap3A_731 : i32 to index
      %swap3A_733 = arith.index_cast %mul3A_719 : i32 to index
      %swap3A_734 = tpu.vector_load %arg8[%swap3A_732, %swap3A_733] {strides = array<i32>} : memref<32x1024xf32, #tpu.memory_space<vmem>>, vector<1x16xf32>,
      %swap3A_735 = vector.shape_cast %swap3A_734 : vector<1x16xf32> to vector<16xf32>
      %swap3A_736 = vector.shape_cast %add3A_730 : vector<16xf32> to vector<1x16xf32>
      tpu.vector_store %arg8[%swap3A_732, %swap3A_733], %swap3A_736 {strides = array<i32>} : memref<32x1024xf32, #tpu.memory_space<vmem>>, vector<1x16xf32>,
      %mul3A_737 = arith.constant 16 : i32
      %mul3A_738 = arith.muli %scan3A_148, %mul3A_737 : i32
      %get3A_739 = arith.constant 31 : i32
      %get3A_740 = arith.index_cast %get3A_739 : i32 to index
      %get3A_741 = arith.index_cast %mul3A_738 : i32 to index
      %get3A_742 = tpu.vector_load %arg8[%get3A_740, %get3A_741] {strides = array<i32>} : memref<32x1024xf32, #tpu.memory_space<vmem>>, vector<1x16xf32>,
      %get3A_743 = vector.shape_cast %get3A_742 : vector<1x16xf32> to vector<16xf32>
      %get3A_744 = arith.constant 31 : i32
      %get3A_745 = arith.index_cast %get3A_744 : i32 to index
      %get3A_746 = arith.index_cast %mul3A_738 : i32 to index
      %get3A_747 = tpu.vector_load %arg9[%get3A_745, %get3A_746] {strides = array<i32>} : memref<32x1024xf32, #tpu.memory_space<vmem>>, vector<1x16xf32>,
      %get3A_748 = vector.shape_cast %get3A_747 : vector<1x16xf32> to vector<16xf32>
      %add3A_749 = arith.addf %get3A_743, %get3A_748 : vector<16xf32>
      %swap3A_750 = arith.constant 31 : i32
      %swap3A_751 = arith.index_cast %swap3A_750 : i32 to index
      %swap3A_752 = arith.index_cast %mul3A_738 : i32 to index
      %swap3A_753 = tpu.vector_load %arg8[%swap3A_751, %swap3A_752] {strides = array<i32>} : memref<32x1024xf32, #tpu.memory_space<vmem>>, vector<1x16xf32>,
      %swap3A_754 = vector.shape_cast %swap3A_753 : vector<1x16xf32> to vector<16xf32>
      %swap3A_755 = vector.shape_cast %add3A_749 : vector<16xf32> to vector<1x16xf32>
      tpu.vector_store %arg8[%swap3A_751, %swap3A_752], %swap3A_755 {strides = array<i32>} : memref<32x1024xf32, #tpu.memory_space<vmem>>, vector<1x16xf32>,
      %scan3A_756 = arith.constant 0 : i32
      scf.yield %scan3A_756 : i32
    }
    %scan3A_71 = arith.constant 64 : i32
    %add3A_72 = arith.constant 32 : i32
    %add3A_73 = arith.addi %mul3A_2, %add3A_72 : i32
    "tpu.region"() ({
      %run_scoped3A = tpu.sem_alloc : memref<!tpu.dma_semaphore, #tpu.memory_space<semaphore_mem>>
      %dma_start3A_148 = arith.constant 0 : i32
      %dma_start3A_149 = tpu.memref_slice %arg5[%add3A_73, %dma_start3A_148] : memref<4096x1024xf32, #tpu.memory_space<hbm>> -> memref<32x1024xf32, #tpu.memory_space<hbm>>
      %dma_start3A_150 = arith.constant 0 : i32
      %dma_start3A_151 = tpu.memref_slice %arg5[%add3A_73, %dma_start3A_150] : memref<4096x1024xf32, #tpu.memory_space<hbm>> -> memref<32x1024xf32, #tpu.memory_space<hbm>>
      tpu.enqueue_dma source(%arg8 : memref<32x1024xf32, #tpu.memory_space<vmem>>) target(%dma_start3A_151 : memref<32x1024xf32, #tpu.memory_space<hbm>>) target_semaphore(%run_scoped3A : memref<!tpu.dma_semaphore, #tpu.memory_space<semaphore_mem>>)
      %dma_wait3A_152 = arith.constant 0 : i32
      %dma_wait3A_153 = tpu.memref_slice %arg5[%add3A_73, %dma_wait3A_152] : memref<4096x1024xf32, #tpu.memory_space<hbm>> -> memref<32x1024xf32, #tpu.memory_space<hbm>>
      %dma_wait3A_154 = arith.constant 0 : i32
      %dma_wait3A_155 = tpu.memref_slice %arg5[%add3A_73, %dma_wait3A_154] : memref<4096x1024xf32, #tpu.memory_space<hbm>> -> memref<32x1024xf32, #tpu.memory_space<hbm>>
      tpu.wait_dma2 semaphore(%run_scoped3A : memref<!tpu.dma_semaphore, #tpu.memory_space<semaphore_mem>>) src(%arg8 : memref<32x1024xf32, #tpu.memory_space<vmem>>) dst(%dma_wait3A_155 : memref<32x1024xf32, #tpu.memory_space<hbm>>)
      tpu.yield
    }) : () -> ()
    %dma_start3A_74 = arith.constant 2 : i32
    %dma_start3A_75 = arith.constant 0 : i32
    %dma_start3A_76 = tpu.memref_slice %arg6[%dma_start3A_74, %dma_start3A_75] : memref<4x32xi32, #tpu.memory_space<vmem>> -> memref<1x32xi32, #tpu.memory_space<vmem>>
    %dma_start3A_77 = tpu.memref_squeeze %dma_start3A_76 : memref<1x32xi32, #tpu.memory_space<vmem>> -> memref<32xi32, #tpu.memory_space<vmem>>
    %dma_start3A_78 = arith.constant 0 : i32
    %dma_start3A_79 = arith.constant 0 : i32
    %dma_start3A_80 = tpu.memref_slice %arg2[%dma_start3A_78, %dma_start3A_79] : memref<11776x1024xf32, #tpu.memory_space<hbm>> -> memref<11776x1024xf32, #tpu.memory_space<hbm>>
    tpu.enqueue_indirect_dma source(%dma_start3A_80 : memref<11776x1024xf32, #tpu.memory_space<hbm>>) target(%arg8 : memref<32x1024xf32, #tpu.memory_space<vmem>>) offsets(%dma_start3A_77 : memref<32xi32, #tpu.memory_space<vmem>>) semaphore(%arg10 : memref<!tpu.dma_semaphore, #tpu.memory_space<semaphore_mem>>)
    %dma_wait3A_81 = arith.constant 2 : i32
    %dma_wait3A_82 = arith.constant 0 : i32
    %dma_wait3A_83 = tpu.memref_slice %arg6[%dma_wait3A_81, %dma_wait3A_82] : memref<4x32xi32, #tpu.memory_space<vmem>> -> memref<1x32xi32, #tpu.memory_space<vmem>>
    %dma_wait3A_84 = tpu.memref_squeeze %dma_wait3A_83 : memref<1x32xi32, #tpu.memory_space<vmem>> -> memref<32xi32, #tpu.memory_space<vmem>>
    %dma_wait3A_85 = arith.constant 0 : i32
    %dma_wait3A_86 = arith.constant 0 : i32
    %dma_wait3A_87 = tpu.memref_slice %arg2[%dma_wait3A_85, %dma_wait3A_86] : memref<11776x1024xf32, #tpu.memory_space<hbm>> -> memref<11776x1024xf32, #tpu.memory_space<hbm>>
    tpu.wait_indirect_dma semaphore(%arg10 : memref<!tpu.dma_semaphore, #tpu.memory_space<semaphore_mem>>) src(%dma_wait3A_87 : memref<11776x1024xf32, #tpu.memory_space<hbm>>) dst(%arg8 : memref<32x1024xf32, #tpu.memory_space<vmem>>)
    %dma_start3A_88 = arith.constant 2 : i32
    %dma_start3A_89 = arith.constant 0 : i32
    %dma_start3A_90 = tpu.memref_slice %arg7[%dma_start3A_88, %dma_start3A_89] : memref<4x32xi32, #tpu.memory_space<vmem>> -> memref<1x32xi32, #tpu.memory_space<vmem>>
    %dma_start3A_91 = tpu.memref_squeeze %dma_start3A_90 : memref<1x32xi32, #tpu.memory_space<vmem>> -> memref<32xi32, #tpu.memory_space<vmem>>
    %dma_start3A_92 = arith.constant 0 : i32
    %dma_start3A_93 = arith.constant 0 : i32
    %dma_start3A_94 = tpu.memref_slice %arg2[%dma_start3A_92, %dma_start3A_93] : memref<11776x1024xf32, #tpu.memory_space<hbm>> -> memref<11776x1024xf32, #tpu.memory_space<hbm>>
    tpu.enqueue_indirect_dma source(%dma_start3A_94 : memref<11776x1024xf32, #tpu.memory_space<hbm>>) target(%arg9 : memref<32x1024xf32, #tpu.memory_space<vmem>>) offsets(%dma_start3A_91 : memref<32xi32, #tpu.memory_space<vmem>>) semaphore(%arg11 : memref<!tpu.dma_semaphore, #tpu.memory_space<semaphore_mem>>)
    %dma_wait3A_95 = arith.constant 2 : i32
    %dma_wait3A_96 = arith.constant 0 : i32
    %dma_wait3A_97 = tpu.memref_slice %arg7[%dma_wait3A_95, %dma_wait3A_96] : memref<4x32xi32, #tpu.memory_space<vmem>> -> memref<1x32xi32, #tpu.memory_space<vmem>>
    %dma_wait3A_98 = tpu.memref_squeeze %dma_wait3A_97 : memref<1x32xi32, #tpu.memory_space<vmem>> -> memref<32xi32, #tpu.memory_space<vmem>>
    %dma_wait3A_99 = arith.constant 0 : i32
    %dma_wait3A_100 = arith.constant 0 : i32
    %dma_wait3A_101 = tpu.memref_slice %arg2[%dma_wait3A_99, %dma_wait3A_100] : memref<11776x1024xf32, #tpu.memory_space<hbm>> -> memref<11776x1024xf32, #tpu.memory_space<hbm>>
    tpu.wait_indirect_dma semaphore(%arg11 : memref<!tpu.dma_semaphore, #tpu.memory_space<semaphore_mem>>) src(%dma_wait3A_101 : memref<11776x1024xf32, #tpu.memory_space<hbm>>) dst(%arg9 : memref<32x1024xf32, #tpu.memory_space<vmem>>)
    %scan3A_102 = arith.constant 0 : i32
    %scan3A_103 = arith.constant 0 : i32
    %scan3A_104 = arith.constant 64 : i32
    %scan3A_105 = arith.addi %scan3A_103, %scan3A_104 : i32
    %scan3A_106 = arith.constant 1 : i32
    %scan3A_107 = scf.for %scan3A_148 = %scan3A_103 to %scan3A_105 step %scan3A_106 iter_args(%scan3A_149 = %scan3A_102) -> (i32)  : i32 {
      %mul3A_150 = arith.constant 16 : i32
      %mul3A_151 = arith.muli %scan3A_148, %mul3A_150 : i32
      %get3A = arith.constant 0 : i32
      %get3A_152 = arith.index_cast %get3A : i32 to index
      %get3A_153 = arith.index_cast %mul3A_151 : i32 to index
      %get3A_154 = tpu.vector_load %arg8[%get3A_152, %get3A_153] {strides = array<i32>} : memref<32x1024xf32, #tpu.memory_space<vmem>>, vector<1x16xf32>,
      %get3A_155 = vector.shape_cast %get3A_154 : vector<1x16xf32> to vector<16xf32>
      %get3A_156 = arith.constant 0 : i32
      %get3A_157 = arith.index_cast %get3A_156 : i32 to index
      %get3A_158 = arith.index_cast %mul3A_151 : i32 to index
      %get3A_159 = tpu.vector_load %arg9[%get3A_157, %get3A_158] {strides = array<i32>} : memref<32x1024xf32, #tpu.memory_space<vmem>>, vector<1x16xf32>,
      %get3A_160 = vector.shape_cast %get3A_159 : vector<1x16xf32> to vector<16xf32>
      %add3A_161 = arith.addf %get3A_155, %get3A_160 : vector<16xf32>
      %swap3A = arith.constant 0 : i32
      %swap3A_162 = arith.index_cast %swap3A : i32 to index
      %swap3A_163 = arith.index_cast %mul3A_151 : i32 to index
      %swap3A_164 = tpu.vector_load %arg8[%swap3A_162, %swap3A_163] {strides = array<i32>} : memref<32x1024xf32, #tpu.memory_space<vmem>>, vector<1x16xf32>,
      %swap3A_165 = vector.shape_cast %swap3A_164 : vector<1x16xf32> to vector<16xf32>
      %swap3A_166 = vector.shape_cast %add3A_161 : vector<16xf32> to vector<1x16xf32>
      tpu.vector_store %arg8[%swap3A_162, %swap3A_163], %swap3A_166 {strides = array<i32>} : memref<32x1024xf32, #tpu.memory_space<vmem>>, vector<1x16xf32>,
      %mul3A_167 = arith.constant 16 : i32
      %mul3A_168 = arith.muli %scan3A_148, %mul3A_167 : i32
      %get3A_169 = arith.constant 1 : i32
      %get3A_170 = arith.index_cast %get3A_169 : i32 to index
      %get3A_171 = arith.index_cast %mul3A_168 : i32 to index
      %get3A_172 = tpu.vector_load %arg8[%get3A_170, %get3A_171] {strides = array<i32>} : memref<32x1024xf32, #tpu.memory_space<vmem>>, vector<1x16xf32>,
      %get3A_173 = vector.shape_cast %get3A_172 : vector<1x16xf32> to vector<16xf32>
      %get3A_174 = arith.constant 1 : i32
      %get3A_175 = arith.index_cast %get3A_174 : i32 to index
      %get3A_176 = arith.index_cast %mul3A_168 : i32 to index
      %get3A_177 = tpu.vector_load %arg9[%get3A_175, %get3A_176] {strides = array<i32>} : memref<32x1024xf32, #tpu.memory_space<vmem>>, vector<1x16xf32>,
      %get3A_178 = vector.shape_cast %get3A_177 : vector<1x16xf32> to vector<16xf32>
      %add3A_179 = arith.addf %get3A_173, %get3A_178 : vector<16xf32>
      %swap3A_180 = arith.constant 1 : i32
      %swap3A_181 = arith.index_cast %swap3A_180 : i32 to index
      %swap3A_182 = arith.index_cast %mul3A_168 : i32 to index
      %swap3A_183 = tpu.vector_load %arg8[%swap3A_181, %swap3A_182] {strides = array<i32>} : memref<32x1024xf32, #tpu.memory_space<vmem>>, vector<1x16xf32>,
      %swap3A_184 = vector.shape_cast %swap3A_183 : vector<1x16xf32> to vector<16xf32>
      %swap3A_185 = vector.shape_cast %add3A_179 : vector<16xf32> to vector<1x16xf32>
      tpu.vector_store %arg8[%swap3A_181, %swap3A_182], %swap3A_185 {strides = array<i32>} : memref<32x1024xf32, #tpu.memory_space<vmem>>, vector<1x16xf32>,
      %mul3A_186 = arith.constant 16 : i32
      %mul3A_187 = arith.muli %scan3A_148, %mul3A_186 : i32
      %get3A_188 = arith.constant 2 : i32
      %get3A_189 = arith.index_cast %get3A_188 : i32 to index
      %get3A_190 = arith.index_cast %mul3A_187 : i32 to index
      %get3A_191 = tpu.vector_load %arg8[%get3A_189, %get3A_190] {strides = array<i32>} : memref<32x1024xf32, #tpu.memory_space<vmem>>, vector<1x16xf32>,
      %get3A_192 = vector.shape_cast %get3A_191 : vector<1x16xf32> to vector<16xf32>
      %get3A_193 = arith.constant 2 : i32
      %get3A_194 = arith.index_cast %get3A_193 : i32 to index
      %get3A_195 = arith.index_cast %mul3A_187 : i32 to index
      %get3A_196 = tpu.vector_load %arg9[%get3A_194, %get3A_195] {strides = array<i32>} : memref<32x1024xf32, #tpu.memory_space<vmem>>, vector<1x16xf32>,
      %get3A_197 = vector.shape_cast %get3A_196 : vector<1x16xf32> to vector<16xf32>
      %add3A_198 = arith.addf %get3A_192, %get3A_197 : vector<16xf32>
      %swap3A_199 = arith.constant 2 : i32
      %swap3A_200 = arith.index_cast %swap3A_199 : i32 to index
      %swap3A_201 = arith.index_cast %mul3A_187 : i32 to index
      %swap3A_202 = tpu.vector_load %arg8[%swap3A_200, %swap3A_201] {strides = array<i32>} : memref<32x1024xf32, #tpu.memory_space<vmem>>, vector<1x16xf32>,
      %swap3A_203 = vector.shape_cast %swap3A_202 : vector<1x16xf32> to vector<16xf32>
      %swap3A_204 = vector.shape_cast %add3A_198 : vector<16xf32> to vector<1x16xf32>
      tpu.vector_store %arg8[%swap3A_200, %swap3A_201], %swap3A_204 {strides = array<i32>} : memref<32x1024xf32, #tpu.memory_space<vmem>>, vector<1x16xf32>,
      %mul3A_205 = arith.constant 16 : i32
      %mul3A_206 = arith.muli %scan3A_148, %mul3A_205 : i32
      %get3A_207 = arith.constant 3 : i32
      %get3A_208 = arith.index_cast %get3A_207 : i32 to index
      %get3A_209 = arith.index_cast %mul3A_206 : i32 to index
      %get3A_210 = tpu.vector_load %arg8[%get3A_208, %get3A_209] {strides = array<i32>} : memref<32x1024xf32, #tpu.memory_space<vmem>>, vector<1x16xf32>,
      %get3A_211 = vector.shape_cast %get3A_210 : vector<1x16xf32> to vector<16xf32>
      %get3A_212 = arith.constant 3 : i32
      %get3A_213 = arith.index_cast %get3A_212 : i32 to index
      %get3A_214 = arith.index_cast %mul3A_206 : i32 to index
      %get3A_215 = tpu.vector_load %arg9[%get3A_213, %get3A_214] {strides = array<i32>} : memref<32x1024xf32, #tpu.memory_space<vmem>>, vector<1x16xf32>,
      %get3A_216 = vector.shape_cast %get3A_215 : vector<1x16xf32> to vector<16xf32>
      %add3A_217 = arith.addf %get3A_211, %get3A_216 : vector<16xf32>
      %swap3A_218 = arith.constant 3 : i32
      %swap3A_219 = arith.index_cast %swap3A_218 : i32 to index
      %swap3A_220 = arith.index_cast %mul3A_206 : i32 to index
      %swap3A_221 = tpu.vector_load %arg8[%swap3A_219, %swap3A_220] {strides = array<i32>} : memref<32x1024xf32, #tpu.memory_space<vmem>>, vector<1x16xf32>,
      %swap3A_222 = vector.shape_cast %swap3A_221 : vector<1x16xf32> to vector<16xf32>
      %swap3A_223 = vector.shape_cast %add3A_217 : vector<16xf32> to vector<1x16xf32>
      tpu.vector_store %arg8[%swap3A_219, %swap3A_220], %swap3A_223 {strides = array<i32>} : memref<32x1024xf32, #tpu.memory_space<vmem>>, vector<1x16xf32>,
      %mul3A_224 = arith.constant 16 : i32
      %mul3A_225 = arith.muli %scan3A_148, %mul3A_224 : i32
      %get3A_226 = arith.constant 4 : i32
      %get3A_227 = arith.index_cast %get3A_226 : i32 to index
      %get3A_228 = arith.index_cast %mul3A_225 : i32 to index
      %get3A_229 = tpu.vector_load %arg8[%get3A_227, %get3A_228] {strides = array<i32>} : memref<32x1024xf32, #tpu.memory_space<vmem>>, vector<1x16xf32>,
      %get3A_230 = vector.shape_cast %get3A_229 : vector<1x16xf32> to vector<16xf32>
      %get3A_231 = arith.constant 4 : i32
      %get3A_232 = arith.index_cast %get3A_231 : i32 to index
      %get3A_233 = arith.index_cast %mul3A_225 : i32 to index
      %get3A_234 = tpu.vector_load %arg9[%get3A_232, %get3A_233] {strides = array<i32>} : memref<32x1024xf32, #tpu.memory_space<vmem>>, vector<1x16xf32>,
      %get3A_235 = vector.shape_cast %get3A_234 : vector<1x16xf32> to vector<16xf32>
      %add3A_236 = arith.addf %get3A_230, %get3A_235 : vector<16xf32>
      %swap3A_237 = arith.constant 4 : i32
      %swap3A_238 = arith.index_cast %swap3A_237 : i32 to index
      %swap3A_239 = arith.index_cast %mul3A_225 : i32 to index
      %swap3A_240 = tpu.vector_load %arg8[%swap3A_238, %swap3A_239] {strides = array<i32>} : memref<32x1024xf32, #tpu.memory_space<vmem>>, vector<1x16xf32>,
      %swap3A_241 = vector.shape_cast %swap3A_240 : vector<1x16xf32> to vector<16xf32>
      %swap3A_242 = vector.shape_cast %add3A_236 : vector<16xf32> to vector<1x16xf32>
      tpu.vector_store %arg8[%swap3A_238, %swap3A_239], %swap3A_242 {strides = array<i32>} : memref<32x1024xf32, #tpu.memory_space<vmem>>, vector<1x16xf32>,
      %mul3A_243 = arith.constant 16 : i32
      %mul3A_244 = arith.muli %scan3A_148, %mul3A_243 : i32
      %get3A_245 = arith.constant 5 : i32
      %get3A_246 = arith.index_cast %get3A_245 : i32 to index
      %get3A_247 = arith.index_cast %mul3A_244 : i32 to index
      %get3A_248 = tpu.vector_load %arg8[%get3A_246, %get3A_247] {strides = array<i32>} : memref<32x1024xf32, #tpu.memory_space<vmem>>, vector<1x16xf32>,
      %get3A_249 = vector.shape_cast %get3A_248 : vector<1x16xf32> to vector<16xf32>
      %get3A_250 = arith.constant 5 : i32
      %get3A_251 = arith.index_cast %get3A_250 : i32 to index
      %get3A_252 = arith.index_cast %mul3A_244 : i32 to index
      %get3A_253 = tpu.vector_load %arg9[%get3A_251, %get3A_252] {strides = array<i32>} : memref<32x1024xf32, #tpu.memory_space<vmem>>, vector<1x16xf32>,
      %get3A_254 = vector.shape_cast %get3A_253 : vector<1x16xf32> to vector<16xf32>
      %add3A_255 = arith.addf %get3A_249, %get3A_254 : vector<16xf32>
      %swap3A_256 = arith.constant 5 : i32
      %swap3A_257 = arith.index_cast %swap3A_256 : i32 to index
      %swap3A_258 = arith.index_cast %mul3A_244 : i32 to index
      %swap3A_259 = tpu.vector_load %arg8[%swap3A_257, %swap3A_258] {strides = array<i32>} : memref<32x1024xf32, #tpu.memory_space<vmem>>, vector<1x16xf32>,
      %swap3A_260 = vector.shape_cast %swap3A_259 : vector<1x16xf32> to vector<16xf32>
      %swap3A_261 = vector.shape_cast %add3A_255 : vector<16xf32> to vector<1x16xf32>
      tpu.vector_store %arg8[%swap3A_257, %swap3A_258], %swap3A_261 {strides = array<i32>} : memref<32x1024xf32, #tpu.memory_space<vmem>>, vector<1x16xf32>,
      %mul3A_262 = arith.constant 16 : i32
      %mul3A_263 = arith.muli %scan3A_148, %mul3A_262 : i32
      %get3A_264 = arith.constant 6 : i32
      %get3A_265 = arith.index_cast %get3A_264 : i32 to index
      %get3A_266 = arith.index_cast %mul3A_263 : i32 to index
      %get3A_267 = tpu.vector_load %arg8[%get3A_265, %get3A_266] {strides = array<i32>} : memref<32x1024xf32, #tpu.memory_space<vmem>>, vector<1x16xf32>,
      %get3A_268 = vector.shape_cast %get3A_267 : vector<1x16xf32> to vector<16xf32>
      %get3A_269 = arith.constant 6 : i32
      %get3A_270 = arith.index_cast %get3A_269 : i32 to index
      %get3A_271 = arith.index_cast %mul3A_263 : i32 to index
      %get3A_272 = tpu.vector_load %arg9[%get3A_270, %get3A_271] {strides = array<i32>} : memref<32x1024xf32, #tpu.memory_space<vmem>>, vector<1x16xf32>,
      %get3A_273 = vector.shape_cast %get3A_272 : vector<1x16xf32> to vector<16xf32>
      %add3A_274 = arith.addf %get3A_268, %get3A_273 : vector<16xf32>
      %swap3A_275 = arith.constant 6 : i32
      %swap3A_276 = arith.index_cast %swap3A_275 : i32 to index
      %swap3A_277 = arith.index_cast %mul3A_263 : i32 to index
      %swap3A_278 = tpu.vector_load %arg8[%swap3A_276, %swap3A_277] {strides = array<i32>} : memref<32x1024xf32, #tpu.memory_space<vmem>>, vector<1x16xf32>,
      %swap3A_279 = vector.shape_cast %swap3A_278 : vector<1x16xf32> to vector<16xf32>
      %swap3A_280 = vector.shape_cast %add3A_274 : vector<16xf32> to vector<1x16xf32>
      tpu.vector_store %arg8[%swap3A_276, %swap3A_277], %swap3A_280 {strides = array<i32>} : memref<32x1024xf32, #tpu.memory_space<vmem>>, vector<1x16xf32>,
      %mul3A_281 = arith.constant 16 : i32
      %mul3A_282 = arith.muli %scan3A_148, %mul3A_281 : i32
      %get3A_283 = arith.constant 7 : i32
      %get3A_284 = arith.index_cast %get3A_283 : i32 to index
      %get3A_285 = arith.index_cast %mul3A_282 : i32 to index
      %get3A_286 = tpu.vector_load %arg8[%get3A_284, %get3A_285] {strides = array<i32>} : memref<32x1024xf32, #tpu.memory_space<vmem>>, vector<1x16xf32>,
      %get3A_287 = vector.shape_cast %get3A_286 : vector<1x16xf32> to vector<16xf32>
      %get3A_288 = arith.constant 7 : i32
      %get3A_289 = arith.index_cast %get3A_288 : i32 to index
      %get3A_290 = arith.index_cast %mul3A_282 : i32 to index
      %get3A_291 = tpu.vector_load %arg9[%get3A_289, %get3A_290] {strides = array<i32>} : memref<32x1024xf32, #tpu.memory_space<vmem>>, vector<1x16xf32>,
      %get3A_292 = vector.shape_cast %get3A_291 : vector<1x16xf32> to vector<16xf32>
      %add3A_293 = arith.addf %get3A_287, %get3A_292 : vector<16xf32>
      %swap3A_294 = arith.constant 7 : i32
      %swap3A_295 = arith.index_cast %swap3A_294 : i32 to index
      %swap3A_296 = arith.index_cast %mul3A_282 : i32 to index
      %swap3A_297 = tpu.vector_load %arg8[%swap3A_295, %swap3A_296] {strides = array<i32>} : memref<32x1024xf32, #tpu.memory_space<vmem>>, vector<1x16xf32>,
      %swap3A_298 = vector.shape_cast %swap3A_297 : vector<1x16xf32> to vector<16xf32>
      %swap3A_299 = vector.shape_cast %add3A_293 : vector<16xf32> to vector<1x16xf32>
      tpu.vector_store %arg8[%swap3A_295, %swap3A_296], %swap3A_299 {strides = array<i32>} : memref<32x1024xf32, #tpu.memory_space<vmem>>, vector<1x16xf32>,
      %mul3A_300 = arith.constant 16 : i32
      %mul3A_301 = arith.muli %scan3A_148, %mul3A_300 : i32
      %get3A_302 = arith.constant 8 : i32
      %get3A_303 = arith.index_cast %get3A_302 : i32 to index
      %get3A_304 = arith.index_cast %mul3A_301 : i32 to index
      %get3A_305 = tpu.vector_load %arg8[%get3A_303, %get3A_304] {strides = array<i32>} : memref<32x1024xf32, #tpu.memory_space<vmem>>, vector<1x16xf32>,
      %get3A_306 = vector.shape_cast %get3A_305 : vector<1x16xf32> to vector<16xf32>
      %get3A_307 = arith.constant 8 : i32
      %get3A_308 = arith.index_cast %get3A_307 : i32 to index
      %get3A_309 = arith.index_cast %mul3A_301 : i32 to index
      %get3A_310 = tpu.vector_load %arg9[%get3A_308, %get3A_309] {strides = array<i32>} : memref<32x1024xf32, #tpu.memory_space<vmem>>, vector<1x16xf32>,
      %get3A_311 = vector.shape_cast %get3A_310 : vector<1x16xf32> to vector<16xf32>
      %add3A_312 = arith.addf %get3A_306, %get3A_311 : vector<16xf32>
      %swap3A_313 = arith.constant 8 : i32
      %swap3A_314 = arith.index_cast %swap3A_313 : i32 to index
      %swap3A_315 = arith.index_cast %mul3A_301 : i32 to index
      %swap3A_316 = tpu.vector_load %arg8[%swap3A_314, %swap3A_315] {strides = array<i32>} : memref<32x1024xf32, #tpu.memory_space<vmem>>, vector<1x16xf32>,
      %swap3A_317 = vector.shape_cast %swap3A_316 : vector<1x16xf32> to vector<16xf32>
      %swap3A_318 = vector.shape_cast %add3A_312 : vector<16xf32> to vector<1x16xf32>
      tpu.vector_store %arg8[%swap3A_314, %swap3A_315], %swap3A_318 {strides = array<i32>} : memref<32x1024xf32, #tpu.memory_space<vmem>>, vector<1x16xf32>,
      %mul3A_319 = arith.constant 16 : i32
      %mul3A_320 = arith.muli %scan3A_148, %mul3A_319 : i32
      %get3A_321 = arith.constant 9 : i32
      %get3A_322 = arith.index_cast %get3A_321 : i32 to index
      %get3A_323 = arith.index_cast %mul3A_320 : i32 to index
      %get3A_324 = tpu.vector_load %arg8[%get3A_322, %get3A_323] {strides = array<i32>} : memref<32x1024xf32, #tpu.memory_space<vmem>>, vector<1x16xf32>,
      %get3A_325 = vector.shape_cast %get3A_324 : vector<1x16xf32> to vector<16xf32>
      %get3A_326 = arith.constant 9 : i32
      %get3A_327 = arith.index_cast %get3A_326 : i32 to index
      %get3A_328 = arith.index_cast %mul3A_320 : i32 to index
      %get3A_329 = tpu.vector_load %arg9[%get3A_327, %get3A_328] {strides = array<i32>} : memref<32x1024xf32, #tpu.memory_space<vmem>>, vector<1x16xf32>,
      %get3A_330 = vector.shape_cast %get3A_329 : vector<1x16xf32> to vector<16xf32>
      %add3A_331 = arith.addf %get3A_325, %get3A_330 : vector<16xf32>
      %swap3A_332 = arith.constant 9 : i32
      %swap3A_333 = arith.index_cast %swap3A_332 : i32 to index
      %swap3A_334 = arith.index_cast %mul3A_320 : i32 to index
      %swap3A_335 = tpu.vector_load %arg8[%swap3A_333, %swap3A_334] {strides = array<i32>} : memref<32x1024xf32, #tpu.memory_space<vmem>>, vector<1x16xf32>,
      %swap3A_336 = vector.shape_cast %swap3A_335 : vector<1x16xf32> to vector<16xf32>
      %swap3A_337 = vector.shape_cast %add3A_331 : vector<16xf32> to vector<1x16xf32>
      tpu.vector_store %arg8[%swap3A_333, %swap3A_334], %swap3A_337 {strides = array<i32>} : memref<32x1024xf32, #tpu.memory_space<vmem>>, vector<1x16xf32>,
      %mul3A_338 = arith.constant 16 : i32
      %mul3A_339 = arith.muli %scan3A_148, %mul3A_338 : i32
      %get3A_340 = arith.constant 10 : i32
      %get3A_341 = arith.index_cast %get3A_340 : i32 to index
      %get3A_342 = arith.index_cast %mul3A_339 : i32 to index
      %get3A_343 = tpu.vector_load %arg8[%get3A_341, %get3A_342] {strides = array<i32>} : memref<32x1024xf32, #tpu.memory_space<vmem>>, vector<1x16xf32>,
      %get3A_344 = vector.shape_cast %get3A_343 : vector<1x16xf32> to vector<16xf32>
      %get3A_345 = arith.constant 10 : i32
      %get3A_346 = arith.index_cast %get3A_345 : i32 to index
      %get3A_347 = arith.index_cast %mul3A_339 : i32 to index
      %get3A_348 = tpu.vector_load %arg9[%get3A_346, %get3A_347] {strides = array<i32>} : memref<32x1024xf32, #tpu.memory_space<vmem>>, vector<1x16xf32>,
      %get3A_349 = vector.shape_cast %get3A_348 : vector<1x16xf32> to vector<16xf32>
      %add3A_350 = arith.addf %get3A_344, %get3A_349 : vector<16xf32>
      %swap3A_351 = arith.constant 10 : i32
      %swap3A_352 = arith.index_cast %swap3A_351 : i32 to index
      %swap3A_353 = arith.index_cast %mul3A_339 : i32 to index
      %swap3A_354 = tpu.vector_load %arg8[%swap3A_352, %swap3A_353] {strides = array<i32>} : memref<32x1024xf32, #tpu.memory_space<vmem>>, vector<1x16xf32>,
      %swap3A_355 = vector.shape_cast %swap3A_354 : vector<1x16xf32> to vector<16xf32>
      %swap3A_356 = vector.shape_cast %add3A_350 : vector<16xf32> to vector<1x16xf32>
      tpu.vector_store %arg8[%swap3A_352, %swap3A_353], %swap3A_356 {strides = array<i32>} : memref<32x1024xf32, #tpu.memory_space<vmem>>, vector<1x16xf32>,
      %mul3A_357 = arith.constant 16 : i32
      %mul3A_358 = arith.muli %scan3A_148, %mul3A_357 : i32
      %get3A_359 = arith.constant 11 : i32
      %get3A_360 = arith.index_cast %get3A_359 : i32 to index
      %get3A_361 = arith.index_cast %mul3A_358 : i32 to index
      %get3A_362 = tpu.vector_load %arg8[%get3A_360, %get3A_361] {strides = array<i32>} : memref<32x1024xf32, #tpu.memory_space<vmem>>, vector<1x16xf32>,
      %get3A_363 = vector.shape_cast %get3A_362 : vector<1x16xf32> to vector<16xf32>
      %get3A_364 = arith.constant 11 : i32
      %get3A_365 = arith.index_cast %get3A_364 : i32 to index
      %get3A_366 = arith.index_cast %mul3A_358 : i32 to index
      %get3A_367 = tpu.vector_load %arg9[%get3A_365, %get3A_366] {strides = array<i32>} : memref<32x1024xf32, #tpu.memory_space<vmem>>, vector<1x16xf32>,
      %get3A_368 = vector.shape_cast %get3A_367 : vector<1x16xf32> to vector<16xf32>
      %add3A_369 = arith.addf %get3A_363, %get3A_368 : vector<16xf32>
      %swap3A_370 = arith.constant 11 : i32
      %swap3A_371 = arith.index_cast %swap3A_370 : i32 to index
      %swap3A_372 = arith.index_cast %mul3A_358 : i32 to index
      %swap3A_373 = tpu.vector_load %arg8[%swap3A_371, %swap3A_372] {strides = array<i32>} : memref<32x1024xf32, #tpu.memory_space<vmem>>, vector<1x16xf32>,
      %swap3A_374 = vector.shape_cast %swap3A_373 : vector<1x16xf32> to vector<16xf32>
      %swap3A_375 = vector.shape_cast %add3A_369 : vector<16xf32> to vector<1x16xf32>
      tpu.vector_store %arg8[%swap3A_371, %swap3A_372], %swap3A_375 {strides = array<i32>} : memref<32x1024xf32, #tpu.memory_space<vmem>>, vector<1x16xf32>,
      %mul3A_376 = arith.constant 16 : i32
      %mul3A_377 = arith.muli %scan3A_148, %mul3A_376 : i32
      %get3A_378 = arith.constant 12 : i32
      %get3A_379 = arith.index_cast %get3A_378 : i32 to index
      %get3A_380 = arith.index_cast %mul3A_377 : i32 to index
      %get3A_381 = tpu.vector_load %arg8[%get3A_379, %get3A_380] {strides = array<i32>} : memref<32x1024xf32, #tpu.memory_space<vmem>>, vector<1x16xf32>,
      %get3A_382 = vector.shape_cast %get3A_381 : vector<1x16xf32> to vector<16xf32>
      %get3A_383 = arith.constant 12 : i32
      %get3A_384 = arith.index_cast %get3A_383 : i32 to index
      %get3A_385 = arith.index_cast %mul3A_377 : i32 to index
      %get3A_386 = tpu.vector_load %arg9[%get3A_384, %get3A_385] {strides = array<i32>} : memref<32x1024xf32, #tpu.memory_space<vmem>>, vector<1x16xf32>,
      %get3A_387 = vector.shape_cast %get3A_386 : vector<1x16xf32> to vector<16xf32>
      %add3A_388 = arith.addf %get3A_382, %get3A_387 : vector<16xf32>
      %swap3A_389 = arith.constant 12 : i32
      %swap3A_390 = arith.index_cast %swap3A_389 : i32 to index
      %swap3A_391 = arith.index_cast %mul3A_377 : i32 to index
      %swap3A_392 = tpu.vector_load %arg8[%swap3A_390, %swap3A_391] {strides = array<i32>} : memref<32x1024xf32, #tpu.memory_space<vmem>>, vector<1x16xf32>,
      %swap3A_393 = vector.shape_cast %swap3A_392 : vector<1x16xf32> to vector<16xf32>
      %swap3A_394 = vector.shape_cast %add3A_388 : vector<16xf32> to vector<1x16xf32>
      tpu.vector_store %arg8[%swap3A_390, %swap3A_391], %swap3A_394 {strides = array<i32>} : memref<32x1024xf32, #tpu.memory_space<vmem>>, vector<1x16xf32>,
      %mul3A_395 = arith.constant 16 : i32
      %mul3A_396 = arith.muli %scan3A_148, %mul3A_395 : i32
      %get3A_397 = arith.constant 13 : i32
      %get3A_398 = arith.index_cast %get3A_397 : i32 to index
      %get3A_399 = arith.index_cast %mul3A_396 : i32 to index
      %get3A_400 = tpu.vector_load %arg8[%get3A_398, %get3A_399] {strides = array<i32>} : memref<32x1024xf32, #tpu.memory_space<vmem>>, vector<1x16xf32>,
      %get3A_401 = vector.shape_cast %get3A_400 : vector<1x16xf32> to vector<16xf32>
      %get3A_402 = arith.constant 13 : i32
      %get3A_403 = arith.index_cast %get3A_402 : i32 to index
      %get3A_404 = arith.index_cast %mul3A_396 : i32 to index
      %get3A_405 = tpu.vector_load %arg9[%get3A_403, %get3A_404] {strides = array<i32>} : memref<32x1024xf32, #tpu.memory_space<vmem>>, vector<1x16xf32>,
      %get3A_406 = vector.shape_cast %get3A_405 : vector<1x16xf32> to vector<16xf32>
      %add3A_407 = arith.addf %get3A_401, %get3A_406 : vector<16xf32>
      %swap3A_408 = arith.constant 13 : i32
      %swap3A_409 = arith.index_cast %swap3A_408 : i32 to index
      %swap3A_410 = arith.index_cast %mul3A_396 : i32 to index
      %swap3A_411 = tpu.vector_load %arg8[%swap3A_409, %swap3A_410] {strides = array<i32>} : memref<32x1024xf32, #tpu.memory_space<vmem>>, vector<1x16xf32>,
      %swap3A_412 = vector.shape_cast %swap3A_411 : vector<1x16xf32> to vector<16xf32>
      %swap3A_413 = vector.shape_cast %add3A_407 : vector<16xf32> to vector<1x16xf32>
      tpu.vector_store %arg8[%swap3A_409, %swap3A_410], %swap3A_413 {strides = array<i32>} : memref<32x1024xf32, #tpu.memory_space<vmem>>, vector<1x16xf32>,
      %mul3A_414 = arith.constant 16 : i32
      %mul3A_415 = arith.muli %scan3A_148, %mul3A_414 : i32
      %get3A_416 = arith.constant 14 : i32
      %get3A_417 = arith.index_cast %get3A_416 : i32 to index
      %get3A_418 = arith.index_cast %mul3A_415 : i32 to index
      %get3A_419 = tpu.vector_load %arg8[%get3A_417, %get3A_418] {strides = array<i32>} : memref<32x1024xf32, #tpu.memory_space<vmem>>, vector<1x16xf32>,
      %get3A_420 = vector.shape_cast %get3A_419 : vector<1x16xf32> to vector<16xf32>
      %get3A_421 = arith.constant 14 : i32
      %get3A_422 = arith.index_cast %get3A_421 : i32 to index
      %get3A_423 = arith.index_cast %mul3A_415 : i32 to index
      %get3A_424 = tpu.vector_load %arg9[%get3A_422, %get3A_423] {strides = array<i32>} : memref<32x1024xf32, #tpu.memory_space<vmem>>, vector<1x16xf32>,
      %get3A_425 = vector.shape_cast %get3A_424 : vector<1x16xf32> to vector<16xf32>
      %add3A_426 = arith.addf %get3A_420, %get3A_425 : vector<16xf32>
      %swap3A_427 = arith.constant 14 : i32
      %swap3A_428 = arith.index_cast %swap3A_427 : i32 to index
      %swap3A_429 = arith.index_cast %mul3A_415 : i32 to index
      %swap3A_430 = tpu.vector_load %arg8[%swap3A_428, %swap3A_429] {strides = array<i32>} : memref<32x1024xf32, #tpu.memory_space<vmem>>, vector<1x16xf32>,
      %swap3A_431 = vector.shape_cast %swap3A_430 : vector<1x16xf32> to vector<16xf32>
      %swap3A_432 = vector.shape_cast %add3A_426 : vector<16xf32> to vector<1x16xf32>
      tpu.vector_store %arg8[%swap3A_428, %swap3A_429], %swap3A_432 {strides = array<i32>} : memref<32x1024xf32, #tpu.memory_space<vmem>>, vector<1x16xf32>,
      %mul3A_433 = arith.constant 16 : i32
      %mul3A_434 = arith.muli %scan3A_148, %mul3A_433 : i32
      %get3A_435 = arith.constant 15 : i32
      %get3A_436 = arith.index_cast %get3A_435 : i32 to index
      %get3A_437 = arith.index_cast %mul3A_434 : i32 to index
      %get3A_438 = tpu.vector_load %arg8[%get3A_436, %get3A_437] {strides = array<i32>} : memref<32x1024xf32, #tpu.memory_space<vmem>>, vector<1x16xf32>,
      %get3A_439 = vector.shape_cast %get3A_438 : vector<1x16xf32> to vector<16xf32>
      %get3A_440 = arith.constant 15 : i32
      %get3A_441 = arith.index_cast %get3A_440 : i32 to index
      %get3A_442 = arith.index_cast %mul3A_434 : i32 to index
      %get3A_443 = tpu.vector_load %arg9[%get3A_441, %get3A_442] {strides = array<i32>} : memref<32x1024xf32, #tpu.memory_space<vmem>>, vector<1x16xf32>,
      %get3A_444 = vector.shape_cast %get3A_443 : vector<1x16xf32> to vector<16xf32>
      %add3A_445 = arith.addf %get3A_439, %get3A_444 : vector<16xf32>
      %swap3A_446 = arith.constant 15 : i32
      %swap3A_447 = arith.index_cast %swap3A_446 : i32 to index
      %swap3A_448 = arith.index_cast %mul3A_434 : i32 to index
      %swap3A_449 = tpu.vector_load %arg8[%swap3A_447, %swap3A_448] {strides = array<i32>} : memref<32x1024xf32, #tpu.memory_space<vmem>>, vector<1x16xf32>,
      %swap3A_450 = vector.shape_cast %swap3A_449 : vector<1x16xf32> to vector<16xf32>
      %swap3A_451 = vector.shape_cast %add3A_445 : vector<16xf32> to vector<1x16xf32>
      tpu.vector_store %arg8[%swap3A_447, %swap3A_448], %swap3A_451 {strides = array<i32>} : memref<32x1024xf32, #tpu.memory_space<vmem>>, vector<1x16xf32>,
      %mul3A_452 = arith.constant 16 : i32
      %mul3A_453 = arith.muli %scan3A_148, %mul3A_452 : i32
      %get3A_454 = arith.constant 16 : i32
      %get3A_455 = arith.index_cast %get3A_454 : i32 to index
      %get3A_456 = arith.index_cast %mul3A_453 : i32 to index
      %get3A_457 = tpu.vector_load %arg8[%get3A_455, %get3A_456] {strides = array<i32>} : memref<32x1024xf32, #tpu.memory_space<vmem>>, vector<1x16xf32>,
      %get3A_458 = vector.shape_cast %get3A_457 : vector<1x16xf32> to vector<16xf32>
      %get3A_459 = arith.constant 16 : i32
      %get3A_460 = arith.index_cast %get3A_459 : i32 to index
      %get3A_461 = arith.index_cast %mul3A_453 : i32 to index
      %get3A_462 = tpu.vector_load %arg9[%get3A_460, %get3A_461] {strides = array<i32>} : memref<32x1024xf32, #tpu.memory_space<vmem>>, vector<1x16xf32>,
      %get3A_463 = vector.shape_cast %get3A_462 : vector<1x16xf32> to vector<16xf32>
      %add3A_464 = arith.addf %get3A_458, %get3A_463 : vector<16xf32>
      %swap3A_465 = arith.constant 16 : i32
      %swap3A_466 = arith.index_cast %swap3A_465 : i32 to index
      %swap3A_467 = arith.index_cast %mul3A_453 : i32 to index
      %swap3A_468 = tpu.vector_load %arg8[%swap3A_466, %swap3A_467] {strides = array<i32>} : memref<32x1024xf32, #tpu.memory_space<vmem>>, vector<1x16xf32>,
      %swap3A_469 = vector.shape_cast %swap3A_468 : vector<1x16xf32> to vector<16xf32>
      %swap3A_470 = vector.shape_cast %add3A_464 : vector<16xf32> to vector<1x16xf32>
      tpu.vector_store %arg8[%swap3A_466, %swap3A_467], %swap3A_470 {strides = array<i32>} : memref<32x1024xf32, #tpu.memory_space<vmem>>, vector<1x16xf32>,
      %mul3A_471 = arith.constant 16 : i32
      %mul3A_472 = arith.muli %scan3A_148, %mul3A_471 : i32
      %get3A_473 = arith.constant 17 : i32
      %get3A_474 = arith.index_cast %get3A_473 : i32 to index
      %get3A_475 = arith.index_cast %mul3A_472 : i32 to index
      %get3A_476 = tpu.vector_load %arg8[%get3A_474, %get3A_475] {strides = array<i32>} : memref<32x1024xf32, #tpu.memory_space<vmem>>, vector<1x16xf32>,
      %get3A_477 = vector.shape_cast %get3A_476 : vector<1x16xf32> to vector<16xf32>
      %get3A_478 = arith.constant 17 : i32
      %get3A_479 = arith.index_cast %get3A_478 : i32 to index
      %get3A_480 = arith.index_cast %mul3A_472 : i32 to index
      %get3A_481 = tpu.vector_load %arg9[%get3A_479, %get3A_480] {strides = array<i32>} : memref<32x1024xf32, #tpu.memory_space<vmem>>, vector<1x16xf32>,
      %get3A_482 = vector.shape_cast %get3A_481 : vector<1x16xf32> to vector<16xf32>
      %add3A_483 = arith.addf %get3A_477, %get3A_482 : vector<16xf32>
      %swap3A_484 = arith.constant 17 : i32
      %swap3A_485 = arith.index_cast %swap3A_484 : i32 to index
      %swap3A_486 = arith.index_cast %mul3A_472 : i32 to index
      %swap3A_487 = tpu.vector_load %arg8[%swap3A_485, %swap3A_486] {strides = array<i32>} : memref<32x1024xf32, #tpu.memory_space<vmem>>, vector<1x16xf32>,
      %swap3A_488 = vector.shape_cast %swap3A_487 : vector<1x16xf32> to vector<16xf32>
      %swap3A_489 = vector.shape_cast %add3A_483 : vector<16xf32> to vector<1x16xf32>
      tpu.vector_store %arg8[%swap3A_485, %swap3A_486], %swap3A_489 {strides = array<i32>} : memref<32x1024xf32, #tpu.memory_space<vmem>>, vector<1x16xf32>,
      %mul3A_490 = arith.constant 16 : i32
      %mul3A_491 = arith.muli %scan3A_148, %mul3A_490 : i32
      %get3A_492 = arith.constant 18 : i32
      %get3A_493 = arith.index_cast %get3A_492 : i32 to index
      %get3A_494 = arith.index_cast %mul3A_491 : i32 to index
      %get3A_495 = tpu.vector_load %arg8[%get3A_493, %get3A_494] {strides = array<i32>} : memref<32x1024xf32, #tpu.memory_space<vmem>>, vector<1x16xf32>,
      %get3A_496 = vector.shape_cast %get3A_495 : vector<1x16xf32> to vector<16xf32>
      %get3A_497 = arith.constant 18 : i32
      %get3A_498 = arith.index_cast %get3A_497 : i32 to index
      %get3A_499 = arith.index_cast %mul3A_491 : i32 to index
      %get3A_500 = tpu.vector_load %arg9[%get3A_498, %get3A_499] {strides = array<i32>} : memref<32x1024xf32, #tpu.memory_space<vmem>>, vector<1x16xf32>,
      %get3A_501 = vector.shape_cast %get3A_500 : vector<1x16xf32> to vector<16xf32>
      %add3A_502 = arith.addf %get3A_496, %get3A_501 : vector<16xf32>
      %swap3A_503 = arith.constant 18 : i32
      %swap3A_504 = arith.index_cast %swap3A_503 : i32 to index
      %swap3A_505 = arith.index_cast %mul3A_491 : i32 to index
      %swap3A_506 = tpu.vector_load %arg8[%swap3A_504, %swap3A_505] {strides = array<i32>} : memref<32x1024xf32, #tpu.memory_space<vmem>>, vector<1x16xf32>,
      %swap3A_507 = vector.shape_cast %swap3A_506 : vector<1x16xf32> to vector<16xf32>
      %swap3A_508 = vector.shape_cast %add3A_502 : vector<16xf32> to vector<1x16xf32>
      tpu.vector_store %arg8[%swap3A_504, %swap3A_505], %swap3A_508 {strides = array<i32>} : memref<32x1024xf32, #tpu.memory_space<vmem>>, vector<1x16xf32>,
      %mul3A_509 = arith.constant 16 : i32
      %mul3A_510 = arith.muli %scan3A_148, %mul3A_509 : i32
      %get3A_511 = arith.constant 19 : i32
      %get3A_512 = arith.index_cast %get3A_511 : i32 to index
      %get3A_513 = arith.index_cast %mul3A_510 : i32 to index
      %get3A_514 = tpu.vector_load %arg8[%get3A_512, %get3A_513] {strides = array<i32>} : memref<32x1024xf32, #tpu.memory_space<vmem>>, vector<1x16xf32>,
      %get3A_515 = vector.shape_cast %get3A_514 : vector<1x16xf32> to vector<16xf32>
      %get3A_516 = arith.constant 19 : i32
      %get3A_517 = arith.index_cast %get3A_516 : i32 to index
      %get3A_518 = arith.index_cast %mul3A_510 : i32 to index
      %get3A_519 = tpu.vector_load %arg9[%get3A_517, %get3A_518] {strides = array<i32>} : memref<32x1024xf32, #tpu.memory_space<vmem>>, vector<1x16xf32>,
      %get3A_520 = vector.shape_cast %get3A_519 : vector<1x16xf32> to vector<16xf32>
      %add3A_521 = arith.addf %get3A_515, %get3A_520 : vector<16xf32>
      %swap3A_522 = arith.constant 19 : i32
      %swap3A_523 = arith.index_cast %swap3A_522 : i32 to index
      %swap3A_524 = arith.index_cast %mul3A_510 : i32 to index
      %swap3A_525 = tpu.vector_load %arg8[%swap3A_523, %swap3A_524] {strides = array<i32>} : memref<32x1024xf32, #tpu.memory_space<vmem>>, vector<1x16xf32>,
      %swap3A_526 = vector.shape_cast %swap3A_525 : vector<1x16xf32> to vector<16xf32>
      %swap3A_527 = vector.shape_cast %add3A_521 : vector<16xf32> to vector<1x16xf32>
      tpu.vector_store %arg8[%swap3A_523, %swap3A_524], %swap3A_527 {strides = array<i32>} : memref<32x1024xf32, #tpu.memory_space<vmem>>, vector<1x16xf32>,
      %mul3A_528 = arith.constant 16 : i32
      %mul3A_529 = arith.muli %scan3A_148, %mul3A_528 : i32
      %get3A_530 = arith.constant 20 : i32
      %get3A_531 = arith.index_cast %get3A_530 : i32 to index
      %get3A_532 = arith.index_cast %mul3A_529 : i32 to index
      %get3A_533 = tpu.vector_load %arg8[%get3A_531, %get3A_532] {strides = array<i32>} : memref<32x1024xf32, #tpu.memory_space<vmem>>, vector<1x16xf32>,
      %get3A_534 = vector.shape_cast %get3A_533 : vector<1x16xf32> to vector<16xf32>
      %get3A_535 = arith.constant 20 : i32
      %get3A_536 = arith.index_cast %get3A_535 : i32 to index
      %get3A_537 = arith.index_cast %mul3A_529 : i32 to index
      %get3A_538 = tpu.vector_load %arg9[%get3A_536, %get3A_537] {strides = array<i32>} : memref<32x1024xf32, #tpu.memory_space<vmem>>, vector<1x16xf32>,
      %get3A_539 = vector.shape_cast %get3A_538 : vector<1x16xf32> to vector<16xf32>
      %add3A_540 = arith.addf %get3A_534, %get3A_539 : vector<16xf32>
      %swap3A_541 = arith.constant 20 : i32
      %swap3A_542 = arith.index_cast %swap3A_541 : i32 to index
      %swap3A_543 = arith.index_cast %mul3A_529 : i32 to index
      %swap3A_544 = tpu.vector_load %arg8[%swap3A_542, %swap3A_543] {strides = array<i32>} : memref<32x1024xf32, #tpu.memory_space<vmem>>, vector<1x16xf32>,
      %swap3A_545 = vector.shape_cast %swap3A_544 : vector<1x16xf32> to vector<16xf32>
      %swap3A_546 = vector.shape_cast %add3A_540 : vector<16xf32> to vector<1x16xf32>
      tpu.vector_store %arg8[%swap3A_542, %swap3A_543], %swap3A_546 {strides = array<i32>} : memref<32x1024xf32, #tpu.memory_space<vmem>>, vector<1x16xf32>,
      %mul3A_547 = arith.constant 16 : i32
      %mul3A_548 = arith.muli %scan3A_148, %mul3A_547 : i32
      %get3A_549 = arith.constant 21 : i32
      %get3A_550 = arith.index_cast %get3A_549 : i32 to index
      %get3A_551 = arith.index_cast %mul3A_548 : i32 to index
      %get3A_552 = tpu.vector_load %arg8[%get3A_550, %get3A_551] {strides = array<i32>} : memref<32x1024xf32, #tpu.memory_space<vmem>>, vector<1x16xf32>,
      %get3A_553 = vector.shape_cast %get3A_552 : vector<1x16xf32> to vector<16xf32>
      %get3A_554 = arith.constant 21 : i32
      %get3A_555 = arith.index_cast %get3A_554 : i32 to index
      %get3A_556 = arith.index_cast %mul3A_548 : i32 to index
      %get3A_557 = tpu.vector_load %arg9[%get3A_555, %get3A_556] {strides = array<i32>} : memref<32x1024xf32, #tpu.memory_space<vmem>>, vector<1x16xf32>,
      %get3A_558 = vector.shape_cast %get3A_557 : vector<1x16xf32> to vector<16xf32>
      %add3A_559 = arith.addf %get3A_553, %get3A_558 : vector<16xf32>
      %swap3A_560 = arith.constant 21 : i32
      %swap3A_561 = arith.index_cast %swap3A_560 : i32 to index
      %swap3A_562 = arith.index_cast %mul3A_548 : i32 to index
      %swap3A_563 = tpu.vector_load %arg8[%swap3A_561, %swap3A_562] {strides = array<i32>} : memref<32x1024xf32, #tpu.memory_space<vmem>>, vector<1x16xf32>,
      %swap3A_564 = vector.shape_cast %swap3A_563 : vector<1x16xf32> to vector<16xf32>
      %swap3A_565 = vector.shape_cast %add3A_559 : vector<16xf32> to vector<1x16xf32>
      tpu.vector_store %arg8[%swap3A_561, %swap3A_562], %swap3A_565 {strides = array<i32>} : memref<32x1024xf32, #tpu.memory_space<vmem>>, vector<1x16xf32>,
      %mul3A_566 = arith.constant 16 : i32
      %mul3A_567 = arith.muli %scan3A_148, %mul3A_566 : i32
      %get3A_568 = arith.constant 22 : i32
      %get3A_569 = arith.index_cast %get3A_568 : i32 to index
      %get3A_570 = arith.index_cast %mul3A_567 : i32 to index
      %get3A_571 = tpu.vector_load %arg8[%get3A_569, %get3A_570] {strides = array<i32>} : memref<32x1024xf32, #tpu.memory_space<vmem>>, vector<1x16xf32>,
      %get3A_572 = vector.shape_cast %get3A_571 : vector<1x16xf32> to vector<16xf32>
      %get3A_573 = arith.constant 22 : i32
      %get3A_574 = arith.index_cast %get3A_573 : i32 to index
      %get3A_575 = arith.index_cast %mul3A_567 : i32 to index
      %get3A_576 = tpu.vector_load %arg9[%get3A_574, %get3A_575] {strides = array<i32>} : memref<32x1024xf32, #tpu.memory_space<vmem>>, vector<1x16xf32>,
      %get3A_577 = vector.shape_cast %get3A_576 : vector<1x16xf32> to vector<16xf32>
      %add3A_578 = arith.addf %get3A_572, %get3A_577 : vector<16xf32>
      %swap3A_579 = arith.constant 22 : i32
      %swap3A_580 = arith.index_cast %swap3A_579 : i32 to index
      %swap3A_581 = arith.index_cast %mul3A_567 : i32 to index
      %swap3A_582 = tpu.vector_load %arg8[%swap3A_580, %swap3A_581] {strides = array<i32>} : memref<32x1024xf32, #tpu.memory_space<vmem>>, vector<1x16xf32>,
      %swap3A_583 = vector.shape_cast %swap3A_582 : vector<1x16xf32> to vector<16xf32>
      %swap3A_584 = vector.shape_cast %add3A_578 : vector<16xf32> to vector<1x16xf32>
      tpu.vector_store %arg8[%swap3A_580, %swap3A_581], %swap3A_584 {strides = array<i32>} : memref<32x1024xf32, #tpu.memory_space<vmem>>, vector<1x16xf32>,
      %mul3A_585 = arith.constant 16 : i32
      %mul3A_586 = arith.muli %scan3A_148, %mul3A_585 : i32
      %get3A_587 = arith.constant 23 : i32
      %get3A_588 = arith.index_cast %get3A_587 : i32 to index
      %get3A_589 = arith.index_cast %mul3A_586 : i32 to index
      %get3A_590 = tpu.vector_load %arg8[%get3A_588, %get3A_589] {strides = array<i32>} : memref<32x1024xf32, #tpu.memory_space<vmem>>, vector<1x16xf32>,
      %get3A_591 = vector.shape_cast %get3A_590 : vector<1x16xf32> to vector<16xf32>
      %get3A_592 = arith.constant 23 : i32
      %get3A_593 = arith.index_cast %get3A_592 : i32 to index
      %get3A_594 = arith.index_cast %mul3A_586 : i32 to index
      %get3A_595 = tpu.vector_load %arg9[%get3A_593, %get3A_594] {strides = array<i32>} : memref<32x1024xf32, #tpu.memory_space<vmem>>, vector<1x16xf32>,
      %get3A_596 = vector.shape_cast %get3A_595 : vector<1x16xf32> to vector<16xf32>
      %add3A_597 = arith.addf %get3A_591, %get3A_596 : vector<16xf32>
      %swap3A_598 = arith.constant 23 : i32
      %swap3A_599 = arith.index_cast %swap3A_598 : i32 to index
      %swap3A_600 = arith.index_cast %mul3A_586 : i32 to index
      %swap3A_601 = tpu.vector_load %arg8[%swap3A_599, %swap3A_600] {strides = array<i32>} : memref<32x1024xf32, #tpu.memory_space<vmem>>, vector<1x16xf32>,
      %swap3A_602 = vector.shape_cast %swap3A_601 : vector<1x16xf32> to vector<16xf32>
      %swap3A_603 = vector.shape_cast %add3A_597 : vector<16xf32> to vector<1x16xf32>
      tpu.vector_store %arg8[%swap3A_599, %swap3A_600], %swap3A_603 {strides = array<i32>} : memref<32x1024xf32, #tpu.memory_space<vmem>>, vector<1x16xf32>,
      %mul3A_604 = arith.constant 16 : i32
      %mul3A_605 = arith.muli %scan3A_148, %mul3A_604 : i32
      %get3A_606 = arith.constant 24 : i32
      %get3A_607 = arith.index_cast %get3A_606 : i32 to index
      %get3A_608 = arith.index_cast %mul3A_605 : i32 to index
      %get3A_609 = tpu.vector_load %arg8[%get3A_607, %get3A_608] {strides = array<i32>} : memref<32x1024xf32, #tpu.memory_space<vmem>>, vector<1x16xf32>,
      %get3A_610 = vector.shape_cast %get3A_609 : vector<1x16xf32> to vector<16xf32>
      %get3A_611 = arith.constant 24 : i32
      %get3A_612 = arith.index_cast %get3A_611 : i32 to index
      %get3A_613 = arith.index_cast %mul3A_605 : i32 to index
      %get3A_614 = tpu.vector_load %arg9[%get3A_612, %get3A_613] {strides = array<i32>} : memref<32x1024xf32, #tpu.memory_space<vmem>>, vector<1x16xf32>,
      %get3A_615 = vector.shape_cast %get3A_614 : vector<1x16xf32> to vector<16xf32>
      %add3A_616 = arith.addf %get3A_610, %get3A_615 : vector<16xf32>
      %swap3A_617 = arith.constant 24 : i32
      %swap3A_618 = arith.index_cast %swap3A_617 : i32 to index
      %swap3A_619 = arith.index_cast %mul3A_605 : i32 to index
      %swap3A_620 = tpu.vector_load %arg8[%swap3A_618, %swap3A_619] {strides = array<i32>} : memref<32x1024xf32, #tpu.memory_space<vmem>>, vector<1x16xf32>,
      %swap3A_621 = vector.shape_cast %swap3A_620 : vector<1x16xf32> to vector<16xf32>
      %swap3A_622 = vector.shape_cast %add3A_616 : vector<16xf32> to vector<1x16xf32>
      tpu.vector_store %arg8[%swap3A_618, %swap3A_619], %swap3A_622 {strides = array<i32>} : memref<32x1024xf32, #tpu.memory_space<vmem>>, vector<1x16xf32>,
      %mul3A_623 = arith.constant 16 : i32
      %mul3A_624 = arith.muli %scan3A_148, %mul3A_623 : i32
      %get3A_625 = arith.constant 25 : i32
      %get3A_626 = arith.index_cast %get3A_625 : i32 to index
      %get3A_627 = arith.index_cast %mul3A_624 : i32 to index
      %get3A_628 = tpu.vector_load %arg8[%get3A_626, %get3A_627] {strides = array<i32>} : memref<32x1024xf32, #tpu.memory_space<vmem>>, vector<1x16xf32>,
      %get3A_629 = vector.shape_cast %get3A_628 : vector<1x16xf32> to vector<16xf32>
      %get3A_630 = arith.constant 25 : i32
      %get3A_631 = arith.index_cast %get3A_630 : i32 to index
      %get3A_632 = arith.index_cast %mul3A_624 : i32 to index
      %get3A_633 = tpu.vector_load %arg9[%get3A_631, %get3A_632] {strides = array<i32>} : memref<32x1024xf32, #tpu.memory_space<vmem>>, vector<1x16xf32>,
      %get3A_634 = vector.shape_cast %get3A_633 : vector<1x16xf32> to vector<16xf32>
      %add3A_635 = arith.addf %get3A_629, %get3A_634 : vector<16xf32>
      %swap3A_636 = arith.constant 25 : i32
      %swap3A_637 = arith.index_cast %swap3A_636 : i32 to index
      %swap3A_638 = arith.index_cast %mul3A_624 : i32 to index
      %swap3A_639 = tpu.vector_load %arg8[%swap3A_637, %swap3A_638] {strides = array<i32>} : memref<32x1024xf32, #tpu.memory_space<vmem>>, vector<1x16xf32>,
      %swap3A_640 = vector.shape_cast %swap3A_639 : vector<1x16xf32> to vector<16xf32>
      %swap3A_641 = vector.shape_cast %add3A_635 : vector<16xf32> to vector<1x16xf32>
      tpu.vector_store %arg8[%swap3A_637, %swap3A_638], %swap3A_641 {strides = array<i32>} : memref<32x1024xf32, #tpu.memory_space<vmem>>, vector<1x16xf32>,
      %mul3A_642 = arith.constant 16 : i32
      %mul3A_643 = arith.muli %scan3A_148, %mul3A_642 : i32
      %get3A_644 = arith.constant 26 : i32
      %get3A_645 = arith.index_cast %get3A_644 : i32 to index
      %get3A_646 = arith.index_cast %mul3A_643 : i32 to index
      %get3A_647 = tpu.vector_load %arg8[%get3A_645, %get3A_646] {strides = array<i32>} : memref<32x1024xf32, #tpu.memory_space<vmem>>, vector<1x16xf32>,
      %get3A_648 = vector.shape_cast %get3A_647 : vector<1x16xf32> to vector<16xf32>
      %get3A_649 = arith.constant 26 : i32
      %get3A_650 = arith.index_cast %get3A_649 : i32 to index
      %get3A_651 = arith.index_cast %mul3A_643 : i32 to index
      %get3A_652 = tpu.vector_load %arg9[%get3A_650, %get3A_651] {strides = array<i32>} : memref<32x1024xf32, #tpu.memory_space<vmem>>, vector<1x16xf32>,
      %get3A_653 = vector.shape_cast %get3A_652 : vector<1x16xf32> to vector<16xf32>
      %add3A_654 = arith.addf %get3A_648, %get3A_653 : vector<16xf32>
      %swap3A_655 = arith.constant 26 : i32
      %swap3A_656 = arith.index_cast %swap3A_655 : i32 to index
      %swap3A_657 = arith.index_cast %mul3A_643 : i32 to index
      %swap3A_658 = tpu.vector_load %arg8[%swap3A_656, %swap3A_657] {strides = array<i32>} : memref<32x1024xf32, #tpu.memory_space<vmem>>, vector<1x16xf32>,
      %swap3A_659 = vector.shape_cast %swap3A_658 : vector<1x16xf32> to vector<16xf32>
      %swap3A_660 = vector.shape_cast %add3A_654 : vector<16xf32> to vector<1x16xf32>
      tpu.vector_store %arg8[%swap3A_656, %swap3A_657], %swap3A_660 {strides = array<i32>} : memref<32x1024xf32, #tpu.memory_space<vmem>>, vector<1x16xf32>,
      %mul3A_661 = arith.constant 16 : i32
      %mul3A_662 = arith.muli %scan3A_148, %mul3A_661 : i32
      %get3A_663 = arith.constant 27 : i32
      %get3A_664 = arith.index_cast %get3A_663 : i32 to index
      %get3A_665 = arith.index_cast %mul3A_662 : i32 to index
      %get3A_666 = tpu.vector_load %arg8[%get3A_664, %get3A_665] {strides = array<i32>} : memref<32x1024xf32, #tpu.memory_space<vmem>>, vector<1x16xf32>,
      %get3A_667 = vector.shape_cast %get3A_666 : vector<1x16xf32> to vector<16xf32>
      %get3A_668 = arith.constant 27 : i32
      %get3A_669 = arith.index_cast %get3A_668 : i32 to index
      %get3A_670 = arith.index_cast %mul3A_662 : i32 to index
      %get3A_671 = tpu.vector_load %arg9[%get3A_669, %get3A_670] {strides = array<i32>} : memref<32x1024xf32, #tpu.memory_space<vmem>>, vector<1x16xf32>,
      %get3A_672 = vector.shape_cast %get3A_671 : vector<1x16xf32> to vector<16xf32>
      %add3A_673 = arith.addf %get3A_667, %get3A_672 : vector<16xf32>
      %swap3A_674 = arith.constant 27 : i32
      %swap3A_675 = arith.index_cast %swap3A_674 : i32 to index
      %swap3A_676 = arith.index_cast %mul3A_662 : i32 to index
      %swap3A_677 = tpu.vector_load %arg8[%swap3A_675, %swap3A_676] {strides = array<i32>} : memref<32x1024xf32, #tpu.memory_space<vmem>>, vector<1x16xf32>,
      %swap3A_678 = vector.shape_cast %swap3A_677 : vector<1x16xf32> to vector<16xf32>
      %swap3A_679 = vector.shape_cast %add3A_673 : vector<16xf32> to vector<1x16xf32>
      tpu.vector_store %arg8[%swap3A_675, %swap3A_676], %swap3A_679 {strides = array<i32>} : memref<32x1024xf32, #tpu.memory_space<vmem>>, vector<1x16xf32>,
      %mul3A_680 = arith.constant 16 : i32
      %mul3A_681 = arith.muli %scan3A_148, %mul3A_680 : i32
      %get3A_682 = arith.constant 28 : i32
      %get3A_683 = arith.index_cast %get3A_682 : i32 to index
      %get3A_684 = arith.index_cast %mul3A_681 : i32 to index
      %get3A_685 = tpu.vector_load %arg8[%get3A_683, %get3A_684] {strides = array<i32>} : memref<32x1024xf32, #tpu.memory_space<vmem>>, vector<1x16xf32>,
      %get3A_686 = vector.shape_cast %get3A_685 : vector<1x16xf32> to vector<16xf32>
      %get3A_687 = arith.constant 28 : i32
      %get3A_688 = arith.index_cast %get3A_687 : i32 to index
      %get3A_689 = arith.index_cast %mul3A_681 : i32 to index
      %get3A_690 = tpu.vector_load %arg9[%get3A_688, %get3A_689] {strides = array<i32>} : memref<32x1024xf32, #tpu.memory_space<vmem>>, vector<1x16xf32>,
      %get3A_691 = vector.shape_cast %get3A_690 : vector<1x16xf32> to vector<16xf32>
      %add3A_692 = arith.addf %get3A_686, %get3A_691 : vector<16xf32>
      %swap3A_693 = arith.constant 28 : i32
      %swap3A_694 = arith.index_cast %swap3A_693 : i32 to index
      %swap3A_695 = arith.index_cast %mul3A_681 : i32 to index
      %swap3A_696 = tpu.vector_load %arg8[%swap3A_694, %swap3A_695] {strides = array<i32>} : memref<32x1024xf32, #tpu.memory_space<vmem>>, vector<1x16xf32>,
      %swap3A_697 = vector.shape_cast %swap3A_696 : vector<1x16xf32> to vector<16xf32>
      %swap3A_698 = vector.shape_cast %add3A_692 : vector<16xf32> to vector<1x16xf32>
      tpu.vector_store %arg8[%swap3A_694, %swap3A_695], %swap3A_698 {strides = array<i32>} : memref<32x1024xf32, #tpu.memory_space<vmem>>, vector<1x16xf32>,
      %mul3A_699 = arith.constant 16 : i32
      %mul3A_700 = arith.muli %scan3A_148, %mul3A_699 : i32
      %get3A_701 = arith.constant 29 : i32
      %get3A_702 = arith.index_cast %get3A_701 : i32 to index
      %get3A_703 = arith.index_cast %mul3A_700 : i32 to index
      %get3A_704 = tpu.vector_load %arg8[%get3A_702, %get3A_703] {strides = array<i32>} : memref<32x1024xf32, #tpu.memory_space<vmem>>, vector<1x16xf32>,
      %get3A_705 = vector.shape_cast %get3A_704 : vector<1x16xf32> to vector<16xf32>
      %get3A_706 = arith.constant 29 : i32
      %get3A_707 = arith.index_cast %get3A_706 : i32 to index
      %get3A_708 = arith.index_cast %mul3A_700 : i32 to index
      %get3A_709 = tpu.vector_load %arg9[%get3A_707, %get3A_708] {strides = array<i32>} : memref<32x1024xf32, #tpu.memory_space<vmem>>, vector<1x16xf32>,
      %get3A_710 = vector.shape_cast %get3A_709 : vector<1x16xf32> to vector<16xf32>
      %add3A_711 = arith.addf %get3A_705, %get3A_710 : vector<16xf32>
      %swap3A_712 = arith.constant 29 : i32
      %swap3A_713 = arith.index_cast %swap3A_712 : i32 to index
      %swap3A_714 = arith.index_cast %mul3A_700 : i32 to index
      %swap3A_715 = tpu.vector_load %arg8[%swap3A_713, %swap3A_714] {strides = array<i32>} : memref<32x1024xf32, #tpu.memory_space<vmem>>, vector<1x16xf32>,
      %swap3A_716 = vector.shape_cast %swap3A_715 : vector<1x16xf32> to vector<16xf32>
      %swap3A_717 = vector.shape_cast %add3A_711 : vector<16xf32> to vector<1x16xf32>
      tpu.vector_store %arg8[%swap3A_713, %swap3A_714], %swap3A_717 {strides = array<i32>} : memref<32x1024xf32, #tpu.memory_space<vmem>>, vector<1x16xf32>,
      %mul3A_718 = arith.constant 16 : i32
      %mul3A_719 = arith.muli %scan3A_148, %mul3A_718 : i32
      %get3A_720 = arith.constant 30 : i32
      %get3A_721 = arith.index_cast %get3A_720 : i32 to index
      %get3A_722 = arith.index_cast %mul3A_719 : i32 to index
      %get3A_723 = tpu.vector_load %arg8[%get3A_721, %get3A_722] {strides = array<i32>} : memref<32x1024xf32, #tpu.memory_space<vmem>>, vector<1x16xf32>,
      %get3A_724 = vector.shape_cast %get3A_723 : vector<1x16xf32> to vector<16xf32>
      %get3A_725 = arith.constant 30 : i32
      %get3A_726 = arith.index_cast %get3A_725 : i32 to index
      %get3A_727 = arith.index_cast %mul3A_719 : i32 to index
      %get3A_728 = tpu.vector_load %arg9[%get3A_726, %get3A_727] {strides = array<i32>} : memref<32x1024xf32, #tpu.memory_space<vmem>>, vector<1x16xf32>,
      %get3A_729 = vector.shape_cast %get3A_728 : vector<1x16xf32> to vector<16xf32>
      %add3A_730 = arith.addf %get3A_724, %get3A_729 : vector<16xf32>
      %swap3A_731 = arith.constant 30 : i32
      %swap3A_732 = arith.index_cast %swap3A_731 : i32 to index
      %swap3A_733 = arith.index_cast %mul3A_719 : i32 to index
      %swap3A_734 = tpu.vector_load %arg8[%swap3A_732, %swap3A_733] {strides = array<i32>} : memref<32x1024xf32, #tpu.memory_space<vmem>>, vector<1x16xf32>,
      %swap3A_735 = vector.shape_cast %swap3A_734 : vector<1x16xf32> to vector<16xf32>
      %swap3A_736 = vector.shape_cast %add3A_730 : vector<16xf32> to vector<1x16xf32>
      tpu.vector_store %arg8[%swap3A_732, %swap3A_733], %swap3A_736 {strides = array<i32>} : memref<32x1024xf32, #tpu.memory_space<vmem>>, vector<1x16xf32>,
      %mul3A_737 = arith.constant 16 : i32
      %mul3A_738 = arith.muli %scan3A_148, %mul3A_737 : i32
      %get3A_739 = arith.constant 31 : i32
      %get3A_740 = arith.index_cast %get3A_739 : i32 to index
      %get3A_741 = arith.index_cast %mul3A_738 : i32 to index
      %get3A_742 = tpu.vector_load %arg8[%get3A_740, %get3A_741] {strides = array<i32>} : memref<32x1024xf32, #tpu.memory_space<vmem>>, vector<1x16xf32>,
      %get3A_743 = vector.shape_cast %get3A_742 : vector<1x16xf32> to vector<16xf32>
      %get3A_744 = arith.constant 31 : i32
      %get3A_745 = arith.index_cast %get3A_744 : i32 to index
      %get3A_746 = arith.index_cast %mul3A_738 : i32 to index
      %get3A_747 = tpu.vector_load %arg9[%get3A_745, %get3A_746] {strides = array<i32>} : memref<32x1024xf32, #tpu.memory_space<vmem>>, vector<1x16xf32>,
      %get3A_748 = vector.shape_cast %get3A_747 : vector<1x16xf32> to vector<16xf32>
      %add3A_749 = arith.addf %get3A_743, %get3A_748 : vector<16xf32>
      %swap3A_750 = arith.constant 31 : i32
      %swap3A_751 = arith.index_cast %swap3A_750 : i32 to index
      %swap3A_752 = arith.index_cast %mul3A_738 : i32 to index
      %swap3A_753 = tpu.vector_load %arg8[%swap3A_751, %swap3A_752] {strides = array<i32>} : memref<32x1024xf32, #tpu.memory_space<vmem>>, vector<1x16xf32>,
      %swap3A_754 = vector.shape_cast %swap3A_753 : vector<1x16xf32> to vector<16xf32>
      %swap3A_755 = vector.shape_cast %add3A_749 : vector<16xf32> to vector<1x16xf32>
      tpu.vector_store %arg8[%swap3A_751, %swap3A_752], %swap3A_755 {strides = array<i32>} : memref<32x1024xf32, #tpu.memory_space<vmem>>, vector<1x16xf32>,
      %scan3A_756 = arith.constant 0 : i32
      scf.yield %scan3A_756 : i32
    }
    %scan3A_108 = arith.constant 64 : i32
    %add3A_109 = arith.constant 64 : i32
    %add3A_110 = arith.addi %mul3A_2, %add3A_109 : i32
    "tpu.region"() ({
      %run_scoped3A = tpu.sem_alloc : memref<!tpu.dma_semaphore, #tpu.memory_space<semaphore_mem>>
      %dma_start3A_148 = arith.constant 0 : i32
      %dma_start3A_149 = tpu.memref_slice %arg5[%add3A_110, %dma_start3A_148] : memref<4096x1024xf32, #tpu.memory_space<hbm>> -> memref<32x1024xf32, #tpu.memory_space<hbm>>
      %dma_start3A_150 = arith.constant 0 : i32
      %dma_start3A_151 = tpu.memref_slice %arg5[%add3A_110, %dma_start3A_150] : memref<4096x1024xf32, #tpu.memory_space<hbm>> -> memref<32x1024xf32, #tpu.memory_space<hbm>>
      tpu.enqueue_dma source(%arg8 : memref<32x1024xf32, #tpu.memory_space<vmem>>) target(%dma_start3A_151 : memref<32x1024xf32, #tpu.memory_space<hbm>>) target_semaphore(%run_scoped3A : memref<!tpu.dma_semaphore, #tpu.memory_space<semaphore_mem>>)
      %dma_wait3A_152 = arith.constant 0 : i32
      %dma_wait3A_153 = tpu.memref_slice %arg5[%add3A_110, %dma_wait3A_152] : memref<4096x1024xf32, #tpu.memory_space<hbm>> -> memref<32x1024xf32, #tpu.memory_space<hbm>>
      %dma_wait3A_154 = arith.constant 0 : i32
      %dma_wait3A_155 = tpu.memref_slice %arg5[%add3A_110, %dma_wait3A_154] : memref<4096x1024xf32, #tpu.memory_space<hbm>> -> memref<32x1024xf32, #tpu.memory_space<hbm>>
      tpu.wait_dma2 semaphore(%run_scoped3A : memref<!tpu.dma_semaphore, #tpu.memory_space<semaphore_mem>>) src(%arg8 : memref<32x1024xf32, #tpu.memory_space<vmem>>) dst(%dma_wait3A_155 : memref<32x1024xf32, #tpu.memory_space<hbm>>)
      tpu.yield
    }) : () -> ()
    %dma_start3A_111 = arith.constant 3 : i32
    %dma_start3A_112 = arith.constant 0 : i32
    %dma_start3A_113 = tpu.memref_slice %arg6[%dma_start3A_111, %dma_start3A_112] : memref<4x32xi32, #tpu.memory_space<vmem>> -> memref<1x32xi32, #tpu.memory_space<vmem>>
    %dma_start3A_114 = tpu.memref_squeeze %dma_start3A_113 : memref<1x32xi32, #tpu.memory_space<vmem>> -> memref<32xi32, #tpu.memory_space<vmem>>
    %dma_start3A_115 = arith.constant 0 : i32
    %dma_start3A_116 = arith.constant 0 : i32
    %dma_start3A_117 = tpu.memref_slice %arg2[%dma_start3A_115, %dma_start3A_116] : memref<11776x1024xf32, #tpu.memory_space<hbm>> -> memref<11776x1024xf32, #tpu.memory_space<hbm>>
    tpu.enqueue_indirect_dma source(%dma_start3A_117 : memref<11776x1024xf32, #tpu.memory_space<hbm>>) target(%arg8 : memref<32x1024xf32, #tpu.memory_space<vmem>>) offsets(%dma_start3A_114 : memref<32xi32, #tpu.memory_space<vmem>>) semaphore(%arg10 : memref<!tpu.dma_semaphore, #tpu.memory_space<semaphore_mem>>)
    %dma_wait3A_118 = arith.constant 3 : i32
    %dma_wait3A_119 = arith.constant 0 : i32
    %dma_wait3A_120 = tpu.memref_slice %arg6[%dma_wait3A_118, %dma_wait3A_119] : memref<4x32xi32, #tpu.memory_space<vmem>> -> memref<1x32xi32, #tpu.memory_space<vmem>>
    %dma_wait3A_121 = tpu.memref_squeeze %dma_wait3A_120 : memref<1x32xi32, #tpu.memory_space<vmem>> -> memref<32xi32, #tpu.memory_space<vmem>>
    %dma_wait3A_122 = arith.constant 0 : i32
    %dma_wait3A_123 = arith.constant 0 : i32
    %dma_wait3A_124 = tpu.memref_slice %arg2[%dma_wait3A_122, %dma_wait3A_123] : memref<11776x1024xf32, #tpu.memory_space<hbm>> -> memref<11776x1024xf32, #tpu.memory_space<hbm>>
    tpu.wait_indirect_dma semaphore(%arg10 : memref<!tpu.dma_semaphore, #tpu.memory_space<semaphore_mem>>) src(%dma_wait3A_124 : memref<11776x1024xf32, #tpu.memory_space<hbm>>) dst(%arg8 : memref<32x1024xf32, #tpu.memory_space<vmem>>)
    %dma_start3A_125 = arith.constant 3 : i32
    %dma_start3A_126 = arith.constant 0 : i32
    %dma_start3A_127 = tpu.memref_slice %arg7[%dma_start3A_125, %dma_start3A_126] : memref<4x32xi32, #tpu.memory_space<vmem>> -> memref<1x32xi32, #tpu.memory_space<vmem>>
    %dma_start3A_128 = tpu.memref_squeeze %dma_start3A_127 : memref<1x32xi32, #tpu.memory_space<vmem>> -> memref<32xi32, #tpu.memory_space<vmem>>
    %dma_start3A_129 = arith.constant 0 : i32
    %dma_start3A_130 = arith.constant 0 : i32
    %dma_start3A_131 = tpu.memref_slice %arg2[%dma_start3A_129, %dma_start3A_130] : memref<11776x1024xf32, #tpu.memory_space<hbm>> -> memref<11776x1024xf32, #tpu.memory_space<hbm>>
    tpu.enqueue_indirect_dma source(%dma_start3A_131 : memref<11776x1024xf32, #tpu.memory_space<hbm>>) target(%arg9 : memref<32x1024xf32, #tpu.memory_space<vmem>>) offsets(%dma_start3A_128 : memref<32xi32, #tpu.memory_space<vmem>>) semaphore(%arg11 : memref<!tpu.dma_semaphore, #tpu.memory_space<semaphore_mem>>)
    %dma_wait3A_132 = arith.constant 3 : i32
    %dma_wait3A_133 = arith.constant 0 : i32
    %dma_wait3A_134 = tpu.memref_slice %arg7[%dma_wait3A_132, %dma_wait3A_133] : memref<4x32xi32, #tpu.memory_space<vmem>> -> memref<1x32xi32, #tpu.memory_space<vmem>>
    %dma_wait3A_135 = tpu.memref_squeeze %dma_wait3A_134 : memref<1x32xi32, #tpu.memory_space<vmem>> -> memref<32xi32, #tpu.memory_space<vmem>>
    %dma_wait3A_136 = arith.constant 0 : i32
    %dma_wait3A_137 = arith.constant 0 : i32
    %dma_wait3A_138 = tpu.memref_slice %arg2[%dma_wait3A_136, %dma_wait3A_137] : memref<11776x1024xf32, #tpu.memory_space<hbm>> -> memref<11776x1024xf32, #tpu.memory_space<hbm>>
    tpu.wait_indirect_dma semaphore(%arg11 : memref<!tpu.dma_semaphore, #tpu.memory_space<semaphore_mem>>) src(%dma_wait3A_138 : memref<11776x1024xf32, #tpu.memory_space<hbm>>) dst(%arg9 : memref<32x1024xf32, #tpu.memory_space<vmem>>)
    %scan3A_139 = arith.constant 0 : i32
    %scan3A_140 = arith.constant 0 : i32
    %scan3A_141 = arith.constant 64 : i32
    %scan3A_142 = arith.addi %scan3A_140, %scan3A_141 : i32
    %scan3A_143 = arith.constant 1 : i32
    %scan3A_144 = scf.for %scan3A_148 = %scan3A_140 to %scan3A_142 step %scan3A_143 iter_args(%scan3A_149 = %scan3A_139) -> (i32)  : i32 {
      %mul3A_150 = arith.constant 16 : i32
      %mul3A_151 = arith.muli %scan3A_148, %mul3A_150 : i32
      %get3A = arith.constant 0 : i32
      %get3A_152 = arith.index_cast %get3A : i32 to index
      %get3A_153 = arith.index_cast %mul3A_151 : i32 to index
      %get3A_154 = tpu.vector_load %arg8[%get3A_152, %get3A_153] {strides = array<i32>} : memref<32x1024xf32, #tpu.memory_space<vmem>>, vector<1x16xf32>,
      %get3A_155 = vector.shape_cast %get3A_154 : vector<1x16xf32> to vector<16xf32>
      %get3A_156 = arith.constant 0 : i32
      %get3A_157 = arith.index_cast %get3A_156 : i32 to index
      %get3A_158 = arith.index_cast %mul3A_151 : i32 to index
      %get3A_159 = tpu.vector_load %arg9[%get3A_157, %get3A_158] {strides = array<i32>} : memref<32x1024xf32, #tpu.memory_space<vmem>>, vector<1x16xf32>,
      %get3A_160 = vector.shape_cast %get3A_159 : vector<1x16xf32> to vector<16xf32>
      %add3A_161 = arith.addf %get3A_155, %get3A_160 : vector<16xf32>
      %swap3A = arith.constant 0 : i32
      %swap3A_162 = arith.index_cast %swap3A : i32 to index
      %swap3A_163 = arith.index_cast %mul3A_151 : i32 to index
      %swap3A_164 = tpu.vector_load %arg8[%swap3A_162, %swap3A_163] {strides = array<i32>} : memref<32x1024xf32, #tpu.memory_space<vmem>>, vector<1x16xf32>,
      %swap3A_165 = vector.shape_cast %swap3A_164 : vector<1x16xf32> to vector<16xf32>
      %swap3A_166 = vector.shape_cast %add3A_161 : vector<16xf32> to vector<1x16xf32>
      tpu.vector_store %arg8[%swap3A_162, %swap3A_163], %swap3A_166 {strides = array<i32>} : memref<32x1024xf32, #tpu.memory_space<vmem>>, vector<1x16xf32>,
      %mul3A_167 = arith.constant 16 : i32
      %mul3A_168 = arith.muli %scan3A_148, %mul3A_167 : i32
      %get3A_169 = arith.constant 1 : i32
      %get3A_170 = arith.index_cast %get3A_169 : i32 to index
      %get3A_171 = arith.index_cast %mul3A_168 : i32 to index
      %get3A_172 = tpu.vector_load %arg8[%get3A_170, %get3A_171] {strides = array<i32>} : memref<32x1024xf32, #tpu.memory_space<vmem>>, vector<1x16xf32>,
      %get3A_173 = vector.shape_cast %get3A_172 : vector<1x16xf32> to vector<16xf32>
      %get3A_174 = arith.constant 1 : i32
      %get3A_175 = arith.index_cast %get3A_174 : i32 to index
      %get3A_176 = arith.index_cast %mul3A_168 : i32 to index
      %get3A_177 = tpu.vector_load %arg9[%get3A_175, %get3A_176] {strides = array<i32>} : memref<32x1024xf32, #tpu.memory_space<vmem>>, vector<1x16xf32>,
      %get3A_178 = vector.shape_cast %get3A_177 : vector<1x16xf32> to vector<16xf32>
      %add3A_179 = arith.addf %get3A_173, %get3A_178 : vector<16xf32>
      %swap3A_180 = arith.constant 1 : i32
      %swap3A_181 = arith.index_cast %swap3A_180 : i32 to index
      %swap3A_182 = arith.index_cast %mul3A_168 : i32 to index
      %swap3A_183 = tpu.vector_load %arg8[%swap3A_181, %swap3A_182] {strides = array<i32>} : memref<32x1024xf32, #tpu.memory_space<vmem>>, vector<1x16xf32>,
      %swap3A_184 = vector.shape_cast %swap3A_183 : vector<1x16xf32> to vector<16xf32>
      %swap3A_185 = vector.shape_cast %add3A_179 : vector<16xf32> to vector<1x16xf32>
      tpu.vector_store %arg8[%swap3A_181, %swap3A_182], %swap3A_185 {strides = array<i32>} : memref<32x1024xf32, #tpu.memory_space<vmem>>, vector<1x16xf32>,
      %mul3A_186 = arith.constant 16 : i32
      %mul3A_187 = arith.muli %scan3A_148, %mul3A_186 : i32
      %get3A_188 = arith.constant 2 : i32
      %get3A_189 = arith.index_cast %get3A_188 : i32 to index
      %get3A_190 = arith.index_cast %mul3A_187 : i32 to index
      %get3A_191 = tpu.vector_load %arg8[%get3A_189, %get3A_190] {strides = array<i32>} : memref<32x1024xf32, #tpu.memory_space<vmem>>, vector<1x16xf32>,
      %get3A_192 = vector.shape_cast %get3A_191 : vector<1x16xf32> to vector<16xf32>
      %get3A_193 = arith.constant 2 : i32
      %get3A_194 = arith.index_cast %get3A_193 : i32 to index
      %get3A_195 = arith.index_cast %mul3A_187 : i32 to index
      %get3A_196 = tpu.vector_load %arg9[%get3A_194, %get3A_195] {strides = array<i32>} : memref<32x1024xf32, #tpu.memory_space<vmem>>, vector<1x16xf32>,
      %get3A_197 = vector.shape_cast %get3A_196 : vector<1x16xf32> to vector<16xf32>
      %add3A_198 = arith.addf %get3A_192, %get3A_197 : vector<16xf32>
      %swap3A_199 = arith.constant 2 : i32
      %swap3A_200 = arith.index_cast %swap3A_199 : i32 to index
      %swap3A_201 = arith.index_cast %mul3A_187 : i32 to index
      %swap3A_202 = tpu.vector_load %arg8[%swap3A_200, %swap3A_201] {strides = array<i32>} : memref<32x1024xf32, #tpu.memory_space<vmem>>, vector<1x16xf32>,
      %swap3A_203 = vector.shape_cast %swap3A_202 : vector<1x16xf32> to vector<16xf32>
      %swap3A_204 = vector.shape_cast %add3A_198 : vector<16xf32> to vector<1x16xf32>
      tpu.vector_store %arg8[%swap3A_200, %swap3A_201], %swap3A_204 {strides = array<i32>} : memref<32x1024xf32, #tpu.memory_space<vmem>>, vector<1x16xf32>,
      %mul3A_205 = arith.constant 16 : i32
      %mul3A_206 = arith.muli %scan3A_148, %mul3A_205 : i32
      %get3A_207 = arith.constant 3 : i32
      %get3A_208 = arith.index_cast %get3A_207 : i32 to index
      %get3A_209 = arith.index_cast %mul3A_206 : i32 to index
      %get3A_210 = tpu.vector_load %arg8[%get3A_208, %get3A_209] {strides = array<i32>} : memref<32x1024xf32, #tpu.memory_space<vmem>>, vector<1x16xf32>,
      %get3A_211 = vector.shape_cast %get3A_210 : vector<1x16xf32> to vector<16xf32>
      %get3A_212 = arith.constant 3 : i32
      %get3A_213 = arith.index_cast %get3A_212 : i32 to index
      %get3A_214 = arith.index_cast %mul3A_206 : i32 to index
      %get3A_215 = tpu.vector_load %arg9[%get3A_213, %get3A_214] {strides = array<i32>} : memref<32x1024xf32, #tpu.memory_space<vmem>>, vector<1x16xf32>,
      %get3A_216 = vector.shape_cast %get3A_215 : vector<1x16xf32> to vector<16xf32>
      %add3A_217 = arith.addf %get3A_211, %get3A_216 : vector<16xf32>
      %swap3A_218 = arith.constant 3 : i32
      %swap3A_219 = arith.index_cast %swap3A_218 : i32 to index
      %swap3A_220 = arith.index_cast %mul3A_206 : i32 to index
      %swap3A_221 = tpu.vector_load %arg8[%swap3A_219, %swap3A_220] {strides = array<i32>} : memref<32x1024xf32, #tpu.memory_space<vmem>>, vector<1x16xf32>,
      %swap3A_222 = vector.shape_cast %swap3A_221 : vector<1x16xf32> to vector<16xf32>
      %swap3A_223 = vector.shape_cast %add3A_217 : vector<16xf32> to vector<1x16xf32>
      tpu.vector_store %arg8[%swap3A_219, %swap3A_220], %swap3A_223 {strides = array<i32>} : memref<32x1024xf32, #tpu.memory_space<vmem>>, vector<1x16xf32>,
      %mul3A_224 = arith.constant 16 : i32
      %mul3A_225 = arith.muli %scan3A_148, %mul3A_224 : i32
      %get3A_226 = arith.constant 4 : i32
      %get3A_227 = arith.index_cast %get3A_226 : i32 to index
      %get3A_228 = arith.index_cast %mul3A_225 : i32 to index
      %get3A_229 = tpu.vector_load %arg8[%get3A_227, %get3A_228] {strides = array<i32>} : memref<32x1024xf32, #tpu.memory_space<vmem>>, vector<1x16xf32>,
      %get3A_230 = vector.shape_cast %get3A_229 : vector<1x16xf32> to vector<16xf32>
      %get3A_231 = arith.constant 4 : i32
      %get3A_232 = arith.index_cast %get3A_231 : i32 to index
      %get3A_233 = arith.index_cast %mul3A_225 : i32 to index
      %get3A_234 = tpu.vector_load %arg9[%get3A_232, %get3A_233] {strides = array<i32>} : memref<32x1024xf32, #tpu.memory_space<vmem>>, vector<1x16xf32>,
      %get3A_235 = vector.shape_cast %get3A_234 : vector<1x16xf32> to vector<16xf32>
      %add3A_236 = arith.addf %get3A_230, %get3A_235 : vector<16xf32>
      %swap3A_237 = arith.constant 4 : i32
      %swap3A_238 = arith.index_cast %swap3A_237 : i32 to index
      %swap3A_239 = arith.index_cast %mul3A_225 : i32 to index
      %swap3A_240 = tpu.vector_load %arg8[%swap3A_238, %swap3A_239] {strides = array<i32>} : memref<32x1024xf32, #tpu.memory_space<vmem>>, vector<1x16xf32>,
      %swap3A_241 = vector.shape_cast %swap3A_240 : vector<1x16xf32> to vector<16xf32>
      %swap3A_242 = vector.shape_cast %add3A_236 : vector<16xf32> to vector<1x16xf32>
      tpu.vector_store %arg8[%swap3A_238, %swap3A_239], %swap3A_242 {strides = array<i32>} : memref<32x1024xf32, #tpu.memory_space<vmem>>, vector<1x16xf32>,
      %mul3A_243 = arith.constant 16 : i32
      %mul3A_244 = arith.muli %scan3A_148, %mul3A_243 : i32
      %get3A_245 = arith.constant 5 : i32
      %get3A_246 = arith.index_cast %get3A_245 : i32 to index
      %get3A_247 = arith.index_cast %mul3A_244 : i32 to index
      %get3A_248 = tpu.vector_load %arg8[%get3A_246, %get3A_247] {strides = array<i32>} : memref<32x1024xf32, #tpu.memory_space<vmem>>, vector<1x16xf32>,
      %get3A_249 = vector.shape_cast %get3A_248 : vector<1x16xf32> to vector<16xf32>
      %get3A_250 = arith.constant 5 : i32
      %get3A_251 = arith.index_cast %get3A_250 : i32 to index
      %get3A_252 = arith.index_cast %mul3A_244 : i32 to index
      %get3A_253 = tpu.vector_load %arg9[%get3A_251, %get3A_252] {strides = array<i32>} : memref<32x1024xf32, #tpu.memory_space<vmem>>, vector<1x16xf32>,
      %get3A_254 = vector.shape_cast %get3A_253 : vector<1x16xf32> to vector<16xf32>
      %add3A_255 = arith.addf %get3A_249, %get3A_254 : vector<16xf32>
      %swap3A_256 = arith.constant 5 : i32
      %swap3A_257 = arith.index_cast %swap3A_256 : i32 to index
      %swap3A_258 = arith.index_cast %mul3A_244 : i32 to index
      %swap3A_259 = tpu.vector_load %arg8[%swap3A_257, %swap3A_258] {strides = array<i32>} : memref<32x1024xf32, #tpu.memory_space<vmem>>, vector<1x16xf32>,
      %swap3A_260 = vector.shape_cast %swap3A_259 : vector<1x16xf32> to vector<16xf32>
      %swap3A_261 = vector.shape_cast %add3A_255 : vector<16xf32> to vector<1x16xf32>
      tpu.vector_store %arg8[%swap3A_257, %swap3A_258], %swap3A_261 {strides = array<i32>} : memref<32x1024xf32, #tpu.memory_space<vmem>>, vector<1x16xf32>,
      %mul3A_262 = arith.constant 16 : i32
      %mul3A_263 = arith.muli %scan3A_148, %mul3A_262 : i32
      %get3A_264 = arith.constant 6 : i32
      %get3A_265 = arith.index_cast %get3A_264 : i32 to index
      %get3A_266 = arith.index_cast %mul3A_263 : i32 to index
      %get3A_267 = tpu.vector_load %arg8[%get3A_265, %get3A_266] {strides = array<i32>} : memref<32x1024xf32, #tpu.memory_space<vmem>>, vector<1x16xf32>,
      %get3A_268 = vector.shape_cast %get3A_267 : vector<1x16xf32> to vector<16xf32>
      %get3A_269 = arith.constant 6 : i32
      %get3A_270 = arith.index_cast %get3A_269 : i32 to index
      %get3A_271 = arith.index_cast %mul3A_263 : i32 to index
      %get3A_272 = tpu.vector_load %arg9[%get3A_270, %get3A_271] {strides = array<i32>} : memref<32x1024xf32, #tpu.memory_space<vmem>>, vector<1x16xf32>,
      %get3A_273 = vector.shape_cast %get3A_272 : vector<1x16xf32> to vector<16xf32>
      %add3A_274 = arith.addf %get3A_268, %get3A_273 : vector<16xf32>
      %swap3A_275 = arith.constant 6 : i32
      %swap3A_276 = arith.index_cast %swap3A_275 : i32 to index
      %swap3A_277 = arith.index_cast %mul3A_263 : i32 to index
      %swap3A_278 = tpu.vector_load %arg8[%swap3A_276, %swap3A_277] {strides = array<i32>} : memref<32x1024xf32, #tpu.memory_space<vmem>>, vector<1x16xf32>,
      %swap3A_279 = vector.shape_cast %swap3A_278 : vector<1x16xf32> to vector<16xf32>
      %swap3A_280 = vector.shape_cast %add3A_274 : vector<16xf32> to vector<1x16xf32>
      tpu.vector_store %arg8[%swap3A_276, %swap3A_277], %swap3A_280 {strides = array<i32>} : memref<32x1024xf32, #tpu.memory_space<vmem>>, vector<1x16xf32>,
      %mul3A_281 = arith.constant 16 : i32
      %mul3A_282 = arith.muli %scan3A_148, %mul3A_281 : i32
      %get3A_283 = arith.constant 7 : i32
      %get3A_284 = arith.index_cast %get3A_283 : i32 to index
      %get3A_285 = arith.index_cast %mul3A_282 : i32 to index
      %get3A_286 = tpu.vector_load %arg8[%get3A_284, %get3A_285] {strides = array<i32>} : memref<32x1024xf32, #tpu.memory_space<vmem>>, vector<1x16xf32>,
      %get3A_287 = vector.shape_cast %get3A_286 : vector<1x16xf32> to vector<16xf32>
      %get3A_288 = arith.constant 7 : i32
      %get3A_289 = arith.index_cast %get3A_288 : i32 to index
      %get3A_290 = arith.index_cast %mul3A_282 : i32 to index
      %get3A_291 = tpu.vector_load %arg9[%get3A_289, %get3A_290] {strides = array<i32>} : memref<32x1024xf32, #tpu.memory_space<vmem>>, vector<1x16xf32>,
      %get3A_292 = vector.shape_cast %get3A_291 : vector<1x16xf32> to vector<16xf32>
      %add3A_293 = arith.addf %get3A_287, %get3A_292 : vector<16xf32>
      %swap3A_294 = arith.constant 7 : i32
      %swap3A_295 = arith.index_cast %swap3A_294 : i32 to index
      %swap3A_296 = arith.index_cast %mul3A_282 : i32 to index
      %swap3A_297 = tpu.vector_load %arg8[%swap3A_295, %swap3A_296] {strides = array<i32>} : memref<32x1024xf32, #tpu.memory_space<vmem>>, vector<1x16xf32>,
      %swap3A_298 = vector.shape_cast %swap3A_297 : vector<1x16xf32> to vector<16xf32>
      %swap3A_299 = vector.shape_cast %add3A_293 : vector<16xf32> to vector<1x16xf32>
      tpu.vector_store %arg8[%swap3A_295, %swap3A_296], %swap3A_299 {strides = array<i32>} : memref<32x1024xf32, #tpu.memory_space<vmem>>, vector<1x16xf32>,
      %mul3A_300 = arith.constant 16 : i32
      %mul3A_301 = arith.muli %scan3A_148, %mul3A_300 : i32
      %get3A_302 = arith.constant 8 : i32
      %get3A_303 = arith.index_cast %get3A_302 : i32 to index
      %get3A_304 = arith.index_cast %mul3A_301 : i32 to index
      %get3A_305 = tpu.vector_load %arg8[%get3A_303, %get3A_304] {strides = array<i32>} : memref<32x1024xf32, #tpu.memory_space<vmem>>, vector<1x16xf32>,
      %get3A_306 = vector.shape_cast %get3A_305 : vector<1x16xf32> to vector<16xf32>
      %get3A_307 = arith.constant 8 : i32
      %get3A_308 = arith.index_cast %get3A_307 : i32 to index
      %get3A_309 = arith.index_cast %mul3A_301 : i32 to index
      %get3A_310 = tpu.vector_load %arg9[%get3A_308, %get3A_309] {strides = array<i32>} : memref<32x1024xf32, #tpu.memory_space<vmem>>, vector<1x16xf32>,
      %get3A_311 = vector.shape_cast %get3A_310 : vector<1x16xf32> to vector<16xf32>
      %add3A_312 = arith.addf %get3A_306, %get3A_311 : vector<16xf32>
      %swap3A_313 = arith.constant 8 : i32
      %swap3A_314 = arith.index_cast %swap3A_313 : i32 to index
      %swap3A_315 = arith.index_cast %mul3A_301 : i32 to index
      %swap3A_316 = tpu.vector_load %arg8[%swap3A_314, %swap3A_315] {strides = array<i32>} : memref<32x1024xf32, #tpu.memory_space<vmem>>, vector<1x16xf32>,
      %swap3A_317 = vector.shape_cast %swap3A_316 : vector<1x16xf32> to vector<16xf32>
      %swap3A_318 = vector.shape_cast %add3A_312 : vector<16xf32> to vector<1x16xf32>
      tpu.vector_store %arg8[%swap3A_314, %swap3A_315], %swap3A_318 {strides = array<i32>} : memref<32x1024xf32, #tpu.memory_space<vmem>>, vector<1x16xf32>,
      %mul3A_319 = arith.constant 16 : i32
      %mul3A_320 = arith.muli %scan3A_148, %mul3A_319 : i32
      %get3A_321 = arith.constant 9 : i32
      %get3A_322 = arith.index_cast %get3A_321 : i32 to index
      %get3A_323 = arith.index_cast %mul3A_320 : i32 to index
      %get3A_324 = tpu.vector_load %arg8[%get3A_322, %get3A_323] {strides = array<i32>} : memref<32x1024xf32, #tpu.memory_space<vmem>>, vector<1x16xf32>,
      %get3A_325 = vector.shape_cast %get3A_324 : vector<1x16xf32> to vector<16xf32>
      %get3A_326 = arith.constant 9 : i32
      %get3A_327 = arith.index_cast %get3A_326 : i32 to index
      %get3A_328 = arith.index_cast %mul3A_320 : i32 to index
      %get3A_329 = tpu.vector_load %arg9[%get3A_327, %get3A_328] {strides = array<i32>} : memref<32x1024xf32, #tpu.memory_space<vmem>>, vector<1x16xf32>,
      %get3A_330 = vector.shape_cast %get3A_329 : vector<1x16xf32> to vector<16xf32>
      %add3A_331 = arith.addf %get3A_325, %get3A_330 : vector<16xf32>
      %swap3A_332 = arith.constant 9 : i32
      %swap3A_333 = arith.index_cast %swap3A_332 : i32 to index
      %swap3A_334 = arith.index_cast %mul3A_320 : i32 to index
      %swap3A_335 = tpu.vector_load %arg8[%swap3A_333, %swap3A_334] {strides = array<i32>} : memref<32x1024xf32, #tpu.memory_space<vmem>>, vector<1x16xf32>,
      %swap3A_336 = vector.shape_cast %swap3A_335 : vector<1x16xf32> to vector<16xf32>
      %swap3A_337 = vector.shape_cast %add3A_331 : vector<16xf32> to vector<1x16xf32>
      tpu.vector_store %arg8[%swap3A_333, %swap3A_334], %swap3A_337 {strides = array<i32>} : memref<32x1024xf32, #tpu.memory_space<vmem>>, vector<1x16xf32>,
      %mul3A_338 = arith.constant 16 : i32
      %mul3A_339 = arith.muli %scan3A_148, %mul3A_338 : i32
      %get3A_340 = arith.constant 10 : i32
      %get3A_341 = arith.index_cast %get3A_340 : i32 to index
      %get3A_342 = arith.index_cast %mul3A_339 : i32 to index
      %get3A_343 = tpu.vector_load %arg8[%get3A_341, %get3A_342] {strides = array<i32>} : memref<32x1024xf32, #tpu.memory_space<vmem>>, vector<1x16xf32>,
      %get3A_344 = vector.shape_cast %get3A_343 : vector<1x16xf32> to vector<16xf32>
      %get3A_345 = arith.constant 10 : i32
      %get3A_346 = arith.index_cast %get3A_345 : i32 to index
      %get3A_347 = arith.index_cast %mul3A_339 : i32 to index
      %get3A_348 = tpu.vector_load %arg9[%get3A_346, %get3A_347] {strides = array<i32>} : memref<32x1024xf32, #tpu.memory_space<vmem>>, vector<1x16xf32>,
      %get3A_349 = vector.shape_cast %get3A_348 : vector<1x16xf32> to vector<16xf32>
      %add3A_350 = arith.addf %get3A_344, %get3A_349 : vector<16xf32>
      %swap3A_351 = arith.constant 10 : i32
      %swap3A_352 = arith.index_cast %swap3A_351 : i32 to index
      %swap3A_353 = arith.index_cast %mul3A_339 : i32 to index
      %swap3A_354 = tpu.vector_load %arg8[%swap3A_352, %swap3A_353] {strides = array<i32>} : memref<32x1024xf32, #tpu.memory_space<vmem>>, vector<1x16xf32>,
      %swap3A_355 = vector.shape_cast %swap3A_354 : vector<1x16xf32> to vector<16xf32>
      %swap3A_356 = vector.shape_cast %add3A_350 : vector<16xf32> to vector<1x16xf32>
      tpu.vector_store %arg8[%swap3A_352, %swap3A_353], %swap3A_356 {strides = array<i32>} : memref<32x1024xf32, #tpu.memory_space<vmem>>, vector<1x16xf32>,
      %mul3A_357 = arith.constant 16 : i32
      %mul3A_358 = arith.muli %scan3A_148, %mul3A_357 : i32
      %get3A_359 = arith.constant 11 : i32
      %get3A_360 = arith.index_cast %get3A_359 : i32 to index
      %get3A_361 = arith.index_cast %mul3A_358 : i32 to index
      %get3A_362 = tpu.vector_load %arg8[%get3A_360, %get3A_361] {strides = array<i32>} : memref<32x1024xf32, #tpu.memory_space<vmem>>, vector<1x16xf32>,
      %get3A_363 = vector.shape_cast %get3A_362 : vector<1x16xf32> to vector<16xf32>
      %get3A_364 = arith.constant 11 : i32
      %get3A_365 = arith.index_cast %get3A_364 : i32 to index
      %get3A_366 = arith.index_cast %mul3A_358 : i32 to index
      %get3A_367 = tpu.vector_load %arg9[%get3A_365, %get3A_366] {strides = array<i32>} : memref<32x1024xf32, #tpu.memory_space<vmem>>, vector<1x16xf32>,
      %get3A_368 = vector.shape_cast %get3A_367 : vector<1x16xf32> to vector<16xf32>
      %add3A_369 = arith.addf %get3A_363, %get3A_368 : vector<16xf32>
      %swap3A_370 = arith.constant 11 : i32
      %swap3A_371 = arith.index_cast %swap3A_370 : i32 to index
      %swap3A_372 = arith.index_cast %mul3A_358 : i32 to index
      %swap3A_373 = tpu.vector_load %arg8[%swap3A_371, %swap3A_372] {strides = array<i32>} : memref<32x1024xf32, #tpu.memory_space<vmem>>, vector<1x16xf32>,
      %swap3A_374 = vector.shape_cast %swap3A_373 : vector<1x16xf32> to vector<16xf32>
      %swap3A_375 = vector.shape_cast %add3A_369 : vector<16xf32> to vector<1x16xf32>
      tpu.vector_store %arg8[%swap3A_371, %swap3A_372], %swap3A_375 {strides = array<i32>} : memref<32x1024xf32, #tpu.memory_space<vmem>>, vector<1x16xf32>,
      %mul3A_376 = arith.constant 16 : i32
      %mul3A_377 = arith.muli %scan3A_148, %mul3A_376 : i32
      %get3A_378 = arith.constant 12 : i32
      %get3A_379 = arith.index_cast %get3A_378 : i32 to index
      %get3A_380 = arith.index_cast %mul3A_377 : i32 to index
      %get3A_381 = tpu.vector_load %arg8[%get3A_379, %get3A_380] {strides = array<i32>} : memref<32x1024xf32, #tpu.memory_space<vmem>>, vector<1x16xf32>,
      %get3A_382 = vector.shape_cast %get3A_381 : vector<1x16xf32> to vector<16xf32>
      %get3A_383 = arith.constant 12 : i32
      %get3A_384 = arith.index_cast %get3A_383 : i32 to index
      %get3A_385 = arith.index_cast %mul3A_377 : i32 to index
      %get3A_386 = tpu.vector_load %arg9[%get3A_384, %get3A_385] {strides = array<i32>} : memref<32x1024xf32, #tpu.memory_space<vmem>>, vector<1x16xf32>,
      %get3A_387 = vector.shape_cast %get3A_386 : vector<1x16xf32> to vector<16xf32>
      %add3A_388 = arith.addf %get3A_382, %get3A_387 : vector<16xf32>
      %swap3A_389 = arith.constant 12 : i32
      %swap3A_390 = arith.index_cast %swap3A_389 : i32 to index
      %swap3A_391 = arith.index_cast %mul3A_377 : i32 to index
      %swap3A_392 = tpu.vector_load %arg8[%swap3A_390, %swap3A_391] {strides = array<i32>} : memref<32x1024xf32, #tpu.memory_space<vmem>>, vector<1x16xf32>,
      %swap3A_393 = vector.shape_cast %swap3A_392 : vector<1x16xf32> to vector<16xf32>
      %swap3A_394 = vector.shape_cast %add3A_388 : vector<16xf32> to vector<1x16xf32>
      tpu.vector_store %arg8[%swap3A_390, %swap3A_391], %swap3A_394 {strides = array<i32>} : memref<32x1024xf32, #tpu.memory_space<vmem>>, vector<1x16xf32>,
      %mul3A_395 = arith.constant 16 : i32
      %mul3A_396 = arith.muli %scan3A_148, %mul3A_395 : i32
      %get3A_397 = arith.constant 13 : i32
      %get3A_398 = arith.index_cast %get3A_397 : i32 to index
      %get3A_399 = arith.index_cast %mul3A_396 : i32 to index
      %get3A_400 = tpu.vector_load %arg8[%get3A_398, %get3A_399] {strides = array<i32>} : memref<32x1024xf32, #tpu.memory_space<vmem>>, vector<1x16xf32>,
      %get3A_401 = vector.shape_cast %get3A_400 : vector<1x16xf32> to vector<16xf32>
      %get3A_402 = arith.constant 13 : i32
      %get3A_403 = arith.index_cast %get3A_402 : i32 to index
      %get3A_404 = arith.index_cast %mul3A_396 : i32 to index
      %get3A_405 = tpu.vector_load %arg9[%get3A_403, %get3A_404] {strides = array<i32>} : memref<32x1024xf32, #tpu.memory_space<vmem>>, vector<1x16xf32>,
      %get3A_406 = vector.shape_cast %get3A_405 : vector<1x16xf32> to vector<16xf32>
      %add3A_407 = arith.addf %get3A_401, %get3A_406 : vector<16xf32>
      %swap3A_408 = arith.constant 13 : i32
      %swap3A_409 = arith.index_cast %swap3A_408 : i32 to index
      %swap3A_410 = arith.index_cast %mul3A_396 : i32 to index
      %swap3A_411 = tpu.vector_load %arg8[%swap3A_409, %swap3A_410] {strides = array<i32>} : memref<32x1024xf32, #tpu.memory_space<vmem>>, vector<1x16xf32>,
      %swap3A_412 = vector.shape_cast %swap3A_411 : vector<1x16xf32> to vector<16xf32>
      %swap3A_413 = vector.shape_cast %add3A_407 : vector<16xf32> to vector<1x16xf32>
      tpu.vector_store %arg8[%swap3A_409, %swap3A_410], %swap3A_413 {strides = array<i32>} : memref<32x1024xf32, #tpu.memory_space<vmem>>, vector<1x16xf32>,
      %mul3A_414 = arith.constant 16 : i32
      %mul3A_415 = arith.muli %scan3A_148, %mul3A_414 : i32
      %get3A_416 = arith.constant 14 : i32
      %get3A_417 = arith.index_cast %get3A_416 : i32 to index
      %get3A_418 = arith.index_cast %mul3A_415 : i32 to index
      %get3A_419 = tpu.vector_load %arg8[%get3A_417, %get3A_418] {strides = array<i32>} : memref<32x1024xf32, #tpu.memory_space<vmem>>, vector<1x16xf32>,
      %get3A_420 = vector.shape_cast %get3A_419 : vector<1x16xf32> to vector<16xf32>
      %get3A_421 = arith.constant 14 : i32
      %get3A_422 = arith.index_cast %get3A_421 : i32 to index
      %get3A_423 = arith.index_cast %mul3A_415 : i32 to index
      %get3A_424 = tpu.vector_load %arg9[%get3A_422, %get3A_423] {strides = array<i32>} : memref<32x1024xf32, #tpu.memory_space<vmem>>, vector<1x16xf32>,
      %get3A_425 = vector.shape_cast %get3A_424 : vector<1x16xf32> to vector<16xf32>
      %add3A_426 = arith.addf %get3A_420, %get3A_425 : vector<16xf32>
      %swap3A_427 = arith.constant 14 : i32
      %swap3A_428 = arith.index_cast %swap3A_427 : i32 to index
      %swap3A_429 = arith.index_cast %mul3A_415 : i32 to index
      %swap3A_430 = tpu.vector_load %arg8[%swap3A_428, %swap3A_429] {strides = array<i32>} : memref<32x1024xf32, #tpu.memory_space<vmem>>, vector<1x16xf32>,
      %swap3A_431 = vector.shape_cast %swap3A_430 : vector<1x16xf32> to vector<16xf32>
      %swap3A_432 = vector.shape_cast %add3A_426 : vector<16xf32> to vector<1x16xf32>
      tpu.vector_store %arg8[%swap3A_428, %swap3A_429], %swap3A_432 {strides = array<i32>} : memref<32x1024xf32, #tpu.memory_space<vmem>>, vector<1x16xf32>,
      %mul3A_433 = arith.constant 16 : i32
      %mul3A_434 = arith.muli %scan3A_148, %mul3A_433 : i32
      %get3A_435 = arith.constant 15 : i32
      %get3A_436 = arith.index_cast %get3A_435 : i32 to index
      %get3A_437 = arith.index_cast %mul3A_434 : i32 to index
      %get3A_438 = tpu.vector_load %arg8[%get3A_436, %get3A_437] {strides = array<i32>} : memref<32x1024xf32, #tpu.memory_space<vmem>>, vector<1x16xf32>,
      %get3A_439 = vector.shape_cast %get3A_438 : vector<1x16xf32> to vector<16xf32>
      %get3A_440 = arith.constant 15 : i32
      %get3A_441 = arith.index_cast %get3A_440 : i32 to index
      %get3A_442 = arith.index_cast %mul3A_434 : i32 to index
      %get3A_443 = tpu.vector_load %arg9[%get3A_441, %get3A_442] {strides = array<i32>} : memref<32x1024xf32, #tpu.memory_space<vmem>>, vector<1x16xf32>,
      %get3A_444 = vector.shape_cast %get3A_443 : vector<1x16xf32> to vector<16xf32>
      %add3A_445 = arith.addf %get3A_439, %get3A_444 : vector<16xf32>
      %swap3A_446 = arith.constant 15 : i32
      %swap3A_447 = arith.index_cast %swap3A_446 : i32 to index
      %swap3A_448 = arith.index_cast %mul3A_434 : i32 to index
      %swap3A_449 = tpu.vector_load %arg8[%swap3A_447, %swap3A_448] {strides = array<i32>} : memref<32x1024xf32, #tpu.memory_space<vmem>>, vector<1x16xf32>,
      %swap3A_450 = vector.shape_cast %swap3A_449 : vector<1x16xf32> to vector<16xf32>
      %swap3A_451 = vector.shape_cast %add3A_445 : vector<16xf32> to vector<1x16xf32>
      tpu.vector_store %arg8[%swap3A_447, %swap3A_448], %swap3A_451 {strides = array<i32>} : memref<32x1024xf32, #tpu.memory_space<vmem>>, vector<1x16xf32>,
      %mul3A_452 = arith.constant 16 : i32
      %mul3A_453 = arith.muli %scan3A_148, %mul3A_452 : i32
      %get3A_454 = arith.constant 16 : i32
      %get3A_455 = arith.index_cast %get3A_454 : i32 to index
      %get3A_456 = arith.index_cast %mul3A_453 : i32 to index
      %get3A_457 = tpu.vector_load %arg8[%get3A_455, %get3A_456] {strides = array<i32>} : memref<32x1024xf32, #tpu.memory_space<vmem>>, vector<1x16xf32>,
      %get3A_458 = vector.shape_cast %get3A_457 : vector<1x16xf32> to vector<16xf32>
      %get3A_459 = arith.constant 16 : i32
      %get3A_460 = arith.index_cast %get3A_459 : i32 to index
      %get3A_461 = arith.index_cast %mul3A_453 : i32 to index
      %get3A_462 = tpu.vector_load %arg9[%get3A_460, %get3A_461] {strides = array<i32>} : memref<32x1024xf32, #tpu.memory_space<vmem>>, vector<1x16xf32>,
      %get3A_463 = vector.shape_cast %get3A_462 : vector<1x16xf32> to vector<16xf32>
      %add3A_464 = arith.addf %get3A_458, %get3A_463 : vector<16xf32>
      %swap3A_465 = arith.constant 16 : i32
      %swap3A_466 = arith.index_cast %swap3A_465 : i32 to index
      %swap3A_467 = arith.index_cast %mul3A_453 : i32 to index
      %swap3A_468 = tpu.vector_load %arg8[%swap3A_466, %swap3A_467] {strides = array<i32>} : memref<32x1024xf32, #tpu.memory_space<vmem>>, vector<1x16xf32>,
      %swap3A_469 = vector.shape_cast %swap3A_468 : vector<1x16xf32> to vector<16xf32>
      %swap3A_470 = vector.shape_cast %add3A_464 : vector<16xf32> to vector<1x16xf32>
      tpu.vector_store %arg8[%swap3A_466, %swap3A_467], %swap3A_470 {strides = array<i32>} : memref<32x1024xf32, #tpu.memory_space<vmem>>, vector<1x16xf32>,
      %mul3A_471 = arith.constant 16 : i32
      %mul3A_472 = arith.muli %scan3A_148, %mul3A_471 : i32
      %get3A_473 = arith.constant 17 : i32
      %get3A_474 = arith.index_cast %get3A_473 : i32 to index
      %get3A_475 = arith.index_cast %mul3A_472 : i32 to index
      %get3A_476 = tpu.vector_load %arg8[%get3A_474, %get3A_475] {strides = array<i32>} : memref<32x1024xf32, #tpu.memory_space<vmem>>, vector<1x16xf32>,
      %get3A_477 = vector.shape_cast %get3A_476 : vector<1x16xf32> to vector<16xf32>
      %get3A_478 = arith.constant 17 : i32
      %get3A_479 = arith.index_cast %get3A_478 : i32 to index
      %get3A_480 = arith.index_cast %mul3A_472 : i32 to index
      %get3A_481 = tpu.vector_load %arg9[%get3A_479, %get3A_480] {strides = array<i32>} : memref<32x1024xf32, #tpu.memory_space<vmem>>, vector<1x16xf32>,
      %get3A_482 = vector.shape_cast %get3A_481 : vector<1x16xf32> to vector<16xf32>
      %add3A_483 = arith.addf %get3A_477, %get3A_482 : vector<16xf32>
      %swap3A_484 = arith.constant 17 : i32
      %swap3A_485 = arith.index_cast %swap3A_484 : i32 to index
      %swap3A_486 = arith.index_cast %mul3A_472 : i32 to index
      %swap3A_487 = tpu.vector_load %arg8[%swap3A_485, %swap3A_486] {strides = array<i32>} : memref<32x1024xf32, #tpu.memory_space<vmem>>, vector<1x16xf32>,
      %swap3A_488 = vector.shape_cast %swap3A_487 : vector<1x16xf32> to vector<16xf32>
      %swap3A_489 = vector.shape_cast %add3A_483 : vector<16xf32> to vector<1x16xf32>
      tpu.vector_store %arg8[%swap3A_485, %swap3A_486], %swap3A_489 {strides = array<i32>} : memref<32x1024xf32, #tpu.memory_space<vmem>>, vector<1x16xf32>,
      %mul3A_490 = arith.constant 16 : i32
      %mul3A_491 = arith.muli %scan3A_148, %mul3A_490 : i32
      %get3A_492 = arith.constant 18 : i32
      %get3A_493 = arith.index_cast %get3A_492 : i32 to index
      %get3A_494 = arith.index_cast %mul3A_491 : i32 to index
      %get3A_495 = tpu.vector_load %arg8[%get3A_493, %get3A_494] {strides = array<i32>} : memref<32x1024xf32, #tpu.memory_space<vmem>>, vector<1x16xf32>,
      %get3A_496 = vector.shape_cast %get3A_495 : vector<1x16xf32> to vector<16xf32>
      %get3A_497 = arith.constant 18 : i32
      %get3A_498 = arith.index_cast %get3A_497 : i32 to index
      %get3A_499 = arith.index_cast %mul3A_491 : i32 to index
      %get3A_500 = tpu.vector_load %arg9[%get3A_498, %get3A_499] {strides = array<i32>} : memref<32x1024xf32, #tpu.memory_space<vmem>>, vector<1x16xf32>,
      %get3A_501 = vector.shape_cast %get3A_500 : vector<1x16xf32> to vector<16xf32>
      %add3A_502 = arith.addf %get3A_496, %get3A_501 : vector<16xf32>
      %swap3A_503 = arith.constant 18 : i32
      %swap3A_504 = arith.index_cast %swap3A_503 : i32 to index
      %swap3A_505 = arith.index_cast %mul3A_491 : i32 to index
      %swap3A_506 = tpu.vector_load %arg8[%swap3A_504, %swap3A_505] {strides = array<i32>} : memref<32x1024xf32, #tpu.memory_space<vmem>>, vector<1x16xf32>,
      %swap3A_507 = vector.shape_cast %swap3A_506 : vector<1x16xf32> to vector<16xf32>
      %swap3A_508 = vector.shape_cast %add3A_502 : vector<16xf32> to vector<1x16xf32>
      tpu.vector_store %arg8[%swap3A_504, %swap3A_505], %swap3A_508 {strides = array<i32>} : memref<32x1024xf32, #tpu.memory_space<vmem>>, vector<1x16xf32>,
      %mul3A_509 = arith.constant 16 : i32
      %mul3A_510 = arith.muli %scan3A_148, %mul3A_509 : i32
      %get3A_511 = arith.constant 19 : i32
      %get3A_512 = arith.index_cast %get3A_511 : i32 to index
      %get3A_513 = arith.index_cast %mul3A_510 : i32 to index
      %get3A_514 = tpu.vector_load %arg8[%get3A_512, %get3A_513] {strides = array<i32>} : memref<32x1024xf32, #tpu.memory_space<vmem>>, vector<1x16xf32>,
      %get3A_515 = vector.shape_cast %get3A_514 : vector<1x16xf32> to vector<16xf32>
      %get3A_516 = arith.constant 19 : i32
      %get3A_517 = arith.index_cast %get3A_516 : i32 to index
      %get3A_518 = arith.index_cast %mul3A_510 : i32 to index
      %get3A_519 = tpu.vector_load %arg9[%get3A_517, %get3A_518] {strides = array<i32>} : memref<32x1024xf32, #tpu.memory_space<vmem>>, vector<1x16xf32>,
      %get3A_520 = vector.shape_cast %get3A_519 : vector<1x16xf32> to vector<16xf32>
      %add3A_521 = arith.addf %get3A_515, %get3A_520 : vector<16xf32>
      %swap3A_522 = arith.constant 19 : i32
      %swap3A_523 = arith.index_cast %swap3A_522 : i32 to index
      %swap3A_524 = arith.index_cast %mul3A_510 : i32 to index
      %swap3A_525 = tpu.vector_load %arg8[%swap3A_523, %swap3A_524] {strides = array<i32>} : memref<32x1024xf32, #tpu.memory_space<vmem>>, vector<1x16xf32>,
      %swap3A_526 = vector.shape_cast %swap3A_525 : vector<1x16xf32> to vector<16xf32>
      %swap3A_527 = vector.shape_cast %add3A_521 : vector<16xf32> to vector<1x16xf32>
      tpu.vector_store %arg8[%swap3A_523, %swap3A_524], %swap3A_527 {strides = array<i32>} : memref<32x1024xf32, #tpu.memory_space<vmem>>, vector<1x16xf32>,
      %mul3A_528 = arith.constant 16 : i32
      %mul3A_529 = arith.muli %scan3A_148, %mul3A_528 : i32
      %get3A_530 = arith.constant 20 : i32
      %get3A_531 = arith.index_cast %get3A_530 : i32 to index
      %get3A_532 = arith.index_cast %mul3A_529 : i32 to index
      %get3A_533 = tpu.vector_load %arg8[%get3A_531, %get3A_532] {strides = array<i32>} : memref<32x1024xf32, #tpu.memory_space<vmem>>, vector<1x16xf32>,
      %get3A_534 = vector.shape_cast %get3A_533 : vector<1x16xf32> to vector<16xf32>
      %get3A_535 = arith.constant 20 : i32
      %get3A_536 = arith.index_cast %get3A_535 : i32 to index
      %get3A_537 = arith.index_cast %mul3A_529 : i32 to index
      %get3A_538 = tpu.vector_load %arg9[%get3A_536, %get3A_537] {strides = array<i32>} : memref<32x1024xf32, #tpu.memory_space<vmem>>, vector<1x16xf32>,
      %get3A_539 = vector.shape_cast %get3A_538 : vector<1x16xf32> to vector<16xf32>
      %add3A_540 = arith.addf %get3A_534, %get3A_539 : vector<16xf32>
      %swap3A_541 = arith.constant 20 : i32
      %swap3A_542 = arith.index_cast %swap3A_541 : i32 to index
      %swap3A_543 = arith.index_cast %mul3A_529 : i32 to index
      %swap3A_544 = tpu.vector_load %arg8[%swap3A_542, %swap3A_543] {strides = array<i32>} : memref<32x1024xf32, #tpu.memory_space<vmem>>, vector<1x16xf32>,
      %swap3A_545 = vector.shape_cast %swap3A_544 : vector<1x16xf32> to vector<16xf32>
      %swap3A_546 = vector.shape_cast %add3A_540 : vector<16xf32> to vector<1x16xf32>
      tpu.vector_store %arg8[%swap3A_542, %swap3A_543], %swap3A_546 {strides = array<i32>} : memref<32x1024xf32, #tpu.memory_space<vmem>>, vector<1x16xf32>,
      %mul3A_547 = arith.constant 16 : i32
      %mul3A_548 = arith.muli %scan3A_148, %mul3A_547 : i32
      %get3A_549 = arith.constant 21 : i32
      %get3A_550 = arith.index_cast %get3A_549 : i32 to index
      %get3A_551 = arith.index_cast %mul3A_548 : i32 to index
      %get3A_552 = tpu.vector_load %arg8[%get3A_550, %get3A_551] {strides = array<i32>} : memref<32x1024xf32, #tpu.memory_space<vmem>>, vector<1x16xf32>,
      %get3A_553 = vector.shape_cast %get3A_552 : vector<1x16xf32> to vector<16xf32>
      %get3A_554 = arith.constant 21 : i32
      %get3A_555 = arith.index_cast %get3A_554 : i32 to index
      %get3A_556 = arith.index_cast %mul3A_548 : i32 to index
      %get3A_557 = tpu.vector_load %arg9[%get3A_555, %get3A_556] {strides = array<i32>} : memref<32x1024xf32, #tpu.memory_space<vmem>>, vector<1x16xf32>,
      %get3A_558 = vector.shape_cast %get3A_557 : vector<1x16xf32> to vector<16xf32>
      %add3A_559 = arith.addf %get3A_553, %get3A_558 : vector<16xf32>
      %swap3A_560 = arith.constant 21 : i32
      %swap3A_561 = arith.index_cast %swap3A_560 : i32 to index
      %swap3A_562 = arith.index_cast %mul3A_548 : i32 to index
      %swap3A_563 = tpu.vector_load %arg8[%swap3A_561, %swap3A_562] {strides = array<i32>} : memref<32x1024xf32, #tpu.memory_space<vmem>>, vector<1x16xf32>,
      %swap3A_564 = vector.shape_cast %swap3A_563 : vector<1x16xf32> to vector<16xf32>
      %swap3A_565 = vector.shape_cast %add3A_559 : vector<16xf32> to vector<1x16xf32>
      tpu.vector_store %arg8[%swap3A_561, %swap3A_562], %swap3A_565 {strides = array<i32>} : memref<32x1024xf32, #tpu.memory_space<vmem>>, vector<1x16xf32>,
      %mul3A_566 = arith.constant 16 : i32
      %mul3A_567 = arith.muli %scan3A_148, %mul3A_566 : i32
      %get3A_568 = arith.constant 22 : i32
      %get3A_569 = arith.index_cast %get3A_568 : i32 to index
      %get3A_570 = arith.index_cast %mul3A_567 : i32 to index
      %get3A_571 = tpu.vector_load %arg8[%get3A_569, %get3A_570] {strides = array<i32>} : memref<32x1024xf32, #tpu.memory_space<vmem>>, vector<1x16xf32>,
      %get3A_572 = vector.shape_cast %get3A_571 : vector<1x16xf32> to vector<16xf32>
      %get3A_573 = arith.constant 22 : i32
      %get3A_574 = arith.index_cast %get3A_573 : i32 to index
      %get3A_575 = arith.index_cast %mul3A_567 : i32 to index
      %get3A_576 = tpu.vector_load %arg9[%get3A_574, %get3A_575] {strides = array<i32>} : memref<32x1024xf32, #tpu.memory_space<vmem>>, vector<1x16xf32>,
      %get3A_577 = vector.shape_cast %get3A_576 : vector<1x16xf32> to vector<16xf32>
      %add3A_578 = arith.addf %get3A_572, %get3A_577 : vector<16xf32>
      %swap3A_579 = arith.constant 22 : i32
      %swap3A_580 = arith.index_cast %swap3A_579 : i32 to index
      %swap3A_581 = arith.index_cast %mul3A_567 : i32 to index
      %swap3A_582 = tpu.vector_load %arg8[%swap3A_580, %swap3A_581] {strides = array<i32>} : memref<32x1024xf32, #tpu.memory_space<vmem>>, vector<1x16xf32>,
      %swap3A_583 = vector.shape_cast %swap3A_582 : vector<1x16xf32> to vector<16xf32>
      %swap3A_584 = vector.shape_cast %add3A_578 : vector<16xf32> to vector<1x16xf32>
      tpu.vector_store %arg8[%swap3A_580, %swap3A_581], %swap3A_584 {strides = array<i32>} : memref<32x1024xf32, #tpu.memory_space<vmem>>, vector<1x16xf32>,
      %mul3A_585 = arith.constant 16 : i32
      %mul3A_586 = arith.muli %scan3A_148, %mul3A_585 : i32
      %get3A_587 = arith.constant 23 : i32
      %get3A_588 = arith.index_cast %get3A_587 : i32 to index
      %get3A_589 = arith.index_cast %mul3A_586 : i32 to index
      %get3A_590 = tpu.vector_load %arg8[%get3A_588, %get3A_589] {strides = array<i32>} : memref<32x1024xf32, #tpu.memory_space<vmem>>, vector<1x16xf32>,
      %get3A_591 = vector.shape_cast %get3A_590 : vector<1x16xf32> to vector<16xf32>
      %get3A_592 = arith.constant 23 : i32
      %get3A_593 = arith.index_cast %get3A_592 : i32 to index
      %get3A_594 = arith.index_cast %mul3A_586 : i32 to index
      %get3A_595 = tpu.vector_load %arg9[%get3A_593, %get3A_594] {strides = array<i32>} : memref<32x1024xf32, #tpu.memory_space<vmem>>, vector<1x16xf32>,
      %get3A_596 = vector.shape_cast %get3A_595 : vector<1x16xf32> to vector<16xf32>
      %add3A_597 = arith.addf %get3A_591, %get3A_596 : vector<16xf32>
      %swap3A_598 = arith.constant 23 : i32
      %swap3A_599 = arith.index_cast %swap3A_598 : i32 to index
      %swap3A_600 = arith.index_cast %mul3A_586 : i32 to index
      %swap3A_601 = tpu.vector_load %arg8[%swap3A_599, %swap3A_600] {strides = array<i32>} : memref<32x1024xf32, #tpu.memory_space<vmem>>, vector<1x16xf32>,
      %swap3A_602 = vector.shape_cast %swap3A_601 : vector<1x16xf32> to vector<16xf32>
      %swap3A_603 = vector.shape_cast %add3A_597 : vector<16xf32> to vector<1x16xf32>
      tpu.vector_store %arg8[%swap3A_599, %swap3A_600], %swap3A_603 {strides = array<i32>} : memref<32x1024xf32, #tpu.memory_space<vmem>>, vector<1x16xf32>,
      %mul3A_604 = arith.constant 16 : i32
      %mul3A_605 = arith.muli %scan3A_148, %mul3A_604 : i32
      %get3A_606 = arith.constant 24 : i32
      %get3A_607 = arith.index_cast %get3A_606 : i32 to index
      %get3A_608 = arith.index_cast %mul3A_605 : i32 to index
      %get3A_609 = tpu.vector_load %arg8[%get3A_607, %get3A_608] {strides = array<i32>} : memref<32x1024xf32, #tpu.memory_space<vmem>>, vector<1x16xf32>,
      %get3A_610 = vector.shape_cast %get3A_609 : vector<1x16xf32> to vector<16xf32>
      %get3A_611 = arith.constant 24 : i32
      %get3A_612 = arith.index_cast %get3A_611 : i32 to index
      %get3A_613 = arith.index_cast %mul3A_605 : i32 to index
      %get3A_614 = tpu.vector_load %arg9[%get3A_612, %get3A_613] {strides = array<i32>} : memref<32x1024xf32, #tpu.memory_space<vmem>>, vector<1x16xf32>,
      %get3A_615 = vector.shape_cast %get3A_614 : vector<1x16xf32> to vector<16xf32>
      %add3A_616 = arith.addf %get3A_610, %get3A_615 : vector<16xf32>
      %swap3A_617 = arith.constant 24 : i32
      %swap3A_618 = arith.index_cast %swap3A_617 : i32 to index
      %swap3A_619 = arith.index_cast %mul3A_605 : i32 to index
      %swap3A_620 = tpu.vector_load %arg8[%swap3A_618, %swap3A_619] {strides = array<i32>} : memref<32x1024xf32, #tpu.memory_space<vmem>>, vector<1x16xf32>,
      %swap3A_621 = vector.shape_cast %swap3A_620 : vector<1x16xf32> to vector<16xf32>
      %swap3A_622 = vector.shape_cast %add3A_616 : vector<16xf32> to vector<1x16xf32>
      tpu.vector_store %arg8[%swap3A_618, %swap3A_619], %swap3A_622 {strides = array<i32>} : memref<32x1024xf32, #tpu.memory_space<vmem>>, vector<1x16xf32>,
      %mul3A_623 = arith.constant 16 : i32
      %mul3A_624 = arith.muli %scan3A_148, %mul3A_623 : i32
      %get3A_625 = arith.constant 25 : i32
      %get3A_626 = arith.index_cast %get3A_625 : i32 to index
      %get3A_627 = arith.index_cast %mul3A_624 : i32 to index
      %get3A_628 = tpu.vector_load %arg8[%get3A_626, %get3A_627] {strides = array<i32>} : memref<32x1024xf32, #tpu.memory_space<vmem>>, vector<1x16xf32>,
      %get3A_629 = vector.shape_cast %get3A_628 : vector<1x16xf32> to vector<16xf32>
      %get3A_630 = arith.constant 25 : i32
      %get3A_631 = arith.index_cast %get3A_630 : i32 to index
      %get3A_632 = arith.index_cast %mul3A_624 : i32 to index
      %get3A_633 = tpu.vector_load %arg9[%get3A_631, %get3A_632] {strides = array<i32>} : memref<32x1024xf32, #tpu.memory_space<vmem>>, vector<1x16xf32>,
      %get3A_634 = vector.shape_cast %get3A_633 : vector<1x16xf32> to vector<16xf32>
      %add3A_635 = arith.addf %get3A_629, %get3A_634 : vector<16xf32>
      %swap3A_636 = arith.constant 25 : i32
      %swap3A_637 = arith.index_cast %swap3A_636 : i32 to index
      %swap3A_638 = arith.index_cast %mul3A_624 : i32 to index
      %swap3A_639 = tpu.vector_load %arg8[%swap3A_637, %swap3A_638] {strides = array<i32>} : memref<32x1024xf32, #tpu.memory_space<vmem>>, vector<1x16xf32>,
      %swap3A_640 = vector.shape_cast %swap3A_639 : vector<1x16xf32> to vector<16xf32>
      %swap3A_641 = vector.shape_cast %add3A_635 : vector<16xf32> to vector<1x16xf32>
      tpu.vector_store %arg8[%swap3A_637, %swap3A_638], %swap3A_641 {strides = array<i32>} : memref<32x1024xf32, #tpu.memory_space<vmem>>, vector<1x16xf32>,
      %mul3A_642 = arith.constant 16 : i32
      %mul3A_643 = arith.muli %scan3A_148, %mul3A_642 : i32
      %get3A_644 = arith.constant 26 : i32
      %get3A_645 = arith.index_cast %get3A_644 : i32 to index
      %get3A_646 = arith.index_cast %mul3A_643 : i32 to index
      %get3A_647 = tpu.vector_load %arg8[%get3A_645, %get3A_646] {strides = array<i32>} : memref<32x1024xf32, #tpu.memory_space<vmem>>, vector<1x16xf32>,
      %get3A_648 = vector.shape_cast %get3A_647 : vector<1x16xf32> to vector<16xf32>
      %get3A_649 = arith.constant 26 : i32
      %get3A_650 = arith.index_cast %get3A_649 : i32 to index
      %get3A_651 = arith.index_cast %mul3A_643 : i32 to index
      %get3A_652 = tpu.vector_load %arg9[%get3A_650, %get3A_651] {strides = array<i32>} : memref<32x1024xf32, #tpu.memory_space<vmem>>, vector<1x16xf32>,
      %get3A_653 = vector.shape_cast %get3A_652 : vector<1x16xf32> to vector<16xf32>
      %add3A_654 = arith.addf %get3A_648, %get3A_653 : vector<16xf32>
      %swap3A_655 = arith.constant 26 : i32
      %swap3A_656 = arith.index_cast %swap3A_655 : i32 to index
      %swap3A_657 = arith.index_cast %mul3A_643 : i32 to index
      %swap3A_658 = tpu.vector_load %arg8[%swap3A_656, %swap3A_657] {strides = array<i32>} : memref<32x1024xf32, #tpu.memory_space<vmem>>, vector<1x16xf32>,
      %swap3A_659 = vector.shape_cast %swap3A_658 : vector<1x16xf32> to vector<16xf32>
      %swap3A_660 = vector.shape_cast %add3A_654 : vector<16xf32> to vector<1x16xf32>
      tpu.vector_store %arg8[%swap3A_656, %swap3A_657], %swap3A_660 {strides = array<i32>} : memref<32x1024xf32, #tpu.memory_space<vmem>>, vector<1x16xf32>,
      %mul3A_661 = arith.constant 16 : i32
      %mul3A_662 = arith.muli %scan3A_148, %mul3A_661 : i32
      %get3A_663 = arith.constant 27 : i32
      %get3A_664 = arith.index_cast %get3A_663 : i32 to index
      %get3A_665 = arith.index_cast %mul3A_662 : i32 to index
      %get3A_666 = tpu.vector_load %arg8[%get3A_664, %get3A_665] {strides = array<i32>} : memref<32x1024xf32, #tpu.memory_space<vmem>>, vector<1x16xf32>,
      %get3A_667 = vector.shape_cast %get3A_666 : vector<1x16xf32> to vector<16xf32>
      %get3A_668 = arith.constant 27 : i32
      %get3A_669 = arith.index_cast %get3A_668 : i32 to index
      %get3A_670 = arith.index_cast %mul3A_662 : i32 to index
      %get3A_671 = tpu.vector_load %arg9[%get3A_669, %get3A_670] {strides = array<i32>} : memref<32x1024xf32, #tpu.memory_space<vmem>>, vector<1x16xf32>,
      %get3A_672 = vector.shape_cast %get3A_671 : vector<1x16xf32> to vector<16xf32>
      %add3A_673 = arith.addf %get3A_667, %get3A_672 : vector<16xf32>
      %swap3A_674 = arith.constant 27 : i32
      %swap3A_675 = arith.index_cast %swap3A_674 : i32 to index
      %swap3A_676 = arith.index_cast %mul3A_662 : i32 to index
      %swap3A_677 = tpu.vector_load %arg8[%swap3A_675, %swap3A_676] {strides = array<i32>} : memref<32x1024xf32, #tpu.memory_space<vmem>>, vector<1x16xf32>,
      %swap3A_678 = vector.shape_cast %swap3A_677 : vector<1x16xf32> to vector<16xf32>
      %swap3A_679 = vector.shape_cast %add3A_673 : vector<16xf32> to vector<1x16xf32>
      tpu.vector_store %arg8[%swap3A_675, %swap3A_676], %swap3A_679 {strides = array<i32>} : memref<32x1024xf32, #tpu.memory_space<vmem>>, vector<1x16xf32>,
      %mul3A_680 = arith.constant 16 : i32
      %mul3A_681 = arith.muli %scan3A_148, %mul3A_680 : i32
      %get3A_682 = arith.constant 28 : i32
      %get3A_683 = arith.index_cast %get3A_682 : i32 to index
      %get3A_684 = arith.index_cast %mul3A_681 : i32 to index
      %get3A_685 = tpu.vector_load %arg8[%get3A_683, %get3A_684] {strides = array<i32>} : memref<32x1024xf32, #tpu.memory_space<vmem>>, vector<1x16xf32>,
      %get3A_686 = vector.shape_cast %get3A_685 : vector<1x16xf32> to vector<16xf32>
      %get3A_687 = arith.constant 28 : i32
      %get3A_688 = arith.index_cast %get3A_687 : i32 to index
      %get3A_689 = arith.index_cast %mul3A_681 : i32 to index
      %get3A_690 = tpu.vector_load %arg9[%get3A_688, %get3A_689] {strides = array<i32>} : memref<32x1024xf32, #tpu.memory_space<vmem>>, vector<1x16xf32>,
      %get3A_691 = vector.shape_cast %get3A_690 : vector<1x16xf32> to vector<16xf32>
      %add3A_692 = arith.addf %get3A_686, %get3A_691 : vector<16xf32>
      %swap3A_693 = arith.constant 28 : i32
      %swap3A_694 = arith.index_cast %swap3A_693 : i32 to index
      %swap3A_695 = arith.index_cast %mul3A_681 : i32 to index
      %swap3A_696 = tpu.vector_load %arg8[%swap3A_694, %swap3A_695] {strides = array<i32>} : memref<32x1024xf32, #tpu.memory_space<vmem>>, vector<1x16xf32>,
      %swap3A_697 = vector.shape_cast %swap3A_696 : vector<1x16xf32> to vector<16xf32>
      %swap3A_698 = vector.shape_cast %add3A_692 : vector<16xf32> to vector<1x16xf32>
      tpu.vector_store %arg8[%swap3A_694, %swap3A_695], %swap3A_698 {strides = array<i32>} : memref<32x1024xf32, #tpu.memory_space<vmem>>, vector<1x16xf32>,
      %mul3A_699 = arith.constant 16 : i32
      %mul3A_700 = arith.muli %scan3A_148, %mul3A_699 : i32
      %get3A_701 = arith.constant 29 : i32
      %get3A_702 = arith.index_cast %get3A_701 : i32 to index
      %get3A_703 = arith.index_cast %mul3A_700 : i32 to index
      %get3A_704 = tpu.vector_load %arg8[%get3A_702, %get3A_703] {strides = array<i32>} : memref<32x1024xf32, #tpu.memory_space<vmem>>, vector<1x16xf32>,
      %get3A_705 = vector.shape_cast %get3A_704 : vector<1x16xf32> to vector<16xf32>
      %get3A_706 = arith.constant 29 : i32
      %get3A_707 = arith.index_cast %get3A_706 : i32 to index
      %get3A_708 = arith.index_cast %mul3A_700 : i32 to index
      %get3A_709 = tpu.vector_load %arg9[%get3A_707, %get3A_708] {strides = array<i32>} : memref<32x1024xf32, #tpu.memory_space<vmem>>, vector<1x16xf32>,
      %get3A_710 = vector.shape_cast %get3A_709 : vector<1x16xf32> to vector<16xf32>
      %add3A_711 = arith.addf %get3A_705, %get3A_710 : vector<16xf32>
      %swap3A_712 = arith.constant 29 : i32
      %swap3A_713 = arith.index_cast %swap3A_712 : i32 to index
      %swap3A_714 = arith.index_cast %mul3A_700 : i32 to index
      %swap3A_715 = tpu.vector_load %arg8[%swap3A_713, %swap3A_714] {strides = array<i32>} : memref<32x1024xf32, #tpu.memory_space<vmem>>, vector<1x16xf32>,
      %swap3A_716 = vector.shape_cast %swap3A_715 : vector<1x16xf32> to vector<16xf32>
      %swap3A_717 = vector.shape_cast %add3A_711 : vector<16xf32> to vector<1x16xf32>
      tpu.vector_store %arg8[%swap3A_713, %swap3A_714], %swap3A_717 {strides = array<i32>} : memref<32x1024xf32, #tpu.memory_space<vmem>>, vector<1x16xf32>,
      %mul3A_718 = arith.constant 16 : i32
      %mul3A_719 = arith.muli %scan3A_148, %mul3A_718 : i32
      %get3A_720 = arith.constant 30 : i32
      %get3A_721 = arith.index_cast %get3A_720 : i32 to index
      %get3A_722 = arith.index_cast %mul3A_719 : i32 to index
      %get3A_723 = tpu.vector_load %arg8[%get3A_721, %get3A_722] {strides = array<i32>} : memref<32x1024xf32, #tpu.memory_space<vmem>>, vector<1x16xf32>,
      %get3A_724 = vector.shape_cast %get3A_723 : vector<1x16xf32> to vector<16xf32>
      %get3A_725 = arith.constant 30 : i32
      %get3A_726 = arith.index_cast %get3A_725 : i32 to index
      %get3A_727 = arith.index_cast %mul3A_719 : i32 to index
      %get3A_728 = tpu.vector_load %arg9[%get3A_726, %get3A_727] {strides = array<i32>} : memref<32x1024xf32, #tpu.memory_space<vmem>>, vector<1x16xf32>,
      %get3A_729 = vector.shape_cast %get3A_728 : vector<1x16xf32> to vector<16xf32>
      %add3A_730 = arith.addf %get3A_724, %get3A_729 : vector<16xf32>
      %swap3A_731 = arith.constant 30 : i32
      %swap3A_732 = arith.index_cast %swap3A_731 : i32 to index
      %swap3A_733 = arith.index_cast %mul3A_719 : i32 to index
      %swap3A_734 = tpu.vector_load %arg8[%swap3A_732, %swap3A_733] {strides = array<i32>} : memref<32x1024xf32, #tpu.memory_space<vmem>>, vector<1x16xf32>,
      %swap3A_735 = vector.shape_cast %swap3A_734 : vector<1x16xf32> to vector<16xf32>
      %swap3A_736 = vector.shape_cast %add3A_730 : vector<16xf32> to vector<1x16xf32>
      tpu.vector_store %arg8[%swap3A_732, %swap3A_733], %swap3A_736 {strides = array<i32>} : memref<32x1024xf32, #tpu.memory_space<vmem>>, vector<1x16xf32>,
      %mul3A_737 = arith.constant 16 : i32
      %mul3A_738 = arith.muli %scan3A_148, %mul3A_737 : i32
      %get3A_739 = arith.constant 31 : i32
      %get3A_740 = arith.index_cast %get3A_739 : i32 to index
      %get3A_741 = arith.index_cast %mul3A_738 : i32 to index
      %get3A_742 = tpu.vector_load %arg8[%get3A_740, %get3A_741] {strides = array<i32>} : memref<32x1024xf32, #tpu.memory_space<vmem>>, vector<1x16xf32>,
      %get3A_743 = vector.shape_cast %get3A_742 : vector<1x16xf32> to vector<16xf32>
      %get3A_744 = arith.constant 31 : i32
      %get3A_745 = arith.index_cast %get3A_744 : i32 to index
      %get3A_746 = arith.index_cast %mul3A_738 : i32 to index
      %get3A_747 = tpu.vector_load %arg9[%get3A_745, %get3A_746] {strides = array<i32>} : memref<32x1024xf32, #tpu.memory_space<vmem>>, vector<1x16xf32>,
      %get3A_748 = vector.shape_cast %get3A_747 : vector<1x16xf32> to vector<16xf32>
      %add3A_749 = arith.addf %get3A_743, %get3A_748 : vector<16xf32>
      %swap3A_750 = arith.constant 31 : i32
      %swap3A_751 = arith.index_cast %swap3A_750 : i32 to index
      %swap3A_752 = arith.index_cast %mul3A_738 : i32 to index
      %swap3A_753 = tpu.vector_load %arg8[%swap3A_751, %swap3A_752] {strides = array<i32>} : memref<32x1024xf32, #tpu.memory_space<vmem>>, vector<1x16xf32>,
      %swap3A_754 = vector.shape_cast %swap3A_753 : vector<1x16xf32> to vector<16xf32>
      %swap3A_755 = vector.shape_cast %add3A_749 : vector<16xf32> to vector<1x16xf32>
      tpu.vector_store %arg8[%swap3A_751, %swap3A_752], %swap3A_755 {strides = array<i32>} : memref<32x1024xf32, #tpu.memory_space<vmem>>, vector<1x16xf32>,
      %scan3A_756 = arith.constant 0 : i32
      scf.yield %scan3A_756 : i32
    }
    %scan3A_145 = arith.constant 64 : i32
    %add3A_146 = arith.constant 96 : i32
    %add3A_147 = arith.addi %mul3A_2, %add3A_146 : i32
    "tpu.region"() ({
      %run_scoped3A = tpu.sem_alloc : memref<!tpu.dma_semaphore, #tpu.memory_space<semaphore_mem>>
      %dma_start3A_148 = arith.constant 0 : i32
      %dma_start3A_149 = tpu.memref_slice %arg5[%add3A_147, %dma_start3A_148] : memref<4096x1024xf32, #tpu.memory_space<hbm>> -> memref<32x1024xf32, #tpu.memory_space<hbm>>
      %dma_start3A_150 = arith.constant 0 : i32
      %dma_start3A_151 = tpu.memref_slice %arg5[%add3A_147, %dma_start3A_150] : memref<4096x1024xf32, #tpu.memory_space<hbm>> -> memref<32x1024xf32, #tpu.memory_space<hbm>>
      tpu.enqueue_dma source(%arg8 : memref<32x1024xf32, #tpu.memory_space<vmem>>) target(%dma_start3A_151 : memref<32x1024xf32, #tpu.memory_space<hbm>>) target_semaphore(%run_scoped3A : memref<!tpu.dma_semaphore, #tpu.memory_space<semaphore_mem>>)
      %dma_wait3A_152 = arith.constant 0 : i32
      %dma_wait3A_153 = tpu.memref_slice %arg5[%add3A_147, %dma_wait3A_152] : memref<4096x1024xf32, #tpu.memory_space<hbm>> -> memref<32x1024xf32, #tpu.memory_space<hbm>>
      %dma_wait3A_154 = arith.constant 0 : i32
      %dma_wait3A_155 = tpu.memref_slice %arg5[%add3A_147, %dma_wait3A_154] : memref<4096x1024xf32, #tpu.memory_space<hbm>> -> memref<32x1024xf32, #tpu.memory_space<hbm>>
      tpu.wait_dma2 semaphore(%run_scoped3A : memref<!tpu.dma_semaphore, #tpu.memory_space<semaphore_mem>>) src(%arg8 : memref<32x1024xf32, #tpu.memory_space<vmem>>) dst(%dma_wait3A_155 : memref<32x1024xf32, #tpu.memory_space<hbm>>)
      tpu.yield
    }) : () -> ()
    return
  }
}

#map = affine_map<(d0, d1) -> (0, 0)>
#map1 = affine_map<(d0, d1) -> (0, 0, 0)>
module attributes {stable_mosaic.version = 14 : i64} {
  func.func @_dispatch_kernel(%arg0: i32, %arg1: i32, %arg2: memref<4096x1024xf32, #tpu.memory_space<hbm>>, %arg3: memref<32x4x32xi32, #tpu.memory_space<hbm>>, %arg4: memref<32x4x32xi32, #tpu.memory_space<hbm>>, %arg5: memref<11776x1024xf32, #tpu.memory_space<hbm>>, %arg6: memref<4x32xi32, #tpu.memory_space<vmem>>, %arg7: memref<4x32xi32, #tpu.memory_space<vmem>>, %arg8: memref<32x1024xf32, #tpu.memory_space<vmem>>, %arg9: memref<!tpu.dma_semaphore, #tpu.memory_space<semaphore_mem>>, %arg10: memref<!tpu.dma_semaphore, #tpu.memory_space<semaphore_mem>>, %arg11: memref<!tpu.dma_semaphore, #tpu.memory_space<semaphore_mem>>) attributes {dimension_semantics = [#tpu.dimension_semantics<core_parallel>, #tpu.dimension_semantics<subcore_parallel>], iteration_bounds = array<i64: 2, 16>, scalar_prefetch = 0 : i64, scratch_operands = 6 : i64, tpu.core_type = #tpu.core_type<sc_vector_subcore>, window_params = [{transform_indices = #map}, {transform_indices = #map1}, {transform_indices = #map1}, {transform_indices = #map}]} {
    %mul3A = arith.constant 2 : i32
    %mul3A_0 = arith.muli %arg1, %mul3A : i32
    %add3A = arith.addi %mul3A_0, %arg0 : i32
    %mul3A_1 = arith.constant 128 : i32
    %mul3A_2 = arith.muli %add3A, %mul3A_1 : i32
    "tpu.region"() ({
      %run_scoped3A = tpu.sem_alloc : memref<!tpu.dma_semaphore, #tpu.memory_space<semaphore_mem>>
      %dma_start3A_153 = arith.constant 0 : i32
      %dma_start3A_154 = arith.constant 0 : i32
      %dma_start3A_155 = tpu.memref_slice %arg3[%add3A, %dma_start3A_153, %dma_start3A_154] : memref<32x4x32xi32, #tpu.memory_space<hbm>> -> memref<1x4x32xi32, #tpu.memory_space<hbm>>
      %dma_start3A_156 = tpu.memref_squeeze %dma_start3A_155 : memref<1x4x32xi32, #tpu.memory_space<hbm>> -> memref<4x32xi32, #tpu.memory_space<hbm>>
      %dma_start3A_157 = arith.constant 0 : i32
      %dma_start3A_158 = arith.constant 0 : i32
      %dma_start3A_159 = tpu.memref_slice %arg3[%add3A, %dma_start3A_157, %dma_start3A_158] : memref<32x4x32xi32, #tpu.memory_space<hbm>> -> memref<1x4x32xi32, #tpu.memory_space<hbm>>
      %dma_start3A_160 = tpu.memref_squeeze %dma_start3A_159 : memref<1x4x32xi32, #tpu.memory_space<hbm>> -> memref<4x32xi32, #tpu.memory_space<hbm>>
      tpu.enqueue_dma source(%dma_start3A_160 : memref<4x32xi32, #tpu.memory_space<hbm>>) target(%arg6 : memref<4x32xi32, #tpu.memory_space<vmem>>) target_semaphore(%run_scoped3A : memref<!tpu.dma_semaphore, #tpu.memory_space<semaphore_mem>>)
      %dma_wait3A_161 = arith.constant 0 : i32
      %dma_wait3A_162 = arith.constant 0 : i32
      %dma_wait3A_163 = tpu.memref_slice %arg3[%add3A, %dma_wait3A_161, %dma_wait3A_162] : memref<32x4x32xi32, #tpu.memory_space<hbm>> -> memref<1x4x32xi32, #tpu.memory_space<hbm>>
      %dma_wait3A_164 = tpu.memref_squeeze %dma_wait3A_163 : memref<1x4x32xi32, #tpu.memory_space<hbm>> -> memref<4x32xi32, #tpu.memory_space<hbm>>
      %dma_wait3A_165 = arith.constant 0 : i32
      %dma_wait3A_166 = arith.constant 0 : i32
      %dma_wait3A_167 = tpu.memref_slice %arg3[%add3A, %dma_wait3A_165, %dma_wait3A_166] : memref<32x4x32xi32, #tpu.memory_space<hbm>> -> memref<1x4x32xi32, #tpu.memory_space<hbm>>
      %dma_wait3A_168 = tpu.memref_squeeze %dma_wait3A_167 : memref<1x4x32xi32, #tpu.memory_space<hbm>> -> memref<4x32xi32, #tpu.memory_space<hbm>>
      tpu.wait_dma2 semaphore(%run_scoped3A : memref<!tpu.dma_semaphore, #tpu.memory_space<semaphore_mem>>) src(%dma_wait3A_168 : memref<4x32xi32, #tpu.memory_space<hbm>>) dst(%arg6 : memref<4x32xi32, #tpu.memory_space<vmem>>)
      tpu.yield
    }) : () -> ()
    "tpu.region"() ({
      %run_scoped3A = tpu.sem_alloc : memref<!tpu.dma_semaphore, #tpu.memory_space<semaphore_mem>>
      %dma_start3A_153 = arith.constant 0 : i32
      %dma_start3A_154 = arith.constant 0 : i32
      %dma_start3A_155 = tpu.memref_slice %arg4[%add3A, %dma_start3A_153, %dma_start3A_154] : memref<32x4x32xi32, #tpu.memory_space<hbm>> -> memref<1x4x32xi32, #tpu.memory_space<hbm>>
      %dma_start3A_156 = tpu.memref_squeeze %dma_start3A_155 : memref<1x4x32xi32, #tpu.memory_space<hbm>> -> memref<4x32xi32, #tpu.memory_space<hbm>>
      %dma_start3A_157 = arith.constant 0 : i32
      %dma_start3A_158 = arith.constant 0 : i32
      %dma_start3A_159 = tpu.memref_slice %arg4[%add3A, %dma_start3A_157, %dma_start3A_158] : memref<32x4x32xi32, #tpu.memory_space<hbm>> -> memref<1x4x32xi32, #tpu.memory_space<hbm>>
      %dma_start3A_160 = tpu.memref_squeeze %dma_start3A_159 : memref<1x4x32xi32, #tpu.memory_space<hbm>> -> memref<4x32xi32, #tpu.memory_space<hbm>>
      tpu.enqueue_dma source(%dma_start3A_160 : memref<4x32xi32, #tpu.memory_space<hbm>>) target(%arg7 : memref<4x32xi32, #tpu.memory_space<vmem>>) target_semaphore(%run_scoped3A : memref<!tpu.dma_semaphore, #tpu.memory_space<semaphore_mem>>)
      %dma_wait3A_161 = arith.constant 0 : i32
      %dma_wait3A_162 = arith.constant 0 : i32
      %dma_wait3A_163 = tpu.memref_slice %arg4[%add3A, %dma_wait3A_161, %dma_wait3A_162] : memref<32x4x32xi32, #tpu.memory_space<hbm>> -> memref<1x4x32xi32, #tpu.memory_space<hbm>>
      %dma_wait3A_164 = tpu.memref_squeeze %dma_wait3A_163 : memref<1x4x32xi32, #tpu.memory_space<hbm>> -> memref<4x32xi32, #tpu.memory_space<hbm>>
      %dma_wait3A_165 = arith.constant 0 : i32
      %dma_wait3A_166 = arith.constant 0 : i32
      %dma_wait3A_167 = tpu.memref_slice %arg4[%add3A, %dma_wait3A_165, %dma_wait3A_166] : memref<32x4x32xi32, #tpu.memory_space<hbm>> -> memref<1x4x32xi32, #tpu.memory_space<hbm>>
      %dma_wait3A_168 = tpu.memref_squeeze %dma_wait3A_167 : memref<1x4x32xi32, #tpu.memory_space<hbm>> -> memref<4x32xi32, #tpu.memory_space<hbm>>
      tpu.wait_dma2 semaphore(%run_scoped3A : memref<!tpu.dma_semaphore, #tpu.memory_space<semaphore_mem>>) src(%dma_wait3A_168 : memref<4x32xi32, #tpu.memory_space<hbm>>) dst(%arg7 : memref<4x32xi32, #tpu.memory_space<vmem>>)
      tpu.yield
    }) : () -> ()
    %add3A_3 = arith.constant 0 : i32
    %add3A_4 = arith.addi %mul3A_2, %add3A_3 : i32
    %dma_start3A = arith.constant 0 : i32
    %dma_start3A_5 = tpu.memref_slice %arg2[%add3A_4, %dma_start3A] : memref<4096x1024xf32, #tpu.memory_space<hbm>> -> memref<32x1024xf32, #tpu.memory_space<hbm>>
    %dma_start3A_6 = arith.constant 0 : i32
    %dma_start3A_7 = tpu.memref_slice %arg2[%add3A_4, %dma_start3A_6] : memref<4096x1024xf32, #tpu.memory_space<hbm>> -> memref<32x1024xf32, #tpu.memory_space<hbm>>
    tpu.enqueue_dma source(%dma_start3A_7 : memref<32x1024xf32, #tpu.memory_space<hbm>>) target(%arg8 : memref<32x1024xf32, #tpu.memory_space<vmem>>) target_semaphore(%arg9 : memref<!tpu.dma_semaphore, #tpu.memory_space<semaphore_mem>>)
    %dma_wait3A = arith.constant 0 : i32
    %dma_wait3A_8 = tpu.memref_slice %arg2[%add3A_4, %dma_wait3A] : memref<4096x1024xf32, #tpu.memory_space<hbm>> -> memref<32x1024xf32, #tpu.memory_space<hbm>>
    %dma_wait3A_9 = arith.constant 0 : i32
    %dma_wait3A_10 = tpu.memref_slice %arg2[%add3A_4, %dma_wait3A_9] : memref<4096x1024xf32, #tpu.memory_space<hbm>> -> memref<32x1024xf32, #tpu.memory_space<hbm>>
    tpu.wait_dma2 semaphore(%arg9 : memref<!tpu.dma_semaphore, #tpu.memory_space<semaphore_mem>>) src(%dma_wait3A_10 : memref<32x1024xf32, #tpu.memory_space<hbm>>) dst(%arg8 : memref<32x1024xf32, #tpu.memory_space<vmem>>)
    %dma_start3A_11 = arith.constant 0 : i32
    %dma_start3A_12 = arith.constant 0 : i32
    %dma_start3A_13 = tpu.memref_slice %arg6[%dma_start3A_11, %dma_start3A_12] : memref<4x32xi32, #tpu.memory_space<vmem>> -> memref<1x32xi32, #tpu.memory_space<vmem>>
    %dma_start3A_14 = tpu.memref_squeeze %dma_start3A_13 : memref<1x32xi32, #tpu.memory_space<vmem>> -> memref<32xi32, #tpu.memory_space<vmem>>
    %dma_start3A_15 = arith.constant 0 : i32
    %dma_start3A_16 = arith.constant 0 : i32
    %dma_start3A_17 = tpu.memref_slice %arg5[%dma_start3A_15, %dma_start3A_16] : memref<11776x1024xf32, #tpu.memory_space<hbm>> -> memref<11776x1024xf32, #tpu.memory_space<hbm>>
    tpu.enqueue_indirect_dma source(%arg8 : memref<32x1024xf32, #tpu.memory_space<vmem>>) target(%dma_start3A_17 : memref<11776x1024xf32, #tpu.memory_space<hbm>>) offsets(%dma_start3A_14 : memref<32xi32, #tpu.memory_space<vmem>>) semaphore(%arg10 : memref<!tpu.dma_semaphore, #tpu.memory_space<semaphore_mem>>)
    %dma_start3A_18 = arith.constant 0 : i32
    %dma_start3A_19 = arith.constant 0 : i32
    %dma_start3A_20 = tpu.memref_slice %arg7[%dma_start3A_18, %dma_start3A_19] : memref<4x32xi32, #tpu.memory_space<vmem>> -> memref<1x32xi32, #tpu.memory_space<vmem>>
    %dma_start3A_21 = tpu.memref_squeeze %dma_start3A_20 : memref<1x32xi32, #tpu.memory_space<vmem>> -> memref<32xi32, #tpu.memory_space<vmem>>
    %dma_start3A_22 = arith.constant 0 : i32
    %dma_start3A_23 = arith.constant 0 : i32
    %dma_start3A_24 = tpu.memref_slice %arg5[%dma_start3A_22, %dma_start3A_23] : memref<11776x1024xf32, #tpu.memory_space<hbm>> -> memref<11776x1024xf32, #tpu.memory_space<hbm>>
    tpu.enqueue_indirect_dma source(%arg8 : memref<32x1024xf32, #tpu.memory_space<vmem>>) target(%dma_start3A_24 : memref<11776x1024xf32, #tpu.memory_space<hbm>>) offsets(%dma_start3A_21 : memref<32xi32, #tpu.memory_space<vmem>>) semaphore(%arg11 : memref<!tpu.dma_semaphore, #tpu.memory_space<semaphore_mem>>)
    %dma_wait3A_25 = arith.constant 0 : i32
    %dma_wait3A_26 = arith.constant 0 : i32
    %dma_wait3A_27 = tpu.memref_slice %arg6[%dma_wait3A_25, %dma_wait3A_26] : memref<4x32xi32, #tpu.memory_space<vmem>> -> memref<1x32xi32, #tpu.memory_space<vmem>>
    %dma_wait3A_28 = tpu.memref_squeeze %dma_wait3A_27 : memref<1x32xi32, #tpu.memory_space<vmem>> -> memref<32xi32, #tpu.memory_space<vmem>>
    %dma_wait3A_29 = arith.constant 0 : i32
    %dma_wait3A_30 = arith.constant 0 : i32
    %dma_wait3A_31 = tpu.memref_slice %arg5[%dma_wait3A_29, %dma_wait3A_30] : memref<11776x1024xf32, #tpu.memory_space<hbm>> -> memref<11776x1024xf32, #tpu.memory_space<hbm>>
    tpu.wait_indirect_dma semaphore(%arg10 : memref<!tpu.dma_semaphore, #tpu.memory_space<semaphore_mem>>) src(%arg8 : memref<32x1024xf32, #tpu.memory_space<vmem>>) dst(%dma_wait3A_31 : memref<11776x1024xf32, #tpu.memory_space<hbm>>)
    %dma_wait3A_32 = arith.constant 0 : i32
    %dma_wait3A_33 = arith.constant 0 : i32
    %dma_wait3A_34 = tpu.memref_slice %arg7[%dma_wait3A_32, %dma_wait3A_33] : memref<4x32xi32, #tpu.memory_space<vmem>> -> memref<1x32xi32, #tpu.memory_space<vmem>>
    %dma_wait3A_35 = tpu.memref_squeeze %dma_wait3A_34 : memref<1x32xi32, #tpu.memory_space<vmem>> -> memref<32xi32, #tpu.memory_space<vmem>>
    %dma_wait3A_36 = arith.constant 0 : i32
    %dma_wait3A_37 = arith.constant 0 : i32
    %dma_wait3A_38 = tpu.memref_slice %arg5[%dma_wait3A_36, %dma_wait3A_37] : memref<11776x1024xf32, #tpu.memory_space<hbm>> -> memref<11776x1024xf32, #tpu.memory_space<hbm>>
    tpu.wait_indirect_dma semaphore(%arg11 : memref<!tpu.dma_semaphore, #tpu.memory_space<semaphore_mem>>) src(%arg8 : memref<32x1024xf32, #tpu.memory_space<vmem>>) dst(%dma_wait3A_38 : memref<11776x1024xf32, #tpu.memory_space<hbm>>)
    %add3A_39 = arith.constant 32 : i32
    %add3A_40 = arith.addi %mul3A_2, %add3A_39 : i32
    %dma_start3A_41 = arith.constant 0 : i32
    %dma_start3A_42 = tpu.memref_slice %arg2[%add3A_40, %dma_start3A_41] : memref<4096x1024xf32, #tpu.memory_space<hbm>> -> memref<32x1024xf32, #tpu.memory_space<hbm>>
    %dma_start3A_43 = arith.constant 0 : i32
    %dma_start3A_44 = tpu.memref_slice %arg2[%add3A_40, %dma_start3A_43] : memref<4096x1024xf32, #tpu.memory_space<hbm>> -> memref<32x1024xf32, #tpu.memory_space<hbm>>
    tpu.enqueue_dma source(%dma_start3A_44 : memref<32x1024xf32, #tpu.memory_space<hbm>>) target(%arg8 : memref<32x1024xf32, #tpu.memory_space<vmem>>) target_semaphore(%arg9 : memref<!tpu.dma_semaphore, #tpu.memory_space<semaphore_mem>>)
    %dma_wait3A_45 = arith.constant 0 : i32
    %dma_wait3A_46 = tpu.memref_slice %arg2[%add3A_40, %dma_wait3A_45] : memref<4096x1024xf32, #tpu.memory_space<hbm>> -> memref<32x1024xf32, #tpu.memory_space<hbm>>
    %dma_wait3A_47 = arith.constant 0 : i32
    %dma_wait3A_48 = tpu.memref_slice %arg2[%add3A_40, %dma_wait3A_47] : memref<4096x1024xf32, #tpu.memory_space<hbm>> -> memref<32x1024xf32, #tpu.memory_space<hbm>>
    tpu.wait_dma2 semaphore(%arg9 : memref<!tpu.dma_semaphore, #tpu.memory_space<semaphore_mem>>) src(%dma_wait3A_48 : memref<32x1024xf32, #tpu.memory_space<hbm>>) dst(%arg8 : memref<32x1024xf32, #tpu.memory_space<vmem>>)
    %dma_start3A_49 = arith.constant 1 : i32
    %dma_start3A_50 = arith.constant 0 : i32
    %dma_start3A_51 = tpu.memref_slice %arg6[%dma_start3A_49, %dma_start3A_50] : memref<4x32xi32, #tpu.memory_space<vmem>> -> memref<1x32xi32, #tpu.memory_space<vmem>>
    %dma_start3A_52 = tpu.memref_squeeze %dma_start3A_51 : memref<1x32xi32, #tpu.memory_space<vmem>> -> memref<32xi32, #tpu.memory_space<vmem>>
    %dma_start3A_53 = arith.constant 0 : i32
    %dma_start3A_54 = arith.constant 0 : i32
    %dma_start3A_55 = tpu.memref_slice %arg5[%dma_start3A_53, %dma_start3A_54] : memref<11776x1024xf32, #tpu.memory_space<hbm>> -> memref<11776x1024xf32, #tpu.memory_space<hbm>>
    tpu.enqueue_indirect_dma source(%arg8 : memref<32x1024xf32, #tpu.memory_space<vmem>>) target(%dma_start3A_55 : memref<11776x1024xf32, #tpu.memory_space<hbm>>) offsets(%dma_start3A_52 : memref<32xi32, #tpu.memory_space<vmem>>) semaphore(%arg10 : memref<!tpu.dma_semaphore, #tpu.memory_space<semaphore_mem>>)
    %dma_start3A_56 = arith.constant 1 : i32
    %dma_start3A_57 = arith.constant 0 : i32
    %dma_start3A_58 = tpu.memref_slice %arg7[%dma_start3A_56, %dma_start3A_57] : memref<4x32xi32, #tpu.memory_space<vmem>> -> memref<1x32xi32, #tpu.memory_space<vmem>>
    %dma_start3A_59 = tpu.memref_squeeze %dma_start3A_58 : memref<1x32xi32, #tpu.memory_space<vmem>> -> memref<32xi32, #tpu.memory_space<vmem>>
    %dma_start3A_60 = arith.constant 0 : i32
    %dma_start3A_61 = arith.constant 0 : i32
    %dma_start3A_62 = tpu.memref_slice %arg5[%dma_start3A_60, %dma_start3A_61] : memref<11776x1024xf32, #tpu.memory_space<hbm>> -> memref<11776x1024xf32, #tpu.memory_space<hbm>>
    tpu.enqueue_indirect_dma source(%arg8 : memref<32x1024xf32, #tpu.memory_space<vmem>>) target(%dma_start3A_62 : memref<11776x1024xf32, #tpu.memory_space<hbm>>) offsets(%dma_start3A_59 : memref<32xi32, #tpu.memory_space<vmem>>) semaphore(%arg11 : memref<!tpu.dma_semaphore, #tpu.memory_space<semaphore_mem>>)
    %dma_wait3A_63 = arith.constant 1 : i32
    %dma_wait3A_64 = arith.constant 0 : i32
    %dma_wait3A_65 = tpu.memref_slice %arg6[%dma_wait3A_63, %dma_wait3A_64] : memref<4x32xi32, #tpu.memory_space<vmem>> -> memref<1x32xi32, #tpu.memory_space<vmem>>
    %dma_wait3A_66 = tpu.memref_squeeze %dma_wait3A_65 : memref<1x32xi32, #tpu.memory_space<vmem>> -> memref<32xi32, #tpu.memory_space<vmem>>
    %dma_wait3A_67 = arith.constant 0 : i32
    %dma_wait3A_68 = arith.constant 0 : i32
    %dma_wait3A_69 = tpu.memref_slice %arg5[%dma_wait3A_67, %dma_wait3A_68] : memref<11776x1024xf32, #tpu.memory_space<hbm>> -> memref<11776x1024xf32, #tpu.memory_space<hbm>>
    tpu.wait_indirect_dma semaphore(%arg10 : memref<!tpu.dma_semaphore, #tpu.memory_space<semaphore_mem>>) src(%arg8 : memref<32x1024xf32, #tpu.memory_space<vmem>>) dst(%dma_wait3A_69 : memref<11776x1024xf32, #tpu.memory_space<hbm>>)
    %dma_wait3A_70 = arith.constant 1 : i32
    %dma_wait3A_71 = arith.constant 0 : i32
    %dma_wait3A_72 = tpu.memref_slice %arg7[%dma_wait3A_70, %dma_wait3A_71] : memref<4x32xi32, #tpu.memory_space<vmem>> -> memref<1x32xi32, #tpu.memory_space<vmem>>
    %dma_wait3A_73 = tpu.memref_squeeze %dma_wait3A_72 : memref<1x32xi32, #tpu.memory_space<vmem>> -> memref<32xi32, #tpu.memory_space<vmem>>
    %dma_wait3A_74 = arith.constant 0 : i32
    %dma_wait3A_75 = arith.constant 0 : i32
    %dma_wait3A_76 = tpu.memref_slice %arg5[%dma_wait3A_74, %dma_wait3A_75] : memref<11776x1024xf32, #tpu.memory_space<hbm>> -> memref<11776x1024xf32, #tpu.memory_space<hbm>>
    tpu.wait_indirect_dma semaphore(%arg11 : memref<!tpu.dma_semaphore, #tpu.memory_space<semaphore_mem>>) src(%arg8 : memref<32x1024xf32, #tpu.memory_space<vmem>>) dst(%dma_wait3A_76 : memref<11776x1024xf32, #tpu.memory_space<hbm>>)
    %add3A_77 = arith.constant 64 : i32
    %add3A_78 = arith.addi %mul3A_2, %add3A_77 : i32
    %dma_start3A_79 = arith.constant 0 : i32
    %dma_start3A_80 = tpu.memref_slice %arg2[%add3A_78, %dma_start3A_79] : memref<4096x1024xf32, #tpu.memory_space<hbm>> -> memref<32x1024xf32, #tpu.memory_space<hbm>>
    %dma_start3A_81 = arith.constant 0 : i32
    %dma_start3A_82 = tpu.memref_slice %arg2[%add3A_78, %dma_start3A_81] : memref<4096x1024xf32, #tpu.memory_space<hbm>> -> memref<32x1024xf32, #tpu.memory_space<hbm>>
    tpu.enqueue_dma source(%dma_start3A_82 : memref<32x1024xf32, #tpu.memory_space<hbm>>) target(%arg8 : memref<32x1024xf32, #tpu.memory_space<vmem>>) target_semaphore(%arg9 : memref<!tpu.dma_semaphore, #tpu.memory_space<semaphore_mem>>)
    %dma_wait3A_83 = arith.constant 0 : i32
    %dma_wait3A_84 = tpu.memref_slice %arg2[%add3A_78, %dma_wait3A_83] : memref<4096x1024xf32, #tpu.memory_space<hbm>> -> memref<32x1024xf32, #tpu.memory_space<hbm>>
    %dma_wait3A_85 = arith.constant 0 : i32
    %dma_wait3A_86 = tpu.memref_slice %arg2[%add3A_78, %dma_wait3A_85] : memref<4096x1024xf32, #tpu.memory_space<hbm>> -> memref<32x1024xf32, #tpu.memory_space<hbm>>
    tpu.wait_dma2 semaphore(%arg9 : memref<!tpu.dma_semaphore, #tpu.memory_space<semaphore_mem>>) src(%dma_wait3A_86 : memref<32x1024xf32, #tpu.memory_space<hbm>>) dst(%arg8 : memref<32x1024xf32, #tpu.memory_space<vmem>>)
    %dma_start3A_87 = arith.constant 2 : i32
    %dma_start3A_88 = arith.constant 0 : i32
    %dma_start3A_89 = tpu.memref_slice %arg6[%dma_start3A_87, %dma_start3A_88] : memref<4x32xi32, #tpu.memory_space<vmem>> -> memref<1x32xi32, #tpu.memory_space<vmem>>
    %dma_start3A_90 = tpu.memref_squeeze %dma_start3A_89 : memref<1x32xi32, #tpu.memory_space<vmem>> -> memref<32xi32, #tpu.memory_space<vmem>>
    %dma_start3A_91 = arith.constant 0 : i32
    %dma_start3A_92 = arith.constant 0 : i32
    %dma_start3A_93 = tpu.memref_slice %arg5[%dma_start3A_91, %dma_start3A_92] : memref<11776x1024xf32, #tpu.memory_space<hbm>> -> memref<11776x1024xf32, #tpu.memory_space<hbm>>
    tpu.enqueue_indirect_dma source(%arg8 : memref<32x1024xf32, #tpu.memory_space<vmem>>) target(%dma_start3A_93 : memref<11776x1024xf32, #tpu.memory_space<hbm>>) offsets(%dma_start3A_90 : memref<32xi32, #tpu.memory_space<vmem>>) semaphore(%arg10 : memref<!tpu.dma_semaphore, #tpu.memory_space<semaphore_mem>>)
    %dma_start3A_94 = arith.constant 2 : i32
    %dma_start3A_95 = arith.constant 0 : i32
    %dma_start3A_96 = tpu.memref_slice %arg7[%dma_start3A_94, %dma_start3A_95] : memref<4x32xi32, #tpu.memory_space<vmem>> -> memref<1x32xi32, #tpu.memory_space<vmem>>
    %dma_start3A_97 = tpu.memref_squeeze %dma_start3A_96 : memref<1x32xi32, #tpu.memory_space<vmem>> -> memref<32xi32, #tpu.memory_space<vmem>>
    %dma_start3A_98 = arith.constant 0 : i32
    %dma_start3A_99 = arith.constant 0 : i32
    %dma_start3A_100 = tpu.memref_slice %arg5[%dma_start3A_98, %dma_start3A_99] : memref<11776x1024xf32, #tpu.memory_space<hbm>> -> memref<11776x1024xf32, #tpu.memory_space<hbm>>
    tpu.enqueue_indirect_dma source(%arg8 : memref<32x1024xf32, #tpu.memory_space<vmem>>) target(%dma_start3A_100 : memref<11776x1024xf32, #tpu.memory_space<hbm>>) offsets(%dma_start3A_97 : memref<32xi32, #tpu.memory_space<vmem>>) semaphore(%arg11 : memref<!tpu.dma_semaphore, #tpu.memory_space<semaphore_mem>>)
    %dma_wait3A_101 = arith.constant 2 : i32
    %dma_wait3A_102 = arith.constant 0 : i32
    %dma_wait3A_103 = tpu.memref_slice %arg6[%dma_wait3A_101, %dma_wait3A_102] : memref<4x32xi32, #tpu.memory_space<vmem>> -> memref<1x32xi32, #tpu.memory_space<vmem>>
    %dma_wait3A_104 = tpu.memref_squeeze %dma_wait3A_103 : memref<1x32xi32, #tpu.memory_space<vmem>> -> memref<32xi32, #tpu.memory_space<vmem>>
    %dma_wait3A_105 = arith.constant 0 : i32
    %dma_wait3A_106 = arith.constant 0 : i32
    %dma_wait3A_107 = tpu.memref_slice %arg5[%dma_wait3A_105, %dma_wait3A_106] : memref<11776x1024xf32, #tpu.memory_space<hbm>> -> memref<11776x1024xf32, #tpu.memory_space<hbm>>
    tpu.wait_indirect_dma semaphore(%arg10 : memref<!tpu.dma_semaphore, #tpu.memory_space<semaphore_mem>>) src(%arg8 : memref<32x1024xf32, #tpu.memory_space<vmem>>) dst(%dma_wait3A_107 : memref<11776x1024xf32, #tpu.memory_space<hbm>>)
    %dma_wait3A_108 = arith.constant 2 : i32
    %dma_wait3A_109 = arith.constant 0 : i32
    %dma_wait3A_110 = tpu.memref_slice %arg7[%dma_wait3A_108, %dma_wait3A_109] : memref<4x32xi32, #tpu.memory_space<vmem>> -> memref<1x32xi32, #tpu.memory_space<vmem>>
    %dma_wait3A_111 = tpu.memref_squeeze %dma_wait3A_110 : memref<1x32xi32, #tpu.memory_space<vmem>> -> memref<32xi32, #tpu.memory_space<vmem>>
    %dma_wait3A_112 = arith.constant 0 : i32
    %dma_wait3A_113 = arith.constant 0 : i32
    %dma_wait3A_114 = tpu.memref_slice %arg5[%dma_wait3A_112, %dma_wait3A_113] : memref<11776x1024xf32, #tpu.memory_space<hbm>> -> memref<11776x1024xf32, #tpu.memory_space<hbm>>
    tpu.wait_indirect_dma semaphore(%arg11 : memref<!tpu.dma_semaphore, #tpu.memory_space<semaphore_mem>>) src(%arg8 : memref<32x1024xf32, #tpu.memory_space<vmem>>) dst(%dma_wait3A_114 : memref<11776x1024xf32, #tpu.memory_space<hbm>>)
    %add3A_115 = arith.constant 96 : i32
    %add3A_116 = arith.addi %mul3A_2, %add3A_115 : i32
    %dma_start3A_117 = arith.constant 0 : i32
    %dma_start3A_118 = tpu.memref_slice %arg2[%add3A_116, %dma_start3A_117] : memref<4096x1024xf32, #tpu.memory_space<hbm>> -> memref<32x1024xf32, #tpu.memory_space<hbm>>
    %dma_start3A_119 = arith.constant 0 : i32
    %dma_start3A_120 = tpu.memref_slice %arg2[%add3A_116, %dma_start3A_119] : memref<4096x1024xf32, #tpu.memory_space<hbm>> -> memref<32x1024xf32, #tpu.memory_space<hbm>>
    tpu.enqueue_dma source(%dma_start3A_120 : memref<32x1024xf32, #tpu.memory_space<hbm>>) target(%arg8 : memref<32x1024xf32, #tpu.memory_space<vmem>>) target_semaphore(%arg9 : memref<!tpu.dma_semaphore, #tpu.memory_space<semaphore_mem>>)
    %dma_wait3A_121 = arith.constant 0 : i32
    %dma_wait3A_122 = tpu.memref_slice %arg2[%add3A_116, %dma_wait3A_121] : memref<4096x1024xf32, #tpu.memory_space<hbm>> -> memref<32x1024xf32, #tpu.memory_space<hbm>>
    %dma_wait3A_123 = arith.constant 0 : i32
    %dma_wait3A_124 = tpu.memref_slice %arg2[%add3A_116, %dma_wait3A_123] : memref<4096x1024xf32, #tpu.memory_space<hbm>> -> memref<32x1024xf32, #tpu.memory_space<hbm>>
    tpu.wait_dma2 semaphore(%arg9 : memref<!tpu.dma_semaphore, #tpu.memory_space<semaphore_mem>>) src(%dma_wait3A_124 : memref<32x1024xf32, #tpu.memory_space<hbm>>) dst(%arg8 : memref<32x1024xf32, #tpu.memory_space<vmem>>)
    %dma_start3A_125 = arith.constant 3 : i32
    %dma_start3A_126 = arith.constant 0 : i32
    %dma_start3A_127 = tpu.memref_slice %arg6[%dma_start3A_125, %dma_start3A_126] : memref<4x32xi32, #tpu.memory_space<vmem>> -> memref<1x32xi32, #tpu.memory_space<vmem>>
    %dma_start3A_128 = tpu.memref_squeeze %dma_start3A_127 : memref<1x32xi32, #tpu.memory_space<vmem>> -> memref<32xi32, #tpu.memory_space<vmem>>
    %dma_start3A_129 = arith.constant 0 : i32
    %dma_start3A_130 = arith.constant 0 : i32
    %dma_start3A_131 = tpu.memref_slice %arg5[%dma_start3A_129, %dma_start3A_130] : memref<11776x1024xf32, #tpu.memory_space<hbm>> -> memref<11776x1024xf32, #tpu.memory_space<hbm>>
    tpu.enqueue_indirect_dma source(%arg8 : memref<32x1024xf32, #tpu.memory_space<vmem>>) target(%dma_start3A_131 : memref<11776x1024xf32, #tpu.memory_space<hbm>>) offsets(%dma_start3A_128 : memref<32xi32, #tpu.memory_space<vmem>>) semaphore(%arg10 : memref<!tpu.dma_semaphore, #tpu.memory_space<semaphore_mem>>)
    %dma_start3A_132 = arith.constant 3 : i32
    %dma_start3A_133 = arith.constant 0 : i32
    %dma_start3A_134 = tpu.memref_slice %arg7[%dma_start3A_132, %dma_start3A_133] : memref<4x32xi32, #tpu.memory_space<vmem>> -> memref<1x32xi32, #tpu.memory_space<vmem>>
    %dma_start3A_135 = tpu.memref_squeeze %dma_start3A_134 : memref<1x32xi32, #tpu.memory_space<vmem>> -> memref<32xi32, #tpu.memory_space<vmem>>
    %dma_start3A_136 = arith.constant 0 : i32
    %dma_start3A_137 = arith.constant 0 : i32
    %dma_start3A_138 = tpu.memref_slice %arg5[%dma_start3A_136, %dma_start3A_137] : memref<11776x1024xf32, #tpu.memory_space<hbm>> -> memref<11776x1024xf32, #tpu.memory_space<hbm>>
    tpu.enqueue_indirect_dma source(%arg8 : memref<32x1024xf32, #tpu.memory_space<vmem>>) target(%dma_start3A_138 : memref<11776x1024xf32, #tpu.memory_space<hbm>>) offsets(%dma_start3A_135 : memref<32xi32, #tpu.memory_space<vmem>>) semaphore(%arg11 : memref<!tpu.dma_semaphore, #tpu.memory_space<semaphore_mem>>)
    %dma_wait3A_139 = arith.constant 3 : i32
    %dma_wait3A_140 = arith.constant 0 : i32
    %dma_wait3A_141 = tpu.memref_slice %arg6[%dma_wait3A_139, %dma_wait3A_140] : memref<4x32xi32, #tpu.memory_space<vmem>> -> memref<1x32xi32, #tpu.memory_space<vmem>>
    %dma_wait3A_142 = tpu.memref_squeeze %dma_wait3A_141 : memref<1x32xi32, #tpu.memory_space<vmem>> -> memref<32xi32, #tpu.memory_space<vmem>>
    %dma_wait3A_143 = arith.constant 0 : i32
    %dma_wait3A_144 = arith.constant 0 : i32
    %dma_wait3A_145 = tpu.memref_slice %arg5[%dma_wait3A_143, %dma_wait3A_144] : memref<11776x1024xf32, #tpu.memory_space<hbm>> -> memref<11776x1024xf32, #tpu.memory_space<hbm>>
    tpu.wait_indirect_dma semaphore(%arg10 : memref<!tpu.dma_semaphore, #tpu.memory_space<semaphore_mem>>) src(%arg8 : memref<32x1024xf32, #tpu.memory_space<vmem>>) dst(%dma_wait3A_145 : memref<11776x1024xf32, #tpu.memory_space<hbm>>)
    %dma_wait3A_146 = arith.constant 3 : i32
    %dma_wait3A_147 = arith.constant 0 : i32
    %dma_wait3A_148 = tpu.memref_slice %arg7[%dma_wait3A_146, %dma_wait3A_147] : memref<4x32xi32, #tpu.memory_space<vmem>> -> memref<1x32xi32, #tpu.memory_space<vmem>>
    %dma_wait3A_149 = tpu.memref_squeeze %dma_wait3A_148 : memref<1x32xi32, #tpu.memory_space<vmem>> -> memref<32xi32, #tpu.memory_space<vmem>>
    %dma_wait3A_150 = arith.constant 0 : i32
    %dma_wait3A_151 = arith.constant 0 : i32
    %dma_wait3A_152 = tpu.memref_slice %arg5[%dma_wait3A_150, %dma_wait3A_151] : memref<11776x1024xf32, #tpu.memory_space<hbm>> -> memref<11776x1024xf32, #tpu.memory_space<hbm>>
    tpu.wait_indirect_dma semaphore(%arg11 : memref<!tpu.dma_semaphore, #tpu.memory_space<semaphore_mem>>) src(%arg8 : memref<32x1024xf32, #tpu.memory_space<vmem>>) dst(%dma_wait3A_152 : memref<11776x1024xf32, #tpu.memory_space<hbm>>)
    return
  }
}

module attributes {stable_mosaic.version = 14 : i64} {
  func.func @_gate_kernel(%arg0: memref<4096x1024xf32, #tpu.memory_space<vmem>>, %arg1: memref<128x1024xf32, #tpu.memory_space<vmem>>, %arg2: memref<1x128xf32, #tpu.memory_space<vmem>>, %arg3: memref<512x512xf32, #tpu.memory_space<vmem>>, %arg4: memref<4096x1xi32, #tpu.memory_space<vmem>>, %arg5: memref<4096x1xi32, #tpu.memory_space<vmem>>, %arg6: memref<1x128xi32, #tpu.memory_space<vmem>>) attributes {dimension_semantics = [], scalar_prefetch = 0 : i64, scratch_operands = 0 : i64, tpu.core_type = #tpu.core_type<tc>} {
    %get3A = arith.constant 0 : index
    %get3A_0 = arith.constant 0 : index
    %get3A_1 = vector.load %arg0[%get3A, %get3A_0] : memref<4096x1024xf32, #tpu.memory_space<vmem>>, vector<4096x1024xf32>
    %get3A_2 = arith.constant 0 : index
    %get3A_3 = arith.constant 0 : index
    %get3A_4 = vector.load %arg1[%get3A_2, %get3A_3] : memref<128x1024xf32, #tpu.memory_space<vmem>>, vector<128x1024xf32>
    %dot_general3A = arith.constant dense<0.000000e+00> : vector<4096x128xf32>
    %dot_general3A_5 = tpu.matmul %get3A_1, %get3A_4, %dot_general3A {dimension_numbers = #tpu.dot_dimension_numbers<[1], [1], [0], [0], [0, 0, 1, 0], [], []>, transpose_lhs_hint = false} : vector<4096x1024xf32>, vector<128x1024xf32>, vector<4096x128xf32> -> vector<4096x128xf32>
    %get3A_6 = arith.constant 0 : index
    %get3A_7 = arith.constant 0 : index
    %get3A_8 = vector.load %arg2[%get3A_6, %get3A_7] : memref<1x128xf32, #tpu.memory_space<vmem>>, vector<1x128xf32>
    %add3A = vector.broadcast %get3A_8 : vector<1x128xf32> to vector<4096x128xf32>
    %add3A_9 = arith.addf %dot_general3A_5, %add3A : vector<4096x128xf32>
    %iota3A = tpu.iota {dimensions = array<i32: 1>} : vector<4096x128xi32>
    %lt3A = arith.constant 8 : i32
    %lt3A_10 = vector.broadcast %lt3A : i32 to vector<4096x128xi32>
    %lt3A_11 = arith.cmpi slt, %iota3A, %lt3A_10 : vector<4096x128xi32>
    %jit3A = arith.constant -1.000000e+30 : f32
    %broadcast_in_dim3A = vector.broadcast %jit3A : f32 to vector<4096x128xf32>
    %select_n3A = arith.select %lt3A_11, %add3A_9, %broadcast_in_dim3A : vector<4096x128xi1>, vector<4096x128xf32>
    %reduce_max3A = arith.constant dense<0xFF800000> : vector<4096xf32>
    %reduce_max3A_12 = vector.multi_reduction <maximumf>, %select_n3A, %reduce_max3A [1] : vector<4096x128xf32> to vector<4096xf32>
    %broadcast_in_dim3A_13 = vector.shape_cast %reduce_max3A_12 : vector<4096xf32> to vector<4096x1xf32>
    %eq3A = vector.broadcast %broadcast_in_dim3A_13 : vector<4096x1xf32> to vector<4096x128xf32>
    %eq3A_14 = arith.cmpf oeq, %select_n3A, %eq3A : vector<4096x128xf32>
    %jit3A_15 = arith.constant 127 : i32
    %broadcast_in_dim3A_16 = vector.broadcast %jit3A_15 : i32 to vector<4096x128xi32>
    %select_n3A_17 = arith.select %eq3A_14, %iota3A, %broadcast_in_dim3A_16 : vector<4096x128xi1>, vector<4096x128xi32>
    %reduce_min3A = arith.constant dense<2147483647> : vector<4096xi32>
    %reduce_min3A_18 = vector.multi_reduction <minsi>, %select_n3A_17, %reduce_min3A [1] : vector<4096x128xi32> to vector<4096xi32>
    %broadcast_in_dim3A_19 = vector.shape_cast %reduce_min3A_18 : vector<4096xi32> to vector<4096x1xi32>
    %eq3A_20 = vector.broadcast %broadcast_in_dim3A_19 : vector<4096x1xi32> to vector<4096x128xi32>
    %eq3A_21 = arith.cmpi eq, %iota3A, %eq3A_20 : vector<4096x128xi32>
    %jit3A_22 = arith.constant -1.000000e+30 : f32
    %broadcast_in_dim3A_23 = vector.broadcast %jit3A_22 : f32 to vector<4096x128xf32>
    %select_n3A_24 = arith.select %eq3A_21, %broadcast_in_dim3A_23, %select_n3A : vector<4096x128xi1>, vector<4096x128xf32>
    %reduce_max3A_25 = arith.constant dense<0xFF800000> : vector<4096xf32>
    %reduce_max3A_26 = vector.multi_reduction <maximumf>, %select_n3A_24, %reduce_max3A_25 [1] : vector<4096x128xf32> to vector<4096xf32>
    %broadcast_in_dim3A_27 = vector.shape_cast %reduce_max3A_26 : vector<4096xf32> to vector<4096x1xf32>
    %eq3A_28 = vector.broadcast %broadcast_in_dim3A_27 : vector<4096x1xf32> to vector<4096x128xf32>
    %eq3A_29 = arith.cmpf oeq, %select_n3A_24, %eq3A_28 : vector<4096x128xf32>
    %jit3A_30 = arith.constant 127 : i32
    %broadcast_in_dim3A_31 = vector.broadcast %jit3A_30 : i32 to vector<4096x128xi32>
    %select_n3A_32 = arith.select %eq3A_29, %iota3A, %broadcast_in_dim3A_31 : vector<4096x128xi1>, vector<4096x128xi32>
    %reduce_min3A_33 = arith.constant dense<2147483647> : vector<4096xi32>
    %reduce_min3A_34 = vector.multi_reduction <minsi>, %select_n3A_32, %reduce_min3A_33 [1] : vector<4096x128xi32> to vector<4096xi32>
    %broadcast_in_dim3A_35 = vector.shape_cast %reduce_min3A_34 : vector<4096xi32> to vector<4096x1xi32>
    %eq3A_36 = vector.broadcast %broadcast_in_dim3A_19 : vector<4096x1xi32> to vector<4096x128xi32>
    %eq3A_37 = arith.cmpi eq, %iota3A, %eq3A_36 : vector<4096x128xi32>
    %eq3A_38 = vector.broadcast %broadcast_in_dim3A_35 : vector<4096x1xi32> to vector<4096x128xi32>
    %eq3A_39 = arith.cmpi eq, %iota3A, %eq3A_38 : vector<4096x128xi32>
    %or3A = arith.ori %eq3A_37, %eq3A_39 : vector<4096x128xi1>
    %convert_element_type3A = arith.extui %or3A : vector<4096x128xi1> to vector<4096x128xi32>
    %convert_element_type3A_40 = arith.sitofp %convert_element_type3A : vector<4096x128xi32> to vector<4096x128xf32>
    %get3A_41 = arith.constant 0 : index
    %get3A_42 = arith.constant 0 : index
    %get3A_43 = vector.load %arg3[%get3A_41, %get3A_42] : memref<512x512xf32, #tpu.memory_space<vmem>>, vector<512x512xf32>
    %broadcast_in_dim3A_44 = arith.constant 0.000000e+00 : f32
    %broadcast_in_dim3A_45 = vector.broadcast %broadcast_in_dim3A_44 : f32 to vector<1x128xf32>
    %slice3A = vector.extract_strided_slice %convert_element_type3A_40 {offsets = [0, 0], sizes = [512, 128], strides = [1, 1]} : vector<4096x128xf32> to vector<512x128xf32>
    %dot_general3A_46 = arith.constant dense<0.000000e+00> : vector<512x128xf32>
    %dot_general3A_47 = tpu.matmul %get3A_43, %slice3A, %dot_general3A_46 {dimension_numbers = #tpu.dot_dimension_numbers<[1], [0], [0], [1], [0, 0, 1, 1], [], []>, transpose_lhs_hint = false} : vector<512x512xf32>, vector<512x128xf32>, vector<512x128xf32> -> vector<512x128xf32>
    %add3A_48 = vector.broadcast %broadcast_in_dim3A_45 : vector<1x128xf32> to vector<512x128xf32>
    %add3A_49 = arith.addf %dot_general3A_47, %add3A_48 : vector<512x128xf32>
    %slice3A_50 = vector.extract_strided_slice %dot_general3A_47 {offsets = [511, 0], sizes = [1, 128], strides = [1, 1]} : vector<512x128xf32> to vector<1x128xf32>
    %add3A_51 = arith.addf %broadcast_in_dim3A_45, %slice3A_50 : vector<1x128xf32>
    %slice3A_52 = vector.extract_strided_slice %convert_element_type3A_40 {offsets = [512, 0], sizes = [512, 128], strides = [1, 1]} : vector<4096x128xf32> to vector<512x128xf32>
    %dot_general3A_53 = arith.constant dense<0.000000e+00> : vector<512x128xf32>
    %dot_general3A_54 = tpu.matmul %get3A_43, %slice3A_52, %dot_general3A_53 {dimension_numbers = #tpu.dot_dimension_numbers<[1], [0], [0], [1], [0, 0, 1, 1], [], []>, transpose_lhs_hint = false} : vector<512x512xf32>, vector<512x128xf32>, vector<512x128xf32> -> vector<512x128xf32>
    %add3A_55 = vector.broadcast %add3A_51 : vector<1x128xf32> to vector<512x128xf32>
    %add3A_56 = arith.addf %dot_general3A_54, %add3A_55 : vector<512x128xf32>
    %slice3A_57 = vector.extract_strided_slice %dot_general3A_54 {offsets = [511, 0], sizes = [1, 128], strides = [1, 1]} : vector<512x128xf32> to vector<1x128xf32>
    %add3A_58 = arith.addf %add3A_51, %slice3A_57 : vector<1x128xf32>
    %slice3A_59 = vector.extract_strided_slice %convert_element_type3A_40 {offsets = [1024, 0], sizes = [512, 128], strides = [1, 1]} : vector<4096x128xf32> to vector<512x128xf32>
    %dot_general3A_60 = arith.constant dense<0.000000e+00> : vector<512x128xf32>
    %dot_general3A_61 = tpu.matmul %get3A_43, %slice3A_59, %dot_general3A_60 {dimension_numbers = #tpu.dot_dimension_numbers<[1], [0], [0], [1], [0, 0, 1, 1], [], []>, transpose_lhs_hint = false} : vector<512x512xf32>, vector<512x128xf32>, vector<512x128xf32> -> vector<512x128xf32>
    %add3A_62 = vector.broadcast %add3A_58 : vector<1x128xf32> to vector<512x128xf32>
    %add3A_63 = arith.addf %dot_general3A_61, %add3A_62 : vector<512x128xf32>
    %slice3A_64 = vector.extract_strided_slice %dot_general3A_61 {offsets = [511, 0], sizes = [1, 128], strides = [1, 1]} : vector<512x128xf32> to vector<1x128xf32>
    %add3A_65 = arith.addf %add3A_58, %slice3A_64 : vector<1x128xf32>
    %slice3A_66 = vector.extract_strided_slice %convert_element_type3A_40 {offsets = [1536, 0], sizes = [512, 128], strides = [1, 1]} : vector<4096x128xf32> to vector<512x128xf32>
    %dot_general3A_67 = arith.constant dense<0.000000e+00> : vector<512x128xf32>
    %dot_general3A_68 = tpu.matmul %get3A_43, %slice3A_66, %dot_general3A_67 {dimension_numbers = #tpu.dot_dimension_numbers<[1], [0], [0], [1], [0, 0, 1, 1], [], []>, transpose_lhs_hint = false} : vector<512x512xf32>, vector<512x128xf32>, vector<512x128xf32> -> vector<512x128xf32>
    %add3A_69 = vector.broadcast %add3A_65 : vector<1x128xf32> to vector<512x128xf32>
    %add3A_70 = arith.addf %dot_general3A_68, %add3A_69 : vector<512x128xf32>
    %slice3A_71 = vector.extract_strided_slice %dot_general3A_68 {offsets = [511, 0], sizes = [1, 128], strides = [1, 1]} : vector<512x128xf32> to vector<1x128xf32>
    %add3A_72 = arith.addf %add3A_65, %slice3A_71 : vector<1x128xf32>
    %slice3A_73 = vector.extract_strided_slice %convert_element_type3A_40 {offsets = [2048, 0], sizes = [512, 128], strides = [1, 1]} : vector<4096x128xf32> to vector<512x128xf32>
    %dot_general3A_74 = arith.constant dense<0.000000e+00> : vector<512x128xf32>
    %dot_general3A_75 = tpu.matmul %get3A_43, %slice3A_73, %dot_general3A_74 {dimension_numbers = #tpu.dot_dimension_numbers<[1], [0], [0], [1], [0, 0, 1, 1], [], []>, transpose_lhs_hint = false} : vector<512x512xf32>, vector<512x128xf32>, vector<512x128xf32> -> vector<512x128xf32>
    %add3A_76 = vector.broadcast %add3A_72 : vector<1x128xf32> to vector<512x128xf32>
    %add3A_77 = arith.addf %dot_general3A_75, %add3A_76 : vector<512x128xf32>
    %slice3A_78 = vector.extract_strided_slice %dot_general3A_75 {offsets = [511, 0], sizes = [1, 128], strides = [1, 1]} : vector<512x128xf32> to vector<1x128xf32>
    %add3A_79 = arith.addf %add3A_72, %slice3A_78 : vector<1x128xf32>
    %slice3A_80 = vector.extract_strided_slice %convert_element_type3A_40 {offsets = [2560, 0], sizes = [512, 128], strides = [1, 1]} : vector<4096x128xf32> to vector<512x128xf32>
    %dot_general3A_81 = arith.constant dense<0.000000e+00> : vector<512x128xf32>
    %dot_general3A_82 = tpu.matmul %get3A_43, %slice3A_80, %dot_general3A_81 {dimension_numbers = #tpu.dot_dimension_numbers<[1], [0], [0], [1], [0, 0, 1, 1], [], []>, transpose_lhs_hint = false} : vector<512x512xf32>, vector<512x128xf32>, vector<512x128xf32> -> vector<512x128xf32>
    %add3A_83 = vector.broadcast %add3A_79 : vector<1x128xf32> to vector<512x128xf32>
    %add3A_84 = arith.addf %dot_general3A_82, %add3A_83 : vector<512x128xf32>
    %slice3A_85 = vector.extract_strided_slice %dot_general3A_82 {offsets = [511, 0], sizes = [1, 128], strides = [1, 1]} : vector<512x128xf32> to vector<1x128xf32>
    %add3A_86 = arith.addf %add3A_79, %slice3A_85 : vector<1x128xf32>
    %slice3A_87 = vector.extract_strided_slice %convert_element_type3A_40 {offsets = [3072, 0], sizes = [512, 128], strides = [1, 1]} : vector<4096x128xf32> to vector<512x128xf32>
    %dot_general3A_88 = arith.constant dense<0.000000e+00> : vector<512x128xf32>
    %dot_general3A_89 = tpu.matmul %get3A_43, %slice3A_87, %dot_general3A_88 {dimension_numbers = #tpu.dot_dimension_numbers<[1], [0], [0], [1], [0, 0, 1, 1], [], []>, transpose_lhs_hint = false} : vector<512x512xf32>, vector<512x128xf32>, vector<512x128xf32> -> vector<512x128xf32>
    %add3A_90 = vector.broadcast %add3A_86 : vector<1x128xf32> to vector<512x128xf32>
    %add3A_91 = arith.addf %dot_general3A_89, %add3A_90 : vector<512x128xf32>
    %slice3A_92 = vector.extract_strided_slice %dot_general3A_89 {offsets = [511, 0], sizes = [1, 128], strides = [1, 1]} : vector<512x128xf32> to vector<1x128xf32>
    %add3A_93 = arith.addf %add3A_86, %slice3A_92 : vector<1x128xf32>
    %slice3A_94 = vector.extract_strided_slice %convert_element_type3A_40 {offsets = [3584, 0], sizes = [512, 128], strides = [1, 1]} : vector<4096x128xf32> to vector<512x128xf32>
    %dot_general3A_95 = arith.constant dense<0.000000e+00> : vector<512x128xf32>
    %dot_general3A_96 = tpu.matmul %get3A_43, %slice3A_94, %dot_general3A_95 {dimension_numbers = #tpu.dot_dimension_numbers<[1], [0], [0], [1], [0, 0, 1, 1], [], []>, transpose_lhs_hint = false} : vector<512x512xf32>, vector<512x128xf32>, vector<512x128xf32> -> vector<512x128xf32>
    %add3A_97 = vector.broadcast %add3A_93 : vector<1x128xf32> to vector<512x128xf32>
    %add3A_98 = arith.addf %dot_general3A_96, %add3A_97 : vector<512x128xf32>
    %slice3A_99 = vector.extract_strided_slice %dot_general3A_96 {offsets = [511, 0], sizes = [1, 128], strides = [1, 1]} : vector<512x128xf32> to vector<1x128xf32>
    %add3A_100 = arith.addf %add3A_93, %slice3A_99 : vector<1x128xf32>
    %concatenate3A = tpu.concatenate %add3A_49, %add3A_56, %add3A_63, %add3A_70, %add3A_77, %add3A_84, %add3A_91, %add3A_98 in 0 : vector<512x128xf32>, vector<512x128xf32>, vector<512x128xf32>, vector<512x128xf32>, vector<512x128xf32>, vector<512x128xf32>, vector<512x128xf32>, vector<512x128xf32> -> vector<4096x128xf32>
    %convert_element_type3A_101 = arith.fptosi %add3A_100 : vector<1x128xf32> to vector<1x128xi32>
    %add3A_102 = arith.constant 511 : i32
    %add3A_103 = vector.broadcast %add3A_102 : i32 to vector<1x128xi32>
    %add3A_104 = arith.addi %convert_element_type3A_101, %add3A_103 : vector<1x128xi32>
    %shift_right_arithmetic3A = arith.constant 9 : i32
    %shift_right_arithmetic3A_105 = vector.broadcast %shift_right_arithmetic3A : i32 to vector<1x128xi32>
    %shift_right_arithmetic3A_106 = arith.shrsi %add3A_104, %shift_right_arithmetic3A_105 : vector<1x128xi32>
    %shift_left3A = arith.constant 9 : i32
    %shift_left3A_107 = vector.broadcast %shift_left3A : i32 to vector<1x128xi32>
    %shift_left3A_108 = arith.shli %shift_right_arithmetic3A_106, %shift_left3A_107 : vector<1x128xi32>
    %iota3A_109 = tpu.iota {dimensions = array<i32: 1>} : vector<1x128xi32>
    %broadcast_in_dim3A_110 = arith.constant 0 : i32
    %broadcast_in_dim3A_111 = vector.broadcast %broadcast_in_dim3A_110 : i32 to vector<1x128xi32>
    %eq3A_112 = arith.constant 0 : i32
    %eq3A_113 = vector.broadcast %eq3A_112 : i32 to vector<1x128xi32>
    %eq3A_114 = arith.cmpi eq, %iota3A_109, %eq3A_113 : vector<1x128xi32>
    %jit3A_115 = arith.constant 0 : i32
    %broadcast_in_dim3A_116 = vector.broadcast %jit3A_115 : i32 to vector<1x128xi32>
    %select_n3A_117 = arith.select %eq3A_114, %shift_left3A_108, %broadcast_in_dim3A_116 : vector<1x128xi1>, vector<1x128xi32>
    %reduce_sum3A = vector.shape_cast %select_n3A_117 : vector<1x128xi32> to vector<1x1x128xi32>
    %reduce_sum3A_118 = arith.constant dense<0> : vector<1xi32>
    %reduce_sum3A_119 = vector.multi_reduction <add>, %reduce_sum3A, %reduce_sum3A_118 [1, 2] : vector<1x1x128xi32> to vector<1xi32>
    %reduce_sum3A_120 = vector.shape_cast %reduce_sum3A_119 : vector<1xi32> to vector<1x1x1xi32>
    %reduce_sum3A_121 = vector.extract %reduce_sum3A_120[0, 0, 0] : i32 from vector<1x1x1xi32>
    %gt3A = arith.constant 0 : i32
    %gt3A_122 = vector.broadcast %gt3A : i32 to vector<1x128xi32>
    %gt3A_123 = arith.cmpi sgt, %iota3A_109, %gt3A_122 : vector<1x128xi32>
    %jit3A_124 = arith.constant 0 : i32
    %broadcast_in_dim3A_125 = vector.broadcast %reduce_sum3A_121 : i32 to vector<1x128xi32>
    %broadcast_in_dim3A_126 = vector.broadcast %jit3A_124 : i32 to vector<1x128xi32>
    %select_n3A_127 = arith.select %gt3A_123, %broadcast_in_dim3A_125, %broadcast_in_dim3A_126 : vector<1x128xi1>, vector<1x128xi32>
    %add3A_128 = arith.addi %broadcast_in_dim3A_111, %select_n3A_127 : vector<1x128xi32>
    %eq3A_129 = arith.constant 1 : i32
    %eq3A_130 = vector.broadcast %eq3A_129 : i32 to vector<1x128xi32>
    %eq3A_131 = arith.cmpi eq, %iota3A_109, %eq3A_130 : vector<1x128xi32>
    %jit3A_132 = arith.constant 0 : i32
    %broadcast_in_dim3A_133 = vector.broadcast %jit3A_132 : i32 to vector<1x128xi32>
    %select_n3A_134 = arith.select %eq3A_131, %shift_left3A_108, %broadcast_in_dim3A_133 : vector<1x128xi1>, vector<1x128xi32>
    %reduce_sum3A_135 = vector.shape_cast %select_n3A_134 : vector<1x128xi32> to vector<1x1x128xi32>
    %reduce_sum3A_136 = arith.constant dense<0> : vector<1xi32>
    %reduce_sum3A_137 = vector.multi_reduction <add>, %reduce_sum3A_135, %reduce_sum3A_136 [1, 2] : vector<1x1x128xi32> to vector<1xi32>
    %reduce_sum3A_138 = vector.shape_cast %reduce_sum3A_137 : vector<1xi32> to vector<1x1x1xi32>
    %reduce_sum3A_139 = vector.extract %reduce_sum3A_138[0, 0, 0] : i32 from vector<1x1x1xi32>
    %gt3A_140 = arith.constant 1 : i32
    %gt3A_141 = vector.broadcast %gt3A_140 : i32 to vector<1x128xi32>
    %gt3A_142 = arith.cmpi sgt, %iota3A_109, %gt3A_141 : vector<1x128xi32>
    %jit3A_143 = arith.constant 0 : i32
    %broadcast_in_dim3A_144 = vector.broadcast %reduce_sum3A_139 : i32 to vector<1x128xi32>
    %broadcast_in_dim3A_145 = vector.broadcast %jit3A_143 : i32 to vector<1x128xi32>
    %select_n3A_146 = arith.select %gt3A_142, %broadcast_in_dim3A_144, %broadcast_in_dim3A_145 : vector<1x128xi1>, vector<1x128xi32>
    %add3A_147 = arith.addi %add3A_128, %select_n3A_146 : vector<1x128xi32>
    %eq3A_148 = arith.constant 2 : i32
    %eq3A_149 = vector.broadcast %eq3A_148 : i32 to vector<1x128xi32>
    %eq3A_150 = arith.cmpi eq, %iota3A_109, %eq3A_149 : vector<1x128xi32>
    %jit3A_151 = arith.constant 0 : i32
    %broadcast_in_dim3A_152 = vector.broadcast %jit3A_151 : i32 to vector<1x128xi32>
    %select_n3A_153 = arith.select %eq3A_150, %shift_left3A_108, %broadcast_in_dim3A_152 : vector<1x128xi1>, vector<1x128xi32>
    %reduce_sum3A_154 = vector.shape_cast %select_n3A_153 : vector<1x128xi32> to vector<1x1x128xi32>
    %reduce_sum3A_155 = arith.constant dense<0> : vector<1xi32>
    %reduce_sum3A_156 = vector.multi_reduction <add>, %reduce_sum3A_154, %reduce_sum3A_155 [1, 2] : vector<1x1x128xi32> to vector<1xi32>
    %reduce_sum3A_157 = vector.shape_cast %reduce_sum3A_156 : vector<1xi32> to vector<1x1x1xi32>
    %reduce_sum3A_158 = vector.extract %reduce_sum3A_157[0, 0, 0] : i32 from vector<1x1x1xi32>
    %gt3A_159 = arith.constant 2 : i32
    %gt3A_160 = vector.broadcast %gt3A_159 : i32 to vector<1x128xi32>
    %gt3A_161 = arith.cmpi sgt, %iota3A_109, %gt3A_160 : vector<1x128xi32>
    %jit3A_162 = arith.constant 0 : i32
    %broadcast_in_dim3A_163 = vector.broadcast %reduce_sum3A_158 : i32 to vector<1x128xi32>
    %broadcast_in_dim3A_164 = vector.broadcast %jit3A_162 : i32 to vector<1x128xi32>
    %select_n3A_165 = arith.select %gt3A_161, %broadcast_in_dim3A_163, %broadcast_in_dim3A_164 : vector<1x128xi1>, vector<1x128xi32>
    %add3A_166 = arith.addi %add3A_147, %select_n3A_165 : vector<1x128xi32>
    %eq3A_167 = arith.constant 3 : i32
    %eq3A_168 = vector.broadcast %eq3A_167 : i32 to vector<1x128xi32>
    %eq3A_169 = arith.cmpi eq, %iota3A_109, %eq3A_168 : vector<1x128xi32>
    %jit3A_170 = arith.constant 0 : i32
    %broadcast_in_dim3A_171 = vector.broadcast %jit3A_170 : i32 to vector<1x128xi32>
    %select_n3A_172 = arith.select %eq3A_169, %shift_left3A_108, %broadcast_in_dim3A_171 : vector<1x128xi1>, vector<1x128xi32>
    %reduce_sum3A_173 = vector.shape_cast %select_n3A_172 : vector<1x128xi32> to vector<1x1x128xi32>
    %reduce_sum3A_174 = arith.constant dense<0> : vector<1xi32>
    %reduce_sum3A_175 = vector.multi_reduction <add>, %reduce_sum3A_173, %reduce_sum3A_174 [1, 2] : vector<1x1x128xi32> to vector<1xi32>
    %reduce_sum3A_176 = vector.shape_cast %reduce_sum3A_175 : vector<1xi32> to vector<1x1x1xi32>
    %reduce_sum3A_177 = vector.extract %reduce_sum3A_176[0, 0, 0] : i32 from vector<1x1x1xi32>
    %gt3A_178 = arith.constant 3 : i32
    %gt3A_179 = vector.broadcast %gt3A_178 : i32 to vector<1x128xi32>
    %gt3A_180 = arith.cmpi sgt, %iota3A_109, %gt3A_179 : vector<1x128xi32>
    %jit3A_181 = arith.constant 0 : i32
    %broadcast_in_dim3A_182 = vector.broadcast %reduce_sum3A_177 : i32 to vector<1x128xi32>
    %broadcast_in_dim3A_183 = vector.broadcast %jit3A_181 : i32 to vector<1x128xi32>
    %select_n3A_184 = arith.select %gt3A_180, %broadcast_in_dim3A_182, %broadcast_in_dim3A_183 : vector<1x128xi1>, vector<1x128xi32>
    %add3A_185 = arith.addi %add3A_166, %select_n3A_184 : vector<1x128xi32>
    %eq3A_186 = arith.constant 4 : i32
    %eq3A_187 = vector.broadcast %eq3A_186 : i32 to vector<1x128xi32>
    %eq3A_188 = arith.cmpi eq, %iota3A_109, %eq3A_187 : vector<1x128xi32>
    %jit3A_189 = arith.constant 0 : i32
    %broadcast_in_dim3A_190 = vector.broadcast %jit3A_189 : i32 to vector<1x128xi32>
    %select_n3A_191 = arith.select %eq3A_188, %shift_left3A_108, %broadcast_in_dim3A_190 : vector<1x128xi1>, vector<1x128xi32>
    %reduce_sum3A_192 = vector.shape_cast %select_n3A_191 : vector<1x128xi32> to vector<1x1x128xi32>
    %reduce_sum3A_193 = arith.constant dense<0> : vector<1xi32>
    %reduce_sum3A_194 = vector.multi_reduction <add>, %reduce_sum3A_192, %reduce_sum3A_193 [1, 2] : vector<1x1x128xi32> to vector<1xi32>
    %reduce_sum3A_195 = vector.shape_cast %reduce_sum3A_194 : vector<1xi32> to vector<1x1x1xi32>
    %reduce_sum3A_196 = vector.extract %reduce_sum3A_195[0, 0, 0] : i32 from vector<1x1x1xi32>
    %gt3A_197 = arith.constant 4 : i32
    %gt3A_198 = vector.broadcast %gt3A_197 : i32 to vector<1x128xi32>
    %gt3A_199 = arith.cmpi sgt, %iota3A_109, %gt3A_198 : vector<1x128xi32>
    %jit3A_200 = arith.constant 0 : i32
    %broadcast_in_dim3A_201 = vector.broadcast %reduce_sum3A_196 : i32 to vector<1x128xi32>
    %broadcast_in_dim3A_202 = vector.broadcast %jit3A_200 : i32 to vector<1x128xi32>
    %select_n3A_203 = arith.select %gt3A_199, %broadcast_in_dim3A_201, %broadcast_in_dim3A_202 : vector<1x128xi1>, vector<1x128xi32>
    %add3A_204 = arith.addi %add3A_185, %select_n3A_203 : vector<1x128xi32>
    %eq3A_205 = arith.constant 5 : i32
    %eq3A_206 = vector.broadcast %eq3A_205 : i32 to vector<1x128xi32>
    %eq3A_207 = arith.cmpi eq, %iota3A_109, %eq3A_206 : vector<1x128xi32>
    %jit3A_208 = arith.constant 0 : i32
    %broadcast_in_dim3A_209 = vector.broadcast %jit3A_208 : i32 to vector<1x128xi32>
    %select_n3A_210 = arith.select %eq3A_207, %shift_left3A_108, %broadcast_in_dim3A_209 : vector<1x128xi1>, vector<1x128xi32>
    %reduce_sum3A_211 = vector.shape_cast %select_n3A_210 : vector<1x128xi32> to vector<1x1x128xi32>
    %reduce_sum3A_212 = arith.constant dense<0> : vector<1xi32>
    %reduce_sum3A_213 = vector.multi_reduction <add>, %reduce_sum3A_211, %reduce_sum3A_212 [1, 2] : vector<1x1x128xi32> to vector<1xi32>
    %reduce_sum3A_214 = vector.shape_cast %reduce_sum3A_213 : vector<1xi32> to vector<1x1x1xi32>
    %reduce_sum3A_215 = vector.extract %reduce_sum3A_214[0, 0, 0] : i32 from vector<1x1x1xi32>
    %gt3A_216 = arith.constant 5 : i32
    %gt3A_217 = vector.broadcast %gt3A_216 : i32 to vector<1x128xi32>
    %gt3A_218 = arith.cmpi sgt, %iota3A_109, %gt3A_217 : vector<1x128xi32>
    %jit3A_219 = arith.constant 0 : i32
    %broadcast_in_dim3A_220 = vector.broadcast %reduce_sum3A_215 : i32 to vector<1x128xi32>
    %broadcast_in_dim3A_221 = vector.broadcast %jit3A_219 : i32 to vector<1x128xi32>
    %select_n3A_222 = arith.select %gt3A_218, %broadcast_in_dim3A_220, %broadcast_in_dim3A_221 : vector<1x128xi1>, vector<1x128xi32>
    %add3A_223 = arith.addi %add3A_204, %select_n3A_222 : vector<1x128xi32>
    %eq3A_224 = arith.constant 6 : i32
    %eq3A_225 = vector.broadcast %eq3A_224 : i32 to vector<1x128xi32>
    %eq3A_226 = arith.cmpi eq, %iota3A_109, %eq3A_225 : vector<1x128xi32>
    %jit3A_227 = arith.constant 0 : i32
    %broadcast_in_dim3A_228 = vector.broadcast %jit3A_227 : i32 to vector<1x128xi32>
    %select_n3A_229 = arith.select %eq3A_226, %shift_left3A_108, %broadcast_in_dim3A_228 : vector<1x128xi1>, vector<1x128xi32>
    %reduce_sum3A_230 = vector.shape_cast %select_n3A_229 : vector<1x128xi32> to vector<1x1x128xi32>
    %reduce_sum3A_231 = arith.constant dense<0> : vector<1xi32>
    %reduce_sum3A_232 = vector.multi_reduction <add>, %reduce_sum3A_230, %reduce_sum3A_231 [1, 2] : vector<1x1x128xi32> to vector<1xi32>
    %reduce_sum3A_233 = vector.shape_cast %reduce_sum3A_232 : vector<1xi32> to vector<1x1x1xi32>
    %reduce_sum3A_234 = vector.extract %reduce_sum3A_233[0, 0, 0] : i32 from vector<1x1x1xi32>
    %gt3A_235 = arith.constant 6 : i32
    %gt3A_236 = vector.broadcast %gt3A_235 : i32 to vector<1x128xi32>
    %gt3A_237 = arith.cmpi sgt, %iota3A_109, %gt3A_236 : vector<1x128xi32>
    %jit3A_238 = arith.constant 0 : i32
    %broadcast_in_dim3A_239 = vector.broadcast %reduce_sum3A_234 : i32 to vector<1x128xi32>
    %broadcast_in_dim3A_240 = vector.broadcast %jit3A_238 : i32 to vector<1x128xi32>
    %select_n3A_241 = arith.select %gt3A_237, %broadcast_in_dim3A_239, %broadcast_in_dim3A_240 : vector<1x128xi1>, vector<1x128xi32>
    %add3A_242 = arith.addi %add3A_223, %select_n3A_241 : vector<1x128xi32>
    %convert_element_type3A_243 = arith.sitofp %add3A_242 : vector<1x128xi32> to vector<1x128xf32>
    %add3A_244 = vector.broadcast %convert_element_type3A_243 : vector<1x128xf32> to vector<4096x128xf32>
    %add3A_245 = arith.addf %add3A_244, %concatenate3A : vector<4096x128xf32>
    %sub3A = arith.constant 1.000000e+00 : f32
    %sub3A_246 = vector.broadcast %sub3A : f32 to vector<4096x128xf32>
    %sub3A_247 = arith.subf %add3A_245, %sub3A_246 : vector<4096x128xf32>
    %jit3A_248 = arith.constant 0.000000e+00 : f32
    %broadcast_in_dim3A_249 = vector.broadcast %jit3A_248 : f32 to vector<4096x128xf32>
    %select_n3A_250 = arith.select %eq3A_37, %sub3A_247, %broadcast_in_dim3A_249 : vector<4096x128xi1>, vector<4096x128xf32>
    %reduce_sum3A_251 = arith.constant dense<0.000000e+00> : vector<4096xf32>
    %reduce_sum3A_252 = vector.multi_reduction <add>, %select_n3A_250, %reduce_sum3A_251 [1] : vector<4096x128xf32> to vector<4096xf32>
    %broadcast_in_dim3A_253 = vector.shape_cast %reduce_sum3A_252 : vector<4096xf32> to vector<4096x1xf32>
    %convert_element_type3A_254 = arith.fptosi %broadcast_in_dim3A_253 : vector<4096x1xf32> to vector<4096x1xi32>
    %swap3A = arith.constant 0 : index
    %swap3A_255 = arith.constant 0 : index
    %swap3A_256 = vector.load %arg4[%swap3A, %swap3A_255] : memref<4096x1xi32, #tpu.memory_space<vmem>>, vector<4096x1xi32>
    tpu.vector_store %arg4[%swap3A, %swap3A_255], %convert_element_type3A_254 {strides = array<i32>} : memref<4096x1xi32, #tpu.memory_space<vmem>>, vector<4096x1xi32>,
    %jit3A_257 = arith.constant 0.000000e+00 : f32
    %broadcast_in_dim3A_258 = vector.broadcast %jit3A_257 : f32 to vector<4096x128xf32>
    %select_n3A_259 = arith.select %eq3A_39, %sub3A_247, %broadcast_in_dim3A_258 : vector<4096x128xi1>, vector<4096x128xf32>
    %reduce_sum3A_260 = arith.constant dense<0.000000e+00> : vector<4096xf32>
    %reduce_sum3A_261 = vector.multi_reduction <add>, %select_n3A_259, %reduce_sum3A_260 [1] : vector<4096x128xf32> to vector<4096xf32>
    %broadcast_in_dim3A_262 = vector.shape_cast %reduce_sum3A_261 : vector<4096xf32> to vector<4096x1xf32>
    %convert_element_type3A_263 = arith.fptosi %broadcast_in_dim3A_262 : vector<4096x1xf32> to vector<4096x1xi32>
    %swap3A_264 = arith.constant 0 : index
    %swap3A_265 = arith.constant 0 : index
    %swap3A_266 = vector.load %arg5[%swap3A_264, %swap3A_265] : memref<4096x1xi32, #tpu.memory_space<vmem>>, vector<4096x1xi32>
    tpu.vector_store %arg5[%swap3A_264, %swap3A_265], %convert_element_type3A_263 {strides = array<i32>} : memref<4096x1xi32, #tpu.memory_space<vmem>>, vector<4096x1xi32>,
    %iota3A_267 = tpu.iota {dimensions = array<i32: 1>} : vector<1x128xi32>
    %mul3A = arith.constant 512 : i32
    %mul3A_268 = vector.broadcast %mul3A : i32 to vector<1x128xi32>
    %mul3A_269 = arith.muli %iota3A_267, %mul3A_268 : vector<1x128xi32>
    %broadcast_in_dim3A_270 = arith.constant 0 : i32
    %broadcast_in_dim3A_271 = vector.broadcast %broadcast_in_dim3A_270 : i32 to vector<1x128xi32>
    %eq3A_272 = arith.constant 0 : i32
    %eq3A_273 = vector.broadcast %eq3A_272 : i32 to vector<1x128xi32>
    %eq3A_274 = arith.cmpi eq, %iota3A_267, %eq3A_273 : vector<1x128xi32>
    %jit3A_275 = arith.constant 0 : i32
    %broadcast_in_dim3A_276 = vector.broadcast %jit3A_275 : i32 to vector<1x128xi32>
    %select_n3A_277 = arith.select %eq3A_274, %add3A_242, %broadcast_in_dim3A_276 : vector<1x128xi1>, vector<1x128xi32>
    %reduce_sum3A_278 = vector.shape_cast %select_n3A_277 : vector<1x128xi32> to vector<1x1x128xi32>
    %reduce_sum3A_279 = arith.constant dense<0> : vector<1xi32>
    %reduce_sum3A_280 = vector.multi_reduction <add>, %reduce_sum3A_278, %reduce_sum3A_279 [1, 2] : vector<1x1x128xi32> to vector<1xi32>
    %reduce_sum3A_281 = vector.shape_cast %reduce_sum3A_280 : vector<1xi32> to vector<1x1x1xi32>
    %reduce_sum3A_282 = vector.extract %reduce_sum3A_281[0, 0, 0] : i32 from vector<1x1x1xi32>
    %ge3A = vector.broadcast %reduce_sum3A_282 : i32 to vector<1x128xi32>
    %ge3A_283 = arith.cmpi sge, %mul3A_269, %ge3A : vector<1x128xi32>
    %convert_element_type3A_284 = arith.extui %ge3A_283 : vector<1x128xi1> to vector<1x128xi32>
    %add3A_285 = arith.addi %broadcast_in_dim3A_271, %convert_element_type3A_284 : vector<1x128xi32>
    %eq3A_286 = arith.constant 1 : i32
    %eq3A_287 = vector.broadcast %eq3A_286 : i32 to vector<1x128xi32>
    %eq3A_288 = arith.cmpi eq, %iota3A_267, %eq3A_287 : vector<1x128xi32>
    %jit3A_289 = arith.constant 0 : i32
    %broadcast_in_dim3A_290 = vector.broadcast %jit3A_289 : i32 to vector<1x128xi32>
    %select_n3A_291 = arith.select %eq3A_288, %add3A_242, %broadcast_in_dim3A_290 : vector<1x128xi1>, vector<1x128xi32>
    %reduce_sum3A_292 = vector.shape_cast %select_n3A_291 : vector<1x128xi32> to vector<1x1x128xi32>
    %reduce_sum3A_293 = arith.constant dense<0> : vector<1xi32>
    %reduce_sum3A_294 = vector.multi_reduction <add>, %reduce_sum3A_292, %reduce_sum3A_293 [1, 2] : vector<1x1x128xi32> to vector<1xi32>
    %reduce_sum3A_295 = vector.shape_cast %reduce_sum3A_294 : vector<1xi32> to vector<1x1x1xi32>
    %reduce_sum3A_296 = vector.extract %reduce_sum3A_295[0, 0, 0] : i32 from vector<1x1x1xi32>
    %ge3A_297 = vector.broadcast %reduce_sum3A_296 : i32 to vector<1x128xi32>
    %ge3A_298 = arith.cmpi sge, %mul3A_269, %ge3A_297 : vector<1x128xi32>
    %convert_element_type3A_299 = arith.extui %ge3A_298 : vector<1x128xi1> to vector<1x128xi32>
    %add3A_300 = arith.addi %add3A_285, %convert_element_type3A_299 : vector<1x128xi32>
    %eq3A_301 = arith.constant 2 : i32
    %eq3A_302 = vector.broadcast %eq3A_301 : i32 to vector<1x128xi32>
    %eq3A_303 = arith.cmpi eq, %iota3A_267, %eq3A_302 : vector<1x128xi32>
    %jit3A_304 = arith.constant 0 : i32
    %broadcast_in_dim3A_305 = vector.broadcast %jit3A_304 : i32 to vector<1x128xi32>
    %select_n3A_306 = arith.select %eq3A_303, %add3A_242, %broadcast_in_dim3A_305 : vector<1x128xi1>, vector<1x128xi32>
    %reduce_sum3A_307 = vector.shape_cast %select_n3A_306 : vector<1x128xi32> to vector<1x1x128xi32>
    %reduce_sum3A_308 = arith.constant dense<0> : vector<1xi32>
    %reduce_sum3A_309 = vector.multi_reduction <add>, %reduce_sum3A_307, %reduce_sum3A_308 [1, 2] : vector<1x1x128xi32> to vector<1xi32>
    %reduce_sum3A_310 = vector.shape_cast %reduce_sum3A_309 : vector<1xi32> to vector<1x1x1xi32>
    %reduce_sum3A_311 = vector.extract %reduce_sum3A_310[0, 0, 0] : i32 from vector<1x1x1xi32>
    %ge3A_312 = vector.broadcast %reduce_sum3A_311 : i32 to vector<1x128xi32>
    %ge3A_313 = arith.cmpi sge, %mul3A_269, %ge3A_312 : vector<1x128xi32>
    %convert_element_type3A_314 = arith.extui %ge3A_313 : vector<1x128xi1> to vector<1x128xi32>
    %add3A_315 = arith.addi %add3A_300, %convert_element_type3A_314 : vector<1x128xi32>
    %eq3A_316 = arith.constant 3 : i32
    %eq3A_317 = vector.broadcast %eq3A_316 : i32 to vector<1x128xi32>
    %eq3A_318 = arith.cmpi eq, %iota3A_267, %eq3A_317 : vector<1x128xi32>
    %jit3A_319 = arith.constant 0 : i32
    %broadcast_in_dim3A_320 = vector.broadcast %jit3A_319 : i32 to vector<1x128xi32>
    %select_n3A_321 = arith.select %eq3A_318, %add3A_242, %broadcast_in_dim3A_320 : vector<1x128xi1>, vector<1x128xi32>
    %reduce_sum3A_322 = vector.shape_cast %select_n3A_321 : vector<1x128xi32> to vector<1x1x128xi32>
    %reduce_sum3A_323 = arith.constant dense<0> : vector<1xi32>
    %reduce_sum3A_324 = vector.multi_reduction <add>, %reduce_sum3A_322, %reduce_sum3A_323 [1, 2] : vector<1x1x128xi32> to vector<1xi32>
    %reduce_sum3A_325 = vector.shape_cast %reduce_sum3A_324 : vector<1xi32> to vector<1x1x1xi32>
    %reduce_sum3A_326 = vector.extract %reduce_sum3A_325[0, 0, 0] : i32 from vector<1x1x1xi32>
    %ge3A_327 = vector.broadcast %reduce_sum3A_326 : i32 to vector<1x128xi32>
    %ge3A_328 = arith.cmpi sge, %mul3A_269, %ge3A_327 : vector<1x128xi32>
    %convert_element_type3A_329 = arith.extui %ge3A_328 : vector<1x128xi1> to vector<1x128xi32>
    %add3A_330 = arith.addi %add3A_315, %convert_element_type3A_329 : vector<1x128xi32>
    %eq3A_331 = arith.constant 4 : i32
    %eq3A_332 = vector.broadcast %eq3A_331 : i32 to vector<1x128xi32>
    %eq3A_333 = arith.cmpi eq, %iota3A_267, %eq3A_332 : vector<1x128xi32>
    %jit3A_334 = arith.constant 0 : i32
    %broadcast_in_dim3A_335 = vector.broadcast %jit3A_334 : i32 to vector<1x128xi32>
    %select_n3A_336 = arith.select %eq3A_333, %add3A_242, %broadcast_in_dim3A_335 : vector<1x128xi1>, vector<1x128xi32>
    %reduce_sum3A_337 = vector.shape_cast %select_n3A_336 : vector<1x128xi32> to vector<1x1x128xi32>
    %reduce_sum3A_338 = arith.constant dense<0> : vector<1xi32>
    %reduce_sum3A_339 = vector.multi_reduction <add>, %reduce_sum3A_337, %reduce_sum3A_338 [1, 2] : vector<1x1x128xi32> to vector<1xi32>
    %reduce_sum3A_340 = vector.shape_cast %reduce_sum3A_339 : vector<1xi32> to vector<1x1x1xi32>
    %reduce_sum3A_341 = vector.extract %reduce_sum3A_340[0, 0, 0] : i32 from vector<1x1x1xi32>
    %ge3A_342 = vector.broadcast %reduce_sum3A_341 : i32 to vector<1x128xi32>
    %ge3A_343 = arith.cmpi sge, %mul3A_269, %ge3A_342 : vector<1x128xi32>
    %convert_element_type3A_344 = arith.extui %ge3A_343 : vector<1x128xi1> to vector<1x128xi32>
    %add3A_345 = arith.addi %add3A_330, %convert_element_type3A_344 : vector<1x128xi32>
    %eq3A_346 = arith.constant 5 : i32
    %eq3A_347 = vector.broadcast %eq3A_346 : i32 to vector<1x128xi32>
    %eq3A_348 = arith.cmpi eq, %iota3A_267, %eq3A_347 : vector<1x128xi32>
    %jit3A_349 = arith.constant 0 : i32
    %broadcast_in_dim3A_350 = vector.broadcast %jit3A_349 : i32 to vector<1x128xi32>
    %select_n3A_351 = arith.select %eq3A_348, %add3A_242, %broadcast_in_dim3A_350 : vector<1x128xi1>, vector<1x128xi32>
    %reduce_sum3A_352 = vector.shape_cast %select_n3A_351 : vector<1x128xi32> to vector<1x1x128xi32>
    %reduce_sum3A_353 = arith.constant dense<0> : vector<1xi32>
    %reduce_sum3A_354 = vector.multi_reduction <add>, %reduce_sum3A_352, %reduce_sum3A_353 [1, 2] : vector<1x1x128xi32> to vector<1xi32>
    %reduce_sum3A_355 = vector.shape_cast %reduce_sum3A_354 : vector<1xi32> to vector<1x1x1xi32>
    %reduce_sum3A_356 = vector.extract %reduce_sum3A_355[0, 0, 0] : i32 from vector<1x1x1xi32>
    %ge3A_357 = vector.broadcast %reduce_sum3A_356 : i32 to vector<1x128xi32>
    %ge3A_358 = arith.cmpi sge, %mul3A_269, %ge3A_357 : vector<1x128xi32>
    %convert_element_type3A_359 = arith.extui %ge3A_358 : vector<1x128xi1> to vector<1x128xi32>
    %add3A_360 = arith.addi %add3A_345, %convert_element_type3A_359 : vector<1x128xi32>
    %eq3A_361 = arith.constant 6 : i32
    %eq3A_362 = vector.broadcast %eq3A_361 : i32 to vector<1x128xi32>
    %eq3A_363 = arith.cmpi eq, %iota3A_267, %eq3A_362 : vector<1x128xi32>
    %jit3A_364 = arith.constant 0 : i32
    %broadcast_in_dim3A_365 = vector.broadcast %jit3A_364 : i32 to vector<1x128xi32>
    %select_n3A_366 = arith.select %eq3A_363, %add3A_242, %broadcast_in_dim3A_365 : vector<1x128xi1>, vector<1x128xi32>
    %reduce_sum3A_367 = vector.shape_cast %select_n3A_366 : vector<1x128xi32> to vector<1x1x128xi32>
    %reduce_sum3A_368 = arith.constant dense<0> : vector<1xi32>
    %reduce_sum3A_369 = vector.multi_reduction <add>, %reduce_sum3A_367, %reduce_sum3A_368 [1, 2] : vector<1x1x128xi32> to vector<1xi32>
    %reduce_sum3A_370 = vector.shape_cast %reduce_sum3A_369 : vector<1xi32> to vector<1x1x1xi32>
    %reduce_sum3A_371 = vector.extract %reduce_sum3A_370[0, 0, 0] : i32 from vector<1x1x1xi32>
    %ge3A_372 = vector.broadcast %reduce_sum3A_371 : i32 to vector<1x128xi32>
    %ge3A_373 = arith.cmpi sge, %mul3A_269, %ge3A_372 : vector<1x128xi32>
    %convert_element_type3A_374 = arith.extui %ge3A_373 : vector<1x128xi1> to vector<1x128xi32>
    %add3A_375 = arith.addi %add3A_360, %convert_element_type3A_374 : vector<1x128xi32>
    %eq3A_376 = arith.constant 7 : i32
    %eq3A_377 = vector.broadcast %eq3A_376 : i32 to vector<1x128xi32>
    %eq3A_378 = arith.cmpi eq, %iota3A_267, %eq3A_377 : vector<1x128xi32>
    %jit3A_379 = arith.constant 0 : i32
    %broadcast_in_dim3A_380 = vector.broadcast %jit3A_379 : i32 to vector<1x128xi32>
    %select_n3A_381 = arith.select %eq3A_378, %add3A_242, %broadcast_in_dim3A_380 : vector<1x128xi1>, vector<1x128xi32>
    %reduce_sum3A_382 = vector.shape_cast %select_n3A_381 : vector<1x128xi32> to vector<1x1x128xi32>
    %reduce_sum3A_383 = arith.constant dense<0> : vector<1xi32>
    %reduce_sum3A_384 = vector.multi_reduction <add>, %reduce_sum3A_382, %reduce_sum3A_383 [1, 2] : vector<1x1x128xi32> to vector<1xi32>
    %reduce_sum3A_385 = vector.shape_cast %reduce_sum3A_384 : vector<1xi32> to vector<1x1x1xi32>
    %reduce_sum3A_386 = vector.extract %reduce_sum3A_385[0, 0, 0] : i32 from vector<1x1x1xi32>
    %ge3A_387 = vector.broadcast %reduce_sum3A_386 : i32 to vector<1x128xi32>
    %ge3A_388 = arith.cmpi sge, %mul3A_269, %ge3A_387 : vector<1x128xi32>
    %convert_element_type3A_389 = arith.extui %ge3A_388 : vector<1x128xi1> to vector<1x128xi32>
    %add3A_390 = arith.addi %add3A_375, %convert_element_type3A_389 : vector<1x128xi32>
    %lt3A_391 = arith.constant 8 : i32
    %lt3A_392 = vector.broadcast %lt3A_391 : i32 to vector<1x128xi32>
    %lt3A_393 = arith.cmpi slt, %iota3A_267, %lt3A_392 : vector<1x128xi32>
    %jit3A_394 = arith.constant 0 : i32
    %broadcast_in_dim3A_395 = vector.broadcast %jit3A_394 : i32 to vector<1x128xi32>
    %select_n3A_396 = arith.select %lt3A_393, %shift_left3A_108, %broadcast_in_dim3A_395 : vector<1x128xi1>, vector<1x128xi32>
    %reduce_sum3A_397 = vector.shape_cast %select_n3A_396 : vector<1x128xi32> to vector<1x1x128xi32>
    %reduce_sum3A_398 = arith.constant dense<0> : vector<1xi32>
    %reduce_sum3A_399 = vector.multi_reduction <add>, %reduce_sum3A_397, %reduce_sum3A_398 [1, 2] : vector<1x1x128xi32> to vector<1xi32>
    %reduce_sum3A_400 = vector.shape_cast %reduce_sum3A_399 : vector<1xi32> to vector<1x1x1xi32>
    %reduce_sum3A_401 = vector.extract %reduce_sum3A_400[0, 0, 0] : i32 from vector<1x1x1xi32>
    %lt3A_402 = vector.broadcast %reduce_sum3A_401 : i32 to vector<1x128xi32>
    %lt3A_403 = arith.cmpi slt, %mul3A_269, %lt3A_402 : vector<1x128xi32>
    %jit3A_404 = arith.constant 0 : i32
    %broadcast_in_dim3A_405 = vector.broadcast %jit3A_404 : i32 to vector<1x128xi32>
    %select_n3A_406 = arith.select %lt3A_403, %add3A_390, %broadcast_in_dim3A_405 : vector<1x128xi1>, vector<1x128xi32>
    %reduce_max3A_407 = vector.shape_cast %select_n3A_406 : vector<1x128xi32> to vector<1x1x128xi32>
    %reduce_max3A_408 = arith.constant dense<-2147483648> : vector<1xi32>
    %reduce_max3A_409 = vector.multi_reduction <maxsi>, %reduce_max3A_407, %reduce_max3A_408 [1, 2] : vector<1x1x128xi32> to vector<1xi32>
    %reduce_max3A_410 = vector.shape_cast %reduce_max3A_409 : vector<1xi32> to vector<1x1x1xi32>
    %reduce_max3A_411 = vector.extract %reduce_max3A_410[0, 0, 0] : i32 from vector<1x1x1xi32>
    %lt3A_412 = vector.broadcast %reduce_sum3A_401 : i32 to vector<1x128xi32>
    %lt3A_413 = arith.cmpi slt, %mul3A_269, %lt3A_412 : vector<1x128xi32>
    %neg3A = arith.constant 0 : i32
    %neg3A_414 = arith.subi %neg3A, %reduce_max3A_411 : i32
    %broadcast_in_dim3A_415 = vector.broadcast %neg3A_414 : i32 to vector<1x128xi32>
    %select_n3A_416 = arith.select %lt3A_413, %add3A_390, %broadcast_in_dim3A_415 : vector<1x128xi1>, vector<1x128xi32>
    %swap3A_417 = arith.constant 0 : index
    %swap3A_418 = arith.constant 0 : index
    %swap3A_419 = vector.load %arg6[%swap3A_417, %swap3A_418] : memref<1x128xi32, #tpu.memory_space<vmem>>, vector<1x128xi32>
    tpu.vector_store %arg6[%swap3A_417, %swap3A_418], %select_n3A_416 {strides = array<i32>} : memref<1x128xi32, #tpu.memory_space<vmem>>, vector<1x128xi32>,
    return
  }
}

module attributes {stable_mosaic.version = 14 : i64} {
  func.func @_gemm_kernel(%arg0: i32, %arg1: memref<23xi32, #tpu.memory_space<smem>>, %arg2: memref<512x1024xf32, #tpu.memory_space<vmem>>, %arg3: memref<1x4096x1024xbf16, #tpu.memory_space<vmem>>, %arg4: memref<1x1024x4096xbf16, #tpu.memory_space<vmem>>, %arg5: memref<1x1x4096xf32, #tpu.memory_space<vmem>>, %arg6: memref<1x1x4096xf32, #tpu.memory_space<vmem>>, %arg7: memref<1x1x1024xf32, #tpu.memory_space<vmem>>, %arg8: memref<1x1x1024xf32, #tpu.memory_space<vmem>>, %arg9: memref<512x1024xf32, #tpu.memory_space<vmem>>, %arg10: memref<1x4096xf32, #tpu.memory_space<vmem>>, %arg11: memref<1x1024xf32, #tpu.memory_space<vmem>>) attributes {dimension_semantics = [#tpu.dimension_semantics<arbitrary>], iteration_bounds = array<i64: 23>, scalar_prefetch = 1 : i64, scratch_operands = 2 : i64, tpu.core_type = #tpu.core_type<tc>, window_params = [{transform_indices = @transform_0, window_bounds = array<i64: 512, 1024>}, {transform_indices = @transform_1, window_bounds = array<i64: 1, 4096, 1024>}, {transform_indices = @transform_2, window_bounds = array<i64: 1, 1024, 4096>}, {transform_indices = @transform_3, window_bounds = array<i64: 1, 1, 4096>}, {transform_indices = @transform_4, window_bounds = array<i64: 1, 1, 4096>}, {transform_indices = @transform_5, window_bounds = array<i64: 1, 1, 1024>}, {transform_indices = @transform_6, window_bounds = array<i64: 1, 1, 1024>}, {transform_indices = @transform_7, window_bounds = array<i64: 512, 1024>}]} {
    %get3A = arith.constant 0 : index
    %get3A_0 = arith.constant 0 : index
    %get3A_1 = arith.constant 0 : index
    %get3A_2 = vector.load %arg3[%get3A, %get3A_0, %get3A_1] : memref<1x4096x1024xbf16, #tpu.memory_space<vmem>>, vector<1x4096x1024xbf16>
    %get3A_3 = vector.shape_cast %get3A_2 : vector<1x4096x1024xbf16> to vector<4096x1024xbf16>
    %get3A_4 = arith.constant 0 : index
    %get3A_5 = arith.constant 0 : index
    %get3A_6 = arith.constant 0 : index
    %get3A_7 = vector.load %arg4[%get3A_4, %get3A_5, %get3A_6] : memref<1x1024x4096xbf16, #tpu.memory_space<vmem>>, vector<1x1024x4096xbf16>
    %get3A_8 = vector.shape_cast %get3A_7 : vector<1x1024x4096xbf16> to vector<1024x4096xbf16>
    %get3A_9 = arith.index_cast %arg0 : i32 to index
    %get3A_10 = memref.load %arg1[%get3A_9] : memref<23xi32, #tpu.memory_space<smem>>
    %gt3A = arith.constant 0 : i32
    %gt3A_11 = arith.cmpi sgt, %get3A_10, %gt3A : i32
    %eq3A = arith.constant 0 : i32
    %eq3A_12 = arith.cmpi eq, %arg0, %eq3A : i32
    %get3A_13 = arith.index_cast %arg0 : i32 to index
    %get3A_14 = memref.load %arg1[%get3A_13] : memref<23xi32, #tpu.memory_space<smem>>
    %sub3A = arith.constant 1 : i32
    %sub3A_15 = arith.subi %arg0, %sub3A : i32
    %max3A = arith.constant 0 : i32
    %max3A_16 = arith.maxsi %sub3A_15, %max3A : i32
    %get3A_17 = arith.index_cast %max3A_16 : i32 to index
    %get3A_18 = memref.load %arg1[%get3A_17] : memref<23xi32, #tpu.memory_space<smem>>
    %ne3A = arith.cmpi ne, %get3A_14, %get3A_18 : i32
    %convert_element_type3A = arith.extui %gt3A_11 : i1 to i32
    %cond3A = arith.constant 0 : i32
    %cond3A_19 = arith.cmpi ne, %convert_element_type3A, %cond3A : i32
    scf.if %cond3A_19 {
      %or3A = arith.ori %eq3A_12, %ne3A : i1
      %convert_element_type3A_20 = arith.extui %or3A : i1 to i32
      %cond3A_21 = arith.constant 0 : i32
      %cond3A_22 = arith.cmpi ne, %convert_element_type3A_20, %cond3A_21 : i32
      scf.if %cond3A_22 {
        %convert_element_type3A_60 = arith.extf %get3A_3 : vector<4096x1024xbf16> to vector<4096x1024xf32>
        %broadcast_in_dim3A = arith.constant 1.000000e+00 : f32
        %broadcast_in_dim3A_61 = vector.broadcast %broadcast_in_dim3A : f32 to vector<1x1024xf32>
        %mul3A_62 = arith.mulf %convert_element_type3A_60, %convert_element_type3A_60 : vector<4096x1024xf32>
        %dot_general3A_63 = arith.constant dense<0.000000e+00> : vector<1x4096xf32>
        %dot_general3A_64 = tpu.matmul %broadcast_in_dim3A_61, %mul3A_62, %dot_general3A_63 {dimension_numbers = #tpu.dot_dimension_numbers<[1], [1], [0], [0], [0, 0, 1, 0], [], []>, precision = #tpu.contract_precision<fp32>, transpose_lhs_hint = false} : vector<1x1024xf32>, vector<4096x1024xf32>, vector<1x4096xf32> -> vector<1x4096xf32>
        %get3A_65 = arith.constant 0 : index
        %get3A_66 = arith.constant 0 : index
        %get3A_67 = arith.constant 0 : index
        %get3A_68 = vector.load %arg5[%get3A_65, %get3A_66, %get3A_67] : memref<1x1x4096xf32, #tpu.memory_space<vmem>>, vector<1x1x4096xf32>
        %get3A_69 = vector.shape_cast %get3A_68 : vector<1x1x4096xf32> to vector<1x4096xf32>
        %max3A_70 = arith.constant 1.000000e-24 : f32
        %max3A_71 = vector.broadcast %max3A_70 : f32 to vector<1x4096xf32>
        %max3A_72 = arith.maximumf %dot_general3A_64, %max3A_71 : vector<1x4096xf32>
        %rsqrt3A = math.rsqrt %max3A_72 : vector<1x4096xf32>
        %mul3A_73 = arith.mulf %get3A_69, %rsqrt3A : vector<1x4096xf32>
        %swap3A_74 = arith.constant 0 : index
        %swap3A_75 = arith.constant 0 : index
        %swap3A_76 = vector.load %arg10[%swap3A_74, %swap3A_75] : memref<1x4096xf32, #tpu.memory_space<vmem>>, vector<1x4096xf32>
        tpu.vector_store %arg10[%swap3A_74, %swap3A_75], %mul3A_73 {strides = array<i32>} : memref<1x4096xf32, #tpu.memory_space<vmem>>, vector<1x4096xf32>,
        %convert_element_type3A_77 = arith.extf %get3A_8 : vector<1024x4096xbf16> to vector<1024x4096xf32>
        %broadcast_in_dim3A_78 = arith.constant 1.000000e+00 : f32
        %broadcast_in_dim3A_79 = vector.broadcast %broadcast_in_dim3A_78 : f32 to vector<1x4096xf32>
        %mul3A_80 = arith.mulf %convert_element_type3A_77, %convert_element_type3A_77 : vector<1024x4096xf32>
        %dot_general3A_81 = arith.constant dense<0.000000e+00> : vector<1x1024xf32>
        %dot_general3A_82 = tpu.matmul %broadcast_in_dim3A_79, %mul3A_80, %dot_general3A_81 {dimension_numbers = #tpu.dot_dimension_numbers<[1], [1], [0], [0], [0, 0, 1, 0], [], []>, precision = #tpu.contract_precision<fp32>, transpose_lhs_hint = false} : vector<1x4096xf32>, vector<1024x4096xf32>, vector<1x1024xf32> -> vector<1x1024xf32>
        %get3A_83 = arith.constant 0 : index
        %get3A_84 = arith.constant 0 : index
        %get3A_85 = arith.constant 0 : index
        %get3A_86 = vector.load %arg7[%get3A_83, %get3A_84, %get3A_85] : memref<1x1x1024xf32, #tpu.memory_space<vmem>>, vector<1x1x1024xf32>
        %get3A_87 = vector.shape_cast %get3A_86 : vector<1x1x1024xf32> to vector<1x1024xf32>
        %max3A_88 = arith.constant 1.000000e-24 : f32
        %max3A_89 = vector.broadcast %max3A_88 : f32 to vector<1x1024xf32>
        %max3A_90 = arith.maximumf %dot_general3A_82, %max3A_89 : vector<1x1024xf32>
        %rsqrt3A_91 = math.rsqrt %max3A_90 : vector<1x1024xf32>
        %mul3A_92 = arith.mulf %get3A_87, %rsqrt3A_91 : vector<1x1024xf32>
        %swap3A_93 = arith.constant 0 : index
        %swap3A_94 = arith.constant 0 : index
        %swap3A_95 = vector.load %arg11[%swap3A_93, %swap3A_94] : memref<1x1024xf32, #tpu.memory_space<vmem>>, vector<1x1024xf32>
        tpu.vector_store %arg11[%swap3A_93, %swap3A_94], %mul3A_92 {strides = array<i32>} : memref<1x1024xf32, #tpu.memory_space<vmem>>, vector<1x1024xf32>,
      } else {
      }
      %get3A_23 = arith.constant 0 : index
      %get3A_24 = arith.constant 0 : index
      %get3A_25 = vector.load %arg2[%get3A_23, %get3A_24] : memref<512x1024xf32, #tpu.memory_space<vmem>>, vector<512x1024xf32>
      %convert_element_type3A_26 = arith.truncf %get3A_25 : vector<512x1024xf32> to vector<512x1024xbf16>
      %dot_general3A = arith.constant dense<0.000000e+00> : vector<512x4096xf32>
      %dot_general3A_27 = tpu.matmul %convert_element_type3A_26, %get3A_3, %dot_general3A {dimension_numbers = #tpu.dot_dimension_numbers<[1], [1], [0], [0], [0, 0, 1, 0], [], []>, transpose_lhs_hint = false} : vector<512x1024xbf16>, vector<4096x1024xbf16>, vector<512x4096xf32> -> vector<512x4096xf32>
      %get3A_28 = arith.constant 0 : index
      %get3A_29 = arith.constant 0 : index
      %get3A_30 = vector.load %arg10[%get3A_28, %get3A_29] : memref<1x4096xf32, #tpu.memory_space<vmem>>, vector<1x4096xf32>
      %mul3A = vector.broadcast %get3A_30 : vector<1x4096xf32> to vector<512x4096xf32>
      %mul3A_31 = arith.mulf %dot_general3A_27, %mul3A : vector<512x4096xf32>
      %get3A_32 = arith.constant 0 : index
      %get3A_33 = arith.constant 0 : index
      %get3A_34 = arith.constant 0 : index
      %get3A_35 = vector.load %arg6[%get3A_32, %get3A_33, %get3A_34] : memref<1x1x4096xf32, #tpu.memory_space<vmem>>, vector<1x1x4096xf32>
      %get3A_36 = vector.shape_cast %get3A_35 : vector<1x1x4096xf32> to vector<1x4096xf32>
      %add3A = vector.broadcast %get3A_36 : vector<1x4096xf32> to vector<512x4096xf32>
      %add3A_37 = arith.addf %mul3A_31, %add3A : vector<512x4096xf32>
      %neg3A = arith.constant 0.000000e+00 : f32
      %neg3A_38 = vector.broadcast %neg3A : f32 to vector<512x4096xf32>
      %neg3A_39 = arith.subf %neg3A_38, %add3A_37 : vector<512x4096xf32>
      %exp3A = math.exp %neg3A_39 : vector<512x4096xf32>
      %add3A_40 = arith.constant 1.000000e+00 : f32
      %add3A_41 = vector.broadcast %add3A_40 : f32 to vector<512x4096xf32>
      %add3A_42 = arith.addf %add3A_41, %exp3A : vector<512x4096xf32>
      %div3A = arith.divf %add3A_37, %add3A_42 : vector<512x4096xf32>
      %convert_element_type3A_43 = arith.truncf %div3A : vector<512x4096xf32> to vector<512x4096xbf16>
      %dot_general3A_44 = arith.constant dense<0.000000e+00> : vector<512x1024xf32>
      %dot_general3A_45 = tpu.matmul %convert_element_type3A_43, %get3A_8, %dot_general3A_44 {dimension_numbers = #tpu.dot_dimension_numbers<[1], [1], [0], [0], [0, 0, 1, 0], [], []>, transpose_lhs_hint = false} : vector<512x4096xbf16>, vector<1024x4096xbf16>, vector<512x1024xf32> -> vector<512x1024xf32>
      %get3A_46 = arith.constant 0 : index
      %get3A_47 = arith.constant 0 : index
      %get3A_48 = vector.load %arg11[%get3A_46, %get3A_47] : memref<1x1024xf32, #tpu.memory_space<vmem>>, vector<1x1024xf32>
      %mul3A_49 = vector.broadcast %get3A_48 : vector<1x1024xf32> to vector<512x1024xf32>
      %mul3A_50 = arith.mulf %dot_general3A_45, %mul3A_49 : vector<512x1024xf32>
      %get3A_51 = arith.constant 0 : index
      %get3A_52 = arith.constant 0 : index
      %get3A_53 = arith.constant 0 : index
      %get3A_54 = vector.load %arg8[%get3A_51, %get3A_52, %get3A_53] : memref<1x1x1024xf32, #tpu.memory_space<vmem>>, vector<1x1x1024xf32>
      %get3A_55 = vector.shape_cast %get3A_54 : vector<1x1x1024xf32> to vector<1x1024xf32>
      %add3A_56 = vector.broadcast %get3A_55 : vector<1x1024xf32> to vector<512x1024xf32>
      %add3A_57 = arith.addf %mul3A_50, %add3A_56 : vector<512x1024xf32>
      %swap3A = arith.constant 0 : index
      %swap3A_58 = arith.constant 0 : index
      %swap3A_59 = vector.load %arg9[%swap3A, %swap3A_58] : memref<512x1024xf32, #tpu.memory_space<vmem>>, vector<512x1024xf32>
      tpu.vector_store %arg9[%swap3A, %swap3A_58], %add3A_57 {strides = array<i32>} : memref<512x1024xf32, #tpu.memory_space<vmem>>, vector<512x1024xf32>,
    } else {
    }
    return
  }
  func.func @transform_0(%arg0: i32, %arg1: memref<23xi32, #tpu.memory_space<smem>>) -> (i32, i32) {
    %c0_i32 = arith.constant 0 : i32
    %c0_i32_0 = arith.constant 0 : i32
    return %arg0, %c0_i32 : i32, i32
  }
  func.func @transform_1(%arg0: i32, %arg1: memref<23xi32, #tpu.memory_space<smem>>) -> (i32, i32, i32) {
    %get3A = arith.index_cast %arg0 : i32 to index
    %get3A_0 = memref.load %arg1[%get3A] : memref<23xi32, #tpu.memory_space<smem>>
    %abs3A = math.absi %get3A_0 : i32
    %sub3A = arith.constant 1 : i32
    %sub3A_1 = arith.subi %abs3A, %sub3A : i32
    %c0_i32 = arith.constant 0 : i32
    %c0_i32_2 = arith.constant 0 : i32
    %c0_i32_3 = arith.constant 0 : i32
    return %sub3A_1, %c0_i32, %c0_i32_2 : i32, i32, i32
  }
  func.func @transform_2(%arg0: i32, %arg1: memref<23xi32, #tpu.memory_space<smem>>) -> (i32, i32, i32) {
    %get3A = arith.index_cast %arg0 : i32 to index
    %get3A_0 = memref.load %arg1[%get3A] : memref<23xi32, #tpu.memory_space<smem>>
    %abs3A = math.absi %get3A_0 : i32
    %sub3A = arith.constant 1 : i32
    %sub3A_1 = arith.subi %abs3A, %sub3A : i32
    %c0_i32 = arith.constant 0 : i32
    %c0_i32_2 = arith.constant 0 : i32
    %c0_i32_3 = arith.constant 0 : i32
    return %sub3A_1, %c0_i32, %c0_i32_2 : i32, i32, i32
  }
  func.func @transform_3(%arg0: i32, %arg1: memref<23xi32, #tpu.memory_space<smem>>) -> (i32, i32, i32) {
    %get3A = arith.index_cast %arg0 : i32 to index
    %get3A_0 = memref.load %arg1[%get3A] : memref<23xi32, #tpu.memory_space<smem>>
    %abs3A = math.absi %get3A_0 : i32
    %sub3A = arith.constant 1 : i32
    %sub3A_1 = arith.subi %abs3A, %sub3A : i32
    %c0_i32 = arith.constant 0 : i32
    %c0_i32_2 = arith.constant 0 : i32
    %c0_i32_3 = arith.constant 0 : i32
    return %sub3A_1, %c0_i32, %c0_i32_2 : i32, i32, i32
  }
  func.func @transform_4(%arg0: i32, %arg1: memref<23xi32, #tpu.memory_space<smem>>) -> (i32, i32, i32) {
    %get3A = arith.index_cast %arg0 : i32 to index
    %get3A_0 = memref.load %arg1[%get3A] : memref<23xi32, #tpu.memory_space<smem>>
    %abs3A = math.absi %get3A_0 : i32
    %sub3A = arith.constant 1 : i32
    %sub3A_1 = arith.subi %abs3A, %sub3A : i32
    %c0_i32 = arith.constant 0 : i32
    %c0_i32_2 = arith.constant 0 : i32
    %c0_i32_3 = arith.constant 0 : i32
    return %sub3A_1, %c0_i32, %c0_i32_2 : i32, i32, i32
  }
  func.func @transform_5(%arg0: i32, %arg1: memref<23xi32, #tpu.memory_space<smem>>) -> (i32, i32, i32) {
    %get3A = arith.index_cast %arg0 : i32 to index
    %get3A_0 = memref.load %arg1[%get3A] : memref<23xi32, #tpu.memory_space<smem>>
    %abs3A = math.absi %get3A_0 : i32
    %sub3A = arith.constant 1 : i32
    %sub3A_1 = arith.subi %abs3A, %sub3A : i32
    %c0_i32 = arith.constant 0 : i32
    %c0_i32_2 = arith.constant 0 : i32
    %c0_i32_3 = arith.constant 0 : i32
    return %sub3A_1, %c0_i32, %c0_i32_2 : i32, i32, i32
  }
  func.func @transform_6(%arg0: i32, %arg1: memref<23xi32, #tpu.memory_space<smem>>) -> (i32, i32, i32) {
    %get3A = arith.index_cast %arg0 : i32 to index
    %get3A_0 = memref.load %arg1[%get3A] : memref<23xi32, #tpu.memory_space<smem>>
    %abs3A = math.absi %get3A_0 : i32
    %sub3A = arith.constant 1 : i32
    %sub3A_1 = arith.subi %abs3A, %sub3A : i32
    %c0_i32 = arith.constant 0 : i32
    %c0_i32_2 = arith.constant 0 : i32
    %c0_i32_3 = arith.constant 0 : i32
    return %sub3A_1, %c0_i32, %c0_i32_2 : i32, i32, i32
  }
  func.func @transform_7(%arg0: i32, %arg1: memref<23xi32, #tpu.memory_space<smem>>) -> (i32, i32) {
    %c0_i32 = arith.constant 0 : i32
    %c0_i32_0 = arith.constant 0 : i32
    return %arg0, %c0_i32 : i32, i32
  }
}

</mosaic_0001>

<sc_bundles>
// kernel: kernel.6.cloned.1.call-start
scs
__scs_entry_jumppad:
0x0: {  	(pc) =	sbr.rel $0x88, $3  }
0x1: {  	(tag) =	ssettag $0x0;
	lr =	simm.s32 $0x1  }
0x2: {  	[smem:$0x3F97] =	sst lr;
	_ =	strace $0xD0000000  }
0x3: {  	_ = 	snop  }
0x4: {  	_ = 	snop  }
0x5: {  	_ = 	snop  }
0x6: {  	_ = 	snop  }
0x7: {  	_ = 	snop  }
__scs_overlays_trampoline_lowered:
0x8: {  	[smem:$0x3FA6] =	sst s0  }
0x9: {  	[smem:$0x3FA7] =	sst s1  }
0xa: {  	[smem:$0x3FA8] =	sst s2  }
0xb: {  	[smem:$0x3FA9] =	sst s3  }
0xc: {  	[smem:$0x3FAA] =	sst s4  }
0xd: {  	[smem:$0x3FAB] =	sst s5  }
0xe: {  	[smem:$0x3FAC] =	sst s6  }
0xf: {  	[smem:$0x3FAD] =	sst s7  }
0x10: {  	[smem:$0x3FAE] =	sst s8  }
0x11: {  	[smem:$0x3FAF] =	sst s9;
	s0 =	simm.s32 @!p0 $0x0  }
0x12: {  	s1 =	sld [smem:$0x3F95];
	s0 =	simm.s32 @p0 $0x1  }
0x13: {  	[smem:$0x3FB0] =	sst s0;
	s0 =	simm.s32 @!p1 $0x0  }
0x14: {  	s2 =	sld [smem:$0x3F94];
	s0 =	simm.s32 @p1 $0x1  }
0x15: {  	[smem:$0x3FB1] =	sst s0;
	s0 =	simm.s32 @!p2 $0x0  }
0x16: {  	s3 =	sld [smem:$0x3FDB];
	s0 =	simm.s32 @p2 $0x1  }
0x17: {  	s4 =	simm.s32 $0x1BF5;
	[smem:$0x3FB3] =	sst s0  }
0x18: {  	s0 =	sld [smem:$0x3F96];
	_ =	swait.ge [sflag:s4], $0x0  }
0x19: {  	s7 =	sld [smem:$0x3F97]  }
0x1a: {  	s8 =	sadd.s32 $0xFFFFE003, lr  }
0x1b: {  	s9 =	sadd.s32 $0xFFFFFEF7, lr;
	s5 =	simm.s32 $0xFFFFFFFF;
	p2 =	slt.u32 s8, $0xFFFFF086  }
0x1c: {  	p1 =	slt.u32 s9, $0xF7A;
	s5 =	simm.s32 @!p2 $0x0  }
0x1d: {  	s5 =	simm.s32 @p1 $0x1;
	p0 =	seq.s32 s7, s2  }
0x1e: {  	s7 =	smul.u32 @!p0 $0xF7A, s2;
	p2 =	seq.s32 @!p0 s5, $0x0  }
0x1f: {  	s9 =	smul.u32 $0xF7A, s1;
	s8 =	simm.s32 @!p0 $0x1BF5;
	p2 =	por !p2, p0  }
0x20: {  	[sflag:s8] =	ssyncset.s32 @!p0 $0xFFFFF086;
	s6 =	sadd.s32 @!p0 s3, s7;
	s7 =	simm.s32 @!p0 $0x108  }
0x21: {  	s3 =	sadd.s32 s3, s9;
	s6 =	sadd.s32 @!p0 $0x88, s6;
	s7 =	simm.s32 @p2 $0x1082  }
0x22: {  	[simem:s7], [sflag:s8] =	dma.local @!p0 [hbm:s6], $0xF7A  }
0x23: {  	s9 =	sor.u32 $0xD0000000, s2;
	s6 =	simm.s32 $0x108;
	_ =	swait.ge @!p0 [sflag:s8], $0x0  }
0x24: {  	s3 =	sadd.s32 $0x88, s3;
	s6 =	simm.s32 @!p1 $0x1082;
	[sflag:s4] =	ssyncset.s32 $0xFFFFF086  }
0x25: {  	[simem:s6], [sflag:s4] =	dma.local [hbm:s3], $0xF7A  }
0x26: {  	[smem:$0x3F97] =	sst s1;
	(tag) =	ssettag s2;
	_ =	strace s9  }
0x27: {  	s1 =	sld [smem:$0x3FA7]  }
0x28: {  	s2 =	sld [smem:$0x3FA8]  }
0x29: {  	s4 =	sld [smem:$0x3FAA]  }
0x2a: {  	p0 =	seq.s32 s5, $0x0;
	s5 =	sld [smem:$0x3FAB]  }
0x2b: {  	s6 =	sld [smem:$0x3FAC]  }
0x2c: {  	s7 =	sld [smem:$0x3FAD]  }
0x2d: {  	s3 =	simm.s32 $0x108;
	s8 =	sld [smem:$0x3FAE]  }
0x2e: {  	s3 =	simm.s32 @!p0 $0x1082;
	s9 =	sld [smem:$0x3FAF]  }
0x2f: {  	lr =	sadd.s32 s0, s3;
	s0 =	sld [smem:$0x3FA6]  }
0x30: {  	s3 =	sld [smem:$0x3FA9]  }
0x31: {  	[smem:$0x3FB2] =	sst s10  }
0x32: {  	s10 =	sld [smem:$0x3FB0];
	_ =	sdelay $0x3  }
0x33: {  	p0 =	seq.s32 s10, $0x1;
	s10 =	sld [smem:$0x3FB2];
	_ =	sdelay $0x3  }
0x34: {  	[smem:$0x3FB2] =	sst s10  }
0x35: {  	s10 =	sld [smem:$0x3FB1];
	_ =	sdelay $0x3  }
0x36: {  	p1 =	seq.s32 s10, $0x1;
	s10 =	sld [smem:$0x3FB2];
	_ =	sdelay $0x3  }
0x37: {  	[smem:$0x3FB2] =	sst s10  }
0x38: {  	s10 =	sld [smem:$0x3FB3]  }
0x39: {  	_ = 	snop;
	(pc) =	sbr.ind lr, $3  }
0x3a: {  	_ = 	snop  }
0x3b: {  	_ = 	snop  }
0x3c: {  	p2 =	seq.s32 s10, $0x1;
	s10 =	sld [smem:$0x3FB2]  }
0x3d: {  	_ =	shalt  }
0x3e: {  	_ =	shalt  }
0x3f: {  	_ =	shalt  }
0x40: {  	_ =	shalt  }
0x41: {  	_ =	shalt  }
0x42: {  	_ =	shalt  }
0x43: {  	_ =	shalt  }
0x44: {  	_ =	shalt  }
0x45: {  	_ =	shalt  }
0x46: {  	_ =	shalt  }
0x47: {  	_ =	shalt  }
0x48: {  	_ =	shalt  }
0x49: {  	_ =	shalt  }
0x4a: {  	_ =	shalt  }
0x4b: {  	_ =	shalt  }
0x4c: {  	_ =	shalt  }
0x4d: {  	_ =	shalt  }
0x4e: {  	_ =	shalt  }
0x4f: {  	_ =	shalt  }
0x50: {  	_ =	shalt  }
0x51: {  	_ =	shalt  }
0x52: {  	_ =	shalt  }
0x53: {  	_ =	shalt  }
0x54: {  	_ =	shalt  }
0x55: {  	_ =	shalt  }
0x56: {  	_ =	shalt  }
0x57: {  	_ =	shalt  }
0x58: {  	_ =	shalt  }
0x59: {  	_ =	shalt  }
0x5a: {  	_ =	shalt  }
0x5b: {  	_ =	shalt  }
0x5c: {  	_ =	shalt  }
0x5d: {  	_ =	shalt  }
0x5e: {  	_ =	shalt  }
0x5f: {  	_ =	shalt  }
0x60: {  	_ =	shalt  }
0x61: {  	_ =	shalt  }
0x62: {  	_ =	shalt  }
0x63: {  	_ =	shalt  }
0x64: {  	_ =	shalt  }
0x65: {  	_ =	shalt  }
0x66: {  	_ =	shalt  }
0x67: {  	_ =	shalt  }
0x68: {  	_ =	shalt  }
0x69: {  	_ =	shalt  }
0x6a: {  	_ =	shalt  }
0x6b: {  	_ =	shalt  }
0x6c: {  	_ =	shalt  }
0x6d: {  	_ =	shalt  }
0x6e: {  	_ =	shalt  }
0x6f: {  	_ =	shalt  }
0x70: {  	_ =	shalt  }
0x71: {  	_ =	shalt  }
0x72: {  	_ =	shalt  }
0x73: {  	_ =	shalt  }
0x74: {  	_ =	shalt  }
0x75: {  	_ =	shalt  }
0x76: {  	_ =	shalt  }
0x77: {  	_ =	shalt  }
0x78: {  	_ =	shalt  }
0x79: {  	_ =	shalt  }
0x7a: {  	_ =	shalt  }
0x7b: {  	_ =	shalt  }
0x7c: {  	_ =	shalt  }
0x7d: {  	_ =	shalt  }
0x7e: {  	_ =	shalt  }
0x7f: {  	_ =	shalt  }
0x80: {  	_ =	shalt  }
0x81: {  	_ =	shalt  }
0x82: {  	_ =	shalt  }
0x83: {  	_ =	shalt  }
0x84: {  	_ =	shalt  }
0x85: {  	_ =	shalt  }
0x86: {  	_ =	shalt  }
0x87: {  	_ =	shalt  }
.Lfunc_end0:
.L_simem_size_0:
called_computation_lowered:
.L_overlay_start_0:
0x88: {  	s2 =	sld [smem:$0x3FD9]  }
0x89: {  	s3 =	sld [smem:$0x3FFE];
	_ =	sdelay $0x1  }
0x8a: {  	s1 =	srdreg.scid  }
0x8b: {  	s0 =	sand.u32 $0x1, s1  }
0x8c: {  	s17 =	sshll.u32 s0, $0xA;
	s2 =	sadd.s32 s3, s2  }
0x8d: {  	s2 =	sadd.s32 s2, s17  }
0x8e: {  	[smem:$0x3FBE] =	sst s2  }
0x8f: {  	_ = 	snop  }
0x90: {  	s2 =	sld [smem:$0x3FC9];
	(tm) =	ssettm $0x1  }
0x91: {  	s18 =	sld [smem:$0x3FFB];
	_ =	sdelay $0x3  }
0x92: {  	_ =	strace s18  }
0x93: {  	s3 =	sld [smem:$0x3FFC];
	_ =	sdelay $0x3  }
0x94: {  	_ =	strace s3  }
0x95: {  	s3 =	sld [smem:$0x3FFD];
	_ =	sdelay $0x3  }
0x96: {  	_ =	strace s3  }
0x97: {  	_ =	strace $0x8FFFFFFF  }
0x98: {  	s19 =	sld [smem:$0x3FDB];
	_ =	sdelay $0x1  }
0x99: {  	s4 =	simm.s32 $_scs_section_size  }
0x9a: {  	s5 =	simm.s32 $_size__tile_overlayer_lowered;
	s6 =	simm.s32 $_tile_overlayer_lowered  }
0x9b: {  	s22 =	simm.s32 $0x1BFF;
	s21 =	sshll.u32 s6, $0x1;
	s3 =	sadd.s32 s4, s19  }
0x9c: {  	s7 =	simm.s32 $0x0;
	s20 =	sshll.u32 s5, $0x1;
	s5 =	sadd.s32 s21, s3  }
0x9d: {  	[timem:s7], [sflag:s22] =	dma.local [hbm:s5], s20  }
0x9e: {  	_ =	swait.ge [sflag:s22], s20  }
0x9f: {  	s4 =	ssub.s32 $0x0, s20;
	[sflag:s22] =	ssyncset.done $0x0  }
0xa0: {  	[sflag:s22] =	ssyncadd.s32 s4;
	_ =	sdelay $0x1  }
0xa1: {  	s23 =	simm.s32 $0x1B8B  }
0xa2: {  	_ =	swait.ge [sflag:s23], $0x1  }
0xa3: {  	[sflag:s23] =	ssyncset.done $0x0  }
0xa4: {  	s25 =	simm.s32 $0x1B8E;
	s24 =	sld [smem:$0x3FFE];
	[sflag:s23] =	ssyncadd.s32 $0xFFFFFFFF  }
0xa5: {  	s26 =	simm.s32 $execute0_lowered;
	[smem:$0x3FD2] =	sst s25  }
0xa6: {  	s5 =	sshll.u32 s26, $0x1;
	_ =	strace $0x80000046;
	[dreg:$0x1] =	wrdreg $0xFFFFFFFF  }
0xa7: {  	s28 =	simm.s32 $_size_execute0_lowered;
	s3 =	sadd.s32 s3, s5;
	[dreg:$0x0] =	wrdreg $0x0  }
0xa8: {  	s5 =	sshll.u32 s28, $0x1;
	[dreg:$0x2] =	wrdreg s3  }
0xa9: {  	[dreg:$0x3] =	wrdreg s5  }
0xaa: {  	[dreg:$0x4] =	wrdreg $0xC0  }
0xab: {  	_ =	task [dreg:s7], $0x5FFFF  }
0xac: {  	[dreg:$0x1] =	wrdreg $0xFFFFFFFF  }
0xad: {  	[dreg:$0x0] =	wrdreg $0x60  }
0xae: {  	[dreg:$0x2] =	wrdreg s2  }
0xaf: {  	[dreg:$0x3] =	wrdreg s24  }
0xb0: {  	[dreg:$0x4] =	wrdreg $0x9  }
0xb1: {  	_ =	task.clear_ibuf [dreg:s7], $0x5FFFF;
	_ =	strace $0x90000046  }
0xb2: {  	s29 =	simm.s32 $0x9;
	_ =	strace $0x80000048  }
0xb3: {  	_ =	swait.ge [sflag:s29], $0x1  }
0xb4: {  	[sflag:s29] =	ssyncadd.s32 $0xFFFFFFFF  }
0xb5: {  	_ =	strace $0x90000048  }
0xb6: {  	_ =	sfence  }
0xb7: {  	s30 =	sld [smem:$0x0];
	_ =	sdelay $0x2  }
0xb8: {  	s31 =	sshll.u32 s1, $0xD;
	s1 =	sshrl.u32 s1, $0x2  }
0xb9: {  	s3 =	sand.u32 $0x4000, s31;
	s1 =	sadd.s32 s1, s30  }
0xba: {  	s0 =	sor.u32 s3, s0;
	s1 =	sshll.u32 s1, $0x11  }
0xbb: {  	s0 =	sor.u32 s1, s0  }
0xbc: {  	s0 =	sadd.s32 $0x8F2B, s0  }
0xbd: {  	[sflag:s0] =	ssyncadd.remote.s32 $0x1  }
0xbe: {  	_ =	sfence.sel $0xFFFF  }
0xbf: {  	[dreg:$0x0] =	wrdreg $0xFFFFFFFF;
	(pc) =	sbr.abs _section_cstart, $3  }
0xc0: {  	[dreg:$0x1] =	wrdreg $0xFFFFFFFF  }
0xc1: {  	_ =	task.clear_ibuf [dreg:s7], $0x2FFFF;
	_ =	strace $0x9FFFFFFF  }
0xc2: {  	(tm) =	ssettm $0x7FFFFFFF  }
0xc3: {  	_ =	shalt  }
tec
execute0_lowered:
.L_overlay_start_1:
0x0: {  	(tag) =	ssettag $0x1  }
0x1: {  	s0 =	rddreg [dreg:$0x0]  }
0x2: {  	s7 =	rddreg [dreg:$0x1];
	s3 =	srdreg.scid  }
0x3: {  	s1 =	stileid.u32;
	s2 =	simm.s32 $0x0;
	s11 =	simm.s32 $0x4  }
0x4: {  	s12 =	simm.s32 $0x200;
	s13 =	simm.s32 $0x400;
	s14 =	simm.s32 $0x1  }
0x5: {  	s15 =	simm.s32 $0xC00;
	s16 =	simm.s32 $0x1400;
	s17 =	simm.s32 $0x1C00  }
0x6: {  	s18 =	simm.s32 $0x2400;
	s19 =	simm.s32 $0x2C00;
	s20 =	simm.s32 $0x3400  }
0x7: {  	s21 =	simm.s32 $0x3C00;
	s22 =	simm.s32 $0x4400;
	s23 =	simm.s32 $0x4C00  }
0x8: {  	s24 =	simm.s32 $0x5400;
	s25 =	simm.s32 $0x5C00;
	s28 =	simm.s32 $0x6C00  }
0x9: {  	s29 =	simm.s32 $0x7400;
	s30 =	simm.s32 $0x7C00;
	s31 =	simm.s32 $0x2  }
0xa: {  	s3 =	sand.u32 $0x1, s3;
	s4 =	sshll.u32 s1, $0x1;
	[smem:$0x7FF] =	sst s2  }
0xb: {  	s4 =	sor.u32 s3, s4;
	_ =	strace $0x80000047;
	s6 =	ssub.s32 $0x2, s3  }
0xc: {  	s3 =	sadd.s32 $0x1400, s7;
	s5 =	sshll.u32 s4, $0x6;
	s8 =	sshrl.u32 s6, $0x1  }
0xd: {  	s4 =	sshll.u32 s4, $0xE;
	s5 =	sadd.s32 s5, s7;
	s10 =	ssub.s32 s6, s8  }
0xe: {  	s4 =	sadd.s32 s0, s4;
	s6 =	sadd.s32 $0x1600, s7;
	s26 =	sadd.s32 $0xC00, s5  }
0xf: {  	s5 =	sadd.s32 $0x400, s5;
	s0 =	sadd.s32 $0x1000, s4;
	s8 =	sadd.s32 $0x2000, s4  }
0x10: {  	v2 =	vlaneseq.u32;
	s9 =	sadd.s32 $0x3000, s4;
	s10 =	smax.u32 s10, $0x1;
	[dreg:$0x3] =	wrdreg s26  }
0x11: {  	vm0 =	vmmov $0xffff;
	v1 =	vshrl.u32 v2, $0x3;
	[dreg:$0x4] =	wrdreg s5;
	s5 =	sadd.s32 $0x1500, s7;
	s7 =	sadd.s32 $0x1700, s7  }
0x12: {  	v0 =	vand.u32 $0x7, v2;
	v2 =	vor.u32 $0x8, v2;
	v1 =	vmul.u32 $0x8, v1;
	[dreg:$0x5] =	wrdreg s0;
	s26 =	simm.s32 $0x6400;
	s0 =	simm.s32 $0x3  }
.LBB2_1:
0x13: {  	s1 =	rddreg [dreg:$0x3]  }
0x14: {  	[tilespmem:s2], [sflag:$0x4] =	stream.linear.gather [hbm4b:s1+s2], $0x200, $0x38;
	[tilespmem:$0x8400] =	vst v63  }
0x15: {  	_ =	swait.ge [sflag:s11], $0x200  }
0x16: {  	[sflag:s11] =	ssyncset.done $0x0  }
0x17: {  	s1 =	rddreg [dreg:$0x4];
	[sflag:s11] =	ssyncadd.s32 $0xFFFFFE00  }
0x18: {  	[tilespmem:s12], [sflag:$0x4] =	stream.linear.gather [hbm4b:s1+s2], $0x200, $0x38;
	[tilespmem:$0x8400] =	vst v63  }
0x19: {  	_ =	swait.ge [sflag:s11], $0x200  }
0x1a: {  	[sflag:s11] =	ssyncset.done $0x0  }
0x1b: {  	[sflag:s11] =	ssyncadd.s32 $0xFFFFFE00  }
0x1c: {  	[tilespmem:s13], [sflag:$0x1] =	stream.linear.gather [hbm4b:s4+s2], $0x8000, $0x38;
	[tilespmem:$0x8400] =	vst v63  }
0x1d: {  	_ =	swait.ge [sflag:s14], $0x8000  }
0x1e: {  	[sflag:s14] =	ssyncset.done $0x0  }
0x1f: {  	[sflag:s14] =	ssyncadd.s32 $0xFFFF8000  }
0x20: {  	v3 =	vld [tilespmem:$0x0];
	_ =	sdelay $0x4  }
0x21: {  	v4 =	vshll.u32 v3, $0x3  }
0x22: {  	v3 =	vand.u32 $0x7, v3;
	v4 =	vand.u32 $0xFFFFFFC0, v4  }
0x23: {  	v3 =	vor.u32 v3, v4  }
0x24: {  	v4 =	vperm.xlane v3, v0;
	_ =	sdelay $0x1  }
0x25: {  	v4 =	vadd.s32 v1, v4;
	_ =	sdelay $0x4  }
0x26: {  	[hbm4b:s3+s2] =	stream.indirect_vreg.scatter [tilespmem:s13], [sflag:$0x2], $0x80, v4, vm0, $0xb8;
	[tilespmem:$0x8400] =	vst v63  }
0x27: {  	v3 =	vperm.xlane v3, v2  }
0x28: {  	[hbm4b:s5+s2] =	stream.indirect_vreg.scatter [tilespmem:s15], [sflag:$0x2], $0x80, v4, vm0, $0xb8;
	[tilespmem:$0x8400] =	vst v63  }
0x29: {  	v3 =	vadd.s32 v1, v3  }
0x2a: {  	[hbm4b:s6+s2] =	stream.indirect_vreg.scatter [tilespmem:s16], [sflag:$0x2], $0x80, v4, vm0, $0xb8;
	[tilespmem:$0x8400] =	vst v63  }
0x2b: {  	_ = 	snop  }
0x2c: {  	[hbm4b:s7+s2] =	stream.indirect_vreg.scatter [tilespmem:s17], [sflag:$0x2], $0x80, v4, vm0, $0xb8;
	[tilespmem:$0x8400] =	vst v63  }
0x2d: {  	_ = 	snop  }
0x2e: {  	[hbm4b:s3+s2] =	stream.indirect_vreg.scatter [tilespmem:s18], [sflag:$0x2], $0x80, v3, vm0, $0xb8;
	[tilespmem:$0x8400] =	vst v63  }
0x2f: {  	_ = 	snop  }
0x30: {  	[hbm4b:s5+s2] =	stream.indirect_vreg.scatter [tilespmem:s19], [sflag:$0x2], $0x80, v3, vm0, $0xb8;
	[tilespmem:$0x8400] =	vst v63  }
0x31: {  	_ = 	snop  }
0x32: {  	[hbm4b:s6+s2] =	stream.indirect_vreg.scatter [tilespmem:s20], [sflag:$0x2], $0x80, v3, vm0, $0xb8;
	[tilespmem:$0x8400] =	vst v63  }
0x33: {  	_ = 	snop  }
0x34: {  	[hbm4b:s7+s2] =	stream.indirect_vreg.scatter [tilespmem:s21], [sflag:$0x2], $0x80, v3, vm0, $0xb8;
	[tilespmem:$0x8400] =	vst v63  }
0x35: {  	v3 =	vld [tilespmem:$0x10];
	_ =	sdelay $0x4  }
0x36: {  	v49 =	vshll.u32 v3, $0x3  }
0x37: {  	v3 =	vand.u32 $0x7, v3;
	v4 =	vand.u32 $0xFFFFFFC0, v49  }
0x38: {  	v3 =	vor.u32 v3, v4  }
0x39: {  	v4 =	vperm.xlane v3, v0;
	_ =	sdelay $0x1  }
0x3a: {  	v4 =	vadd.s32 v1, v4;
	_ =	sdelay $0x4  }
0x3b: {  	[hbm4b:s3+s2] =	stream.indirect_vreg.scatter [tilespmem:s22], [sflag:$0x2], $0x80, v4, vm0, $0xb8;
	[tilespmem:$0x8400] =	vst v63  }
0x3c: {  	v3 =	vperm.xlane v3, v2  }
0x3d: {  	[hbm4b:s5+s2] =	stream.indirect_vreg.scatter [tilespmem:s23], [sflag:$0x2], $0x80, v4, vm0, $0xb8;
	[tilespmem:$0x8400] =	vst v63  }
0x3e: {  	v3 =	vadd.s32 v1, v3  }
0x3f: {  	[hbm4b:s6+s2] =	stream.indirect_vreg.scatter [tilespmem:s24], [sflag:$0x2], $0x80, v4, vm0, $0xb8;
	[tilespmem:$0x8400] =	vst v63  }
0x40: {  	_ = 	snop  }
0x41: {  	[hbm4b:s7+s2] =	stream.indirect_vreg.scatter [tilespmem:s25], [sflag:$0x2], $0x80, v4, vm0, $0xb8;
	[tilespmem:$0x8400] =	vst v63  }
0x42: {  	_ = 	snop  }
0x43: {  	[hbm4b:s3+s2] =	stream.indirect_vreg.scatter [tilespmem:s26], [sflag:$0x2], $0x80, v3, vm0, $0xb8;
	[tilespmem:$0x8400] =	vst v63  }
0x44: {  	_ = 	snop  }
0x45: {  	[hbm4b:s5+s2] =	stream.indirect_vreg.scatter [tilespmem:s28], [sflag:$0x2], $0x80, v3, vm0, $0xb8;
	[tilespmem:$0x8400] =	vst v63  }
0x46: {  	_ = 	snop  }
0x47: {  	[hbm4b:s6+s2] =	stream.indirect_vreg.scatter [tilespmem:s29], [sflag:$0x2], $0x80, v3, vm0, $0xb8;
	[tilespmem:$0x8400] =	vst v63  }
0x48: {  	_ = 	snop  }
0x49: {  	[hbm4b:s7+s2] =	stream.indirect_vreg.scatter [tilespmem:s30], [sflag:$0x2], $0x80, v3, vm0, $0xb8;
	[tilespmem:$0x8400] =	vst v63  }
0x4a: {  	v3 =	vld [tilespmem:$0x200];
	_ =	sdelay $0x4  }
0x4b: {  	v50 =	vshll.u32 v3, $0x3  }
0x4c: {  	v3 =	vand.u32 $0x7, v3;
	v4 =	vand.u32 $0xFFFFFFC0, v50  }
0x4d: {  	v3 =	vor.u32 v3, v4  }
0x4e: {  	v4 =	vperm.xlane v3, v0;
	_ =	sdelay $0x1  }
0x4f: {  	v4 =	vadd.s32 v1, v4;
	_ =	sdelay $0x4  }
0x50: {  	[hbm4b:s3+s2] =	stream.indirect_vreg.scatter [tilespmem:s13], [sflag:$0x3], $0x80, v4, vm0, $0xb8;
	[tilespmem:$0x8400] =	vst v63  }
0x51: {  	v3 =	vperm.xlane v3, v2  }
0x52: {  	[hbm4b:s5+s2] =	stream.indirect_vreg.scatter [tilespmem:s15], [sflag:$0x3], $0x80, v4, vm0, $0xb8;
	[tilespmem:$0x8400] =	vst v63  }
0x53: {  	v3 =	vadd.s32 v1, v3  }
0x54: {  	[hbm4b:s6+s2] =	stream.indirect_vreg.scatter [tilespmem:s16], [sflag:$0x3], $0x80, v4, vm0, $0xb8;
	[tilespmem:$0x8400] =	vst v63  }
0x55: {  	_ = 	snop  }
0x56: {  	[hbm4b:s7+s2] =	stream.indirect_vreg.scatter [tilespmem:s17], [sflag:$0x3], $0x80, v4, vm0, $0xb8;
	[tilespmem:$0x8400] =	vst v63  }
0x57: {  	_ = 	snop  }
0x58: {  	[hbm4b:s3+s2] =	stream.indirect_vreg.scatter [tilespmem:s18], [sflag:$0x3], $0x80, v3, vm0, $0xb8;
	[tilespmem:$0x8400] =	vst v63  }
0x59: {  	_ = 	snop  }
0x5a: {  	[hbm4b:s5+s2] =	stream.indirect_vreg.scatter [tilespmem:s19], [sflag:$0x3], $0x80, v3, vm0, $0xb8;
	[tilespmem:$0x8400] =	vst v63  }
0x5b: {  	_ = 	snop  }
0x5c: {  	[hbm4b:s6+s2] =	stream.indirect_vreg.scatter [tilespmem:s20], [sflag:$0x3], $0x80, v3, vm0, $0xb8;
	[tilespmem:$0x8400] =	vst v63  }
0x5d: {  	_ = 	snop  }
0x5e: {  	[hbm4b:s7+s2] =	stream.indirect_vreg.scatter [tilespmem:s21], [sflag:$0x3], $0x80, v3, vm0, $0xb8;
	[tilespmem:$0x8400] =	vst v63  }
0x5f: {  	v3 =	vld [tilespmem:$0x210];
	_ =	sdelay $0x4  }
0x60: {  	v51 =	vshll.u32 v3, $0x3  }
0x61: {  	v3 =	vand.u32 $0x7, v3;
	v4 =	vand.u32 $0xFFFFFFC0, v51  }
0x62: {  	v3 =	vor.u32 v3, v4  }
0x63: {  	v4 =	vperm.xlane v3, v0;
	_ =	sdelay $0x1  }
0x64: {  	v4 =	vadd.s32 v1, v4;
	_ =	sdelay $0x4  }
0x65: {  	[hbm4b:s3+s2] =	stream.indirect_vreg.scatter [tilespmem:s22], [sflag:$0x3], $0x80, v4, vm0, $0xb8;
	[tilespmem:$0x8400] =	vst v63  }
0x66: {  	v3 =	vperm.xlane v3, v2  }
0x67: {  	[hbm4b:s5+s2] =	stream.indirect_vreg.scatter [tilespmem:s23], [sflag:$0x3], $0x80, v4, vm0, $0xb8;
	[tilespmem:$0x8400] =	vst v63  }
0x68: {  	v3 =	vadd.s32 v1, v3  }
0x69: {  	[hbm4b:s6+s2] =	stream.indirect_vreg.scatter [tilespmem:s24], [sflag:$0x3], $0x80, v4, vm0, $0xb8;
	[tilespmem:$0x8400] =	vst v63  }
0x6a: {  	_ = 	snop  }
0x6b: {  	[hbm4b:s7+s2] =	stream.indirect_vreg.scatter [tilespmem:s25], [sflag:$0x3], $0x80, v4, vm0, $0xb8;
	[tilespmem:$0x8400] =	vst v63  }
0x6c: {  	_ = 	snop  }
0x6d: {  	[hbm4b:s3+s2] =	stream.indirect_vreg.scatter [tilespmem:s26], [sflag:$0x3], $0x80, v3, vm0, $0xb8;
	[tilespmem:$0x8400] =	vst v63  }
0x6e: {  	_ = 	snop  }
0x6f: {  	[hbm4b:s5+s2] =	stream.indirect_vreg.scatter [tilespmem:s28], [sflag:$0x3], $0x80, v3, vm0, $0xb8;
	[tilespmem:$0x8400] =	vst v63  }
0x70: {  	_ = 	snop  }
0x71: {  	[hbm4b:s6+s2] =	stream.indirect_vreg.scatter [tilespmem:s29], [sflag:$0x3], $0x80, v3, vm0, $0xb8;
	[tilespmem:$0x8400] =	vst v63  }
0x72: {  	_ = 	snop  }
0x73: {  	[hbm4b:s7+s2] =	stream.indirect_vreg.scatter [tilespmem:s30], [sflag:$0x3], $0x80, v3, vm0, $0xb8;
	[tilespmem:$0x8400] =	vst v63  }
0x74: {  	_ =	swait.ge [sflag:s31], $0x8000  }
0x75: {  	[sflag:s31] =	ssyncset.done $0x0  }
0x76: {  	[sflag:s31] =	ssyncadd.s32 $0xFFFF8000  }
0x77: {  	_ =	swait.ge [sflag:s0], $0x8000  }
0x78: {  	[sflag:s0] =	ssyncset.done $0x0  }
0x79: {  	s1 =	rddreg [dreg:$0x5];
	[sflag:s0] =	ssyncadd.s32 $0xFFFF8000  }
0x7a: {  	[tilespmem:s13], [sflag:$0x1] =	stream.linear.gather [hbm4b:s1+s2], $0x8000, $0x38;
	[tilespmem:$0x8400] =	vst v63  }
0x7b: {  	_ =	swait.ge [sflag:s14], $0x8000  }
0x7c: {  	[sflag:s14] =	ssyncset.done $0x0  }
0x7d: {  	[sflag:s14] =	ssyncadd.s32 $0xFFFF8000  }
0x7e: {  	v3 =	vld [tilespmem:$0x80];
	_ =	sdelay $0x4  }
0x7f: {  	v52 =	vshll.u32 v3, $0x3  }
0x80: {  	v3 =	vand.u32 $0x7, v3;
	v4 =	vand.u32 $0xFFFFFFC0, v52  }
0x81: {  	v3 =	vor.u32 v3, v4  }
0x82: {  	v4 =	vperm.xlane v3, v0;
	_ =	sdelay $0x1  }
0x83: {  	v4 =	vadd.s32 v1, v4;
	_ =	sdelay $0x4  }
0x84: {  	[hbm4b:s3+s2] =	stream.indirect_vreg.scatter [tilespmem:s13], [sflag:$0x2], $0x80, v4, vm0, $0xb8;
	[tilespmem:$0x8400] =	vst v63  }
0x85: {  	v3 =	vperm.xlane v3, v2  }
0x86: {  	[hbm4b:s5+s2] =	stream.indirect_vreg.scatter [tilespmem:s15], [sflag:$0x2], $0x80, v4, vm0, $0xb8;
	[tilespmem:$0x8400] =	vst v63  }
0x87: {  	v3 =	vadd.s32 v1, v3  }
0x88: {  	[hbm4b:s6+s2] =	stream.indirect_vreg.scatter [tilespmem:s16], [sflag:$0x2], $0x80, v4, vm0, $0xb8;
	[tilespmem:$0x8400] =	vst v63  }
0x89: {  	_ = 	snop  }
0x8a: {  	[hbm4b:s7+s2] =	stream.indirect_vreg.scatter [tilespmem:s17], [sflag:$0x2], $0x80, v4, vm0, $0xb8;
	[tilespmem:$0x8400] =	vst v63  }
0x8b: {  	_ = 	snop  }
0x8c: {  	[hbm4b:s3+s2] =	stream.indirect_vreg.scatter [tilespmem:s18], [sflag:$0x2], $0x80, v3, vm0, $0xb8;
	[tilespmem:$0x8400] =	vst v63  }
0x8d: {  	_ = 	snop  }
0x8e: {  	[hbm4b:s5+s2] =	stream.indirect_vreg.scatter [tilespmem:s19], [sflag:$0x2], $0x80, v3, vm0, $0xb8;
	[tilespmem:$0x8400] =	vst v63  }
0x8f: {  	_ = 	snop  }
0x90: {  	[hbm4b:s6+s2] =	stream.indirect_vreg.scatter [tilespmem:s20], [sflag:$0x2], $0x80, v3, vm0, $0xb8;
	[tilespmem:$0x8400] =	vst v63  }
0x91: {  	_ = 	snop  }
0x92: {  	[hbm4b:s7+s2] =	stream.indirect_vreg.scatter [tilespmem:s21], [sflag:$0x2], $0x80, v3, vm0, $0xb8;
	[tilespmem:$0x8400] =	vst v63  }
0x93: {  	v3 =	vld [tilespmem:$0x90];
	_ =	sdelay $0x4  }
0x94: {  	v53 =	vshll.u32 v3, $0x3  }
0x95: {  	v3 =	vand.u32 $0x7, v3;
	v4 =	vand.u32 $0xFFFFFFC0, v53  }
0x96: {  	v3 =	vor.u32 v3, v4  }
0x97: {  	v4 =	vperm.xlane v3, v0;
	_ =	sdelay $0x1  }
0x98: {  	v4 =	vadd.s32 v1, v4;
	_ =	sdelay $0x4  }
0x99: {  	[hbm4b:s3+s2] =	stream.indirect_vreg.scatter [tilespmem:s22], [sflag:$0x2], $0x80, v4, vm0, $0xb8;
	[tilespmem:$0x8400] =	vst v63  }
0x9a: {  	v3 =	vperm.xlane v3, v2  }
0x9b: {  	[hbm4b:s5+s2] =	stream.indirect_vreg.scatter [tilespmem:s23], [sflag:$0x2], $0x80, v4, vm0, $0xb8;
	[tilespmem:$0x8400] =	vst v63  }
0x9c: {  	v3 =	vadd.s32 v1, v3  }
0x9d: {  	[hbm4b:s6+s2] =	stream.indirect_vreg.scatter [tilespmem:s24], [sflag:$0x2], $0x80, v4, vm0, $0xb8;
	[tilespmem:$0x8400] =	vst v63  }
0x9e: {  	_ = 	snop  }
0x9f: {  	[hbm4b:s7+s2] =	stream.indirect_vreg.scatter [tilespmem:s25], [sflag:$0x2], $0x80, v4, vm0, $0xb8;
	[tilespmem:$0x8400] =	vst v63  }
0xa0: {  	_ = 	snop  }
0xa1: {  	[hbm4b:s3+s2] =	stream.indirect_vreg.scatter [tilespmem:s26], [sflag:$0x2], $0x80, v3, vm0, $0xb8;
	[tilespmem:$0x8400] =	vst v63  }
0xa2: {  	_ = 	snop  }
0xa3: {  	[hbm4b:s5+s2] =	stream.indirect_vreg.scatter [tilespmem:s28], [sflag:$0x2], $0x80, v3, vm0, $0xb8;
	[tilespmem:$0x8400] =	vst v63  }
0xa4: {  	_ = 	snop  }
0xa5: {  	[hbm4b:s6+s2] =	stream.indirect_vreg.scatter [tilespmem:s29], [sflag:$0x2], $0x80, v3, vm0, $0xb8;
	[tilespmem:$0x8400] =	vst v63  }
0xa6: {  	_ = 	snop  }
0xa7: {  	[hbm4b:s7+s2] =	stream.indirect_vreg.scatter [tilespmem:s30], [sflag:$0x2], $0x80, v3, vm0, $0xb8;
	[tilespmem:$0x8400] =	vst v63  }
0xa8: {  	v3 =	vld [tilespmem:$0x280];
	_ =	sdelay $0x4  }
0xa9: {  	v54 =	vshll.u32 v3, $0x3  }
0xaa: {  	v3 =	vand.u32 $0x7, v3;
	v4 =	vand.u32 $0xFFFFFFC0, v54  }
0xab: {  	v3 =	vor.u32 v3, v4  }
0xac: {  	v4 =	vperm.xlane v3, v0;
	_ =	sdelay $0x1  }
0xad: {  	v4 =	vadd.s32 v1, v4;
	_ =	sdelay $0x4  }
0xae: {  	[hbm4b:s3+s2] =	stream.indirect_vreg.scatter [tilespmem:s13], [sflag:$0x3], $0x80, v4, vm0, $0xb8;
	[tilespmem:$0x8400] =	vst v63  }
0xaf: {  	v3 =	vperm.xlane v3, v2  }
0xb0: {  	[hbm4b:s5+s2] =	stream.indirect_vreg.scatter [tilespmem:s15], [sflag:$0x3], $0x80, v4, vm0, $0xb8;
	[tilespmem:$0x8400] =	vst v63  }
0xb1: {  	v3 =	vadd.s32 v1, v3  }
0xb2: {  	[hbm4b:s6+s2] =	stream.indirect_vreg.scatter [tilespmem:s16], [sflag:$0x3], $0x80, v4, vm0, $0xb8;
	[tilespmem:$0x8400] =	vst v63  }
0xb3: {  	_ = 	snop  }
0xb4: {  	[hbm4b:s7+s2] =	stream.indirect_vreg.scatter [tilespmem:s17], [sflag:$0x3], $0x80, v4, vm0, $0xb8;
	[tilespmem:$0x8400] =	vst v63  }
0xb5: {  	_ = 	snop  }
0xb6: {  	[hbm4b:s3+s2] =	stream.indirect_vreg.scatter [tilespmem:s18], [sflag:$0x3], $0x80, v3, vm0, $0xb8;
	[tilespmem:$0x8400] =	vst v63  }
0xb7: {  	_ = 	snop  }
0xb8: {  	[hbm4b:s5+s2] =	stream.indirect_vreg.scatter [tilespmem:s19], [sflag:$0x3], $0x80, v3, vm0, $0xb8;
	[tilespmem:$0x8400] =	vst v63  }
0xb9: {  	_ = 	snop  }
0xba: {  	[hbm4b:s6+s2] =	stream.indirect_vreg.scatter [tilespmem:s20], [sflag:$0x3], $0x80, v3, vm0, $0xb8;
	[tilespmem:$0x8400] =	vst v63  }
0xbb: {  	_ = 	snop  }
0xbc: {  	[hbm4b:s7+s2] =	stream.indirect_vreg.scatter [tilespmem:s21], [sflag:$0x3], $0x80, v3, vm0, $0xb8;
	[tilespmem:$0x8400] =	vst v63  }
0xbd: {  	v3 =	vld [tilespmem:$0x290];
	_ =	sdelay $0x4  }
0xbe: {  	v55 =	vshll.u32 v3, $0x3  }
0xbf: {  	v3 =	vand.u32 $0x7, v3;
	v4 =	vand.u32 $0xFFFFFFC0, v55  }
0xc0: {  	v3 =	vor.u32 v3, v4  }
0xc1: {  	v4 =	vperm.xlane v3, v0;
	_ =	sdelay $0x1  }
0xc2: {  	v4 =	vadd.s32 v1, v4;
	_ =	sdelay $0x4  }
0xc3: {  	[hbm4b:s3+s2] =	stream.indirect_vreg.scatter [tilespmem:s22], [sflag:$0x3], $0x80, v4, vm0, $0xb8;
	[tilespmem:$0x8400] =	vst v63  }
0xc4: {  	v3 =	vperm.xlane v3, v2  }
0xc5: {  	[hbm4b:s5+s2] =	stream.indirect_vreg.scatter [tilespmem:s23], [sflag:$0x3], $0x80, v4, vm0, $0xb8;
	[tilespmem:$0x8400] =	vst v63  }
0xc6: {  	v3 =	vadd.s32 v1, v3  }
0xc7: {  	[hbm4b:s6+s2] =	stream.indirect_vreg.scatter [tilespmem:s24], [sflag:$0x3], $0x80, v4, vm0, $0xb8;
	[tilespmem:$0x8400] =	vst v63  }
0xc8: {  	_ = 	snop  }
0xc9: {  	[hbm4b:s7+s2] =	stream.indirect_vreg.scatter [tilespmem:s25], [sflag:$0x3], $0x80, v4, vm0, $0xb8;
	[tilespmem:$0x8400] =	vst v63  }
0xca: {  	_ = 	snop  }
0xcb: {  	[hbm4b:s3+s2] =	stream.indirect_vreg.scatter [tilespmem:s26], [sflag:$0x3], $0x80, v3, vm0, $0xb8;
	[tilespmem:$0x8400] =	vst v63  }
0xcc: {  	_ = 	snop  }
0xcd: {  	[hbm4b:s5+s2] =	stream.indirect_vreg.scatter [tilespmem:s28], [sflag:$0x3], $0x80, v3, vm0, $0xb8;
	[tilespmem:$0x8400] =	vst v63  }
0xce: {  	_ = 	snop  }
0xcf: {  	[hbm4b:s6+s2] =	stream.indirect_vreg.scatter [tilespmem:s29], [sflag:$0x3], $0x80, v3, vm0, $0xb8;
	[tilespmem:$0x8400] =	vst v63  }
0xd0: {  	_ = 	snop  }
0xd1: {  	[hbm4b:s7+s2] =	stream.indirect_vreg.scatter [tilespmem:s30], [sflag:$0x3], $0x80, v3, vm0, $0xb8;
	[tilespmem:$0x8400] =	vst v63  }
0xd2: {  	_ =	swait.ge [sflag:s31], $0x8000  }
0xd3: {  	[sflag:s31] =	ssyncset.done $0x0  }
0xd4: {  	[sflag:s31] =	ssyncadd.s32 $0xFFFF8000  }
0xd5: {  	_ =	swait.ge [sflag:s0], $0x8000  }
0xd6: {  	[sflag:s0] =	ssyncset.done $0x0  }
0xd7: {  	[sflag:s0] =	ssyncadd.s32 $0xFFFF8000  }
0xd8: {  	[tilespmem:s13], [sflag:$0x1] =	stream.linear.gather [hbm4b:s8+s2], $0x8000, $0x38;
	[tilespmem:$0x8400] =	vst v63  }
0xd9: {  	_ =	swait.ge [sflag:s14], $0x8000  }
0xda: {  	[sflag:s14] =	ssyncset.done $0x0  }
0xdb: {  	[sflag:s14] =	ssyncadd.s32 $0xFFFF8000  }
0xdc: {  	v3 =	vld [tilespmem:$0x100];
	_ =	sdelay $0x4  }
0xdd: {  	v56 =	vshll.u32 v3, $0x3  }
0xde: {  	v3 =	vand.u32 $0x7, v3;
	v4 =	vand.u32 $0xFFFFFFC0, v56  }
0xdf: {  	v3 =	vor.u32 v3, v4  }
0xe0: {  	v4 =	vperm.xlane v3, v0;
	_ =	sdelay $0x1  }
0xe1: {  	v4 =	vadd.s32 v1, v4;
	_ =	sdelay $0x4  }
0xe2: {  	[hbm4b:s3+s2] =	stream.indirect_vreg.scatter [tilespmem:s13], [sflag:$0x2], $0x80, v4, vm0, $0xb8;
	[tilespmem:$0x8400] =	vst v63  }
0xe3: {  	v3 =	vperm.xlane v3, v2  }
0xe4: {  	[hbm4b:s5+s2] =	stream.indirect_vreg.scatter [tilespmem:s15], [sflag:$0x2], $0x80, v4, vm0, $0xb8;
	[tilespmem:$0x8400] =	vst v63  }
0xe5: {  	v3 =	vadd.s32 v1, v3  }
0xe6: {  	[hbm4b:s6+s2] =	stream.indirect_vreg.scatter [tilespmem:s16], [sflag:$0x2], $0x80, v4, vm0, $0xb8;
	[tilespmem:$0x8400] =	vst v63  }
0xe7: {  	_ = 	snop  }
0xe8: {  	[hbm4b:s7+s2] =	stream.indirect_vreg.scatter [tilespmem:s17], [sflag:$0x2], $0x80, v4, vm0, $0xb8;
	[tilespmem:$0x8400] =	vst v63  }
0xe9: {  	_ = 	snop  }
0xea: {  	[hbm4b:s3+s2] =	stream.indirect_vreg.scatter [tilespmem:s18], [sflag:$0x2], $0x80, v3, vm0, $0xb8;
	[tilespmem:$0x8400] =	vst v63  }
0xeb: {  	_ = 	snop  }
0xec: {  	[hbm4b:s5+s2] =	stream.indirect_vreg.scatter [tilespmem:s19], [sflag:$0x2], $0x80, v3, vm0, $0xb8;
	[tilespmem:$0x8400] =	vst v63  }
0xed: {  	_ = 	snop  }
0xee: {  	[hbm4b:s6+s2] =	stream.indirect_vreg.scatter [tilespmem:s20], [sflag:$0x2], $0x80, v3, vm0, $0xb8;
	[tilespmem:$0x8400] =	vst v63  }
0xef: {  	_ = 	snop  }
0xf0: {  	[hbm4b:s7+s2] =	stream.indirect_vreg.scatter [tilespmem:s21], [sflag:$0x2], $0x80, v3, vm0, $0xb8;
	[tilespmem:$0x8400] =	vst v63  }
0xf1: {  	v3 =	vld [tilespmem:$0x110];
	_ =	sdelay $0x4  }
0xf2: {  	v57 =	vshll.u32 v3, $0x3  }
0xf3: {  	v3 =	vand.u32 $0x7, v3;
	v4 =	vand.u32 $0xFFFFFFC0, v57  }
0xf4: {  	v3 =	vor.u32 v3, v4  }
0xf5: {  	v4 =	vperm.xlane v3, v0;
	_ =	sdelay $0x1  }
0xf6: {  	v4 =	vadd.s32 v1, v4;
	_ =	sdelay $0x4  }
0xf7: {  	[hbm4b:s3+s2] =	stream.indirect_vreg.scatter [tilespmem:s22], [sflag:$0x2], $0x80, v4, vm0, $0xb8;
	[tilespmem:$0x8400] =	vst v63  }
0xf8: {  	v3 =	vperm.xlane v3, v2  }
0xf9: {  	[hbm4b:s5+s2] =	stream.indirect_vreg.scatter [tilespmem:s23], [sflag:$0x2], $0x80, v4, vm0, $0xb8;
	[tilespmem:$0x8400] =	vst v63  }
0xfa: {  	v3 =	vadd.s32 v1, v3  }
0xfb: {  	[hbm4b:s6+s2] =	stream.indirect_vreg.scatter [tilespmem:s24], [sflag:$0x2], $0x80, v4, vm0, $0xb8;
	[tilespmem:$0x8400] =	vst v63  }
0xfc: {  	_ = 	snop  }
0xfd: {  	[hbm4b:s7+s2] =	stream.indirect_vreg.scatter [tilespmem:s25], [sflag:$0x2], $0x80, v4, vm0, $0xb8;
	[tilespmem:$0x8400] =	vst v63  }
0xfe: {  	_ = 	snop  }
0xff: {  	[hbm4b:s3+s2] =	stream.indirect_vreg.scatter [tilespmem:s26], [sflag:$0x2], $0x80, v3, vm0, $0xb8;
	[tilespmem:$0x8400] =	vst v63  }
0x100: {  	_ = 	snop  }
0x101: {  	[hbm4b:s5+s2] =	stream.indirect_vreg.scatter [tilespmem:s28], [sflag:$0x2], $0x80, v3, vm0, $0xb8;
	[tilespmem:$0x8400] =	vst v63  }
0x102: {  	_ = 	snop  }
0x103: {  	[hbm4b:s6+s2] =	stream.indirect_vreg.scatter [tilespmem:s29], [sflag:$0x2], $0x80, v3, vm0, $0xb8;
	[tilespmem:$0x8400] =	vst v63  }
0x104: {  	_ = 	snop  }
0x105: {  	[hbm4b:s7+s2] =	stream.indirect_vreg.scatter [tilespmem:s30], [sflag:$0x2], $0x80, v3, vm0, $0xb8;
	[tilespmem:$0x8400] =	vst v63  }
0x106: {  	v3 =	vld [tilespmem:$0x300];
	_ =	sdelay $0x4  }
0x107: {  	v58 =	vshll.u32 v3, $0x3  }
0x108: {  	v3 =	vand.u32 $0x7, v3;
	v4 =	vand.u32 $0xFFFFFFC0, v58  }
0x109: {  	v3 =	vor.u32 v3, v4  }
0x10a: {  	v4 =	vperm.xlane v3, v0;
	_ =	sdelay $0x1  }
0x10b: {  	v4 =	vadd.s32 v1, v4;
	_ =	sdelay $0x4  }
0x10c: {  	[hbm4b:s3+s2] =	stream.indirect_vreg.scatter [tilespmem:s13], [sflag:$0x3], $0x80, v4, vm0, $0xb8;
	[tilespmem:$0x8400] =	vst v63  }
0x10d: {  	v3 =	vperm.xlane v3, v2  }
0x10e: {  	[hbm4b:s5+s2] =	stream.indirect_vreg.scatter [tilespmem:s15], [sflag:$0x3], $0x80, v4, vm0, $0xb8;
	[tilespmem:$0x8400] =	vst v63  }
0x10f: {  	v3 =	vadd.s32 v1, v3  }
0x110: {  	[hbm4b:s6+s2] =	stream.indirect_vreg.scatter [tilespmem:s16], [sflag:$0x3], $0x80, v4, vm0, $0xb8;
	[tilespmem:$0x8400] =	vst v63  }
0x111: {  	_ = 	snop  }
0x112: {  	[hbm4b:s7+s2] =	stream.indirect_vreg.scatter [tilespmem:s17], [sflag:$0x3], $0x80, v4, vm0, $0xb8;
	[tilespmem:$0x8400] =	vst v63  }
0x113: {  	_ = 	snop  }
0x114: {  	[hbm4b:s3+s2] =	stream.indirect_vreg.scatter [tilespmem:s18], [sflag:$0x3], $0x80, v3, vm0, $0xb8;
	[tilespmem:$0x8400] =	vst v63  }
0x115: {  	_ = 	snop  }
0x116: {  	[hbm4b:s5+s2] =	stream.indirect_vreg.scatter [tilespmem:s19], [sflag:$0x3], $0x80, v3, vm0, $0xb8;
	[tilespmem:$0x8400] =	vst v63  }
0x117: {  	_ = 	snop  }
0x118: {  	[hbm4b:s6+s2] =	stream.indirect_vreg.scatter [tilespmem:s20], [sflag:$0x3], $0x80, v3, vm0, $0xb8;
	[tilespmem:$0x8400] =	vst v63  }
0x119: {  	_ = 	snop  }
0x11a: {  	[hbm4b:s7+s2] =	stream.indirect_vreg.scatter [tilespmem:s21], [sflag:$0x3], $0x80, v3, vm0, $0xb8;
	[tilespmem:$0x8400] =	vst v63  }
0x11b: {  	v3 =	vld [tilespmem:$0x310];
	_ =	sdelay $0x4  }
0x11c: {  	v59 =	vshll.u32 v3, $0x3  }
0x11d: {  	v3 =	vand.u32 $0x7, v3;
	v4 =	vand.u32 $0xFFFFFFC0, v59  }
0x11e: {  	v3 =	vor.u32 v3, v4  }
0x11f: {  	v4 =	vperm.xlane v3, v0;
	_ =	sdelay $0x1  }
0x120: {  	v4 =	vadd.s32 v1, v4;
	_ =	sdelay $0x4  }
0x121: {  	[hbm4b:s3+s2] =	stream.indirect_vreg.scatter [tilespmem:s22], [sflag:$0x3], $0x80, v4, vm0, $0xb8;
	[tilespmem:$0x8400] =	vst v63  }
0x122: {  	v3 =	vperm.xlane v3, v2  }
0x123: {  	[hbm4b:s5+s2] =	stream.indirect_vreg.scatter [tilespmem:s23], [sflag:$0x3], $0x80, v4, vm0, $0xb8;
	[tilespmem:$0x8400] =	vst v63  }
0x124: {  	v3 =	vadd.s32 v1, v3  }
0x125: {  	[hbm4b:s6+s2] =	stream.indirect_vreg.scatter [tilespmem:s24], [sflag:$0x3], $0x80, v4, vm0, $0xb8;
	[tilespmem:$0x8400] =	vst v63  }
0x126: {  	_ = 	snop  }
0x127: {  	[hbm4b:s7+s2] =	stream.indirect_vreg.scatter [tilespmem:s25], [sflag:$0x3], $0x80, v4, vm0, $0xb8;
	[tilespmem:$0x8400] =	vst v63  }
0x128: {  	_ = 	snop  }
0x129: {  	[hbm4b:s3+s2] =	stream.indirect_vreg.scatter [tilespmem:s26], [sflag:$0x3], $0x80, v3, vm0, $0xb8;
	[tilespmem:$0x8400] =	vst v63  }
0x12a: {  	_ = 	snop  }
0x12b: {  	[hbm4b:s5+s2] =	stream.indirect_vreg.scatter [tilespmem:s28], [sflag:$0x3], $0x80, v3, vm0, $0xb8;
	[tilespmem:$0x8400] =	vst v63  }
0x12c: {  	_ = 	snop  }
0x12d: {  	[hbm4b:s6+s2] =	stream.indirect_vreg.scatter [tilespmem:s29], [sflag:$0x3], $0x80, v3, vm0, $0xb8;
	[tilespmem:$0x8400] =	vst v63  }
0x12e: {  	_ = 	snop  }
0x12f: {  	[hbm4b:s7+s2] =	stream.indirect_vreg.scatter [tilespmem:s30], [sflag:$0x3], $0x80, v3, vm0, $0xb8;
	[tilespmem:$0x8400] =	vst v63  }
0x130: {  	_ =	swait.ge [sflag:s31], $0x8000  }
0x131: {  	[sflag:s31] =	ssyncset.done $0x0  }
0x132: {  	[sflag:s31] =	ssyncadd.s32 $0xFFFF8000  }
0x133: {  	_ =	swait.ge [sflag:s0], $0x8000  }
0x134: {  	[sflag:s0] =	ssyncset.done $0x0  }
0x135: {  	[sflag:s0] =	ssyncadd.s32 $0xFFFF8000  }
0x136: {  	[tilespmem:s13], [sflag:$0x1] =	stream.linear.gather [hbm4b:s9+s2], $0x8000, $0x38;
	[tilespmem:$0x8400] =	vst v63  }
0x137: {  	_ =	swait.ge [sflag:s14], $0x8000  }
0x138: {  	[sflag:s14] =	ssyncset.done $0x0  }
0x139: {  	[sflag:s14] =	ssyncadd.s32 $0xFFFF8000  }
0x13a: {  	v3 =	vld [tilespmem:$0x180];
	_ =	sdelay $0x4  }
0x13b: {  	v60 =	vshll.u32 v3, $0x3  }
0x13c: {  	v3 =	vand.u32 $0x7, v3;
	v4 =	vand.u32 $0xFFFFFFC0, v60  }
0x13d: {  	v3 =	vor.u32 v3, v4  }
0x13e: {  	v4 =	vperm.xlane v3, v0;
	_ =	sdelay $0x1  }
0x13f: {  	v4 =	vadd.s32 v1, v4;
	_ =	sdelay $0x4  }
0x140: {  	[hbm4b:s3+s2] =	stream.indirect_vreg.scatter [tilespmem:s13], [sflag:$0x2], $0x80, v4, vm0, $0xb8;
	[tilespmem:$0x8400] =	vst v63  }
0x141: {  	v3 =	vperm.xlane v3, v2  }
0x142: {  	[hbm4b:s5+s2] =	stream.indirect_vreg.scatter [tilespmem:s15], [sflag:$0x2], $0x80, v4, vm0, $0xb8;
	[tilespmem:$0x8400] =	vst v63  }
0x143: {  	v3 =	vadd.s32 v1, v3  }
0x144: {  	[hbm4b:s6+s2] =	stream.indirect_vreg.scatter [tilespmem:s16], [sflag:$0x2], $0x80, v4, vm0, $0xb8;
	[tilespmem:$0x8400] =	vst v63  }
0x145: {  	_ = 	snop  }
0x146: {  	[hbm4b:s7+s2] =	stream.indirect_vreg.scatter [tilespmem:s17], [sflag:$0x2], $0x80, v4, vm0, $0xb8;
	[tilespmem:$0x8400] =	vst v63  }
0x147: {  	_ = 	snop  }
0x148: {  	[hbm4b:s3+s2] =	stream.indirect_vreg.scatter [tilespmem:s18], [sflag:$0x2], $0x80, v3, vm0, $0xb8;
	[tilespmem:$0x8400] =	vst v63  }
0x149: {  	_ = 	snop  }
0x14a: {  	[hbm4b:s5+s2] =	stream.indirect_vreg.scatter [tilespmem:s19], [sflag:$0x2], $0x80, v3, vm0, $0xb8;
	[tilespmem:$0x8400] =	vst v63  }
0x14b: {  	_ = 	snop  }
0x14c: {  	[hbm4b:s6+s2] =	stream.indirect_vreg.scatter [tilespmem:s20], [sflag:$0x2], $0x80, v3, vm0, $0xb8;
	[tilespmem:$0x8400] =	vst v63  }
0x14d: {  	_ = 	snop  }
0x14e: {  	[hbm4b:s7+s2] =	stream.indirect_vreg.scatter [tilespmem:s21], [sflag:$0x2], $0x80, v3, vm0, $0xb8;
	[tilespmem:$0x8400] =	vst v63  }
0x14f: {  	v3 =	vld [tilespmem:$0x190];
	_ =	sdelay $0x4  }
0x150: {  	v61 =	vshll.u32 v3, $0x3  }
0x151: {  	v3 =	vand.u32 $0x7, v3;
	v4 =	vand.u32 $0xFFFFFFC0, v61  }
0x152: {  	v3 =	vor.u32 v3, v4  }
0x153: {  	v4 =	vperm.xlane v3, v0;
	_ =	sdelay $0x1  }
0x154: {  	v4 =	vadd.s32 v1, v4;
	_ =	sdelay $0x4  }
0x155: {  	[hbm4b:s3+s2] =	stream.indirect_vreg.scatter [tilespmem:s22], [sflag:$0x2], $0x80, v4, vm0, $0xb8;
	[tilespmem:$0x8400] =	vst v63  }
0x156: {  	v3 =	vperm.xlane v3, v2  }
0x157: {  	[hbm4b:s5+s2] =	stream.indirect_vreg.scatter [tilespmem:s23], [sflag:$0x2], $0x80, v4, vm0, $0xb8;
	[tilespmem:$0x8400] =	vst v63  }
0x158: {  	v3 =	vadd.s32 v1, v3  }
0x159: {  	[hbm4b:s6+s2] =	stream.indirect_vreg.scatter [tilespmem:s24], [sflag:$0x2], $0x80, v4, vm0, $0xb8;
	[tilespmem:$0x8400] =	vst v63  }
0x15a: {  	_ = 	snop  }
0x15b: {  	[hbm4b:s7+s2] =	stream.indirect_vreg.scatter [tilespmem:s25], [sflag:$0x2], $0x80, v4, vm0, $0xb8;
	[tilespmem:$0x8400] =	vst v63  }
0x15c: {  	_ = 	snop  }
0x15d: {  	[hbm4b:s3+s2] =	stream.indirect_vreg.scatter [tilespmem:s26], [sflag:$0x2], $0x80, v3, vm0, $0xb8;
	[tilespmem:$0x8400] =	vst v63  }
0x15e: {  	_ = 	snop  }
0x15f: {  	[hbm4b:s5+s2] =	stream.indirect_vreg.scatter [tilespmem:s28], [sflag:$0x2], $0x80, v3, vm0, $0xb8;
	[tilespmem:$0x8400] =	vst v63  }
0x160: {  	_ = 	snop  }
0x161: {  	[hbm4b:s6+s2] =	stream.indirect_vreg.scatter [tilespmem:s29], [sflag:$0x2], $0x80, v3, vm0, $0xb8;
	[tilespmem:$0x8400] =	vst v63  }
0x162: {  	_ = 	snop  }
0x163: {  	[hbm4b:s7+s2] =	stream.indirect_vreg.scatter [tilespmem:s30], [sflag:$0x2], $0x80, v3, vm0, $0xb8;
	[tilespmem:$0x8400] =	vst v63  }
0x164: {  	v3 =	vld [tilespmem:$0x380];
	_ =	sdelay $0x4  }
0x165: {  	v62 =	vshll.u32 v3, $0x3  }
0x166: {  	v3 =	vand.u32 $0x7, v3;
	v4 =	vand.u32 $0xFFFFFFC0, v62  }
0x167: {  	v3 =	vor.u32 v3, v4  }
0x168: {  	v4 =	vperm.xlane v3, v0;
	_ =	sdelay $0x1  }
0x169: {  	v4 =	vadd.s32 v1, v4;
	_ =	sdelay $0x4  }
0x16a: {  	[hbm4b:s3+s2] =	stream.indirect_vreg.scatter [tilespmem:s13], [sflag:$0x3], $0x80, v4, vm0, $0xb8;
	[tilespmem:$0x8400] =	vst v63  }
0x16b: {  	v3 =	vperm.xlane v3, v2  }
0x16c: {  	[hbm4b:s5+s2] =	stream.indirect_vreg.scatter [tilespmem:s15], [sflag:$0x3], $0x80, v4, vm0, $0xb8;
	[tilespmem:$0x8400] =	vst v63  }
0x16d: {  	v3 =	vadd.s32 v1, v3  }
0x16e: {  	[hbm4b:s6+s2] =	stream.indirect_vreg.scatter [tilespmem:s16], [sflag:$0x3], $0x80, v4, vm0, $0xb8;
	[tilespmem:$0x8400] =	vst v63  }
0x16f: {  	_ = 	snop  }
0x170: {  	[hbm4b:s7+s2] =	stream.indirect_vreg.scatter [tilespmem:s17], [sflag:$0x3], $0x80, v4, vm0, $0xb8;
	[tilespmem:$0x8400] =	vst v63  }
0x171: {  	_ = 	snop  }
0x172: {  	[hbm4b:s3+s2] =	stream.indirect_vreg.scatter [tilespmem:s18], [sflag:$0x3], $0x80, v3, vm0, $0xb8;
	[tilespmem:$0x8400] =	vst v63  }
0x173: {  	_ = 	snop  }
0x174: {  	[hbm4b:s5+s2] =	stream.indirect_vreg.scatter [tilespmem:s19], [sflag:$0x3], $0x80, v3, vm0, $0xb8;
	[tilespmem:$0x8400] =	vst v63  }
0x175: {  	_ = 	snop  }
0x176: {  	[hbm4b:s6+s2] =	stream.indirect_vreg.scatter [tilespmem:s20], [sflag:$0x3], $0x80, v3, vm0, $0xb8;
	[tilespmem:$0x8400] =	vst v63  }
0x177: {  	_ = 	snop  }
0x178: {  	[hbm4b:s7+s2] =	stream.indirect_vreg.scatter [tilespmem:s21], [sflag:$0x3], $0x80, v3, vm0, $0xb8;
	[tilespmem:$0x8400] =	vst v63  }
0x179: {  	v3 =	vld [tilespmem:$0x390];
	_ =	sdelay $0x4  }
0x17a: {  	v63 =	vshll.u32 v3, $0x3  }
0x17b: {  	v3 =	vand.u32 $0x7, v3;
	v4 =	vand.u32 $0xFFFFFFC0, v63  }
0x17c: {  	v3 =	vor.u32 v3, v4  }
0x17d: {  	v4 =	vperm.xlane v3, v0;
	_ =	sdelay $0x1  }
0x17e: {  	v4 =	vadd.s32 v1, v4;
	_ =	sdelay $0x4  }
0x17f: {  	[hbm4b:s3+s2] =	stream.indirect_vreg.scatter [tilespmem:s22], [sflag:$0x3], $0x80, v4, vm0, $0xb8;
	[tilespmem:$0x8400] =	vst v63  }
0x180: {  	v3 =	vperm.xlane v3, v2  }
0x181: {  	[hbm4b:s5+s2] =	stream.indirect_vreg.scatter [tilespmem:s23], [sflag:$0x3], $0x80, v4, vm0, $0xb8;
	[tilespmem:$0x8400] =	vst v63  }
0x182: {  	v3 =	vadd.s32 v1, v3  }
0x183: {  	[hbm4b:s6+s2] =	stream.indirect_vreg.scatter [tilespmem:s24], [sflag:$0x3], $0x80, v4, vm0, $0xb8;
	[tilespmem:$0x8400] =	vst v63  }
0x184: {  	_ = 	snop  }
0x185: {  	[hbm4b:s7+s2] =	stream.indirect_vreg.scatter [tilespmem:s25], [sflag:$0x3], $0x80, v4, vm0, $0xb8;
	[tilespmem:$0x8400] =	vst v63  }
0x186: {  	_ = 	snop  }
0x187: {  	[hbm4b:s3+s2] =	stream.indirect_vreg.scatter [tilespmem:s26], [sflag:$0x3], $0x80, v3, vm0, $0xb8;
	[tilespmem:$0x8400] =	vst v63  }
0x188: {  	_ = 	snop  }
0x189: {  	[hbm4b:s5+s2] =	stream.indirect_vreg.scatter [tilespmem:s28], [sflag:$0x3], $0x80, v3, vm0, $0xb8;
	[tilespmem:$0x8400] =	vst v63  }
0x18a: {  	_ = 	snop  }
0x18b: {  	[hbm4b:s6+s2] =	stream.indirect_vreg.scatter [tilespmem:s29], [sflag:$0x3], $0x80, v3, vm0, $0xb8;
	[tilespmem:$0x8400] =	vst v63  }
0x18c: {  	_ = 	snop  }
0x18d: {  	[hbm4b:s7+s2] =	stream.indirect_vreg.scatter [tilespmem:s30], [sflag:$0x3], $0x80, v3, vm0, $0xb8;
	[tilespmem:$0x8400] =	vst v63  }
0x18e: {  	p0 =	sne.s32 s10, $0x1;
	_ =	swait.ge [sflag:s31], $0x8000  }
.Ltmp0:
0x18f: {  	[sflag:s31] =	ssyncset.done $0x0;
	(pc) =	sbr.rel @p0 .LBB2_1-.Ltmp0, $4  }
0x190: {  	[sflag:s31] =	ssyncadd.s32 $0xFFFF8000  }
0x191: {  	_ =	swait.ge [sflag:s0], $0x8000  }
0x192: {  	[sflag:s0] =	ssyncset.done $0x0  }
0x193: {  	s10 =	sadd.s32 $0xFFFFFFFF, s10;
	[sflag:s0] =	ssyncadd.s32 $0xFFFF8000  }
0x194: {  	_ =	sfence.sel $0x180000  }
0x195: {  	[bflag:$0x0] =	sbarrier.arrive $0xFFFF  }
0x196: {  	_ =	strace $0x90000047  }
0x197: {  	s0 =	stileid.u32;
	[bflag:$0x2] =	sbarrier.arrive $0xFFFF  }
0x198: {  	p0 =	sne.s32 s0, $0x0;
	s0 =	rddreg [dreg:$0x2]  }
0x199: {  	s0 =	sadd.s32 @!p0 $0x100000, s0  }
0x19a: {  	[sflag:s0] =	ssyncadd.tile.s32 @!p0 $0x1;
	_ =	shalt  }
.Lfunc_end2:
_tile_overlayer_lowered:
.L_overlay_start_2:
0x19b: {  	(tag) =	ssettag $0x2  }
0x19c: {  	s0 =	rddreg [dreg:$0x0];
	s2 =	stileid.u32  }
0x19d: {  	s1 =	rddreg [dreg:$0x1];
	p0 =	sne.s32 s2, $0x0  }
0x19e: {  	s3 =	rddreg [dreg:$0x2];
	[bflag:$0x3] =	sbarrier.arrive $0xFFFF;
	s2 =	simm.s32 @!p0 $0x1C04  }
0x19f: {  	[timem:s3], [sflag:s2] =	dma.local @!p0 [hbm:s0], s1  }
0x1a0: {  	s0 =	simm.s32 @!p0 $0x4  }
0x1a1: {  	_ =	swait.ge @!p0 [sflag:s0], s1  }
0x1a2: {  	s1 =	ssub.s32 @!p0 $0x0, s1;
	[sflag:s0] =	ssyncset.done @!p0 $0x0  }
0x1a3: {  	[sflag:s0] =	ssyncadd.s32 @!p0 s1  }
0x1a4: {  	[bflag:$0x3] =	sbarrier.arrive $0xFFFF  }
0x1a5: {  	_ =	shalt  }

// kernel: kernel.9.cloned.1.call-start
scs
__scs_entry_jumppad:
0x0: {  	(pc) =	sbr.rel $0x88, $3  }
0x1: {  	(tag) =	ssettag $0x0;
	lr =	simm.s32 $0x1  }
0x2: {  	[smem:$0x3F97] =	sst lr;
	_ =	strace $0xD0000000  }
0x3: {  	_ = 	snop  }
0x4: {  	_ = 	snop  }
0x5: {  	_ = 	snop  }
0x6: {  	_ = 	snop  }
0x7: {  	_ = 	snop  }
__scs_overlays_trampoline_lowered:
0x8: {  	[smem:$0x3FA6] =	sst s0  }
0x9: {  	[smem:$0x3FA7] =	sst s1  }
0xa: {  	[smem:$0x3FA8] =	sst s2  }
0xb: {  	[smem:$0x3FA9] =	sst s3  }
0xc: {  	[smem:$0x3FAA] =	sst s4  }
0xd: {  	[smem:$0x3FAB] =	sst s5  }
0xe: {  	[smem:$0x3FAC] =	sst s6  }
0xf: {  	[smem:$0x3FAD] =	sst s7  }
0x10: {  	[smem:$0x3FAE] =	sst s8  }
0x11: {  	[smem:$0x3FAF] =	sst s9;
	s0 =	simm.s32 @!p0 $0x0  }
0x12: {  	s1 =	sld [smem:$0x3F95];
	s0 =	simm.s32 @p0 $0x1  }
0x13: {  	[smem:$0x3FB0] =	sst s0;
	s0 =	simm.s32 @!p1 $0x0  }
0x14: {  	s2 =	sld [smem:$0x3F94];
	s0 =	simm.s32 @p1 $0x1  }
0x15: {  	[smem:$0x3FB1] =	sst s0;
	s0 =	simm.s32 @!p2 $0x0  }
0x16: {  	s3 =	sld [smem:$0x3FDB];
	s0 =	simm.s32 @p2 $0x1  }
0x17: {  	s4 =	simm.s32 $0x1BF5;
	[smem:$0x3FB3] =	sst s0  }
0x18: {  	s0 =	sld [smem:$0x3F96];
	_ =	swait.ge [sflag:s4], $0x0  }
0x19: {  	s7 =	sld [smem:$0x3F97]  }
0x1a: {  	s8 =	sadd.s32 $0xFFFFE003, lr  }
0x1b: {  	s9 =	sadd.s32 $0xFFFFFEF7, lr;
	s5 =	simm.s32 $0xFFFFFFFF;
	p2 =	slt.u32 s8, $0xFFFFF086  }
0x1c: {  	p1 =	slt.u32 s9, $0xF7A;
	s5 =	simm.s32 @!p2 $0x0  }
0x1d: {  	s5 =	simm.s32 @p1 $0x1;
	p0 =	seq.s32 s7, s2  }
0x1e: {  	s7 =	smul.u32 @!p0 $0xF7A, s2;
	p2 =	seq.s32 @!p0 s5, $0x0  }
0x1f: {  	s9 =	smul.u32 $0xF7A, s1;
	s8 =	simm.s32 @!p0 $0x1BF5;
	p2 =	por !p2, p0  }
0x20: {  	[sflag:s8] =	ssyncset.s32 @!p0 $0xFFFFF086;
	s6 =	sadd.s32 @!p0 s3, s7;
	s7 =	simm.s32 @!p0 $0x108  }
0x21: {  	s3 =	sadd.s32 s3, s9;
	s6 =	sadd.s32 @!p0 $0x88, s6;
	s7 =	simm.s32 @p2 $0x1082  }
0x22: {  	[simem:s7], [sflag:s8] =	dma.local @!p0 [hbm:s6], $0xF7A  }
0x23: {  	s9 =	sor.u32 $0xD0000000, s2;
	s6 =	simm.s32 $0x108;
	_ =	swait.ge @!p0 [sflag:s8], $0x0  }
0x24: {  	s3 =	sadd.s32 $0x88, s3;
	s6 =	simm.s32 @!p1 $0x1082;
	[sflag:s4] =	ssyncset.s32 $0xFFFFF086  }
0x25: {  	[simem:s6], [sflag:s4] =	dma.local [hbm:s3], $0xF7A  }
0x26: {  	[smem:$0x3F97] =	sst s1;
	(tag) =	ssettag s2;
	_ =	strace s9  }
0x27: {  	s1 =	sld [smem:$0x3FA7]  }
0x28: {  	s2 =	sld [smem:$0x3FA8]  }
0x29: {  	s4 =	sld [smem:$0x3FAA]  }
0x2a: {  	p0 =	seq.s32 s5, $0x0;
	s5 =	sld [smem:$0x3FAB]  }
0x2b: {  	s6 =	sld [smem:$0x3FAC]  }
0x2c: {  	s7 =	sld [smem:$0x3FAD]  }
0x2d: {  	s3 =	simm.s32 $0x108;
	s8 =	sld [smem:$0x3FAE]  }
0x2e: {  	s3 =	simm.s32 @!p0 $0x1082;
	s9 =	sld [smem:$0x3FAF]  }
0x2f: {  	lr =	sadd.s32 s0, s3;
	s0 =	sld [smem:$0x3FA6]  }
0x30: {  	s3 =	sld [smem:$0x3FA9]  }
0x31: {  	[smem:$0x3FB2] =	sst s10  }
0x32: {  	s10 =	sld [smem:$0x3FB0];
	_ =	sdelay $0x3  }
0x33: {  	p0 =	seq.s32 s10, $0x1;
	s10 =	sld [smem:$0x3FB2];
	_ =	sdelay $0x3  }
0x34: {  	[smem:$0x3FB2] =	sst s10  }
0x35: {  	s10 =	sld [smem:$0x3FB1];
	_ =	sdelay $0x3  }
0x36: {  	p1 =	seq.s32 s10, $0x1;
	s10 =	sld [smem:$0x3FB2];
	_ =	sdelay $0x3  }
0x37: {  	[smem:$0x3FB2] =	sst s10  }
0x38: {  	s10 =	sld [smem:$0x3FB3]  }
0x39: {  	_ = 	snop;
	(pc) =	sbr.ind lr, $3  }
0x3a: {  	_ = 	snop  }
0x3b: {  	_ = 	snop  }
0x3c: {  	p2 =	seq.s32 s10, $0x1;
	s10 =	sld [smem:$0x3FB2]  }
0x3d: {  	_ =	shalt  }
0x3e: {  	_ =	shalt  }
0x3f: {  	_ =	shalt  }
0x40: {  	_ =	shalt  }
0x41: {  	_ =	shalt  }
0x42: {  	_ =	shalt  }
0x43: {  	_ =	shalt  }
0x44: {  	_ =	shalt  }
0x45: {  	_ =	shalt  }
0x46: {  	_ =	shalt  }
0x47: {  	_ =	shalt  }
0x48: {  	_ =	shalt  }
0x49: {  	_ =	shalt  }
0x4a: {  	_ =	shalt  }
0x4b: {  	_ =	shalt  }
0x4c: {  	_ =	shalt  }
0x4d: {  	_ =	shalt  }
0x4e: {  	_ =	shalt  }
0x4f: {  	_ =	shalt  }
0x50: {  	_ =	shalt  }
0x51: {  	_ =	shalt  }
0x52: {  	_ =	shalt  }
0x53: {  	_ =	shalt  }
0x54: {  	_ =	shalt  }
0x55: {  	_ =	shalt  }
0x56: {  	_ =	shalt  }
0x57: {  	_ =	shalt  }
0x58: {  	_ =	shalt  }
0x59: {  	_ =	shalt  }
0x5a: {  	_ =	shalt  }
0x5b: {  	_ =	shalt  }
0x5c: {  	_ =	shalt  }
0x5d: {  	_ =	shalt  }
0x5e: {  	_ =	shalt  }
0x5f: {  	_ =	shalt  }
0x60: {  	_ =	shalt  }
0x61: {  	_ =	shalt  }
0x62: {  	_ =	shalt  }
0x63: {  	_ =	shalt  }
0x64: {  	_ =	shalt  }
0x65: {  	_ =	shalt  }
0x66: {  	_ =	shalt  }
0x67: {  	_ =	shalt  }
0x68: {  	_ =	shalt  }
0x69: {  	_ =	shalt  }
0x6a: {  	_ =	shalt  }
0x6b: {  	_ =	shalt  }
0x6c: {  	_ =	shalt  }
0x6d: {  	_ =	shalt  }
0x6e: {  	_ =	shalt  }
0x6f: {  	_ =	shalt  }
0x70: {  	_ =	shalt  }
0x71: {  	_ =	shalt  }
0x72: {  	_ =	shalt  }
0x73: {  	_ =	shalt  }
0x74: {  	_ =	shalt  }
0x75: {  	_ =	shalt  }
0x76: {  	_ =	shalt  }
0x77: {  	_ =	shalt  }
0x78: {  	_ =	shalt  }
0x79: {  	_ =	shalt  }
0x7a: {  	_ =	shalt  }
0x7b: {  	_ =	shalt  }
0x7c: {  	_ =	shalt  }
0x7d: {  	_ =	shalt  }
0x7e: {  	_ =	shalt  }
0x7f: {  	_ =	shalt  }
0x80: {  	_ =	shalt  }
0x81: {  	_ =	shalt  }
0x82: {  	_ =	shalt  }
0x83: {  	_ =	shalt  }
0x84: {  	_ =	shalt  }
0x85: {  	_ =	shalt  }
0x86: {  	_ =	shalt  }
0x87: {  	_ =	shalt  }
.Lfunc_end0:
.L_simem_size_0:
called_computation.1_lowered:
.L_overlay_start_0:
0x88: {  	s2 =	sld [smem:$0x3FD9]  }
0x89: {  	s3 =	sld [smem:$0x3FFE];
	_ =	sdelay $0x1  }
0x8a: {  	s1 =	srdreg.scid  }
0x8b: {  	s0 =	sand.u32 $0x1, s1  }
0x8c: {  	s17 =	sshll.u32 s0, $0xA;
	s2 =	sadd.s32 s3, s2  }
0x8d: {  	s2 =	sadd.s32 s2, s17  }
0x8e: {  	[smem:$0x3FBE] =	sst s2  }
0x8f: {  	_ = 	snop  }
0x90: {  	s2 =	sld [smem:$0x3FD0];
	(tm) =	ssettm $0x1  }
0x91: {  	s18 =	sld [smem:$0x3FFB];
	_ =	sdelay $0x3  }
0x92: {  	_ =	strace s18  }
0x93: {  	s3 =	sld [smem:$0x3FFC];
	_ =	sdelay $0x3  }
0x94: {  	_ =	strace s3  }
0x95: {  	s3 =	sld [smem:$0x3FFD];
	_ =	sdelay $0x3  }
0x96: {  	_ =	strace s3  }
0x97: {  	_ =	strace $0x8FFFFFFF  }
0x98: {  	s19 =	sld [smem:$0x3FDB];
	_ =	sdelay $0x1  }
0x99: {  	s4 =	simm.s32 $_scs_section_size  }
0x9a: {  	s5 =	simm.s32 $_size__tile_overlayer_lowered;
	s6 =	simm.s32 $_tile_overlayer_lowered  }
0x9b: {  	s22 =	simm.s32 $0x1BFF;
	s21 =	sshll.u32 s6, $0x1;
	s3 =	sadd.s32 s4, s19  }
0x9c: {  	s7 =	simm.s32 $0x0;
	s20 =	sshll.u32 s5, $0x1;
	s5 =	sadd.s32 s21, s3  }
0x9d: {  	[timem:s7], [sflag:s22] =	dma.local [hbm:s5], s20  }
0x9e: {  	_ =	swait.ge [sflag:s22], s20  }
0x9f: {  	s4 =	ssub.s32 $0x0, s20;
	[sflag:s22] =	ssyncset.done $0x0  }
0xa0: {  	[sflag:s22] =	ssyncadd.s32 s4;
	_ =	sdelay $0x1  }
0xa1: {  	s23 =	simm.s32 $0x1B8B  }
0xa2: {  	_ =	swait.ge [sflag:s23], $0x1  }
0xa3: {  	[sflag:s23] =	ssyncset.done $0x0  }
0xa4: {  	s25 =	simm.s32 $0x1B8E;
	s24 =	sld [smem:$0x3FFE];
	[sflag:s23] =	ssyncadd.s32 $0xFFFFFFFF  }
0xa5: {  	s26 =	simm.s32 $execute0_lowered;
	[smem:$0x3FD2] =	sst s25  }
0xa6: {  	s5 =	sshll.u32 s26, $0x1;
	_ =	strace $0x80000049;
	[dreg:$0x1] =	wrdreg $0xFFFFFFFF  }
0xa7: {  	s28 =	simm.s32 $_size_execute0_lowered;
	s3 =	sadd.s32 s3, s5;
	[dreg:$0x0] =	wrdreg $0x0  }
0xa8: {  	s5 =	sshll.u32 s28, $0x1;
	[dreg:$0x2] =	wrdreg s3  }
0xa9: {  	[dreg:$0x3] =	wrdreg s5  }
0xaa: {  	[dreg:$0x4] =	wrdreg $0xC0  }
0xab: {  	_ =	task [dreg:s7], $0x5FFFF  }
0xac: {  	[dreg:$0x1] =	wrdreg $0xFFFFFFFF  }
0xad: {  	[dreg:$0x0] =	wrdreg $0x60  }
0xae: {  	[dreg:$0x2] =	wrdreg s24  }
0xaf: {  	[dreg:$0x3] =	wrdreg s2  }
0xb0: {  	[dreg:$0x4] =	wrdreg $0x9  }
0xb1: {  	_ =	task.clear_ibuf [dreg:s7], $0x5FFFF;
	_ =	strace $0x90000049  }
0xb2: {  	s29 =	simm.s32 $0x9;
	_ =	strace $0x8000004B  }
0xb3: {  	_ =	swait.ge [sflag:s29], $0x1  }
0xb4: {  	[sflag:s29] =	ssyncadd.s32 $0xFFFFFFFF  }
0xb5: {  	_ =	strace $0x9000004B  }
0xb6: {  	_ =	sfence  }
0xb7: {  	s30 =	sld [smem:$0x0];
	_ =	sdelay $0x2  }
0xb8: {  	s31 =	sshll.u32 s1, $0xD;
	s1 =	sshrl.u32 s1, $0x2  }
0xb9: {  	s3 =	sand.u32 $0x4000, s31;
	s1 =	sadd.s32 s1, s30  }
0xba: {  	s0 =	sor.u32 s3, s0;
	s1 =	sshll.u32 s1, $0x11  }
0xbb: {  	s0 =	sor.u32 s1, s0  }
0xbc: {  	s0 =	sadd.s32 $0x8F2B, s0  }
0xbd: {  	[sflag:s0] =	ssyncadd.remote.s32 $0x1  }
0xbe: {  	_ =	sfence.sel $0xFFFF  }
0xbf: {  	[dreg:$0x0] =	wrdreg $0xFFFFFFFF;
	(pc) =	sbr.abs _section_cstart, $3  }
0xc0: {  	[dreg:$0x1] =	wrdreg $0xFFFFFFFF  }
0xc1: {  	_ =	task.clear_ibuf [dreg:s7], $0x2FFFF;
	_ =	strace $0x9FFFFFFF  }
0xc2: {  	(tm) =	ssettm $0x7FFFFFFF  }
0xc3: {  	_ =	shalt  }
tec
execute0_lowered:
.L_overlay_start_1:
0x0: {  	(tag) =	ssettag $0x1  }
0x1: {  	s0 =	rddreg [dreg:$0x0]  }
0x2: {  	s1 =	rddreg [dreg:$0x1];
	s3 =	srdreg.scid  }
0x3: {  	s4 =	stileid.u32;
	s2 =	simm.s32 $0x0;
	s14 =	simm.s32 $0x3  }
0x4: {  	s16 =	simm.s32 $0x400;
	s10 =	simm.s32 $0x9C00;
	s11 =	simm.s32 $0xA400  }
0x5: {  	s12 =	simm.s32 $0xAC00;
	s13 =	simm.s32 $0xB400;
	s8 =	simm.s32 $0xBC00  }
0x6: {  	s17 =	simm.s32 $0xC400;
	s18 =	simm.s32 $0xCC00;
	s19 =	simm.s32 $0xD400  }
0x7: {  	s20 =	simm.s32 $0xDC00;
	s21 =	simm.s32 $0xE400;
	s22 =	simm.s32 $0xEC00  }
0x8: {  	s23 =	simm.s32 $0xF400;
	s24 =	simm.s32 $0xFC00;
	s25 =	simm.s32 $0x2  }
0x9: {  	s3 =	sand.u32 $0x1, s3;
	s4 =	sshll.u32 s4, $0x1;
	[smem:$0x7FF] =	sst s2  }
0xa: {  	s9 =	sadd.s32 $0x572F00, s0;
	s4 =	sor.u32 s3, s4;
	s5 =	ssub.s32 $0x2, s3  }
0xb: {  	_ =	strace $0x8000004A;
	s6 =	sshll.u32 s4, $0x6;
	s4 =	sshll.u32 s4, $0xE  }
0xc: {  	s3 =	sadd.s32 $0x572C00, s0;
	s6 =	sadd.s32 s6, s0;
	s1 =	sadd.s32 s1, s4  }
0xd: {  	s7 =	sshrl.u32 s5, $0x1;
	s26 =	sadd.s32 $0xC00, s6;
	[dreg:$0x5] =	wrdreg s1  }
0xe: {  	s5 =	ssub.s32 s5, s7;
	s6 =	sadd.s32 $0x400, s6;
	[dreg:$0x3] =	wrdreg s26  }
0xf: {  	s7 =	sadd.s32 $0x572E00, s0;
	s28 =	sadd.s32 $0x1000, s1;
	[dreg:$0x4] =	wrdreg s6  }
0x10: {  	s4 =	simm.s32 $0x8C00;
	s29 =	sadd.s32 $0x2000, s1;
	[dreg:$0x6] =	wrdreg s28  }
0x11: {  	v2 =	vlaneseq.u32;
	s30 =	sadd.s32 $0x3000, s1;
	s31 =	smax.u32 s5, $0x1;
	[dreg:$0x7] =	wrdreg s29  }
0x12: {  	vm0 =	vmmov $0xffff;
	v1 =	vshrl.u32 v2, $0x3;
	s1 =	simm.s32 $0x1;
	s5 =	simm.s32 $0x9400;
	[dreg:$0x8] =	wrdreg s30  }
0x13: {  	v0 =	vand.u32 $0x7, v2;
	v2 =	vor.u32 $0x8, v2;
	v1 =	vmul.u32 $0x8, v1;
	s6 =	sadd.s32 $0x572D00, s0;
	[dreg:$0x9] =	wrdreg s31;
	s26 =	simm.s32 $0x0  }
.LBB2_1:
0x14: {  	s0 =	rddreg [dreg:$0x3]  }
0x15: {  	[tilespmem:s2], [sflag:$0x3] =	stream.linear.gather [hbm4b:s0+s2], $0x200, $0x38;
	[tilespmem:$0x10400] =	vst v63  }
0x16: {  	_ =	swait.ge [sflag:s14], $0x200  }
0x17: {  	[sflag:s14] =	ssyncset.done $0x0  }
0x18: {  	s15 =	simm.s32 $0x200;
	s0 =	rddreg [dreg:$0x4];
	[sflag:s14] =	ssyncadd.s32 $0xFFFFFE00  }
0x19: {  	[tilespmem:s15], [sflag:$0x3] =	stream.linear.gather [hbm4b:s0+s2], $0x200, $0x38;
	[tilespmem:$0x10400] =	vst v63  }
0x1a: {  	_ =	swait.ge [sflag:s14], $0x200  }
0x1b: {  	[sflag:s14] =	ssyncset.done $0x0  }
0x1c: {  	[sflag:s14] =	ssyncadd.s32 $0xFFFFFE00  }
0x1d: {  	v3 =	vld [tilespmem:$0x0];
	_ =	sdelay $0x4  }
0x1e: {  	v4 =	vshll.u32 v3, $0x3  }
0x1f: {  	v3 =	vand.u32 $0x7, v3;
	v4 =	vand.u32 $0xFFFFFFC0, v4  }
0x20: {  	v3 =	vor.u32 v3, v4  }
0x21: {  	v4 =	vperm.xlane v3, v0;
	_ =	sdelay $0x1  }
0x22: {  	v4 =	vadd.s32 v1, v4;
	_ =	sdelay $0x4  }
0x23: {  	[tilespmem:s16], [sflag:$0x1] =	stream.indirect_vreg.gather [hbm4b:s3+s2], $0x80, v4, vm0, $0xb8;
	[tilespmem:$0x10400] =	vst v63  }
0x24: {  	s15 =	simm.s32 $0xC00;
	v3 =	vperm.xlane v3, v2  }
0x25: {  	[tilespmem:s15], [sflag:$0x1] =	stream.indirect_vreg.gather [hbm4b:s6+s2], $0x80, v4, vm0, $0xb8;
	[tilespmem:$0x10400] =	vst v63  }
0x26: {  	v3 =	vadd.s32 v1, v3;
	s15 =	simm.s32 $0x1400  }
0x27: {  	[tilespmem:s15], [sflag:$0x1] =	stream.indirect_vreg.gather [hbm4b:s7+s2], $0x80, v4, vm0, $0xb8;
	[tilespmem:$0x10400] =	vst v63  }
0x28: {  	s15 =	simm.s32 $0x1C00  }
0x29: {  	[tilespmem:s15], [sflag:$0x1] =	stream.indirect_vreg.gather [hbm4b:s9+s2], $0x80, v4, vm0, $0xb8;
	[tilespmem:$0x10400] =	vst v63  }
0x2a: {  	s15 =	simm.s32 $0x2400  }
0x2b: {  	[tilespmem:s15], [sflag:$0x1] =	stream.indirect_vreg.gather [hbm4b:s3+s2], $0x80, v3, vm0, $0xb8;
	[tilespmem:$0x10400] =	vst v63  }
0x2c: {  	s15 =	simm.s32 $0x2C00  }
0x2d: {  	[tilespmem:s15], [sflag:$0x1] =	stream.indirect_vreg.gather [hbm4b:s6+s2], $0x80, v3, vm0, $0xb8;
	[tilespmem:$0x10400] =	vst v63  }
0x2e: {  	s15 =	simm.s32 $0x3400  }
0x2f: {  	[tilespmem:s15], [sflag:$0x1] =	stream.indirect_vreg.gather [hbm4b:s7+s2], $0x80, v3, vm0, $0xb8;
	[tilespmem:$0x10400] =	vst v63  }
0x30: {  	s15 =	simm.s32 $0x3C00  }
0x31: {  	[tilespmem:s15], [sflag:$0x1] =	stream.indirect_vreg.gather [hbm4b:s9+s2], $0x80, v3, vm0, $0xb8;
	[tilespmem:$0x10400] =	vst v63  }
0x32: {  	v3 =	vld [tilespmem:$0x10];
	_ =	sdelay $0x4  }
0x33: {  	v4 =	vshll.u32 v3, $0x3  }
0x34: {  	v3 =	vand.u32 $0x7, v3;
	v4 =	vand.u32 $0xFFFFFFC0, v4  }
0x35: {  	v3 =	vor.u32 v3, v4  }
0x36: {  	v4 =	vperm.xlane v3, v0;
	_ =	sdelay $0x1  }
0x37: {  	v4 =	vadd.s32 v1, v4;
	_ =	sdelay $0x3  }
0x38: {  	s15 =	simm.s32 $0x4400  }
0x39: {  	[tilespmem:s15], [sflag:$0x1] =	stream.indirect_vreg.gather [hbm4b:s3+s2], $0x80, v4, vm0, $0xb8;
	[tilespmem:$0x10400] =	vst v63  }
0x3a: {  	v3 =	vperm.xlane v3, v2;
	s15 =	simm.s32 $0x4C00  }
0x3b: {  	[tilespmem:s15], [sflag:$0x1] =	stream.indirect_vreg.gather [hbm4b:s6+s2], $0x80, v4, vm0, $0xb8;
	[tilespmem:$0x10400] =	vst v63  }
0x3c: {  	v3 =	vadd.s32 v1, v3;
	s15 =	simm.s32 $0x5400  }
0x3d: {  	[tilespmem:s15], [sflag:$0x1] =	stream.indirect_vreg.gather [hbm4b:s7+s2], $0x80, v4, vm0, $0xb8;
	[tilespmem:$0x10400] =	vst v63  }
0x3e: {  	s15 =	simm.s32 $0x5C00  }
0x3f: {  	[tilespmem:s15], [sflag:$0x1] =	stream.indirect_vreg.gather [hbm4b:s9+s2], $0x80, v4, vm0, $0xb8;
	[tilespmem:$0x10400] =	vst v63  }
0x40: {  	s15 =	simm.s32 $0x6400  }
0x41: {  	[tilespmem:s15], [sflag:$0x1] =	stream.indirect_vreg.gather [hbm4b:s3+s2], $0x80, v3, vm0, $0xb8;
	[tilespmem:$0x10400] =	vst v63  }
0x42: {  	s15 =	simm.s32 $0x6C00  }
0x43: {  	[tilespmem:s15], [sflag:$0x1] =	stream.indirect_vreg.gather [hbm4b:s6+s2], $0x80, v3, vm0, $0xb8;
	[tilespmem:$0x10400] =	vst v63  }
0x44: {  	s15 =	simm.s32 $0x7400  }
0x45: {  	[tilespmem:s15], [sflag:$0x1] =	stream.indirect_vreg.gather [hbm4b:s7+s2], $0x80, v3, vm0, $0xb8;
	[tilespmem:$0x10400] =	vst v63  }
0x46: {  	s15 =	simm.s32 $0x7C00  }
0x47: {  	[tilespmem:s15], [sflag:$0x1] =	stream.indirect_vreg.gather [hbm4b:s9+s2], $0x80, v3, vm0, $0xb8;
	[tilespmem:$0x10400] =	vst v63  }
0x48: {  	_ =	swait.ge [sflag:s1], $0x8000  }
0x49: {  	[sflag:s1] =	ssyncset.done $0x0  }
0x4a: {  	[sflag:s1] =	ssyncadd.s32 $0xFFFF8000  }
0x4b: {  	v3 =	vld [tilespmem:$0x200];
	_ =	sdelay $0x4  }
0x4c: {  	v4 =	vshll.u32 v3, $0x3  }
0x4d: {  	v3 =	vand.u32 $0x7, v3;
	v4 =	vand.u32 $0xFFFFFFC0, v4  }
0x4e: {  	v3 =	vor.u32 v3, v4  }
0x4f: {  	v4 =	vperm.xlane v3, v0;
	_ =	sdelay $0x1  }
0x50: {  	v4 =	vadd.s32 v1, v4;
	_ =	sdelay $0x3  }
0x51: {  	s15 =	simm.s32 $0x8400  }
0x52: {  	[tilespmem:s15], [sflag:$0x2] =	stream.indirect_vreg.gather [hbm4b:s3+s2], $0x80, v4, vm0, $0xb8;
	[tilespmem:$0x10400] =	vst v63  }
0x53: {  	v3 =	vperm.xlane v3, v2  }
0x54: {  	[tilespmem:s4], [sflag:$0x2] =	stream.indirect_vreg.gather [hbm4b:s6+s2], $0x80, v4, vm0, $0xb8;
	[tilespmem:$0x10400] =	vst v63  }
0x55: {  	v3 =	vadd.s32 v1, v3  }
0x56: {  	[tilespmem:s5], [sflag:$0x2] =	stream.indirect_vreg.gather [hbm4b:s7+s2], $0x80, v4, vm0, $0xb8;
	[tilespmem:$0x10400] =	vst v63  }
0x57: {  	_ = 	snop  }
0x58: {  	[tilespmem:s10], [sflag:$0x2] =	stream.indirect_vreg.gather [hbm4b:s9+s2], $0x80, v4, vm0, $0xb8;
	[tilespmem:$0x10400] =	vst v63  }
0x59: {  	_ = 	snop  }
0x5a: {  	[tilespmem:s11], [sflag:$0x2] =	stream.indirect_vreg.gather [hbm4b:s3+s2], $0x80, v3, vm0, $0xb8;
	[tilespmem:$0x10400] =	vst v63  }
0x5b: {  	_ = 	snop  }
0x5c: {  	[tilespmem:s12], [sflag:$0x2] =	stream.indirect_vreg.gather [hbm4b:s6+s2], $0x80, v3, vm0, $0xb8;
	[tilespmem:$0x10400] =	vst v63  }
0x5d: {  	_ = 	snop  }
0x5e: {  	[tilespmem:s13], [sflag:$0x2] =	stream.indirect_vreg.gather [hbm4b:s7+s2], $0x80, v3, vm0, $0xb8;
	[tilespmem:$0x10400] =	vst v63  }
0x5f: {  	_ = 	snop  }
0x60: {  	[tilespmem:s8], [sflag:$0x2] =	stream.indirect_vreg.gather [hbm4b:s9+s2], $0x80, v3, vm0, $0xb8;
	[tilespmem:$0x10400] =	vst v63  }
0x61: {  	v3 =	vld [tilespmem:$0x210];
	_ =	sdelay $0x4  }
0x62: {  	v4 =	vshll.u32 v3, $0x3  }
0x63: {  	v3 =	vand.u32 $0x7, v3;
	v4 =	vand.u32 $0xFFFFFFC0, v4  }
0x64: {  	v3 =	vor.u32 v3, v4  }
0x65: {  	v4 =	vperm.xlane v3, v0;
	_ =	sdelay $0x1  }
0x66: {  	v4 =	vadd.s32 v1, v4;
	_ =	sdelay $0x4  }
0x67: {  	[tilespmem:s17], [sflag:$0x2] =	stream.indirect_vreg.gather [hbm4b:s3+s2], $0x80, v4, vm0, $0xb8;
	[tilespmem:$0x10400] =	vst v63  }
0x68: {  	v3 =	vperm.xlane v3, v2  }
0x69: {  	[tilespmem:s18], [sflag:$0x2] =	stream.indirect_vreg.gather [hbm4b:s6+s2], $0x80, v4, vm0, $0xb8;
	[tilespmem:$0x10400] =	vst v63  }
0x6a: {  	v3 =	vadd.s32 v1, v3  }
0x6b: {  	[tilespmem:s19], [sflag:$0x2] =	stream.indirect_vreg.gather [hbm4b:s7+s2], $0x80, v4, vm0, $0xb8;
	[tilespmem:$0x10400] =	vst v63  }
0x6c: {  	_ = 	snop  }
0x6d: {  	[tilespmem:s20], [sflag:$0x2] =	stream.indirect_vreg.gather [hbm4b:s9+s2], $0x80, v4, vm0, $0xb8;
	[tilespmem:$0x10400] =	vst v63  }
0x6e: {  	_ = 	snop  }
0x6f: {  	[tilespmem:s21], [sflag:$0x2] =	stream.indirect_vreg.gather [hbm4b:s3+s2], $0x80, v3, vm0, $0xb8;
	[tilespmem:$0x10400] =	vst v63  }
0x70: {  	_ = 	snop  }
0x71: {  	[tilespmem:s22], [sflag:$0x2] =	stream.indirect_vreg.gather [hbm4b:s6+s2], $0x80, v3, vm0, $0xb8;
	[tilespmem:$0x10400] =	vst v63  }
0x72: {  	_ = 	snop  }
0x73: {  	[tilespmem:s23], [sflag:$0x2] =	stream.indirect_vreg.gather [hbm4b:s7+s2], $0x80, v3, vm0, $0xb8;
	[tilespmem:$0x10400] =	vst v63  }
0x74: {  	_ = 	snop  }
0x75: {  	[tilespmem:s24], [sflag:$0x2] =	stream.indirect_vreg.gather [hbm4b:s9+s2], $0x80, v3, vm0, $0xb8;
	[tilespmem:$0x10400] =	vst v63  }
0x76: {  	_ =	swait.ge [sflag:s25], $0x8000  }
0x77: {  	s28 =	sand.u32 $0x1C00, s2;
	s15 =	sand.u32 $0x70, s2;
	[sflag:s25] =	ssyncset.done $0x0  }
0x78: {  	s28 =	sor.u32 s15, s28;
	[sflag:s25] =	ssyncadd.s32 $0xFFFF8000  }
0x79: {  	v3 =	vld [tilespmem:s28+$0x500]  }
0x7a: {  	v4 =	vld [tilespmem:s28+$0x8700]  }
0x7b: {  	v5 =	vld [tilespmem:s28+$0x8500]  }
0x7c: {  	v6 =	vld [tilespmem:s28+$0x8600]  }
0x7d: {  	v7 =	vld [tilespmem:s28+$0x700]  }
0x7e: {  	v8 =	vld [tilespmem:s28+$0x8680]  }
0x7f: {  	v9 =	vld [tilespmem:s28+$0x8400]  }
0x80: {  	v10 =	vld [tilespmem:s28+$0x600]  }
0x81: {  	v11 =	vld [tilespmem:s28+$0x8580]  }
0x82: {  	v12 =	vld [tilespmem:s28+$0x680]  }
0x83: {  	v13 =	vld [tilespmem:s28+$0x8480]  }
0x84: {  	v14 =	vld [tilespmem:s28+$0x400]  }
0x85: {  	v3 =	vadd.f32 v5, v3;
	v5 =	vld [tilespmem:s28+$0x580]  }
0x86: {  	v4 =	vadd.f32 v4, v7;
	v7 =	vld [tilespmem:s28+$0x480]  }
0x87: {  	[tilespmem:s28+$0x500] =	vst v3;
	v3 =	vadd.f32 v6, v10  }
0x88: {  	v6 =	vadd.f32 v8, v12;
	[tilespmem:s28+$0x700] =	vst v4  }
0x89: {  	v4 =	vadd.f32 v9, v14;
	[tilespmem:s28+$0x600] =	vst v3  }
0x8a: {  	[tilespmem:s28+$0x680] =	vst v6;
	v3 =	vadd.f32 v11, v5  }
0x8b: {  	[tilespmem:s28+$0x400] =	vst v4;
	v4 =	vadd.f32 v13, v7  }
0x8c: {  	s29 =	sor.u32 s2, s2;
	[tilespmem:s28+$0x580] =	vst v3  }
0x8d: {  	s15 =	sor.u32 $0x380, s29;
	[tilespmem:s28+$0x480] =	vst v4  }
0x8e: {  	v3 =	vld [tilespmem:s15+$0x400]  }
0x8f: {  	v4 =	vld [tilespmem:s15+$0x8400];
	_ =	sdelay $0x4  }
0x90: {  	v3 =	vadd.f32 v4, v3;
	_ =	sdelay $0x1  }
0x91: {  	[tilespmem:s15+$0x400] =	vst v3  }
0x92: {  	v3 =	vld [tilespmem:s28+$0x2580]  }
0x93: {  	v4 =	vld [tilespmem:s28+$0xA700]  }
0x94: {  	v5 =	vld [tilespmem:s28+$0xA600]  }
0x95: {  	v6 =	vld [tilespmem:s28+$0x2700]  }
0x96: {  	v7 =	vld [tilespmem:s28+$0xA680]  }
0x97: {  	v57 =	vld [tilespmem:s28+$0x2680]  }
0x98: {  	v58 =	vld [tilespmem:s28+$0xA480]  }
0x99: {  	v59 =	vld [tilespmem:s28+$0xA400]  }
0x9a: {  	v60 =	vld [tilespmem:s28+$0x2600]  }
0x9b: {  	v61 =	vld [tilespmem:s28+$0xA580]  }
0x9c: {  	v62 =	vld [tilespmem:s28+$0xA500]  }
0x9d: {  	v63 =	vld [tilespmem:s28+$0x2400];
	v4 =	vadd.f32 v4, v6  }
0x9e: {  	v6 =	vld [tilespmem:s28+$0x2480]  }
0x9f: {  	v7 =	vadd.f32 v7, v57;
	[tilespmem:s28+$0x2700] =	vst v4;
	v4 =	vld [tilespmem:s28+$0x2500]  }
0xa0: {  	v3 =	vadd.f32 v61, v3  }
0xa1: {  	v5 =	vadd.f32 v5, v60;
	[tilespmem:s28+$0x2680] =	vst v7  }
0xa2: {  	[tilespmem:s28+$0x2580] =	vst v3;
	v3 =	vadd.f32 v59, v63  }
0xa3: {  	[tilespmem:s28+$0x2600] =	vst v5;
	v6 =	vadd.f32 v58, v6  }
0xa4: {  	[tilespmem:s28+$0x2400] =	vst v3;
	v4 =	vadd.f32 v62, v4  }
0xa5: {  	[tilespmem:s28+$0x2480] =	vst v6  }
0xa6: {  	s15 =	sor.u32 $0x2380, s29;
	[tilespmem:s28+$0x2500] =	vst v4  }
0xa7: {  	v3 =	vld [tilespmem:s15+$0x400]  }
0xa8: {  	v4 =	vld [tilespmem:s15+$0x8400];
	_ =	sdelay $0x4  }
0xa9: {  	v3 =	vadd.f32 v4, v3;
	_ =	sdelay $0x1  }
0xaa: {  	[tilespmem:s15+$0x400] =	vst v3  }
0xab: {  	v4 =	vld [tilespmem:s28+$0xC700]  }
0xac: {  	v5 =	vld [tilespmem:s28+$0x4700]  }
0xad: {  	s30 =	simm.s32 $0x10;
	s31 =	simm.s32 $0x0;
	v3 =	vld [tilespmem:s28+$0xC680]  }
.LBB2_2:
0xae: {  	p0 =	sne.s32 s30, $0x3F0  }
0xaf: {  	v6 =	vld [tilespmem:s28+$0x4680];
	s31 =	sadd.s32 $0x80, s31;
	s0 =	smov.u32 s30;
	s30 =	sadd.s32 $0x10, s30  }
0xb0: {  	v7 =	vld [tilespmem:s28+$0xC580]  }
0xb1: {  	v8 =	vld [tilespmem:s28+$0x4580]  }
0xb2: {  	v9 =	vld [tilespmem:s28+$0xC600];
	v4 =	vadd.f32 v4, v5  }
0xb3: {  	v5 =	vld [tilespmem:s28+$0x4500]  }
0xb4: {  	v10 =	vld [tilespmem:s28+$0x4600];
	v3 =	vadd.f32 v3, v6;
	[tilespmem:s28+$0x4700] =	vst v4  }
0xb5: {  	v4 =	vld [tilespmem:s28+$0xC480]  }
0xb6: {  	v6 =	vld [tilespmem:s28+$0xC500];
	v7 =	vadd.f32 v7, v8;
	[tilespmem:s28+$0x4680] =	vst v3  }
0xb7: {  	v3 =	vld [tilespmem:s28+$0xC400]  }
0xb8: {  	v8 =	vld [tilespmem:s28+$0x4480];
	[tilespmem:s28+$0x4580] =	vst v7  }
0xb9: {  	v7 =	vld [tilespmem:s28+$0x4400];
	v9 =	vadd.f32 v9, v10;
	_ =	sdelay $0x1  }
0xba: {  	v5 =	vadd.f32 v6, v5;
	[tilespmem:s28+$0x4600] =	vst v9;
	_ =	sdelay $0x1  }
0xbb: {  	v4 =	vadd.f32 v4, v8;
	[tilespmem:s28+$0x4500] =	vst v5  }
0xbc: {  	v3 =	vadd.f32 v3, v7  }
0xbd: {  	[tilespmem:s28+$0x4480] =	vst v4  }
0xbe: {  	s15 =	sor.u32 $0x4380, s29;
	[tilespmem:s28+$0x4400] =	vst v3  }
0xbf: {  	v3 =	vld [tilespmem:s15+$0x400]  }
0xc0: {  	v4 =	vld [tilespmem:s15+$0x8400];
	_ =	sdelay $0x4  }
0xc1: {  	v3 =	vadd.f32 v4, v3;
	_ =	sdelay $0x1  }
0xc2: {  	[tilespmem:s15+$0x400] =	vst v3  }
0xc3: {  	v3 =	vld [tilespmem:s28+$0x6400]  }
0xc4: {  	v4 =	vld [tilespmem:s28+$0xE400]  }
0xc5: {  	v5 =	vld [tilespmem:s28+$0x6480]  }
0xc6: {  	v6 =	vld [tilespmem:s28+$0xE480]  }
0xc7: {  	v7 =	vld [tilespmem:s28+$0xE500]  }
0xc8: {  	v8 =	vld [tilespmem:s28+$0x6580]  }
0xc9: {  	v3 =	vadd.f32 v4, v3;
	v4 =	vld [tilespmem:s28+$0xE580]  }
0xca: {  	v9 =	vld [tilespmem:s28+$0x6600]  }
0xcb: {  	[tilespmem:s28+$0x6400] =	vst v3;
	v3 =	vadd.f32 v6, v5;
	v5 =	vld [tilespmem:s28+$0xE600]  }
0xcc: {  	v6 =	vld [tilespmem:s28+$0x6680]  }
0xcd: {  	[tilespmem:s28+$0x6480] =	vst v3;
	v3 =	vld [tilespmem:s28+$0xE680]  }
0xce: {  	v4 =	vadd.f32 v4, v8;
	v8 =	vld [tilespmem:s28+$0x6700]  }
0xcf: {  	v10 =	vld [tilespmem:s28+$0xE700]  }
0xd0: {  	[tilespmem:s28+$0x6580] =	vst v4;
	v4 =	vadd.f32 v5, v9  }
0xd1: {  	v5 =	vld [tilespmem:s28+$0x6500]  }
0xd2: {  	[tilespmem:s28+$0x6600] =	vst v4;
	v3 =	vadd.f32 v3, v6;
	_ =	sdelay $0x1  }
0xd3: {  	[tilespmem:s28+$0x6680] =	vst v3;
	v3 =	vadd.f32 v10, v8;
	_ =	sdelay $0x1  }
0xd4: {  	v4 =	vadd.f32 v7, v5;
	[tilespmem:s28+$0x6700] =	vst v3;
	_ =	sdelay $0x1  }
0xd5: {  	s15 =	sor.u32 $0x6380, s29;
	[tilespmem:s28+$0x6500] =	vst v4  }
0xd6: {  	v3 =	vld [tilespmem:s15+$0x400]  }
0xd7: {  	v4 =	vld [tilespmem:s15+$0x8400];
	_ =	sdelay $0x4  }
0xd8: {  	v3 =	vadd.f32 v4, v3;
	_ =	sdelay $0x1  }
0xd9: {  	[tilespmem:s15+$0x400] =	vst v3;
	_ =	sdelay $0x1  }
0xda: {  	s28 =	sand.u32 $0x1C00, s31;
	s15 =	sand.u32 $0x70, s0  }
0xdb: {  	s28 =	sor.u32 s15, s28  }
0xdc: {  	v3 =	vld [tilespmem:s28+$0x500]  }
0xdd: {  	v4 =	vld [tilespmem:s28+$0x8700]  }
0xde: {  	v5 =	vld [tilespmem:s28+$0x8500]  }
0xdf: {  	v6 =	vld [tilespmem:s28+$0x8600]  }
0xe0: {  	v7 =	vld [tilespmem:s28+$0x700]  }
0xe1: {  	v8 =	vld [tilespmem:s28+$0x8680]  }
0xe2: {  	v9 =	vld [tilespmem:s28+$0x8400]  }
0xe3: {  	v3 =	vadd.f32 v5, v3;
	v5 =	vld [tilespmem:s28+$0x600]  }
0xe4: {  	v10 =	vld [tilespmem:s28+$0x8580]  }
0xe5: {  	v11 =	vld [tilespmem:s28+$0x680];
	v4 =	vadd.f32 v4, v7  }
0xe6: {  	v7 =	vld [tilespmem:s28+$0x8480]  }
0xe7: {  	v12 =	vld [tilespmem:s28+$0x400];
	[tilespmem:s28+$0x500] =	vst v3  }
0xe8: {  	v3 =	vld [tilespmem:s28+$0x580];
	v5 =	vadd.f32 v6, v5  }
0xe9: {  	v6 =	vld [tilespmem:s28+$0x480]  }
0xea: {  	v8 =	vadd.f32 v8, v11  }
0xeb: {  	[tilespmem:s28+$0x700] =	vst v4  }
0xec: {  	v4 =	vadd.f32 v9, v12;
	[tilespmem:s28+$0x600] =	vst v5  }
0xed: {  	v3 =	vadd.f32 v10, v3;
	[tilespmem:s28+$0x680] =	vst v8  }
0xee: {  	[tilespmem:s28+$0x400] =	vst v4;
	v4 =	vadd.f32 v7, v6  }
0xef: {  	s29 =	sor.u32 s0, s31;
	[tilespmem:s28+$0x580] =	vst v3  }
0xf0: {  	s0 =	sor.u32 $0x380, s29;
	[tilespmem:s28+$0x480] =	vst v4  }
0xf1: {  	v3 =	vld [tilespmem:s0+$0x400]  }
0xf2: {  	v4 =	vld [tilespmem:s0+$0x8400];
	_ =	sdelay $0x4  }
0xf3: {  	v3 =	vadd.f32 v4, v3;
	_ =	sdelay $0x1  }
0xf4: {  	[tilespmem:s0+$0x400] =	vst v3  }
0xf5: {  	v3 =	vld [tilespmem:s28+$0x2580]  }
0xf6: {  	v4 =	vld [tilespmem:s28+$0xA700]  }
0xf7: {  	v5 =	vld [tilespmem:s28+$0xA600]  }
0xf8: {  	v6 =	vld [tilespmem:s28+$0x2700]  }
0xf9: {  	v7 =	vld [tilespmem:s28+$0xA680]  }
0xfa: {  	v8 =	vld [tilespmem:s28+$0x2680]  }
0xfb: {  	v9 =	vld [tilespmem:s28+$0xA480]  }
0xfc: {  	v10 =	vld [tilespmem:s28+$0xA400]  }
0xfd: {  	v11 =	vld [tilespmem:s28+$0x2600];
	v4 =	vadd.f32 v4, v6  }
0xfe: {  	v6 =	vld [tilespmem:s28+$0x2480]  }
0xff: {  	v12 =	vld [tilespmem:s28+$0xA580];
	[tilespmem:s28+$0x2700] =	vst v4  }
0x100: {  	v4 =	vld [tilespmem:s28+$0x2500]  }
0x101: {  	v7 =	vadd.f32 v7, v8;
	v13 =	vld [tilespmem:s28+$0xA500]  }
0x102: {  	v8 =	vld [tilespmem:s28+$0x2400];
	v5 =	vadd.f32 v5, v11  }
0x103: {  	v6 =	vadd.f32 v9, v6  }
0x104: {  	v3 =	vadd.f32 v12, v3;
	[tilespmem:s28+$0x2680] =	vst v7  }
0x105: {  	[tilespmem:s28+$0x2480] =	vst v6  }
0x106: {  	v4 =	vadd.f32 v13, v4;
	[tilespmem:s28+$0x2580] =	vst v3  }
0x107: {  	v3 =	vadd.f32 v10, v8;
	[tilespmem:s28+$0x2600] =	vst v5  }
0x108: {  	[tilespmem:s28+$0x2500] =	vst v4  }
0x109: {  	s0 =	sor.u32 $0x2380, s29;
	[tilespmem:s28+$0x2400] =	vst v3  }
0x10a: {  	v3 =	vld [tilespmem:s0+$0x400]  }
0x10b: {  	v4 =	vld [tilespmem:s0+$0x8400];
	_ =	sdelay $0x4  }
0x10c: {  	v3 =	vadd.f32 v4, v3  }
.Ltmp0:
0x10d: {  	(pc) =	sbr.rel @p0 .LBB2_2-.Ltmp0, $4  }
0x10e: {  	[tilespmem:s0+$0x400] =	vst v3  }
0x10f: {  	v4 =	vld [tilespmem:s28+$0xC700]  }
0x110: {  	v5 =	vld [tilespmem:s28+$0x4700]  }
0x111: {  	v3 =	vld [tilespmem:s28+$0xC680]  }
0x112: {  	v6 =	vld [tilespmem:s28+$0x4680]  }
0x113: {  	v7 =	vld [tilespmem:s28+$0xC580]  }
0x114: {  	v8 =	vld [tilespmem:s28+$0x4580]  }
0x115: {  	v9 =	vld [tilespmem:s28+$0x4500]  }
0x116: {  	v10 =	vld [tilespmem:s28+$0x4600]  }
0x117: {  	v11 =	vld [tilespmem:s28+$0x4480]  }
0x118: {  	v12 =	vld [tilespmem:s28+$0x4400]  }
0x119: {  	v4 =	vadd.f32 v4, v5;
	v5 =	vld [tilespmem:s28+$0xC600]  }
0x11a: {  	v3 =	vadd.f32 v3, v6;
	v6 =	vld [tilespmem:s28+$0xC500]  }
0x11b: {  	[tilespmem:s28+$0x4700] =	vst v4;
	v4 =	vld [tilespmem:s28+$0xC480]  }
0x11c: {  	[tilespmem:s28+$0x4680] =	vst v3;
	v3 =	vld [tilespmem:s28+$0xC400]  }
0x11d: {  	v7 =	vadd.f32 v7, v8  }
0x11e: {  	v5 =	vadd.f32 v5, v10  }
0x11f: {  	[tilespmem:s28+$0x4580] =	vst v7;
	v6 =	vadd.f32 v6, v9  }
0x120: {  	[tilespmem:s28+$0x4600] =	vst v5;
	v4 =	vadd.f32 v4, v11  }
0x121: {  	[tilespmem:s28+$0x4500] =	vst v6;
	v3 =	vadd.f32 v3, v12  }
0x122: {  	[tilespmem:s28+$0x4480] =	vst v4  }
0x123: {  	s0 =	sor.u32 $0x4380, s29;
	[tilespmem:s28+$0x4400] =	vst v3  }
0x124: {  	v3 =	vld [tilespmem:s0+$0x400]  }
0x125: {  	v4 =	vld [tilespmem:s0+$0x8400];
	_ =	sdelay $0x4  }
0x126: {  	v3 =	vadd.f32 v4, v3;
	_ =	sdelay $0x1  }
0x127: {  	[tilespmem:s0+$0x400] =	vst v3  }
0x128: {  	v3 =	vld [tilespmem:s28+$0x6400]  }
0x129: {  	v4 =	vld [tilespmem:s28+$0xE400]  }
0x12a: {  	v5 =	vld [tilespmem:s28+$0x6480]  }
0x12b: {  	v6 =	vld [tilespmem:s28+$0xE480]  }
0x12c: {  	v7 =	vld [tilespmem:s28+$0xE500]  }
0x12d: {  	v47 =	vld [tilespmem:s28+$0x6580]  }
0x12e: {  	v48 =	vld [tilespmem:s28+$0x6600]  }
0x12f: {  	v49 =	vld [tilespmem:s28+$0x6700];
	v3 =	vadd.f32 v4, v3  }
0x130: {  	v4 =	vld [tilespmem:s28+$0xE580]  }
0x131: {  	[tilespmem:s28+$0x6400] =	vst v3;
	v3 =	vadd.f32 v6, v5;
	v5 =	vld [tilespmem:s28+$0xE600]  }
0x132: {  	v6 =	vld [tilespmem:s28+$0x6680]  }
0x133: {  	[tilespmem:s28+$0x6480] =	vst v3;
	v3 =	vld [tilespmem:s28+$0xE680]  }
0x134: {  	v50 =	vld [tilespmem:s28+$0xE700]  }
0x135: {  	v51 =	vld [tilespmem:s28+$0x6500]  }
0x136: {  	v4 =	vadd.f32 v4, v47  }
0x137: {  	v5 =	vadd.f32 v5, v48  }
0x138: {  	[tilespmem:s28+$0x6580] =	vst v4;
	v3 =	vadd.f32 v3, v6  }
0x139: {  	v4 =	vadd.f32 v50, v49;
	[tilespmem:s28+$0x6600] =	vst v5  }
0x13a: {  	[tilespmem:s28+$0x6680] =	vst v3;
	v3 =	vadd.f32 v7, v51  }
0x13b: {  	[tilespmem:s28+$0x6700] =	vst v4  }
0x13c: {  	s15 =	sor.u32 $0x6380, s29;
	[tilespmem:s28+$0x6500] =	vst v3  }
0x13d: {  	v3 =	vld [tilespmem:s15+$0x400]  }
0x13e: {  	v4 =	vld [tilespmem:s15+$0x8400];
	_ =	sdelay $0x4  }
0x13f: {  	v3 =	vadd.f32 v4, v3;
	_ =	sdelay $0x1  }
0x140: {  	s28 =	simm.s32 $0x0;
	[tilespmem:s15+$0x400] =	vst v3;
	s15 =	rddreg [dreg:$0x5]  }
0x141: {  	[hbm4b:s15+s28] =	stream.linear.scatter [tilespmem:s16], [sflag:$0x3], $0x8000, $0x38;
	[tilespmem:$0x10400] =	vst v63  }
0x142: {  	_ =	swait.ge [sflag:s14], $0x8000  }
0x143: {  	[sflag:s14] =	ssyncset.done $0x0  }
0x144: {  	[sflag:s14] =	ssyncadd.s32 $0xFFFF8000  }
0x145: {  	v3 =	vld [tilespmem:$0x80];
	_ =	sdelay $0x4  }
0x146: {  	v4 =	vshll.u32 v3, $0x3  }
0x147: {  	v3 =	vand.u32 $0x7, v3;
	v4 =	vand.u32 $0xFFFFFFC0, v4  }
0x148: {  	v3 =	vor.u32 v3, v4  }
0x149: {  	v4 =	vperm.xlane v3, v0;
	_ =	sdelay $0x1  }
0x14a: {  	v4 =	vadd.s32 v1, v4;
	_ =	sdelay $0x4  }
0x14b: {  	[tilespmem:s16], [sflag:$0x1] =	stream.indirect_vreg.gather [hbm4b:s3+s28], $0x80, v4, vm0, $0xb8;
	[tilespmem:$0x10400] =	vst v63  }
0x14c: {  	s15 =	simm.s32 $0xC00;
	v3 =	vperm.xlane v3, v2  }
0x14d: {  	[tilespmem:s15], [sflag:$0x1] =	stream.indirect_vreg.gather [hbm4b:s6+s28], $0x80, v4, vm0, $0xb8;
	[tilespmem:$0x10400] =	vst v63  }
0x14e: {  	v3 =	vadd.s32 v1, v3;
	s15 =	simm.s32 $0x1400  }
0x14f: {  	[tilespmem:s15], [sflag:$0x1] =	stream.indirect_vreg.gather [hbm4b:s7+s28], $0x80, v4, vm0, $0xb8;
	[tilespmem:$0x10400] =	vst v63  }
0x150: {  	s15 =	simm.s32 $0x1C00  }
0x151: {  	[tilespmem:s15], [sflag:$0x1] =	stream.indirect_vreg.gather [hbm4b:s9+s28], $0x80, v4, vm0, $0xb8;
	[tilespmem:$0x10400] =	vst v63  }
0x152: {  	s15 =	simm.s32 $0x2400  }
0x153: {  	[tilespmem:s15], [sflag:$0x1] =	stream.indirect_vreg.gather [hbm4b:s3+s28], $0x80, v3, vm0, $0xb8;
	[tilespmem:$0x10400] =	vst v63  }
0x154: {  	s15 =	simm.s32 $0x2C00  }
0x155: {  	[tilespmem:s15], [sflag:$0x1] =	stream.indirect_vreg.gather [hbm4b:s6+s28], $0x80, v3, vm0, $0xb8;
	[tilespmem:$0x10400] =	vst v63  }
0x156: {  	s15 =	simm.s32 $0x3400  }
0x157: {  	[tilespmem:s15], [sflag:$0x1] =	stream.indirect_vreg.gather [hbm4b:s7+s28], $0x80, v3, vm0, $0xb8;
	[tilespmem:$0x10400] =	vst v63  }
0x158: {  	s15 =	simm.s32 $0x3C00  }
0x159: {  	[tilespmem:s15], [sflag:$0x1] =	stream.indirect_vreg.gather [hbm4b:s9+s28], $0x80, v3, vm0, $0xb8;
	[tilespmem:$0x10400] =	vst v63  }
0x15a: {  	v3 =	vld [tilespmem:$0x90];
	_ =	sdelay $0x4  }
0x15b: {  	v4 =	vshll.u32 v3, $0x3  }
0x15c: {  	v3 =	vand.u32 $0x7, v3;
	v4 =	vand.u32 $0xFFFFFFC0, v4  }
0x15d: {  	v3 =	vor.u32 v3, v4  }
0x15e: {  	v4 =	vperm.xlane v3, v0;
	_ =	sdelay $0x1  }
0x15f: {  	v4 =	vadd.s32 v1, v4;
	_ =	sdelay $0x3  }
0x160: {  	s15 =	simm.s32 $0x4400  }
0x161: {  	[tilespmem:s15], [sflag:$0x1] =	stream.indirect_vreg.gather [hbm4b:s3+s28], $0x80, v4, vm0, $0xb8;
	[tilespmem:$0x10400] =	vst v63  }
0x162: {  	v3 =	vperm.xlane v3, v2;
	s15 =	simm.s32 $0x4C00  }
0x163: {  	[tilespmem:s15], [sflag:$0x1] =	stream.indirect_vreg.gather [hbm4b:s6+s28], $0x80, v4, vm0, $0xb8;
	[tilespmem:$0x10400] =	vst v63  }
0x164: {  	v3 =	vadd.s32 v1, v3;
	s15 =	simm.s32 $0x5400  }
0x165: {  	[tilespmem:s15], [sflag:$0x1] =	stream.indirect_vreg.gather [hbm4b:s7+s28], $0x80, v4, vm0, $0xb8;
	[tilespmem:$0x10400] =	vst v63  }
0x166: {  	s15 =	simm.s32 $0x5C00  }
0x167: {  	[tilespmem:s15], [sflag:$0x1] =	stream.indirect_vreg.gather [hbm4b:s9+s28], $0x80, v4, vm0, $0xb8;
	[tilespmem:$0x10400] =	vst v63  }
0x168: {  	s15 =	simm.s32 $0x6400  }
0x169: {  	[tilespmem:s15], [sflag:$0x1] =	stream.indirect_vreg.gather [hbm4b:s3+s28], $0x80, v3, vm0, $0xb8;
	[tilespmem:$0x10400] =	vst v63  }
0x16a: {  	s15 =	simm.s32 $0x6C00  }
0x16b: {  	[tilespmem:s15], [sflag:$0x1] =	stream.indirect_vreg.gather [hbm4b:s6+s28], $0x80, v3, vm0, $0xb8;
	[tilespmem:$0x10400] =	vst v63  }
0x16c: {  	s15 =	simm.s32 $0x7400  }
0x16d: {  	[tilespmem:s15], [sflag:$0x1] =	stream.indirect_vreg.gather [hbm4b:s7+s28], $0x80, v3, vm0, $0xb8;
	[tilespmem:$0x10400] =	vst v63  }
0x16e: {  	s15 =	simm.s32 $0x7C00  }
0x16f: {  	[tilespmem:s15], [sflag:$0x1] =	stream.indirect_vreg.gather [hbm4b:s9+s28], $0x80, v3, vm0, $0xb8;
	[tilespmem:$0x10400] =	vst v63  }
0x170: {  	_ =	swait.ge [sflag:s1], $0x8000  }
0x171: {  	[sflag:s1] =	ssyncset.done $0x0  }
0x172: {  	[sflag:s1] =	ssyncadd.s32 $0xFFFF8000  }
0x173: {  	v3 =	vld [tilespmem:$0x280];
	_ =	sdelay $0x4  }
0x174: {  	v4 =	vshll.u32 v3, $0x3  }
0x175: {  	v3 =	vand.u32 $0x7, v3;
	v4 =	vand.u32 $0xFFFFFFC0, v4  }
0x176: {  	v3 =	vor.u32 v3, v4  }
0x177: {  	v4 =	vperm.xlane v3, v0;
	_ =	sdelay $0x1  }
0x178: {  	v4 =	vadd.s32 v1, v4;
	_ =	sdelay $0x3  }
0x179: {  	s15 =	simm.s32 $0x8400  }
0x17a: {  	[tilespmem:s15], [sflag:$0x2] =	stream.indirect_vreg.gather [hbm4b:s3+s28], $0x80, v4, vm0, $0xb8;
	[tilespmem:$0x10400] =	vst v63  }
0x17b: {  	v3 =	vperm.xlane v3, v2  }
0x17c: {  	[tilespmem:s4], [sflag:$0x2] =	stream.indirect_vreg.gather [hbm4b:s6+s28], $0x80, v4, vm0, $0xb8;
	[tilespmem:$0x10400] =	vst v63  }
0x17d: {  	v3 =	vadd.s32 v1, v3  }
0x17e: {  	[tilespmem:s5], [sflag:$0x2] =	stream.indirect_vreg.gather [hbm4b:s7+s28], $0x80, v4, vm0, $0xb8;
	[tilespmem:$0x10400] =	vst v63  }
0x17f: {  	_ = 	snop  }
0x180: {  	[tilespmem:s10], [sflag:$0x2] =	stream.indirect_vreg.gather [hbm4b:s9+s28], $0x80, v4, vm0, $0xb8;
	[tilespmem:$0x10400] =	vst v63  }
0x181: {  	_ = 	snop  }
0x182: {  	[tilespmem:s11], [sflag:$0x2] =	stream.indirect_vreg.gather [hbm4b:s3+s28], $0x80, v3, vm0, $0xb8;
	[tilespmem:$0x10400] =	vst v63  }
0x183: {  	_ = 	snop  }
0x184: {  	[tilespmem:s12], [sflag:$0x2] =	stream.indirect_vreg.gather [hbm4b:s6+s28], $0x80, v3, vm0, $0xb8;
	[tilespmem:$0x10400] =	vst v63  }
0x185: {  	_ = 	snop  }
0x186: {  	[tilespmem:s13], [sflag:$0x2] =	stream.indirect_vreg.gather [hbm4b:s7+s28], $0x80, v3, vm0, $0xb8;
	[tilespmem:$0x10400] =	vst v63  }
0x187: {  	_ = 	snop  }
0x188: {  	[tilespmem:s8], [sflag:$0x2] =	stream.indirect_vreg.gather [hbm4b:s9+s28], $0x80, v3, vm0, $0xb8;
	[tilespmem:$0x10400] =	vst v63  }
0x189: {  	v3 =	vld [tilespmem:$0x290];
	_ =	sdelay $0x4  }
0x18a: {  	v4 =	vshll.u32 v3, $0x3  }
0x18b: {  	v3 =	vand.u32 $0x7, v3;
	v4 =	vand.u32 $0xFFFFFFC0, v4  }
0x18c: {  	v3 =	vor.u32 v3, v4  }
0x18d: {  	v4 =	vperm.xlane v3, v0;
	_ =	sdelay $0x1  }
0x18e: {  	v4 =	vadd.s32 v1, v4;
	_ =	sdelay $0x4  }
0x18f: {  	[tilespmem:s17], [sflag:$0x2] =	stream.indirect_vreg.gather [hbm4b:s3+s28], $0x80, v4, vm0, $0xb8;
	[tilespmem:$0x10400] =	vst v63  }
0x190: {  	v3 =	vperm.xlane v3, v2  }
0x191: {  	[tilespmem:s18], [sflag:$0x2] =	stream.indirect_vreg.gather [hbm4b:s6+s28], $0x80, v4, vm0, $0xb8;
	[tilespmem:$0x10400] =	vst v63  }
0x192: {  	v3 =	vadd.s32 v1, v3  }
0x193: {  	[tilespmem:s19], [sflag:$0x2] =	stream.indirect_vreg.gather [hbm4b:s7+s28], $0x80, v4, vm0, $0xb8;
	[tilespmem:$0x10400] =	vst v63  }
0x194: {  	_ = 	snop  }
0x195: {  	[tilespmem:s20], [sflag:$0x2] =	stream.indirect_vreg.gather [hbm4b:s9+s28], $0x80, v4, vm0, $0xb8;
	[tilespmem:$0x10400] =	vst v63  }
0x196: {  	_ = 	snop  }
0x197: {  	[tilespmem:s21], [sflag:$0x2] =	stream.indirect_vreg.gather [hbm4b:s3+s28], $0x80, v3, vm0, $0xb8;
	[tilespmem:$0x10400] =	vst v63  }
0x198: {  	_ = 	snop  }
0x199: {  	[tilespmem:s22], [sflag:$0x2] =	stream.indirect_vreg.gather [hbm4b:s6+s28], $0x80, v3, vm0, $0xb8;
	[tilespmem:$0x10400] =	vst v63  }
0x19a: {  	_ = 	snop  }
0x19b: {  	[tilespmem:s23], [sflag:$0x2] =	stream.indirect_vreg.gather [hbm4b:s7+s28], $0x80, v3, vm0, $0xb8;
	[tilespmem:$0x10400] =	vst v63  }
0x19c: {  	_ = 	snop  }
0x19d: {  	[tilespmem:s24], [sflag:$0x2] =	stream.indirect_vreg.gather [hbm4b:s9+s28], $0x80, v3, vm0, $0xb8;
	[tilespmem:$0x10400] =	vst v63  }
0x19e: {  	_ =	swait.ge [sflag:s25], $0x8000  }
0x19f: {  	s0 =	sand.u32 $0x70, s28;
	s15 =	sand.u32 $0x1C00, s28;
	[sflag:s25] =	ssyncset.done $0x0  }
0x1a0: {  	s29 =	sor.u32 s0, s15;
	[sflag:s25] =	ssyncadd.s32 $0xFFFF8000  }
0x1a1: {  	v3 =	vld [tilespmem:s29+$0x500]  }
0x1a2: {  	v4 =	vld [tilespmem:s29+$0x8700]  }
0x1a3: {  	v5 =	vld [tilespmem:s29+$0x8500]  }
0x1a4: {  	v6 =	vld [tilespmem:s29+$0x8600]  }
0x1a5: {  	v7 =	vld [tilespmem:s29+$0x700]  }
0x1a6: {  	v52 =	vld [tilespmem:s29+$0x8680]  }
0x1a7: {  	v53 =	vld [tilespmem:s29+$0x8400]  }
0x1a8: {  	v54 =	vld [tilespmem:s29+$0x600]  }
0x1a9: {  	v55 =	vld [tilespmem:s29+$0x8580]  }
0x1aa: {  	v56 =	vld [tilespmem:s29+$0x680]  }
0x1ab: {  	v13 =	vld [tilespmem:s29+$0x8480]  }
0x1ac: {  	v14 =	vld [tilespmem:s29+$0x400]  }
0x1ad: {  	v3 =	vadd.f32 v5, v3;
	v5 =	vld [tilespmem:s29+$0x580]  }
0x1ae: {  	v4 =	vadd.f32 v4, v7;
	v7 =	vld [tilespmem:s29+$0x480]  }
0x1af: {  	[tilespmem:s29+$0x500] =	vst v3;
	v3 =	vadd.f32 v6, v54  }
0x1b0: {  	v6 =	vadd.f32 v52, v56;
	[tilespmem:s29+$0x700] =	vst v4  }
0x1b1: {  	v4 =	vadd.f32 v53, v14;
	[tilespmem:s29+$0x600] =	vst v3  }
0x1b2: {  	[tilespmem:s29+$0x680] =	vst v6;
	v3 =	vadd.f32 v55, v5  }
0x1b3: {  	[tilespmem:s29+$0x400] =	vst v4;
	v4 =	vadd.f32 v13, v7  }
0x1b4: {  	s30 =	sor.u32 s28, s28;
	[tilespmem:s29+$0x580] =	vst v3  }
0x1b5: {  	s15 =	sor.u32 $0x380, s30;
	[tilespmem:s29+$0x480] =	vst v4  }
0x1b6: {  	v3 =	vld [tilespmem:s15+$0x400]  }
0x1b7: {  	v4 =	vld [tilespmem:s15+$0x8400];
	_ =	sdelay $0x4  }
0x1b8: {  	v3 =	vadd.f32 v4, v3;
	_ =	sdelay $0x1  }
0x1b9: {  	[tilespmem:s15+$0x400] =	vst v3  }
0x1ba: {  	v3 =	vld [tilespmem:s29+$0x2580]  }
0x1bb: {  	v4 =	vld [tilespmem:s29+$0xA700]  }
0x1bc: {  	v5 =	vld [tilespmem:s29+$0xA600]  }
0x1bd: {  	v6 =	vld [tilespmem:s29+$0x2700]  }
0x1be: {  	v7 =	vld [tilespmem:s29+$0xA680]  }
0x1bf: {  	v57 =	vld [tilespmem:s29+$0x2680]  }
0x1c0: {  	v58 =	vld [tilespmem:s29+$0xA480]  }
0x1c1: {  	v59 =	vld [tilespmem:s29+$0xA400]  }
0x1c2: {  	v60 =	vld [tilespmem:s29+$0x2600]  }
0x1c3: {  	v61 =	vld [tilespmem:s29+$0xA580]  }
0x1c4: {  	v62 =	vld [tilespmem:s29+$0xA500]  }
0x1c5: {  	v63 =	vld [tilespmem:s29+$0x2400];
	v4 =	vadd.f32 v4, v6  }
0x1c6: {  	v6 =	vld [tilespmem:s29+$0x2480]  }
0x1c7: {  	v7 =	vadd.f32 v7, v57;
	[tilespmem:s29+$0x2700] =	vst v4;
	v4 =	vld [tilespmem:s29+$0x2500]  }
0x1c8: {  	v3 =	vadd.f32 v61, v3  }
0x1c9: {  	v5 =	vadd.f32 v5, v60;
	[tilespmem:s29+$0x2680] =	vst v7  }
0x1ca: {  	[tilespmem:s29+$0x2580] =	vst v3;
	v3 =	vadd.f32 v59, v63  }
0x1cb: {  	[tilespmem:s29+$0x2600] =	vst v5;
	v6 =	vadd.f32 v58, v6  }
0x1cc: {  	[tilespmem:s29+$0x2400] =	vst v3;
	v4 =	vadd.f32 v62, v4  }
0x1cd: {  	[tilespmem:s29+$0x2480] =	vst v6  }
0x1ce: {  	s15 =	sor.u32 $0x2380, s30;
	[tilespmem:s29+$0x2500] =	vst v4  }
0x1cf: {  	v3 =	vld [tilespmem:s15+$0x400]  }
0x1d0: {  	v4 =	vld [tilespmem:s15+$0x8400];
	_ =	sdelay $0x4  }
0x1d1: {  	v3 =	vadd.f32 v4, v3;
	_ =	sdelay $0x1  }
0x1d2: {  	[tilespmem:s15+$0x400] =	vst v3  }
0x1d3: {  	v4 =	vld [tilespmem:s29+$0xC700]  }
0x1d4: {  	v5 =	vld [tilespmem:s29+$0x4700]  }
0x1d5: {  	s31 =	simm.s32 $0x10;
	v3 =	vld [tilespmem:s29+$0xC680]  }
.LBB2_4:
0x1d6: {  	p0 =	sne.s32 s31, $0x3F0  }
0x1d7: {  	v6 =	vld [tilespmem:s29+$0x4680];
	s28 =	sadd.s32 $0x80, s28;
	s0 =	smov.u32 s31;
	s31 =	sadd.s32 $0x10, s31  }
0x1d8: {  	v7 =	vld [tilespmem:s29+$0xC580]  }
0x1d9: {  	v8 =	vld [tilespmem:s29+$0x4580]  }
0x1da: {  	v9 =	vld [tilespmem:s29+$0xC600];
	v4 =	vadd.f32 v4, v5  }
0x1db: {  	v5 =	vld [tilespmem:s29+$0x4500]  }
0x1dc: {  	v10 =	vld [tilespmem:s29+$0x4600];
	v3 =	vadd.f32 v3, v6;
	[tilespmem:s29+$0x4700] =	vst v4  }
0x1dd: {  	v4 =	vld [tilespmem:s29+$0xC480]  }
0x1de: {  	v6 =	vld [tilespmem:s29+$0xC500];
	v7 =	vadd.f32 v7, v8;
	[tilespmem:s29+$0x4680] =	vst v3  }
0x1df: {  	v3 =	vld [tilespmem:s29+$0xC400]  }
0x1e0: {  	v8 =	vld [tilespmem:s29+$0x4480];
	[tilespmem:s29+$0x4580] =	vst v7  }
0x1e1: {  	v7 =	vld [tilespmem:s29+$0x4400];
	v9 =	vadd.f32 v9, v10;
	_ =	sdelay $0x1  }
0x1e2: {  	v5 =	vadd.f32 v6, v5;
	[tilespmem:s29+$0x4600] =	vst v9;
	_ =	sdelay $0x1  }
0x1e3: {  	v4 =	vadd.f32 v4, v8;
	[tilespmem:s29+$0x4500] =	vst v5  }
0x1e4: {  	v3 =	vadd.f32 v3, v7  }
0x1e5: {  	[tilespmem:s29+$0x4480] =	vst v4  }
0x1e6: {  	s15 =	sor.u32 $0x4380, s30;
	[tilespmem:s29+$0x4400] =	vst v3  }
0x1e7: {  	v3 =	vld [tilespmem:s15+$0x400]  }
0x1e8: {  	v4 =	vld [tilespmem:s15+$0x8400];
	_ =	sdelay $0x4  }
0x1e9: {  	v3 =	vadd.f32 v4, v3;
	_ =	sdelay $0x1  }
0x1ea: {  	[tilespmem:s15+$0x400] =	vst v3  }
0x1eb: {  	v3 =	vld [tilespmem:s29+$0x6400]  }
0x1ec: {  	v4 =	vld [tilespmem:s29+$0xE400]  }
0x1ed: {  	v5 =	vld [tilespmem:s29+$0x6480]  }
0x1ee: {  	v6 =	vld [tilespmem:s29+$0xE480]  }
0x1ef: {  	v7 =	vld [tilespmem:s29+$0xE500]  }
0x1f0: {  	v8 =	vld [tilespmem:s29+$0x6580]  }
0x1f1: {  	v3 =	vadd.f32 v4, v3;
	v4 =	vld [tilespmem:s29+$0xE580]  }
0x1f2: {  	v9 =	vld [tilespmem:s29+$0x6600]  }
0x1f3: {  	[tilespmem:s29+$0x6400] =	vst v3;
	v3 =	vadd.f32 v6, v5;
	v5 =	vld [tilespmem:s29+$0xE600]  }
0x1f4: {  	v6 =	vld [tilespmem:s29+$0x6680]  }
0x1f5: {  	[tilespmem:s29+$0x6480] =	vst v3;
	v3 =	vld [tilespmem:s29+$0xE680]  }
0x1f6: {  	v4 =	vadd.f32 v4, v8;
	v8 =	vld [tilespmem:s29+$0x6700]  }
0x1f7: {  	v10 =	vld [tilespmem:s29+$0xE700]  }
0x1f8: {  	[tilespmem:s29+$0x6580] =	vst v4;
	v4 =	vadd.f32 v5, v9  }
0x1f9: {  	v5 =	vld [tilespmem:s29+$0x6500]  }
0x1fa: {  	[tilespmem:s29+$0x6600] =	vst v4;
	v3 =	vadd.f32 v3, v6;
	_ =	sdelay $0x1  }
0x1fb: {  	[tilespmem:s29+$0x6680] =	vst v3;
	v3 =	vadd.f32 v10, v8;
	_ =	sdelay $0x1  }
0x1fc: {  	v4 =	vadd.f32 v7, v5;
	[tilespmem:s29+$0x6700] =	vst v3;
	_ =	sdelay $0x1  }
0x1fd: {  	s15 =	sor.u32 $0x6380, s30;
	[tilespmem:s29+$0x6500] =	vst v4  }
0x1fe: {  	v3 =	vld [tilespmem:s15+$0x400]  }
0x1ff: {  	v4 =	vld [tilespmem:s15+$0x8400];
	_ =	sdelay $0x4  }
0x200: {  	v3 =	vadd.f32 v4, v3;
	_ =	sdelay $0x1  }
0x201: {  	[tilespmem:s15+$0x400] =	vst v3;
	_ =	sdelay $0x1  }
0x202: {  	s29 =	sand.u32 $0x1C00, s28;
	s15 =	sand.u32 $0x70, s0  }
0x203: {  	s29 =	sor.u32 s15, s29  }
0x204: {  	v3 =	vld [tilespmem:s29+$0x500]  }
0x205: {  	v4 =	vld [tilespmem:s29+$0x8700]  }
0x206: {  	v5 =	vld [tilespmem:s29+$0x8500]  }
0x207: {  	v6 =	vld [tilespmem:s29+$0x8600]  }
0x208: {  	v7 =	vld [tilespmem:s29+$0x700]  }
0x209: {  	v8 =	vld [tilespmem:s29+$0x8680]  }
0x20a: {  	v9 =	vld [tilespmem:s29+$0x8400]  }
0x20b: {  	v3 =	vadd.f32 v5, v3;
	v5 =	vld [tilespmem:s29+$0x600]  }
0x20c: {  	v10 =	vld [tilespmem:s29+$0x8580]  }
0x20d: {  	v11 =	vld [tilespmem:s29+$0x680];
	v4 =	vadd.f32 v4, v7  }
0x20e: {  	v7 =	vld [tilespmem:s29+$0x8480]  }
0x20f: {  	v12 =	vld [tilespmem:s29+$0x400];
	[tilespmem:s29+$0x500] =	vst v3  }
0x210: {  	v3 =	vld [tilespmem:s29+$0x580];
	v5 =	vadd.f32 v6, v5  }
0x211: {  	v6 =	vld [tilespmem:s29+$0x480]  }
0x212: {  	v8 =	vadd.f32 v8, v11  }
0x213: {  	[tilespmem:s29+$0x700] =	vst v4  }
0x214: {  	v4 =	vadd.f32 v9, v12;
	[tilespmem:s29+$0x600] =	vst v5  }
0x215: {  	v3 =	vadd.f32 v10, v3;
	[tilespmem:s29+$0x680] =	vst v8  }
0x216: {  	[tilespmem:s29+$0x400] =	vst v4;
	v4 =	vadd.f32 v7, v6  }
0x217: {  	s30 =	sor.u32 s0, s28;
	[tilespmem:s29+$0x580] =	vst v3  }
0x218: {  	s0 =	sor.u32 $0x380, s30;
	[tilespmem:s29+$0x480] =	vst v4  }
0x219: {  	v3 =	vld [tilespmem:s0+$0x400]  }
0x21a: {  	v4 =	vld [tilespmem:s0+$0x8400];
	_ =	sdelay $0x4  }
0x21b: {  	v3 =	vadd.f32 v4, v3;
	_ =	sdelay $0x1  }
0x21c: {  	[tilespmem:s0+$0x400] =	vst v3  }
0x21d: {  	v3 =	vld [tilespmem:s29+$0x2580]  }
0x21e: {  	v4 =	vld [tilespmem:s29+$0xA700]  }
0x21f: {  	v5 =	vld [tilespmem:s29+$0xA600]  }
0x220: {  	v6 =	vld [tilespmem:s29+$0x2700]  }
0x221: {  	v7 =	vld [tilespmem:s29+$0xA680]  }
0x222: {  	v8 =	vld [tilespmem:s29+$0x2680]  }
0x223: {  	v9 =	vld [tilespmem:s29+$0xA480]  }
0x224: {  	v10 =	vld [tilespmem:s29+$0xA400]  }
0x225: {  	v11 =	vld [tilespmem:s29+$0x2600];
	v4 =	vadd.f32 v4, v6  }
0x226: {  	v6 =	vld [tilespmem:s29+$0x2480]  }
0x227: {  	v12 =	vld [tilespmem:s29+$0xA580];
	[tilespmem:s29+$0x2700] =	vst v4  }
0x228: {  	v4 =	vld [tilespmem:s29+$0x2500]  }
0x229: {  	v7 =	vadd.f32 v7, v8;
	v13 =	vld [tilespmem:s29+$0xA500]  }
0x22a: {  	v8 =	vld [tilespmem:s29+$0x2400];
	v5 =	vadd.f32 v5, v11  }
0x22b: {  	v6 =	vadd.f32 v9, v6  }
0x22c: {  	v3 =	vadd.f32 v12, v3;
	[tilespmem:s29+$0x2680] =	vst v7  }
0x22d: {  	[tilespmem:s29+$0x2480] =	vst v6  }
0x22e: {  	v4 =	vadd.f32 v13, v4;
	[tilespmem:s29+$0x2580] =	vst v3  }
0x22f: {  	v3 =	vadd.f32 v10, v8;
	[tilespmem:s29+$0x2600] =	vst v5  }
0x230: {  	[tilespmem:s29+$0x2500] =	vst v4  }
0x231: {  	s0 =	sor.u32 $0x2380, s30;
	[tilespmem:s29+$0x2400] =	vst v3  }
0x232: {  	v3 =	vld [tilespmem:s0+$0x400]  }
0x233: {  	v4 =	vld [tilespmem:s0+$0x8400];
	_ =	sdelay $0x4  }
0x234: {  	v3 =	vadd.f32 v4, v3  }
.Ltmp1:
0x235: {  	(pc) =	sbr.rel @p0 .LBB2_4-.Ltmp1, $4  }
0x236: {  	[tilespmem:s0+$0x400] =	vst v3  }
0x237: {  	v4 =	vld [tilespmem:s29+$0xC700]  }
0x238: {  	v5 =	vld [tilespmem:s29+$0x4700]  }
0x239: {  	v3 =	vld [tilespmem:s29+$0xC680]  }
0x23a: {  	v6 =	vld [tilespmem:s29+$0x4680]  }
0x23b: {  	v7 =	vld [tilespmem:s29+$0xC580]  }
0x23c: {  	v8 =	vld [tilespmem:s29+$0x4580]  }
0x23d: {  	v9 =	vld [tilespmem:s29+$0x4500]  }
0x23e: {  	v10 =	vld [tilespmem:s29+$0x4600]  }
0x23f: {  	v11 =	vld [tilespmem:s29+$0x4480]  }
0x240: {  	v12 =	vld [tilespmem:s29+$0x4400]  }
0x241: {  	v4 =	vadd.f32 v4, v5;
	v5 =	vld [tilespmem:s29+$0xC600]  }
0x242: {  	v3 =	vadd.f32 v3, v6;
	v6 =	vld [tilespmem:s29+$0xC500]  }
0x243: {  	[tilespmem:s29+$0x4700] =	vst v4;
	v4 =	vld [tilespmem:s29+$0xC480]  }
0x244: {  	[tilespmem:s29+$0x4680] =	vst v3;
	v3 =	vld [tilespmem:s29+$0xC400]  }
0x245: {  	v7 =	vadd.f32 v7, v8  }
0x246: {  	v5 =	vadd.f32 v5, v10  }
0x247: {  	[tilespmem:s29+$0x4580] =	vst v7;
	v6 =	vadd.f32 v6, v9  }
0x248: {  	[tilespmem:s29+$0x4600] =	vst v5;
	v4 =	vadd.f32 v4, v11  }
0x249: {  	[tilespmem:s29+$0x4500] =	vst v6;
	v3 =	vadd.f32 v3, v12  }
0x24a: {  	[tilespmem:s29+$0x4480] =	vst v4  }
0x24b: {  	s0 =	sor.u32 $0x4380, s30;
	[tilespmem:s29+$0x4400] =	vst v3  }
0x24c: {  	v3 =	vld [tilespmem:s0+$0x400]  }
0x24d: {  	v4 =	vld [tilespmem:s0+$0x8400];
	_ =	sdelay $0x4  }
0x24e: {  	v3 =	vadd.f32 v4, v3;
	_ =	sdelay $0x1  }
0x24f: {  	[tilespmem:s0+$0x400] =	vst v3  }
0x250: {  	v3 =	vld [tilespmem:s29+$0x6400]  }
0x251: {  	v4 =	vld [tilespmem:s29+$0xE400]  }
0x252: {  	v5 =	vld [tilespmem:s29+$0x6480]  }
0x253: {  	v6 =	vld [tilespmem:s29+$0xE480]  }
0x254: {  	v7 =	vld [tilespmem:s29+$0xE500]  }
0x255: {  	v47 =	vld [tilespmem:s29+$0x6580]  }
0x256: {  	v48 =	vld [tilespmem:s29+$0x6600]  }
0x257: {  	v49 =	vld [tilespmem:s29+$0x6700];
	v3 =	vadd.f32 v4, v3  }
0x258: {  	v4 =	vld [tilespmem:s29+$0xE580]  }
0x259: {  	[tilespmem:s29+$0x6400] =	vst v3;
	v3 =	vadd.f32 v6, v5;
	v5 =	vld [tilespmem:s29+$0xE600]  }
0x25a: {  	v6 =	vld [tilespmem:s29+$0x6680]  }
0x25b: {  	[tilespmem:s29+$0x6480] =	vst v3;
	v3 =	vld [tilespmem:s29+$0xE680]  }
0x25c: {  	v50 =	vld [tilespmem:s29+$0xE700]  }
0x25d: {  	v51 =	vld [tilespmem:s29+$0x6500]  }
0x25e: {  	v4 =	vadd.f32 v4, v47  }
0x25f: {  	v5 =	vadd.f32 v5, v48  }
0x260: {  	[tilespmem:s29+$0x6580] =	vst v4;
	v3 =	vadd.f32 v3, v6  }
0x261: {  	v4 =	vadd.f32 v50, v49;
	[tilespmem:s29+$0x6600] =	vst v5  }
0x262: {  	[tilespmem:s29+$0x6680] =	vst v3;
	v3 =	vadd.f32 v7, v51  }
0x263: {  	[tilespmem:s29+$0x6700] =	vst v4  }
0x264: {  	s15 =	sor.u32 $0x6380, s30;
	[tilespmem:s29+$0x6500] =	vst v3  }
0x265: {  	v3 =	vld [tilespmem:s15+$0x400]  }
0x266: {  	v4 =	vld [tilespmem:s15+$0x8400];
	_ =	sdelay $0x4  }
0x267: {  	v3 =	vadd.f32 v4, v3;
	_ =	sdelay $0x1  }
0x268: {  	s28 =	simm.s32 $0x0;
	[tilespmem:s15+$0x400] =	vst v3;
	s15 =	rddreg [dreg:$0x6]  }
0x269: {  	[hbm4b:s15+s28] =	stream.linear.scatter [tilespmem:s16], [sflag:$0x3], $0x8000, $0x38;
	[tilespmem:$0x10400] =	vst v63  }
0x26a: {  	_ =	swait.ge [sflag:s14], $0x8000  }
0x26b: {  	[sflag:s14] =	ssyncset.done $0x0  }
0x26c: {  	[sflag:s14] =	ssyncadd.s32 $0xFFFF8000  }
0x26d: {  	v3 =	vld [tilespmem:$0x100];
	_ =	sdelay $0x4  }
0x26e: {  	v4 =	vshll.u32 v3, $0x3  }
0x26f: {  	v3 =	vand.u32 $0x7, v3;
	v4 =	vand.u32 $0xFFFFFFC0, v4  }
0x270: {  	v3 =	vor.u32 v3, v4  }
0x271: {  	v4 =	vperm.xlane v3, v0;
	_ =	sdelay $0x1  }
0x272: {  	v4 =	vadd.s32 v1, v4;
	_ =	sdelay $0x4  }
0x273: {  	[tilespmem:s16], [sflag:$0x1] =	stream.indirect_vreg.gather [hbm4b:s3+s28], $0x80, v4, vm0, $0xb8;
	[tilespmem:$0x10400] =	vst v63  }
0x274: {  	s15 =	simm.s32 $0xC00;
	v3 =	vperm.xlane v3, v2  }
0x275: {  	[tilespmem:s15], [sflag:$0x1] =	stream.indirect_vreg.gather [hbm4b:s6+s28], $0x80, v4, vm0, $0xb8;
	[tilespmem:$0x10400] =	vst v63  }
0x276: {  	v3 =	vadd.s32 v1, v3;
	s15 =	simm.s32 $0x1400  }
0x277: {  	[tilespmem:s15], [sflag:$0x1] =	stream.indirect_vreg.gather [hbm4b:s7+s28], $0x80, v4, vm0, $0xb8;
	[tilespmem:$0x10400] =	vst v63  }
0x278: {  	s15 =	simm.s32 $0x1C00  }
0x279: {  	[tilespmem:s15], [sflag:$0x1] =	stream.indirect_vreg.gather [hbm4b:s9+s28], $0x80, v4, vm0, $0xb8;
	[tilespmem:$0x10400] =	vst v63  }
0x27a: {  	s15 =	simm.s32 $0x2400  }
0x27b: {  	[tilespmem:s15], [sflag:$0x1] =	stream.indirect_vreg.gather [hbm4b:s3+s28], $0x80, v3, vm0, $0xb8;
	[tilespmem:$0x10400] =	vst v63  }
0x27c: {  	s15 =	simm.s32 $0x2C00  }
0x27d: {  	[tilespmem:s15], [sflag:$0x1] =	stream.indirect_vreg.gather [hbm4b:s6+s28], $0x80, v3, vm0, $0xb8;
	[tilespmem:$0x10400] =	vst v63  }
0x27e: {  	s15 =	simm.s32 $0x3400  }
0x27f: {  	[tilespmem:s15], [sflag:$0x1] =	stream.indirect_vreg.gather [hbm4b:s7+s28], $0x80, v3, vm0, $0xb8;
	[tilespmem:$0x10400] =	vst v63  }
0x280: {  	s15 =	simm.s32 $0x3C00  }
0x281: {  	[tilespmem:s15], [sflag:$0x1] =	stream.indirect_vreg.gather [hbm4b:s9+s28], $0x80, v3, vm0, $0xb8;
	[tilespmem:$0x10400] =	vst v63  }
0x282: {  	v3 =	vld [tilespmem:$0x110];
	_ =	sdelay $0x4  }
0x283: {  	v4 =	vshll.u32 v3, $0x3  }
0x284: {  	v3 =	vand.u32 $0x7, v3;
	v4 =	vand.u32 $0xFFFFFFC0, v4  }
0x285: {  	v3 =	vor.u32 v3, v4  }
0x286: {  	v4 =	vperm.xlane v3, v0;
	_ =	sdelay $0x1  }
0x287: {  	v4 =	vadd.s32 v1, v4;
	_ =	sdelay $0x3  }
0x288: {  	s15 =	simm.s32 $0x4400  }
0x289: {  	[tilespmem:s15], [sflag:$0x1] =	stream.indirect_vreg.gather [hbm4b:s3+s28], $0x80, v4, vm0, $0xb8;
	[tilespmem:$0x10400] =	vst v63  }
0x28a: {  	v3 =	vperm.xlane v3, v2;
	s15 =	simm.s32 $0x4C00  }
0x28b: {  	[tilespmem:s15], [sflag:$0x1] =	stream.indirect_vreg.gather [hbm4b:s6+s28], $0x80, v4, vm0, $0xb8;
	[tilespmem:$0x10400] =	vst v63  }
0x28c: {  	v3 =	vadd.s32 v1, v3;
	s15 =	simm.s32 $0x5400  }
0x28d: {  	[tilespmem:s15], [sflag:$0x1] =	stream.indirect_vreg.gather [hbm4b:s7+s28], $0x80, v4, vm0, $0xb8;
	[tilespmem:$0x10400] =	vst v63  }
0x28e: {  	s15 =	simm.s32 $0x5C00  }
0x28f: {  	[tilespmem:s15], [sflag:$0x1] =	stream.indirect_vreg.gather [hbm4b:s9+s28], $0x80, v4, vm0, $0xb8;
	[tilespmem:$0x10400] =	vst v63  }
0x290: {  	s15 =	simm.s32 $0x6400  }
0x291: {  	[tilespmem:s15], [sflag:$0x1] =	stream.indirect_vreg.gather [hbm4b:s3+s28], $0x80, v3, vm0, $0xb8;
	[tilespmem:$0x10400] =	vst v63  }
0x292: {  	s15 =	simm.s32 $0x6C00  }
0x293: {  	[tilespmem:s15], [sflag:$0x1] =	stream.indirect_vreg.gather [hbm4b:s6+s28], $0x80, v3, vm0, $0xb8;
	[tilespmem:$0x10400] =	vst v63  }
0x294: {  	s15 =	simm.s32 $0x7400  }
0x295: {  	[tilespmem:s15], [sflag:$0x1] =	stream.indirect_vreg.gather [hbm4b:s7+s28], $0x80, v3, vm0, $0xb8;
	[tilespmem:$0x10400] =	vst v63  }
0x296: {  	s15 =	simm.s32 $0x7C00  }
0x297: {  	[tilespmem:s15], [sflag:$0x1] =	stream.indirect_vreg.gather [hbm4b:s9+s28], $0x80, v3, vm0, $0xb8;
	[tilespmem:$0x10400] =	vst v63  }
0x298: {  	_ =	swait.ge [sflag:s1], $0x8000  }
0x299: {  	[sflag:s1] =	ssyncset.done $0x0  }
0x29a: {  	[sflag:s1] =	ssyncadd.s32 $0xFFFF8000  }
0x29b: {  	v3 =	vld [tilespmem:$0x300];
	_ =	sdelay $0x4  }
0x29c: {  	v4 =	vshll.u32 v3, $0x3  }
0x29d: {  	v3 =	vand.u32 $0x7, v3;
	v4 =	vand.u32 $0xFFFFFFC0, v4  }
0x29e: {  	v3 =	vor.u32 v3, v4  }
0x29f: {  	v4 =	vperm.xlane v3, v0;
	_ =	sdelay $0x1  }
0x2a0: {  	v4 =	vadd.s32 v1, v4;
	_ =	sdelay $0x3  }
0x2a1: {  	s15 =	simm.s32 $0x8400  }
0x2a2: {  	[tilespmem:s15], [sflag:$0x2] =	stream.indirect_vreg.gather [hbm4b:s3+s28], $0x80, v4, vm0, $0xb8;
	[tilespmem:$0x10400] =	vst v63  }
0x2a3: {  	v3 =	vperm.xlane v3, v2  }
0x2a4: {  	[tilespmem:s4], [sflag:$0x2] =	stream.indirect_vreg.gather [hbm4b:s6+s28], $0x80, v4, vm0, $0xb8;
	[tilespmem:$0x10400] =	vst v63  }
0x2a5: {  	v3 =	vadd.s32 v1, v3  }
0x2a6: {  	[tilespmem:s5], [sflag:$0x2] =	stream.indirect_vreg.gather [hbm4b:s7+s28], $0x80, v4, vm0, $0xb8;
	[tilespmem:$0x10400] =	vst v63  }
0x2a7: {  	_ = 	snop  }
0x2a8: {  	[tilespmem:s10], [sflag:$0x2] =	stream.indirect_vreg.gather [hbm4b:s9+s28], $0x80, v4, vm0, $0xb8;
	[tilespmem:$0x10400] =	vst v63  }
0x2a9: {  	_ = 	snop  }
0x2aa: {  	[tilespmem:s11], [sflag:$0x2] =	stream.indirect_vreg.gather [hbm4b:s3+s28], $0x80, v3, vm0, $0xb8;
	[tilespmem:$0x10400] =	vst v63  }
0x2ab: {  	_ = 	snop  }
0x2ac: {  	[tilespmem:s12], [sflag:$0x2] =	stream.indirect_vreg.gather [hbm4b:s6+s28], $0x80, v3, vm0, $0xb8;
	[tilespmem:$0x10400] =	vst v63  }
0x2ad: {  	_ = 	snop  }
0x2ae: {  	[tilespmem:s13], [sflag:$0x2] =	stream.indirect_vreg.gather [hbm4b:s7+s28], $0x80, v3, vm0, $0xb8;
	[tilespmem:$0x10400] =	vst v63  }
0x2af: {  	_ = 	snop  }
0x2b0: {  	[tilespmem:s8], [sflag:$0x2] =	stream.indirect_vreg.gather [hbm4b:s9+s28], $0x80, v3, vm0, $0xb8;
	[tilespmem:$0x10400] =	vst v63  }
0x2b1: {  	v3 =	vld [tilespmem:$0x310];
	_ =	sdelay $0x4  }
0x2b2: {  	v4 =	vshll.u32 v3, $0x3  }
0x2b3: {  	v3 =	vand.u32 $0x7, v3;
	v4 =	vand.u32 $0xFFFFFFC0, v4  }
0x2b4: {  	v3 =	vor.u32 v3, v4  }
0x2b5: {  	v4 =	vperm.xlane v3, v0;
	_ =	sdelay $0x1  }
0x2b6: {  	v4 =	vadd.s32 v1, v4;
	_ =	sdelay $0x4  }
0x2b7: {  	[tilespmem:s17], [sflag:$0x2] =	stream.indirect_vreg.gather [hbm4b:s3+s28], $0x80, v4, vm0, $0xb8;
	[tilespmem:$0x10400] =	vst v63  }
0x2b8: {  	v3 =	vperm.xlane v3, v2  }
0x2b9: {  	[tilespmem:s18], [sflag:$0x2] =	stream.indirect_vreg.gather [hbm4b:s6+s28], $0x80, v4, vm0, $0xb8;
	[tilespmem:$0x10400] =	vst v63  }
0x2ba: {  	v3 =	vadd.s32 v1, v3  }
0x2bb: {  	[tilespmem:s19], [sflag:$0x2] =	stream.indirect_vreg.gather [hbm4b:s7+s28], $0x80, v4, vm0, $0xb8;
	[tilespmem:$0x10400] =	vst v63  }
0x2bc: {  	_ = 	snop  }
0x2bd: {  	[tilespmem:s20], [sflag:$0x2] =	stream.indirect_vreg.gather [hbm4b:s9+s28], $0x80, v4, vm0, $0xb8;
	[tilespmem:$0x10400] =	vst v63  }
0x2be: {  	_ = 	snop  }
0x2bf: {  	[tilespmem:s21], [sflag:$0x2] =	stream.indirect_vreg.gather [hbm4b:s3+s28], $0x80, v3, vm0, $0xb8;
	[tilespmem:$0x10400] =	vst v63  }
0x2c0: {  	_ = 	snop  }
0x2c1: {  	[tilespmem:s22], [sflag:$0x2] =	stream.indirect_vreg.gather [hbm4b:s6+s28], $0x80, v3, vm0, $0xb8;
	[tilespmem:$0x10400] =	vst v63  }
0x2c2: {  	_ = 	snop  }
0x2c3: {  	[tilespmem:s23], [sflag:$0x2] =	stream.indirect_vreg.gather [hbm4b:s7+s28], $0x80, v3, vm0, $0xb8;
	[tilespmem:$0x10400] =	vst v63  }
0x2c4: {  	_ = 	snop  }
0x2c5: {  	[tilespmem:s24], [sflag:$0x2] =	stream.indirect_vreg.gather [hbm4b:s9+s28], $0x80, v3, vm0, $0xb8;
	[tilespmem:$0x10400] =	vst v63  }
0x2c6: {  	_ =	swait.ge [sflag:s25], $0x8000  }
0x2c7: {  	s0 =	sand.u32 $0x70, s28;
	s15 =	sand.u32 $0x1C00, s28;
	[sflag:s25] =	ssyncset.done $0x0  }
0x2c8: {  	s29 =	sor.u32 s0, s15;
	[sflag:s25] =	ssyncadd.s32 $0xFFFF8000  }
0x2c9: {  	v3 =	vld [tilespmem:s29+$0x500]  }
0x2ca: {  	v4 =	vld [tilespmem:s29+$0x8700]  }
0x2cb: {  	v5 =	vld [tilespmem:s29+$0x8500]  }
0x2cc: {  	v6 =	vld [tilespmem:s29+$0x8600]  }
0x2cd: {  	v7 =	vld [tilespmem:s29+$0x700]  }
0x2ce: {  	v52 =	vld [tilespmem:s29+$0x8680]  }
0x2cf: {  	v53 =	vld [tilespmem:s29+$0x8400]  }
0x2d0: {  	v54 =	vld [tilespmem:s29+$0x600]  }
0x2d1: {  	v55 =	vld [tilespmem:s29+$0x8580]  }
0x2d2: {  	v56 =	vld [tilespmem:s29+$0x680]  }
0x2d3: {  	v13 =	vld [tilespmem:s29+$0x8480]  }
0x2d4: {  	v14 =	vld [tilespmem:s29+$0x400]  }
0x2d5: {  	v3 =	vadd.f32 v5, v3;
	v5 =	vld [tilespmem:s29+$0x580]  }
0x2d6: {  	v4 =	vadd.f32 v4, v7;
	v7 =	vld [tilespmem:s29+$0x480]  }
0x2d7: {  	[tilespmem:s29+$0x500] =	vst v3;
	v3 =	vadd.f32 v6, v54  }
0x2d8: {  	v6 =	vadd.f32 v52, v56;
	[tilespmem:s29+$0x700] =	vst v4  }
0x2d9: {  	v4 =	vadd.f32 v53, v14;
	[tilespmem:s29+$0x600] =	vst v3  }
0x2da: {  	[tilespmem:s29+$0x680] =	vst v6;
	v3 =	vadd.f32 v55, v5  }
0x2db: {  	[tilespmem:s29+$0x400] =	vst v4;
	v4 =	vadd.f32 v13, v7  }
0x2dc: {  	s30 =	sor.u32 s28, s28;
	[tilespmem:s29+$0x580] =	vst v3  }
0x2dd: {  	s15 =	sor.u32 $0x380, s30;
	[tilespmem:s29+$0x480] =	vst v4  }
0x2de: {  	v3 =	vld [tilespmem:s15+$0x400]  }
0x2df: {  	v4 =	vld [tilespmem:s15+$0x8400];
	_ =	sdelay $0x4  }
0x2e0: {  	v3 =	vadd.f32 v4, v3;
	_ =	sdelay $0x1  }
0x2e1: {  	[tilespmem:s15+$0x400] =	vst v3  }
0x2e2: {  	v3 =	vld [tilespmem:s29+$0x2580]  }
0x2e3: {  	v4 =	vld [tilespmem:s29+$0xA700]  }
0x2e4: {  	v5 =	vld [tilespmem:s29+$0xA600]  }
0x2e5: {  	v6 =	vld [tilespmem:s29+$0x2700]  }
0x2e6: {  	v7 =	vld [tilespmem:s29+$0xA680]  }
0x2e7: {  	v57 =	vld [tilespmem:s29+$0x2680]  }
0x2e8: {  	v58 =	vld [tilespmem:s29+$0xA480]  }
0x2e9: {  	v59 =	vld [tilespmem:s29+$0xA400]  }
0x2ea: {  	v60 =	vld [tilespmem:s29+$0x2600]  }
0x2eb: {  	v61 =	vld [tilespmem:s29+$0xA580]  }
0x2ec: {  	v62 =	vld [tilespmem:s29+$0xA500]  }
0x2ed: {  	v63 =	vld [tilespmem:s29+$0x2400];
	v4 =	vadd.f32 v4, v6  }
0x2ee: {  	v6 =	vld [tilespmem:s29+$0x2480]  }
0x2ef: {  	v7 =	vadd.f32 v7, v57;
	[tilespmem:s29+$0x2700] =	vst v4;
	v4 =	vld [tilespmem:s29+$0x2500]  }
0x2f0: {  	v3 =	vadd.f32 v61, v3  }
0x2f1: {  	v5 =	vadd.f32 v5, v60;
	[tilespmem:s29+$0x2680] =	vst v7  }
0x2f2: {  	[tilespmem:s29+$0x2580] =	vst v3;
	v3 =	vadd.f32 v59, v63  }
0x2f3: {  	[tilespmem:s29+$0x2600] =	vst v5;
	v6 =	vadd.f32 v58, v6  }
0x2f4: {  	[tilespmem:s29+$0x2400] =	vst v3;
	v4 =	vadd.f32 v62, v4  }
0x2f5: {  	[tilespmem:s29+$0x2480] =	vst v6  }
0x2f6: {  	s15 =	sor.u32 $0x2380, s30;
	[tilespmem:s29+$0x2500] =	vst v4  }
0x2f7: {  	v3 =	vld [tilespmem:s15+$0x400]  }
0x2f8: {  	v4 =	vld [tilespmem:s15+$0x8400];
	_ =	sdelay $0x4  }
0x2f9: {  	v3 =	vadd.f32 v4, v3;
	_ =	sdelay $0x1  }
0x2fa: {  	[tilespmem:s15+$0x400] =	vst v3  }
0x2fb: {  	v4 =	vld [tilespmem:s29+$0xC700]  }
0x2fc: {  	v5 =	vld [tilespmem:s29+$0x4700]  }
0x2fd: {  	s31 =	simm.s32 $0x10;
	v3 =	vld [tilespmem:s29+$0xC680]  }
.LBB2_6:
0x2fe: {  	p0 =	sne.s32 s31, $0x3F0  }
0x2ff: {  	v6 =	vld [tilespmem:s29+$0x4680];
	s28 =	sadd.s32 $0x80, s28;
	s0 =	smov.u32 s31;
	s31 =	sadd.s32 $0x10, s31  }
0x300: {  	v7 =	vld [tilespmem:s29+$0xC580]  }
0x301: {  	v8 =	vld [tilespmem:s29+$0x4580]  }
0x302: {  	v9 =	vld [tilespmem:s29+$0xC600];
	v4 =	vadd.f32 v4, v5  }
0x303: {  	v5 =	vld [tilespmem:s29+$0x4500]  }
0x304: {  	v10 =	vld [tilespmem:s29+$0x4600];
	v3 =	vadd.f32 v3, v6;
	[tilespmem:s29+$0x4700] =	vst v4  }
0x305: {  	v4 =	vld [tilespmem:s29+$0xC480]  }
0x306: {  	v6 =	vld [tilespmem:s29+$0xC500];
	v7 =	vadd.f32 v7, v8;
	[tilespmem:s29+$0x4680] =	vst v3  }
0x307: {  	v3 =	vld [tilespmem:s29+$0xC400]  }
0x308: {  	v8 =	vld [tilespmem:s29+$0x4480];
	[tilespmem:s29+$0x4580] =	vst v7  }
0x309: {  	v7 =	vld [tilespmem:s29+$0x4400];
	v9 =	vadd.f32 v9, v10;
	_ =	sdelay $0x1  }
0x30a: {  	v5 =	vadd.f32 v6, v5;
	[tilespmem:s29+$0x4600] =	vst v9;
	_ =	sdelay $0x1  }
0x30b: {  	v4 =	vadd.f32 v4, v8;
	[tilespmem:s29+$0x4500] =	vst v5  }
0x30c: {  	v3 =	vadd.f32 v3, v7  }
0x30d: {  	[tilespmem:s29+$0x4480] =	vst v4  }
0x30e: {  	s15 =	sor.u32 $0x4380, s30;
	[tilespmem:s29+$0x4400] =	vst v3  }
0x30f: {  	v3 =	vld [tilespmem:s15+$0x400]  }
0x310: {  	v4 =	vld [tilespmem:s15+$0x8400];
	_ =	sdelay $0x4  }
0x311: {  	v3 =	vadd.f32 v4, v3;
	_ =	sdelay $0x1  }
0x312: {  	[tilespmem:s15+$0x400] =	vst v3  }
0x313: {  	v3 =	vld [tilespmem:s29+$0x6400]  }
0x314: {  	v4 =	vld [tilespmem:s29+$0xE400]  }
0x315: {  	v5 =	vld [tilespmem:s29+$0x6480]  }
0x316: {  	v6 =	vld [tilespmem:s29+$0xE480]  }
0x317: {  	v7 =	vld [tilespmem:s29+$0xE500]  }
0x318: {  	v8 =	vld [tilespmem:s29+$0x6580]  }
0x319: {  	v3 =	vadd.f32 v4, v3;
	v4 =	vld [tilespmem:s29+$0xE580]  }
0x31a: {  	v9 =	vld [tilespmem:s29+$0x6600]  }
0x31b: {  	[tilespmem:s29+$0x6400] =	vst v3;
	v3 =	vadd.f32 v6, v5;
	v5 =	vld [tilespmem:s29+$0xE600]  }
0x31c: {  	v6 =	vld [tilespmem:s29+$0x6680]  }
0x31d: {  	[tilespmem:s29+$0x6480] =	vst v3;
	v3 =	vld [tilespmem:s29+$0xE680]  }
0x31e: {  	v4 =	vadd.f32 v4, v8;
	v8 =	vld [tilespmem:s29+$0x6700]  }
0x31f: {  	v10 =	vld [tilespmem:s29+$0xE700]  }
0x320: {  	[tilespmem:s29+$0x6580] =	vst v4;
	v4 =	vadd.f32 v5, v9  }
0x321: {  	v5 =	vld [tilespmem:s29+$0x6500]  }
0x322: {  	[tilespmem:s29+$0x6600] =	vst v4;
	v3 =	vadd.f32 v3, v6;
	_ =	sdelay $0x1  }
0x323: {  	[tilespmem:s29+$0x6680] =	vst v3;
	v3 =	vadd.f32 v10, v8;
	_ =	sdelay $0x1  }
0x324: {  	v4 =	vadd.f32 v7, v5;
	[tilespmem:s29+$0x6700] =	vst v3;
	_ =	sdelay $0x1  }
0x325: {  	s15 =	sor.u32 $0x6380, s30;
	[tilespmem:s29+$0x6500] =	vst v4  }
0x326: {  	v3 =	vld [tilespmem:s15+$0x400]  }
0x327: {  	v4 =	vld [tilespmem:s15+$0x8400];
	_ =	sdelay $0x4  }
0x328: {  	v3 =	vadd.f32 v4, v3;
	_ =	sdelay $0x1  }
0x329: {  	[tilespmem:s15+$0x400] =	vst v3;
	_ =	sdelay $0x1  }
0x32a: {  	s29 =	sand.u32 $0x1C00, s28;
	s15 =	sand.u32 $0x70, s0  }
0x32b: {  	s29 =	sor.u32 s15, s29  }
0x32c: {  	v3 =	vld [tilespmem:s29+$0x500]  }
0x32d: {  	v4 =	vld [tilespmem:s29+$0x8700]  }
0x32e: {  	v5 =	vld [tilespmem:s29+$0x8500]  }
0x32f: {  	v6 =	vld [tilespmem:s29+$0x8600]  }
0x330: {  	v7 =	vld [tilespmem:s29+$0x700]  }
0x331: {  	v8 =	vld [tilespmem:s29+$0x8680]  }
0x332: {  	v9 =	vld [tilespmem:s29+$0x8400]  }
0x333: {  	v3 =	vadd.f32 v5, v3;
	v5 =	vld [tilespmem:s29+$0x600]  }
0x334: {  	v10 =	vld [tilespmem:s29+$0x8580]  }
0x335: {  	v11 =	vld [tilespmem:s29+$0x680];
	v4 =	vadd.f32 v4, v7  }
0x336: {  	v7 =	vld [tilespmem:s29+$0x8480]  }
0x337: {  	v12 =	vld [tilespmem:s29+$0x400];
	[tilespmem:s29+$0x500] =	vst v3  }
0x338: {  	v3 =	vld [tilespmem:s29+$0x580];
	v5 =	vadd.f32 v6, v5  }
0x339: {  	v6 =	vld [tilespmem:s29+$0x480]  }
0x33a: {  	v8 =	vadd.f32 v8, v11  }
0x33b: {  	[tilespmem:s29+$0x700] =	vst v4  }
0x33c: {  	v4 =	vadd.f32 v9, v12;
	[tilespmem:s29+$0x600] =	vst v5  }
0x33d: {  	v3 =	vadd.f32 v10, v3;
	[tilespmem:s29+$0x680] =	vst v8  }
0x33e: {  	[tilespmem:s29+$0x400] =	vst v4;
	v4 =	vadd.f32 v7, v6  }
0x33f: {  	s30 =	sor.u32 s0, s28;
	[tilespmem:s29+$0x580] =	vst v3  }
0x340: {  	s0 =	sor.u32 $0x380, s30;
	[tilespmem:s29+$0x480] =	vst v4  }
0x341: {  	v3 =	vld [tilespmem:s0+$0x400]  }
0x342: {  	v4 =	vld [tilespmem:s0+$0x8400];
	_ =	sdelay $0x4  }
0x343: {  	v3 =	vadd.f32 v4, v3;
	_ =	sdelay $0x1  }
0x344: {  	[tilespmem:s0+$0x400] =	vst v3  }
0x345: {  	v3 =	vld [tilespmem:s29+$0x2580]  }
0x346: {  	v4 =	vld [tilespmem:s29+$0xA700]  }
0x347: {  	v5 =	vld [tilespmem:s29+$0xA600]  }
0x348: {  	v6 =	vld [tilespmem:s29+$0x2700]  }
0x349: {  	v7 =	vld [tilespmem:s29+$0xA680]  }
0x34a: {  	v8 =	vld [tilespmem:s29+$0x2680]  }
0x34b: {  	v9 =	vld [tilespmem:s29+$0xA480]  }
0x34c: {  	v10 =	vld [tilespmem:s29+$0xA400]  }
0x34d: {  	v11 =	vld [tilespmem:s29+$0x2600];
	v4 =	vadd.f32 v4, v6  }
0x34e: {  	v6 =	vld [tilespmem:s29+$0x2480]  }
0x34f: {  	v12 =	vld [tilespmem:s29+$0xA580];
	[tilespmem:s29+$0x2700] =	vst v4  }
0x350: {  	v4 =	vld [tilespmem:s29+$0x2500]  }
0x351: {  	v7 =	vadd.f32 v7, v8;
	v13 =	vld [tilespmem:s29+$0xA500]  }
0x352: {  	v8 =	vld [tilespmem:s29+$0x2400];
	v5 =	vadd.f32 v5, v11  }
0x353: {  	v6 =	vadd.f32 v9, v6  }
0x354: {  	v3 =	vadd.f32 v12, v3;
	[tilespmem:s29+$0x2680] =	vst v7  }
0x355: {  	[tilespmem:s29+$0x2480] =	vst v6  }
0x356: {  	v4 =	vadd.f32 v13, v4;
	[tilespmem:s29+$0x2580] =	vst v3  }
0x357: {  	v3 =	vadd.f32 v10, v8;
	[tilespmem:s29+$0x2600] =	vst v5  }
0x358: {  	[tilespmem:s29+$0x2500] =	vst v4  }
0x359: {  	s0 =	sor.u32 $0x2380, s30;
	[tilespmem:s29+$0x2400] =	vst v3  }
0x35a: {  	v3 =	vld [tilespmem:s0+$0x400]  }
0x35b: {  	v4 =	vld [tilespmem:s0+$0x8400];
	_ =	sdelay $0x4  }
0x35c: {  	v3 =	vadd.f32 v4, v3  }
.Ltmp2:
0x35d: {  	(pc) =	sbr.rel @p0 .LBB2_6-.Ltmp2, $4  }
0x35e: {  	[tilespmem:s0+$0x400] =	vst v3  }
0x35f: {  	v4 =	vld [tilespmem:s29+$0xC700]  }
0x360: {  	v5 =	vld [tilespmem:s29+$0x4700]  }
0x361: {  	v3 =	vld [tilespmem:s29+$0xC680]  }
0x362: {  	v6 =	vld [tilespmem:s29+$0x4680]  }
0x363: {  	v7 =	vld [tilespmem:s29+$0xC580]  }
0x364: {  	v8 =	vld [tilespmem:s29+$0x4580]  }
0x365: {  	v9 =	vld [tilespmem:s29+$0x4500]  }
0x366: {  	v10 =	vld [tilespmem:s29+$0x4600]  }
0x367: {  	v11 =	vld [tilespmem:s29+$0x4480]  }
0x368: {  	v12 =	vld [tilespmem:s29+$0x4400]  }
0x369: {  	v4 =	vadd.f32 v4, v5;
	v5 =	vld [tilespmem:s29+$0xC600]  }
0x36a: {  	v3 =	vadd.f32 v3, v6;
	v6 =	vld [tilespmem:s29+$0xC500]  }
0x36b: {  	[tilespmem:s29+$0x4700] =	vst v4;
	v4 =	vld [tilespmem:s29+$0xC480]  }
0x36c: {  	[tilespmem:s29+$0x4680] =	vst v3;
	v3 =	vld [tilespmem:s29+$0xC400]  }
0x36d: {  	v7 =	vadd.f32 v7, v8  }
0x36e: {  	v5 =	vadd.f32 v5, v10  }
0x36f: {  	[tilespmem:s29+$0x4580] =	vst v7;
	v6 =	vadd.f32 v6, v9  }
0x370: {  	[tilespmem:s29+$0x4600] =	vst v5;
	v4 =	vadd.f32 v4, v11  }
0x371: {  	[tilespmem:s29+$0x4500] =	vst v6;
	v3 =	vadd.f32 v3, v12  }
0x372: {  	[tilespmem:s29+$0x4480] =	vst v4  }
0x373: {  	s0 =	sor.u32 $0x4380, s30;
	[tilespmem:s29+$0x4400] =	vst v3  }
0x374: {  	v3 =	vld [tilespmem:s0+$0x400]  }
0x375: {  	v4 =	vld [tilespmem:s0+$0x8400];
	_ =	sdelay $0x4  }
0x376: {  	v3 =	vadd.f32 v4, v3;
	_ =	sdelay $0x1  }
0x377: {  	[tilespmem:s0+$0x400] =	vst v3  }
0x378: {  	v3 =	vld [tilespmem:s29+$0x6400]  }
0x379: {  	v4 =	vld [tilespmem:s29+$0xE400]  }
0x37a: {  	v5 =	vld [tilespmem:s29+$0x6480]  }
0x37b: {  	v6 =	vld [tilespmem:s29+$0xE480]  }
0x37c: {  	v7 =	vld [tilespmem:s29+$0xE500]  }
0x37d: {  	v47 =	vld [tilespmem:s29+$0x6580]  }
0x37e: {  	v48 =	vld [tilespmem:s29+$0x6600]  }
0x37f: {  	v49 =	vld [tilespmem:s29+$0x6700];
	v3 =	vadd.f32 v4, v3  }
0x380: {  	v4 =	vld [tilespmem:s29+$0xE580]  }
0x381: {  	[tilespmem:s29+$0x6400] =	vst v3;
	v3 =	vadd.f32 v6, v5;
	v5 =	vld [tilespmem:s29+$0xE600]  }
0x382: {  	v6 =	vld [tilespmem:s29+$0x6680]  }
0x383: {  	[tilespmem:s29+$0x6480] =	vst v3;
	v3 =	vld [tilespmem:s29+$0xE680]  }
0x384: {  	v50 =	vld [tilespmem:s29+$0xE700]  }
0x385: {  	v51 =	vld [tilespmem:s29+$0x6500]  }
0x386: {  	v4 =	vadd.f32 v4, v47  }
0x387: {  	v5 =	vadd.f32 v5, v48  }
0x388: {  	[tilespmem:s29+$0x6580] =	vst v4;
	v3 =	vadd.f32 v3, v6  }
0x389: {  	v4 =	vadd.f32 v50, v49;
	[tilespmem:s29+$0x6600] =	vst v5  }
0x38a: {  	[tilespmem:s29+$0x6680] =	vst v3;
	v3 =	vadd.f32 v7, v51  }
0x38b: {  	[tilespmem:s29+$0x6700] =	vst v4  }
0x38c: {  	s15 =	sor.u32 $0x6380, s30;
	[tilespmem:s29+$0x6500] =	vst v3  }
0x38d: {  	v3 =	vld [tilespmem:s15+$0x400]  }
0x38e: {  	v4 =	vld [tilespmem:s15+$0x8400];
	_ =	sdelay $0x4  }
0x38f: {  	v3 =	vadd.f32 v4, v3;
	_ =	sdelay $0x1  }
0x390: {  	s28 =	simm.s32 $0x0;
	[tilespmem:s15+$0x400] =	vst v3;
	s15 =	rddreg [dreg:$0x7]  }
0x391: {  	[hbm4b:s15+s28] =	stream.linear.scatter [tilespmem:s16], [sflag:$0x3], $0x8000, $0x38;
	[tilespmem:$0x10400] =	vst v63  }
0x392: {  	_ =	swait.ge [sflag:s14], $0x8000  }
0x393: {  	[sflag:s14] =	ssyncset.done $0x0  }
0x394: {  	[sflag:s14] =	ssyncadd.s32 $0xFFFF8000  }
0x395: {  	v3 =	vld [tilespmem:$0x180];
	_ =	sdelay $0x4  }
0x396: {  	v4 =	vshll.u32 v3, $0x3  }
0x397: {  	v3 =	vand.u32 $0x7, v3;
	v4 =	vand.u32 $0xFFFFFFC0, v4  }
0x398: {  	v3 =	vor.u32 v3, v4  }
0x399: {  	v4 =	vperm.xlane v3, v0;
	_ =	sdelay $0x1  }
0x39a: {  	v4 =	vadd.s32 v1, v4;
	_ =	sdelay $0x4  }
0x39b: {  	[tilespmem:s16], [sflag:$0x1] =	stream.indirect_vreg.gather [hbm4b:s3+s28], $0x80, v4, vm0, $0xb8;
	[tilespmem:$0x10400] =	vst v63  }
0x39c: {  	s15 =	simm.s32 $0xC00;
	v3 =	vperm.xlane v3, v2  }
0x39d: {  	[tilespmem:s15], [sflag:$0x1] =	stream.indirect_vreg.gather [hbm4b:s6+s28], $0x80, v4, vm0, $0xb8;
	[tilespmem:$0x10400] =	vst v63  }
0x39e: {  	v3 =	vadd.s32 v1, v3;
	s15 =	simm.s32 $0x1400  }
0x39f: {  	[tilespmem:s15], [sflag:$0x1] =	stream.indirect_vreg.gather [hbm4b:s7+s28], $0x80, v4, vm0, $0xb8;
	[tilespmem:$0x10400] =	vst v63  }
0x3a0: {  	s15 =	simm.s32 $0x1C00  }
0x3a1: {  	[tilespmem:s15], [sflag:$0x1] =	stream.indirect_vreg.gather [hbm4b:s9+s28], $0x80, v4, vm0, $0xb8;
	[tilespmem:$0x10400] =	vst v63  }
0x3a2: {  	s15 =	simm.s32 $0x2400  }
0x3a3: {  	[tilespmem:s15], [sflag:$0x1] =	stream.indirect_vreg.gather [hbm4b:s3+s28], $0x80, v3, vm0, $0xb8;
	[tilespmem:$0x10400] =	vst v63  }
0x3a4: {  	s15 =	simm.s32 $0x2C00  }
0x3a5: {  	[tilespmem:s15], [sflag:$0x1] =	stream.indirect_vreg.gather [hbm4b:s6+s28], $0x80, v3, vm0, $0xb8;
	[tilespmem:$0x10400] =	vst v63  }
0x3a6: {  	s15 =	simm.s32 $0x3400  }
0x3a7: {  	[tilespmem:s15], [sflag:$0x1] =	stream.indirect_vreg.gather [hbm4b:s7+s28], $0x80, v3, vm0, $0xb8;
	[tilespmem:$0x10400] =	vst v63  }
0x3a8: {  	s15 =	simm.s32 $0x3C00  }
0x3a9: {  	[tilespmem:s15], [sflag:$0x1] =	stream.indirect_vreg.gather [hbm4b:s9+s28], $0x80, v3, vm0, $0xb8;
	[tilespmem:$0x10400] =	vst v63  }
0x3aa: {  	v3 =	vld [tilespmem:$0x190];
	_ =	sdelay $0x4  }
0x3ab: {  	v4 =	vshll.u32 v3, $0x3  }
0x3ac: {  	v3 =	vand.u32 $0x7, v3;
	v4 =	vand.u32 $0xFFFFFFC0, v4  }
0x3ad: {  	v3 =	vor.u32 v3, v4  }
0x3ae: {  	v4 =	vperm.xlane v3, v0;
	_ =	sdelay $0x1  }
0x3af: {  	v4 =	vadd.s32 v1, v4;
	_ =	sdelay $0x3  }
0x3b0: {  	s15 =	simm.s32 $0x4400  }
0x3b1: {  	[tilespmem:s15], [sflag:$0x1] =	stream.indirect_vreg.gather [hbm4b:s3+s28], $0x80, v4, vm0, $0xb8;
	[tilespmem:$0x10400] =	vst v63  }
0x3b2: {  	v3 =	vperm.xlane v3, v2;
	s15 =	simm.s32 $0x4C00  }
0x3b3: {  	[tilespmem:s15], [sflag:$0x1] =	stream.indirect_vreg.gather [hbm4b:s6+s28], $0x80, v4, vm0, $0xb8;
	[tilespmem:$0x10400] =	vst v63  }
0x3b4: {  	v3 =	vadd.s32 v1, v3;
	s15 =	simm.s32 $0x5400  }
0x3b5: {  	[tilespmem:s15], [sflag:$0x1] =	stream.indirect_vreg.gather [hbm4b:s7+s28], $0x80, v4, vm0, $0xb8;
	[tilespmem:$0x10400] =	vst v63  }
0x3b6: {  	s15 =	simm.s32 $0x5C00  }
0x3b7: {  	[tilespmem:s15], [sflag:$0x1] =	stream.indirect_vreg.gather [hbm4b:s9+s28], $0x80, v4, vm0, $0xb8;
	[tilespmem:$0x10400] =	vst v63  }
0x3b8: {  	s15 =	simm.s32 $0x6400  }
0x3b9: {  	[tilespmem:s15], [sflag:$0x1] =	stream.indirect_vreg.gather [hbm4b:s3+s28], $0x80, v3, vm0, $0xb8;
	[tilespmem:$0x10400] =	vst v63  }
0x3ba: {  	s15 =	simm.s32 $0x6C00  }
0x3bb: {  	[tilespmem:s15], [sflag:$0x1] =	stream.indirect_vreg.gather [hbm4b:s6+s28], $0x80, v3, vm0, $0xb8;
	[tilespmem:$0x10400] =	vst v63  }
0x3bc: {  	s15 =	simm.s32 $0x7400  }
0x3bd: {  	[tilespmem:s15], [sflag:$0x1] =	stream.indirect_vreg.gather [hbm4b:s7+s28], $0x80, v3, vm0, $0xb8;
	[tilespmem:$0x10400] =	vst v63  }
0x3be: {  	s15 =	simm.s32 $0x7C00  }
0x3bf: {  	[tilespmem:s15], [sflag:$0x1] =	stream.indirect_vreg.gather [hbm4b:s9+s28], $0x80, v3, vm0, $0xb8;
	[tilespmem:$0x10400] =	vst v63  }
0x3c0: {  	_ =	swait.ge [sflag:s1], $0x8000  }
0x3c1: {  	[sflag:s1] =	ssyncset.done $0x0  }
0x3c2: {  	[sflag:s1] =	ssyncadd.s32 $0xFFFF8000  }
0x3c3: {  	v3 =	vld [tilespmem:$0x380];
	_ =	sdelay $0x4  }
0x3c4: {  	v4 =	vshll.u32 v3, $0x3  }
0x3c5: {  	v3 =	vand.u32 $0x7, v3;
	v4 =	vand.u32 $0xFFFFFFC0, v4  }
0x3c6: {  	v3 =	vor.u32 v3, v4  }
0x3c7: {  	v4 =	vperm.xlane v3, v0;
	_ =	sdelay $0x1  }
0x3c8: {  	v4 =	vadd.s32 v1, v4;
	_ =	sdelay $0x3  }
0x3c9: {  	s15 =	simm.s32 $0x8400  }
0x3ca: {  	[tilespmem:s15], [sflag:$0x2] =	stream.indirect_vreg.gather [hbm4b:s3+s28], $0x80, v4, vm0, $0xb8;
	[tilespmem:$0x10400] =	vst v63  }
0x3cb: {  	v3 =	vperm.xlane v3, v2  }
0x3cc: {  	[tilespmem:s4], [sflag:$0x2] =	stream.indirect_vreg.gather [hbm4b:s6+s28], $0x80, v4, vm0, $0xb8;
	[tilespmem:$0x10400] =	vst v63  }
0x3cd: {  	v3 =	vadd.s32 v1, v3  }
0x3ce: {  	[tilespmem:s5], [sflag:$0x2] =	stream.indirect_vreg.gather [hbm4b:s7+s28], $0x80, v4, vm0, $0xb8;
	[tilespmem:$0x10400] =	vst v63  }
0x3cf: {  	_ = 	snop  }
0x3d0: {  	[tilespmem:s10], [sflag:$0x2] =	stream.indirect_vreg.gather [hbm4b:s9+s28], $0x80, v4, vm0, $0xb8;
	[tilespmem:$0x10400] =	vst v63  }
0x3d1: {  	_ = 	snop  }
0x3d2: {  	[tilespmem:s11], [sflag:$0x2] =	stream.indirect_vreg.gather [hbm4b:s3+s28], $0x80, v3, vm0, $0xb8;
	[tilespmem:$0x10400] =	vst v63  }
0x3d3: {  	_ = 	snop  }
0x3d4: {  	[tilespmem:s12], [sflag:$0x2] =	stream.indirect_vreg.gather [hbm4b:s6+s28], $0x80, v3, vm0, $0xb8;
	[tilespmem:$0x10400] =	vst v63  }
0x3d5: {  	_ = 	snop  }
0x3d6: {  	[tilespmem:s13], [sflag:$0x2] =	stream.indirect_vreg.gather [hbm4b:s7+s28], $0x80, v3, vm0, $0xb8;
	[tilespmem:$0x10400] =	vst v63  }
0x3d7: {  	_ = 	snop  }
0x3d8: {  	[tilespmem:s8], [sflag:$0x2] =	stream.indirect_vreg.gather [hbm4b:s9+s28], $0x80, v3, vm0, $0xb8;
	[tilespmem:$0x10400] =	vst v63  }
0x3d9: {  	v3 =	vld [tilespmem:$0x390];
	_ =	sdelay $0x4  }
0x3da: {  	v4 =	vshll.u32 v3, $0x3  }
0x3db: {  	v3 =	vand.u32 $0x7, v3;
	v4 =	vand.u32 $0xFFFFFFC0, v4  }
0x3dc: {  	v3 =	vor.u32 v3, v4  }
0x3dd: {  	v4 =	vperm.xlane v3, v0;
	_ =	sdelay $0x1  }
0x3de: {  	v4 =	vadd.s32 v1, v4;
	_ =	sdelay $0x4  }
0x3df: {  	[tilespmem:s17], [sflag:$0x2] =	stream.indirect_vreg.gather [hbm4b:s3+s28], $0x80, v4, vm0, $0xb8;
	[tilespmem:$0x10400] =	vst v63  }
0x3e0: {  	v3 =	vperm.xlane v3, v2  }
0x3e1: {  	[tilespmem:s18], [sflag:$0x2] =	stream.indirect_vreg.gather [hbm4b:s6+s28], $0x80, v4, vm0, $0xb8;
	[tilespmem:$0x10400] =	vst v63  }
0x3e2: {  	v3 =	vadd.s32 v1, v3  }
0x3e3: {  	[tilespmem:s19], [sflag:$0x2] =	stream.indirect_vreg.gather [hbm4b:s7+s28], $0x80, v4, vm0, $0xb8;
	[tilespmem:$0x10400] =	vst v63  }
0x3e4: {  	_ = 	snop  }
0x3e5: {  	[tilespmem:s20], [sflag:$0x2] =	stream.indirect_vreg.gather [hbm4b:s9+s28], $0x80, v4, vm0, $0xb8;
	[tilespmem:$0x10400] =	vst v63  }
0x3e6: {  	_ = 	snop  }
0x3e7: {  	[tilespmem:s21], [sflag:$0x2] =	stream.indirect_vreg.gather [hbm4b:s3+s28], $0x80, v3, vm0, $0xb8;
	[tilespmem:$0x10400] =	vst v63  }
0x3e8: {  	_ = 	snop  }
0x3e9: {  	[tilespmem:s22], [sflag:$0x2] =	stream.indirect_vreg.gather [hbm4b:s6+s28], $0x80, v3, vm0, $0xb8;
	[tilespmem:$0x10400] =	vst v63  }
0x3ea: {  	_ = 	snop  }
0x3eb: {  	[tilespmem:s23], [sflag:$0x2] =	stream.indirect_vreg.gather [hbm4b:s7+s28], $0x80, v3, vm0, $0xb8;
	[tilespmem:$0x10400] =	vst v63  }
0x3ec: {  	_ = 	snop  }
0x3ed: {  	[tilespmem:s24], [sflag:$0x2] =	stream.indirect_vreg.gather [hbm4b:s9+s28], $0x80, v3, vm0, $0xb8;
	[tilespmem:$0x10400] =	vst v63  }
0x3ee: {  	_ =	swait.ge [sflag:s25], $0x8000  }
0x3ef: {  	s0 =	sand.u32 $0x70, s28;
	s15 =	sand.u32 $0x1C00, s28;
	[sflag:s25] =	ssyncset.done $0x0  }
0x3f0: {  	s29 =	sor.u32 s0, s15;
	[sflag:s25] =	ssyncadd.s32 $0xFFFF8000  }
0x3f1: {  	v3 =	vld [tilespmem:s29+$0x500]  }
0x3f2: {  	v4 =	vld [tilespmem:s29+$0x8700]  }
0x3f3: {  	v5 =	vld [tilespmem:s29+$0x8500]  }
0x3f4: {  	v6 =	vld [tilespmem:s29+$0x8600]  }
0x3f5: {  	v7 =	vld [tilespmem:s29+$0x700]  }
0x3f6: {  	v52 =	vld [tilespmem:s29+$0x8680]  }
0x3f7: {  	v53 =	vld [tilespmem:s29+$0x8400]  }
0x3f8: {  	v54 =	vld [tilespmem:s29+$0x600]  }
0x3f9: {  	v55 =	vld [tilespmem:s29+$0x8580]  }
0x3fa: {  	v56 =	vld [tilespmem:s29+$0x680]  }
0x3fb: {  	v13 =	vld [tilespmem:s29+$0x8480]  }
0x3fc: {  	v14 =	vld [tilespmem:s29+$0x400]  }
0x3fd: {  	v3 =	vadd.f32 v5, v3;
	v5 =	vld [tilespmem:s29+$0x580]  }
0x3fe: {  	v4 =	vadd.f32 v4, v7;
	v7 =	vld [tilespmem:s29+$0x480]  }
0x3ff: {  	[tilespmem:s29+$0x500] =	vst v3;
	v3 =	vadd.f32 v6, v54  }
0x400: {  	v6 =	vadd.f32 v52, v56;
	[tilespmem:s29+$0x700] =	vst v4  }
0x401: {  	v4 =	vadd.f32 v53, v14;
	[tilespmem:s29+$0x600] =	vst v3  }
0x402: {  	[tilespmem:s29+$0x680] =	vst v6;
	v3 =	vadd.f32 v55, v5  }
0x403: {  	[tilespmem:s29+$0x400] =	vst v4;
	v4 =	vadd.f32 v13, v7  }
0x404: {  	s30 =	sor.u32 s28, s28;
	[tilespmem:s29+$0x580] =	vst v3  }
0x405: {  	s15 =	sor.u32 $0x380, s30;
	[tilespmem:s29+$0x480] =	vst v4  }
0x406: {  	v3 =	vld [tilespmem:s15+$0x400]  }
0x407: {  	v4 =	vld [tilespmem:s15+$0x8400];
	_ =	sdelay $0x4  }
0x408: {  	v3 =	vadd.f32 v4, v3;
	_ =	sdelay $0x1  }
0x409: {  	[tilespmem:s15+$0x400] =	vst v3  }
0x40a: {  	v3 =	vld [tilespmem:s29+$0x2580]  }
0x40b: {  	v4 =	vld [tilespmem:s29+$0xA700]  }
0x40c: {  	v5 =	vld [tilespmem:s29+$0xA600]  }
0x40d: {  	v6 =	vld [tilespmem:s29+$0x2700]  }
0x40e: {  	v7 =	vld [tilespmem:s29+$0xA680]  }
0x40f: {  	v57 =	vld [tilespmem:s29+$0x2680]  }
0x410: {  	v58 =	vld [tilespmem:s29+$0xA480]  }
0x411: {  	v59 =	vld [tilespmem:s29+$0xA400]  }
0x412: {  	v60 =	vld [tilespmem:s29+$0x2600]  }
0x413: {  	v61 =	vld [tilespmem:s29+$0xA580]  }
0x414: {  	v62 =	vld [tilespmem:s29+$0xA500]  }
0x415: {  	v63 =	vld [tilespmem:s29+$0x2400];
	v4 =	vadd.f32 v4, v6  }
0x416: {  	v6 =	vld [tilespmem:s29+$0x2480]  }
0x417: {  	v7 =	vadd.f32 v7, v57;
	[tilespmem:s29+$0x2700] =	vst v4;
	v4 =	vld [tilespmem:s29+$0x2500]  }
0x418: {  	v3 =	vadd.f32 v61, v3  }
0x419: {  	v5 =	vadd.f32 v5, v60;
	[tilespmem:s29+$0x2680] =	vst v7  }
0x41a: {  	[tilespmem:s29+$0x2580] =	vst v3;
	v3 =	vadd.f32 v59, v63  }
0x41b: {  	[tilespmem:s29+$0x2600] =	vst v5;
	v6 =	vadd.f32 v58, v6  }
0x41c: {  	[tilespmem:s29+$0x2400] =	vst v3;
	v4 =	vadd.f32 v62, v4  }
0x41d: {  	[tilespmem:s29+$0x2480] =	vst v6  }
0x41e: {  	s15 =	sor.u32 $0x2380, s30;
	[tilespmem:s29+$0x2500] =	vst v4  }
0x41f: {  	v3 =	vld [tilespmem:s15+$0x400]  }
0x420: {  	v4 =	vld [tilespmem:s15+$0x8400];
	_ =	sdelay $0x4  }
0x421: {  	v3 =	vadd.f32 v4, v3;
	_ =	sdelay $0x1  }
0x422: {  	[tilespmem:s15+$0x400] =	vst v3  }
0x423: {  	v4 =	vld [tilespmem:s29+$0xC700]  }
0x424: {  	v5 =	vld [tilespmem:s29+$0x4700]  }
0x425: {  	s31 =	simm.s32 $0x10;
	v3 =	vld [tilespmem:s29+$0xC680]  }
.LBB2_8:
0x426: {  	p0 =	sne.s32 s31, $0x3F0  }
0x427: {  	v6 =	vld [tilespmem:s29+$0x4680];
	s28 =	sadd.s32 $0x80, s28;
	s0 =	smov.u32 s31;
	s31 =	sadd.s32 $0x10, s31  }
0x428: {  	v7 =	vld [tilespmem:s29+$0xC580]  }
0x429: {  	v8 =	vld [tilespmem:s29+$0x4580]  }
0x42a: {  	v9 =	vld [tilespmem:s29+$0xC600];
	v4 =	vadd.f32 v4, v5  }
0x42b: {  	v5 =	vld [tilespmem:s29+$0x4500]  }
0x42c: {  	v10 =	vld [tilespmem:s29+$0x4600];
	v3 =	vadd.f32 v3, v6;
	[tilespmem:s29+$0x4700] =	vst v4  }
0x42d: {  	v4 =	vld [tilespmem:s29+$0xC480]  }
0x42e: {  	v6 =	vld [tilespmem:s29+$0xC500];
	v7 =	vadd.f32 v7, v8;
	[tilespmem:s29+$0x4680] =	vst v3  }
0x42f: {  	v3 =	vld [tilespmem:s29+$0xC400]  }
0x430: {  	v8 =	vld [tilespmem:s29+$0x4480];
	[tilespmem:s29+$0x4580] =	vst v7  }
0x431: {  	v7 =	vld [tilespmem:s29+$0x4400];
	v9 =	vadd.f32 v9, v10;
	_ =	sdelay $0x1  }
0x432: {  	v5 =	vadd.f32 v6, v5;
	[tilespmem:s29+$0x4600] =	vst v9;
	_ =	sdelay $0x1  }
0x433: {  	v4 =	vadd.f32 v4, v8;
	[tilespmem:s29+$0x4500] =	vst v5  }
0x434: {  	v3 =	vadd.f32 v3, v7  }
0x435: {  	[tilespmem:s29+$0x4480] =	vst v4  }
0x436: {  	s15 =	sor.u32 $0x4380, s30;
	[tilespmem:s29+$0x4400] =	vst v3  }
0x437: {  	v3 =	vld [tilespmem:s15+$0x400]  }
0x438: {  	v4 =	vld [tilespmem:s15+$0x8400];
	_ =	sdelay $0x4  }
0x439: {  	v3 =	vadd.f32 v4, v3;
	_ =	sdelay $0x1  }
0x43a: {  	[tilespmem:s15+$0x400] =	vst v3  }
0x43b: {  	v3 =	vld [tilespmem:s29+$0x6400]  }
0x43c: {  	v4 =	vld [tilespmem:s29+$0xE400]  }
0x43d: {  	v5 =	vld [tilespmem:s29+$0x6480]  }
0x43e: {  	v6 =	vld [tilespmem:s29+$0xE480]  }
0x43f: {  	v7 =	vld [tilespmem:s29+$0xE500]  }
0x440: {  	v8 =	vld [tilespmem:s29+$0x6580]  }
0x441: {  	v3 =	vadd.f32 v4, v3;
	v4 =	vld [tilespmem:s29+$0xE580]  }
0x442: {  	v9 =	vld [tilespmem:s29+$0x6600]  }
0x443: {  	[tilespmem:s29+$0x6400] =	vst v3;
	v3 =	vadd.f32 v6, v5;
	v5 =	vld [tilespmem:s29+$0xE600]  }
0x444: {  	v6 =	vld [tilespmem:s29+$0x6680]  }
0x445: {  	[tilespmem:s29+$0x6480] =	vst v3;
	v3 =	vld [tilespmem:s29+$0xE680]  }
0x446: {  	v4 =	vadd.f32 v4, v8;
	v8 =	vld [tilespmem:s29+$0x6700]  }
0x447: {  	v10 =	vld [tilespmem:s29+$0xE700]  }
0x448: {  	[tilespmem:s29+$0x6580] =	vst v4;
	v4 =	vadd.f32 v5, v9  }
0x449: {  	v5 =	vld [tilespmem:s29+$0x6500]  }
0x44a: {  	[tilespmem:s29+$0x6600] =	vst v4;
	v3 =	vadd.f32 v3, v6;
	_ =	sdelay $0x1  }
0x44b: {  	[tilespmem:s29+$0x6680] =	vst v3;
	v3 =	vadd.f32 v10, v8;
	_ =	sdelay $0x1  }
0x44c: {  	v4 =	vadd.f32 v7, v5;
	[tilespmem:s29+$0x6700] =	vst v3;
	_ =	sdelay $0x1  }
0x44d: {  	s15 =	sor.u32 $0x6380, s30;
	[tilespmem:s29+$0x6500] =	vst v4  }
0x44e: {  	v3 =	vld [tilespmem:s15+$0x400]  }
0x44f: {  	v4 =	vld [tilespmem:s15+$0x8400];
	_ =	sdelay $0x4  }
0x450: {  	v3 =	vadd.f32 v4, v3;
	_ =	sdelay $0x1  }
0x451: {  	[tilespmem:s15+$0x400] =	vst v3;
	_ =	sdelay $0x1  }
0x452: {  	s29 =	sand.u32 $0x1C00, s28;
	s15 =	sand.u32 $0x70, s0  }
0x453: {  	s29 =	sor.u32 s15, s29  }
0x454: {  	v3 =	vld [tilespmem:s29+$0x500]  }
0x455: {  	v4 =	vld [tilespmem:s29+$0x8700]  }
0x456: {  	v5 =	vld [tilespmem:s29+$0x8500]  }
0x457: {  	v6 =	vld [tilespmem:s29+$0x8600]  }
0x458: {  	v7 =	vld [tilespmem:s29+$0x700]  }
0x459: {  	v8 =	vld [tilespmem:s29+$0x8680]  }
0x45a: {  	v9 =	vld [tilespmem:s29+$0x8400]  }
0x45b: {  	v3 =	vadd.f32 v5, v3;
	v5 =	vld [tilespmem:s29+$0x600]  }
0x45c: {  	v10 =	vld [tilespmem:s29+$0x8580]  }
0x45d: {  	v11 =	vld [tilespmem:s29+$0x680];
	v4 =	vadd.f32 v4, v7  }
0x45e: {  	v7 =	vld [tilespmem:s29+$0x8480]  }
0x45f: {  	v12 =	vld [tilespmem:s29+$0x400];
	[tilespmem:s29+$0x500] =	vst v3  }
0x460: {  	v3 =	vld [tilespmem:s29+$0x580];
	v5 =	vadd.f32 v6, v5  }
0x461: {  	v6 =	vld [tilespmem:s29+$0x480]  }
0x462: {  	v8 =	vadd.f32 v8, v11  }
0x463: {  	[tilespmem:s29+$0x700] =	vst v4  }
0x464: {  	v4 =	vadd.f32 v9, v12;
	[tilespmem:s29+$0x600] =	vst v5  }
0x465: {  	v3 =	vadd.f32 v10, v3;
	[tilespmem:s29+$0x680] =	vst v8  }
0x466: {  	[tilespmem:s29+$0x400] =	vst v4;
	v4 =	vadd.f32 v7, v6  }
0x467: {  	s30 =	sor.u32 s0, s28;
	[tilespmem:s29+$0x580] =	vst v3  }
0x468: {  	s0 =	sor.u32 $0x380, s30;
	[tilespmem:s29+$0x480] =	vst v4  }
0x469: {  	v3 =	vld [tilespmem:s0+$0x400]  }
0x46a: {  	v4 =	vld [tilespmem:s0+$0x8400];
	_ =	sdelay $0x4  }
0x46b: {  	v3 =	vadd.f32 v4, v3;
	_ =	sdelay $0x1  }
0x46c: {  	[tilespmem:s0+$0x400] =	vst v3  }
0x46d: {  	v3 =	vld [tilespmem:s29+$0x2580]  }
0x46e: {  	v4 =	vld [tilespmem:s29+$0xA700]  }
0x46f: {  	v5 =	vld [tilespmem:s29+$0xA600]  }
0x470: {  	v6 =	vld [tilespmem:s29+$0x2700]  }
0x471: {  	v7 =	vld [tilespmem:s29+$0xA680]  }
0x472: {  	v8 =	vld [tilespmem:s29+$0x2680]  }
0x473: {  	v9 =	vld [tilespmem:s29+$0xA480]  }
0x474: {  	v10 =	vld [tilespmem:s29+$0xA400]  }
0x475: {  	v11 =	vld [tilespmem:s29+$0x2600];
	v4 =	vadd.f32 v4, v6  }
0x476: {  	v6 =	vld [tilespmem:s29+$0x2480]  }
0x477: {  	v12 =	vld [tilespmem:s29+$0xA580];
	[tilespmem:s29+$0x2700] =	vst v4  }
0x478: {  	v4 =	vld [tilespmem:s29+$0x2500]  }
0x479: {  	v7 =	vadd.f32 v7, v8;
	v13 =	vld [tilespmem:s29+$0xA500]  }
0x47a: {  	v8 =	vld [tilespmem:s29+$0x2400];
	v5 =	vadd.f32 v5, v11  }
0x47b: {  	v6 =	vadd.f32 v9, v6  }
0x47c: {  	v3 =	vadd.f32 v12, v3;
	[tilespmem:s29+$0x2680] =	vst v7  }
0x47d: {  	[tilespmem:s29+$0x2480] =	vst v6  }
0x47e: {  	v4 =	vadd.f32 v13, v4;
	[tilespmem:s29+$0x2580] =	vst v3  }
0x47f: {  	v3 =	vadd.f32 v10, v8;
	[tilespmem:s29+$0x2600] =	vst v5  }
0x480: {  	[tilespmem:s29+$0x2500] =	vst v4  }
0x481: {  	s0 =	sor.u32 $0x2380, s30;
	[tilespmem:s29+$0x2400] =	vst v3  }
0x482: {  	v3 =	vld [tilespmem:s0+$0x400]  }
0x483: {  	v4 =	vld [tilespmem:s0+$0x8400];
	_ =	sdelay $0x4  }
0x484: {  	v3 =	vadd.f32 v4, v3  }
.Ltmp3:
0x485: {  	(pc) =	sbr.rel @p0 .LBB2_8-.Ltmp3, $4  }
0x486: {  	[tilespmem:s0+$0x400] =	vst v3  }
0x487: {  	v4 =	vld [tilespmem:s29+$0xC700]  }
0x488: {  	v5 =	vld [tilespmem:s29+$0x4700]  }
0x489: {  	v3 =	vld [tilespmem:s29+$0xC680]  }
0x48a: {  	v6 =	vld [tilespmem:s29+$0x4680]  }
0x48b: {  	v7 =	vld [tilespmem:s29+$0xC580]  }
0x48c: {  	v8 =	vld [tilespmem:s29+$0x4580]  }
0x48d: {  	v48 =	vld [tilespmem:s29+$0xC600]  }
0x48e: {  	v9 =	vld [tilespmem:s29+$0x4500]  }
0x48f: {  	v49 =	vld [tilespmem:s29+$0xC480]  }
0x490: {  	v50 =	vld [tilespmem:s29+$0xC500]  }
0x491: {  	v10 =	vld [tilespmem:s29+$0x4600]  }
0x492: {  	v11 =	vld [tilespmem:s29+$0x4480];
	v3 =	vadd.f32 v3, v6  }
0x493: {  	v12 =	vld [tilespmem:s29+$0x4400]  }
0x494: {  	v4 =	vadd.f32 v4, v5;
	[tilespmem:s29+$0x4680] =	vst v3;
	v3 =	vld [tilespmem:s29+$0xC400]  }
0x495: {  	v7 =	vadd.f32 v7, v8  }
0x496: {  	[tilespmem:s29+$0x4700] =	vst v4;
	v5 =	vadd.f32 v48, v10  }
0x497: {  	v6 =	vadd.f32 v50, v9;
	[tilespmem:s29+$0x4580] =	vst v7  }
0x498: {  	v4 =	vadd.f32 v49, v11;
	[tilespmem:s29+$0x4600] =	vst v5  }
0x499: {  	[tilespmem:s29+$0x4500] =	vst v6;
	v3 =	vadd.f32 v3, v12  }
0x49a: {  	[tilespmem:s29+$0x4480] =	vst v4  }
0x49b: {  	s0 =	sor.u32 $0x4380, s30;
	[tilespmem:s29+$0x4400] =	vst v3  }
0x49c: {  	v3 =	vld [tilespmem:s0+$0x400]  }
0x49d: {  	v4 =	vld [tilespmem:s0+$0x8400];
	_ =	sdelay $0x4  }
0x49e: {  	v3 =	vadd.f32 v4, v3;
	_ =	sdelay $0x1  }
0x49f: {  	[tilespmem:s0+$0x400] =	vst v3  }
0x4a0: {  	v3 =	vld [tilespmem:s29+$0x6400]  }
0x4a1: {  	v51 =	vld [tilespmem:s29+$0xE400]  }
0x4a2: {  	v52 =	vld [tilespmem:s29+$0x6480]  }
0x4a3: {  	v53 =	vld [tilespmem:s29+$0xE480]  }
0x4a4: {  	v54 =	vld [tilespmem:s29+$0xE500]  }
0x4a5: {  	v55 =	vld [tilespmem:s29+$0x6580]  }
0x4a6: {  	v56 =	vld [tilespmem:s29+$0xE580]  }
0x4a7: {  	v57 =	vld [tilespmem:s29+$0x6600];
	v3 =	vadd.f32 v51, v3  }
0x4a8: {  	v58 =	vld [tilespmem:s29+$0xE600]  }
0x4a9: {  	v59 =	vld [tilespmem:s29+$0x6680];
	[tilespmem:s29+$0x6400] =	vst v3;
	v3 =	vadd.f32 v53, v52  }
0x4aa: {  	v60 =	vld [tilespmem:s29+$0x6700]  }
0x4ab: {  	[tilespmem:s29+$0x6480] =	vst v3;
	v3 =	vld [tilespmem:s29+$0xE680]  }
0x4ac: {  	v61 =	vld [tilespmem:s29+$0xE700]  }
0x4ad: {  	v62 =	vld [tilespmem:s29+$0x6500]  }
0x4ae: {  	v4 =	vadd.f32 v56, v55  }
0x4af: {  	v5 =	vadd.f32 v58, v57  }
0x4b0: {  	[tilespmem:s29+$0x6580] =	vst v4;
	v3 =	vadd.f32 v3, v59  }
0x4b1: {  	v63 =	vadd.f32 v61, v60;
	[tilespmem:s29+$0x6600] =	vst v5  }
0x4b2: {  	[tilespmem:s29+$0x6680] =	vst v3;
	v3 =	vadd.f32 v54, v62  }
0x4b3: {  	[tilespmem:s29+$0x6700] =	vst v63  }
0x4b4: {  	[tilespmem:s29+$0x6500] =	vst v3;
	s29 =	sor.u32 $0x6380, s30  }
0x4b5: {  	v3 =	vld [tilespmem:s29+$0x400]  }
0x4b6: {  	v4 =	vld [tilespmem:s29+$0x8400];
	_ =	sdelay $0x4  }
0x4b7: {  	v3 =	vadd.f32 v4, v3;
	_ =	sdelay $0x1  }
0x4b8: {  	s30 =	rddreg [dreg:$0x8];
	[tilespmem:s29+$0x400] =	vst v3  }
0x4b9: {  	[hbm4b:s30+s2] =	stream.linear.scatter [tilespmem:s16], [sflag:$0x3], $0x8000, $0x38;
	[tilespmem:$0x10400] =	vst v63  }
0x4ba: {  	_ =	swait.ge [sflag:s14], $0x8000  }
0x4bb: {  	s26 =	sadd.s32 $0x1, s26;
	s31 =	rddreg [dreg:$0x9]  }
0x4bc: {  	p0 =	sne.s32 s26, s31  }
.Ltmp4:
0x4bd: {  	_ = 	snop;
	(pc) =	sbr.rel @p0 .LBB2_1-.Ltmp4, $3  }
0x4be: {  	_ =	sdelay $0x1  }
0x4bf: {  	[sflag:s14] =	ssyncset.done $0x0  }
0x4c0: {  	[sflag:s14] =	ssyncadd.s32 $0xFFFF8000  }
0x4c1: {  	_ =	sfence.sel $0x180000  }
0x4c2: {  	[bflag:$0x0] =	sbarrier.arrive $0xFFFF  }
0x4c3: {  	_ =	strace $0x9000004A  }
0x4c4: {  	s0 =	stileid.u32;
	[bflag:$0x2] =	sbarrier.arrive $0xFFFF  }
0x4c5: {  	p0 =	sne.s32 s0, $0x0;
	s0 =	rddreg [dreg:$0x2]  }
0x4c6: {  	s0 =	sadd.s32 @!p0 $0x100000, s0  }
0x4c7: {  	[sflag:s0] =	ssyncadd.tile.s32 @!p0 $0x1;
	_ =	shalt  }
.Lfunc_end2:
_tile_overlayer_lowered:
.L_overlay_start_2:
0x4c8: {  	(tag) =	ssettag $0x2  }
0x4c9: {  	s0 =	rddreg [dreg:$0x0];
	s2 =	stileid.u32  }
0x4ca: {  	s1 =	rddreg [dreg:$0x1];
	p0 =	sne.s32 s2, $0x0  }
0x4cb: {  	s3 =	rddreg [dreg:$0x2];
	[bflag:$0x3] =	sbarrier.arrive $0xFFFF;
	s2 =	simm.s32 @!p0 $0x1C03  }
0x4cc: {  	[timem:s3], [sflag:s2] =	dma.local @!p0 [hbm:s0], s1  }
0x4cd: {  	s0 =	simm.s32 @!p0 $0x3  }
0x4ce: {  	_ =	swait.ge @!p0 [sflag:s0], s1  }
0x4cf: {  	s1 =	ssub.s32 @!p0 $0x0, s1;
	[sflag:s0] =	ssyncset.done @!p0 $0x0  }
0x4d0: {  	[sflag:s0] =	ssyncadd.s32 @!p0 s1  }
0x4d1: {  	[bflag:$0x3] =	sbarrier.arrive $0xFFFF  }
0x4d2: {  	_ =	shalt  }

</sc_bundles>
